<compile_context>
chip_gen: v7x
topology: tpu7x:2x2x1
jax: 0.10.2.dev20260603
libtpu: 0.0.44.dev20260713+nightly
codegen_flags: <defaults>
</compile_context>

<pallas_src>
import functools

import jax
import jax.numpy as jnp
import numpy as np
from jax import lax
from jax.experimental import pallas as pl
from jax.experimental.pallas import tpu as pltpu
from jax.experimental.pallas import tpu_sc as plsc

N = 10000
E = 320000
D = 128
DE = 16
H = 128

NC = 2
NS = 16
NW = NC * NS
NS_SPLIT = 5
ES = E // NS_SPLIT
EPW = ES // NW
CH = 40
NIT = EPW // CH
ZR = 624
ZR_LAST = N - (NS - 1) * ZR

_LOG2 = 0.6931471805599453


def _ssp(x):
    return jnp.maximum(x, 0.0) + jnp.log1p(jnp.exp(-jnp.abs(x))) - _LOG2



def _node_proj_body(nf_ref, w_ref, b_ref, out_ref):
    out_ref[...] = (
        jnp.dot(nf_ref[...], w_ref[...], preferred_element_type=jnp.float32)
        + b_ref[...]
    )


def _edge_mlp_body(eft_ref, w1_ref, b1_ref, w2_ref, b2_ref, out_ref):
    t = lax.dot_general(eft_ref[...], w1_ref[...], (((0,), (0,)), ((), ())),
                        preferred_element_type=jnp.float32)
    t = _ssp(t + b1_ref[...])
    t = jnp.dot(t, w2_ref[...], preferred_element_type=jnp.float32)
    out_ref[...] = _ssp(t + b2_ref[...])


def _out_proj_body(p0_ref, p1_ref, wpo_ref, bpo_ref, wout_ref, bout_ref, out_ref):
    agg = p0_ref[...] + p1_ref[...]
    h = _ssp(
        jnp.dot(agg, wpo_ref[...], preferred_element_type=jnp.float32)
        + bpo_ref[...]
    )
    out_ref[...] = (
        jnp.dot(h, wout_ref[...], preferred_element_type=jnp.float32)
        + bout_ref[...]
    )


RN = 2000
REH = 1280


def _node_proj(nf, w, b):
    return pl.pallas_call(
        _node_proj_body,
        grid=(N // RN,),
        in_specs=[
            pl.BlockSpec((RN, D), lambda i: (i, 0)),
            pl.BlockSpec((D, H), lambda i: (0, 0)),
            pl.BlockSpec((1, H), lambda i: (0, 0)),
        ],
        out_specs=pl.BlockSpec((RN, H), lambda i: (i, 0)),
        out_shape=jax.ShapeDtypeStruct((N, H), jnp.float32),
    )(nf, w, b)


NBH = ES // REH


def _edge_mlp_half(eft, w1, b1, w2, b2, half):
    return pl.pallas_call(
        _edge_mlp_body,
        grid=(NBH,),
        in_specs=[
            pl.BlockSpec((DE, REH), lambda i: (0, i + half * NBH)),
            pl.BlockSpec((DE, H), lambda i: (0, 0)),
            pl.BlockSpec((1, H), lambda i: (0, 0)),
            pl.BlockSpec((H, H), lambda i: (0, 0)),
            pl.BlockSpec((1, H), lambda i: (0, 0)),
        ],
        out_specs=pl.BlockSpec((REH, H), lambda i: (i, 0)),
        out_shape=jax.ShapeDtypeStruct((ES, H), jnp.float32),
    )(eft, w1, b1, w2, b2)


def _out_proj(p0, p1, wpo, bpo, wout, bout):
    return pl.pallas_call(
        _out_proj_body,
        grid=(N // RN,),
        in_specs=[
            pl.BlockSpec((RN, H), lambda i: (i, 0)),
            pl.BlockSpec((RN, H), lambda i: (i, 0)),
            pl.BlockSpec((H, D), lambda i: (0, 0)),
            pl.BlockSpec((1, D), lambda i: (0, 0)),
            pl.BlockSpec((D, D), lambda i: (0, 0)),
            pl.BlockSpec((1, D), lambda i: (0, 0)),
        ],
        out_specs=pl.BlockSpec((RN, D), lambda i: (i, 0)),
        out_shape=jax.ShapeDtypeStruct((N, D), jnp.float32),
    )(p0, p1, wpo, bpo, wout, bout)



def _sc_gather_mul_scatter(hv, he, src3, dst3, zinit, half):
    mesh = plsc.VectorSubcoreMesh(core_axis_name="c", subcore_axis_name="s")

    @functools.partial(
        pl.kernel,
        mesh=mesh,
        out_type=[
            jax.ShapeDtypeStruct((N, H), jnp.float32),
            jax.ShapeDtypeStruct((N, H), jnp.float32),
        ],
        scratch_types=[
            pltpu.VMEM((EPW,), jnp.int32),
            pltpu.VMEM((CH,), jnp.int32),
            pltpu.VMEM((CH,), jnp.int32),
            pltpu.VMEM((CH, H), jnp.float32),
            pltpu.VMEM((CH, H), jnp.float32),
            pltpu.VMEM((CH, H), jnp.float32),
            pltpu.VMEM((CH, H), jnp.float32),
            pltpu.VMEM((CH, H), jnp.float32),
            pltpu.VMEM_SHARED((N, H), jnp.float32),
            pltpu.SemaphoreType.DMA,
            pltpu.SemaphoreType.DMA,
            pltpu.SemaphoreType.DMA,
            pltpu.SemaphoreType.DMA,
            pltpu.SemaphoreType.DMA,
        ],
    )
    def k(hv_hbm, he_hbm, src_hbm, dst_hbm, z_hbm, out0, out1,
          src_i, d0, d1, he0, he1, hvr0, hvr1, pr, agg_sh,
          g0, g1, h0, h1, s0):
        c = lax.axis_index("c")
        s = lax.axis_index("s")
        wid = s * NC + c
        row0 = s * ZR
        ebase = half * ES + wid * EPW
        hbase = wid * EPW

        def drain_f32(sem, buf):
            pltpu.make_async_copy(hv_hbm.at[pl.ds(0, CH)], buf, sem).wait()

        @pl.when(s < NS - 1)
        def _():
            pltpu.sync_copy(z_hbm.at[pl.ds(row0, ZR)], agg_sh.at[pl.ds(row0, ZR)])

        @pl.when(s == NS - 1)
        def _():
            pltpu.sync_copy(z_hbm.at[pl.ds((NS - 1) * ZR, ZR_LAST)],
                            agg_sh.at[pl.ds((NS - 1) * ZR, ZR_LAST)])

        pltpu.sync_copy(src_hbm.at[pl.ds(ebase, EPW)], src_i)
        plsc.subcore_barrier()

        pltpu.async_copy(hv_hbm.at[src_i.at[pl.ds(0, CH)]], hvr0, g0)
        pltpu.async_copy(he_hbm.at[pl.ds(hbase, CH)], he0, h0)
        pltpu.async_copy(dst_hbm.at[pl.ds(ebase, CH)], d0, h0)

        def process(i, first, hvr, he_b, d_b, gsem, hsem, n_hvr, n_he, n_d, n_g, n_h):
            @pl.when(i + 1 < NIT)
            def _():
                pltpu.async_copy(
                    hv_hbm.at[src_i.at[pl.ds((i + 1) * CH, CH)]], n_hvr, n_g)
                pltpu.async_copy(he_hbm.at[pl.ds(hbase + (i + 1) * CH, CH)],
                                 n_he, n_h)
                pltpu.async_copy(dst_hbm.at[pl.ds(ebase + (i + 1) * CH, CH)],
                                 n_d, n_h)

            drain_f32(gsem, hvr)
            drain_f32(hsem, he_b)
            pltpu.make_async_copy(dst_hbm.at[pl.ds(0, CH)], d_b, hsem).wait()

            @pl.when(jnp.logical_not(first))
            def _():
                drain_f32(s0, pr)

            def row(r, cr):
                for j in range(H // 16):
                    sl = pl.ds(j * 16, 16)
                    pr[r, sl] = hvr[r, sl] * he_b[r, sl]
                return cr

            lax.fori_loop(0, CH, row, 0)
            pltpu.async_copy(pr, agg_sh.at[d_b], s0, add=True)

        def outer(io, carry):
            i0 = io * 2
            process(i0, io == 0, hvr0, he0, d0, g0, h0, hvr1, he1, d1, g1, h1)
            process(i0 + 1, jnp.bool_(False), hvr1, he1, d1, g1, h1,
                    hvr0, he0, d0, g0, h0)
            return carry

        lax.fori_loop(0, NIT // 2, outer, 0)
        drain_f32(s0, pr)
        plsc.subcore_barrier()

        @pl.when((c == 0) & (s < NS - 1))
        def _():
            pltpu.sync_copy(agg_sh.at[pl.ds(row0, ZR)], out0.at[pl.ds(row0, ZR)])

        @pl.when((c == 0) & (s == NS - 1))
        def _():
            pltpu.sync_copy(agg_sh.at[pl.ds((NS - 1) * ZR, ZR_LAST)],
                            out0.at[pl.ds((NS - 1) * ZR, ZR_LAST)])

        @pl.when((c == 1) & (s < NS - 1))
        def _():
            pltpu.sync_copy(agg_sh.at[pl.ds(row0, ZR)], out1.at[pl.ds(row0, ZR)])

        @pl.when((c == 1) & (s == NS - 1))
        def _():
            pltpu.sync_copy(agg_sh.at[pl.ds((NS - 1) * ZR, ZR_LAST)],
                            out1.at[pl.ds((NS - 1) * ZR, ZR_LAST)])

    return k(hv, he, src3, dst3, zinit)


def _out_projN_body(*refs):
    (ps, (wpo_ref, bpo_ref, wout_ref, bout_ref, out_ref)) = (
        refs[:2 * NS_SPLIT], refs[2 * NS_SPLIT:])
    agg = ps[0][...]
    for p in ps[1:]:
        agg = agg + p[...]
    h = _ssp(
        jnp.dot(agg, wpo_ref[...], preferred_element_type=jnp.float32)
        + bpo_ref[...]
    )
    out_ref[...] = (
        jnp.dot(h, wout_ref[...], preferred_element_type=jnp.float32)
        + bout_ref[...]
    )


def _out_projN(ps, wpo, bpo, wout, bout):
    blk = pl.BlockSpec((RN, H), lambda i: (i, 0))
    return pl.pallas_call(
        _out_projN_body,
        grid=(N // RN,),
        in_specs=[blk] * (2 * NS_SPLIT) + [
            pl.BlockSpec((H, D), lambda i: (0, 0)),
            pl.BlockSpec((1, D), lambda i: (0, 0)),
            pl.BlockSpec((D, D), lambda i: (0, 0)),
            pl.BlockSpec((1, D), lambda i: (0, 0))],
        out_specs=pl.BlockSpec((RN, D), lambda i: (i, 0)),
        out_shape=jax.ShapeDtypeStruct((N, D), jnp.float32),
    )(*ps, wpo, bpo, wout, bout)


def kernel(node_feats, edge_feats, edge_index, Wpe1, bpe1, Wpe2, bpe2,
           Wpn, bpn, Wpo, bpo, Wout, bout):
    src = edge_index[0]
    dst = edge_index[1]
    eft = edge_feats.T
    hv = _node_proj(node_feats, Wpn, bpn.reshape(1, H))
    zinit = jnp.zeros((N, H), jnp.float32)
    b1 = bpe1.reshape(1, H)
    b2 = bpe2.reshape(1, H)
    parts = []
    for sp in range(NS_SPLIT):
        he_s = _edge_mlp_half(eft, Wpe1, b1, Wpe2, b2, sp)
        parts.extend(_sc_gather_mul_scatter(hv, he_s, src, dst, zinit, sp))
    return _out_projN(tuple(parts), Wpo, bpo.reshape(1, H),
                      Wout, bout.reshape(1, D))

# --- scband reference (transcript-rebuilt; emitter-appended) ---
"""Pipeline reference for scband-interaction-25623774888013 (READ-ONLY COPY).

The authoritative reference and input builder live on the scoring server;
editing this copy changes nothing except your own understanding.
"""

import jax, jax.numpy as jnp
import numpy as np

N = 10000
E = 320000
D = 128
DE = 16
H = 128


def ssp(x):
    # ShiftedSoftplus: softplus(x) - log(2)
    return jax.nn.softplus(x) - jnp.log(2.0)


def setup_inputs(seed: int = 0) -> dict:
    key = jax.random.key(seed)
    ks = jax.random.split(key, 16)
    node_feats = jax.random.normal(ks[0], (N, D), dtype=jnp.float32)
    edge_feats = jax.random.normal(ks[1], (E, DE), dtype=jnp.float32)
    edge_index = jax.random.randint(ks[2], (2, E), 0, N)
    s = 0.05
    params = {
        'Wpe1': jax.random.normal(ks[3], (DE, H), dtype=jnp.float32) * s,
        'bpe1': jnp.zeros((H,), dtype=jnp.float32),
        'Wpe2': jax.random.normal(ks[4], (H, H), dtype=jnp.float32) * s,
        'bpe2': jnp.zeros((H,), dtype=jnp.float32),
        'Wpn': jax.random.normal(ks[5], (D, H), dtype=jnp.float32) * s,
        'bpn': jnp.zeros((H,), dtype=jnp.float32),
        'Wpo': jax.random.normal(ks[6], (H, D), dtype=jnp.float32) * s,
        'bpo': jnp.zeros((D,), dtype=jnp.float32),
        'Wout': jax.random.normal(ks[7], (D, D), dtype=jnp.float32) * s,
        'bout': jnp.zeros((D,), dtype=jnp.float32),
    }
    out = {'node_feats': node_feats, 'edge_feats': edge_feats, 'edge_index': edge_index}
    out.update(params)
    return out


def reference(node_feats, edge_feats, edge_index, Wpe1, bpe1, Wpe2, bpe2, Wpn, bpn, Wpo, bpo, Wout, bout):
    src = edge_index[0]
    dst = edge_index[1]
    # CFConv.project_node
    hv = node_feats @ Wpn + bpn
    # CFConv.project_edge: Linear -> SSP -> Linear -> SSP
    he = ssp(ssp(edge_feats @ Wpe1 + bpe1) @ Wpe2 + bpe2)
    # message passing: u_mul_e then sum into dst
    m = hv[src] * he
    agg = jax.ops.segment_sum(m, dst, num_segments=N)
    # CFConv.project_out: Linear -> SSP
    h = ssp(agg @ Wpo + bpo)
    # Interaction.project_out: Linear
    return h @ Wout + bout

if __name__ == "__main__":
    import jax
    _d = setup_inputs()
    print(jax.jit(kernel)(*tuple(_d.values())))

</pallas_src>

<mosaic_0001>
#map = affine_map<(d0, d1) -> (0, 0)>
#map1 = affine_map<(d0, d1) -> (0)>
module attributes {stable_mosaic.version = 14 : i64} {
  func.func @k(%arg0: i32, %arg1: i32, %arg2: memref<10000x128xf32, #tpu.memory_space<hbm>>, %arg3: memref<64000x128xf32, #tpu.memory_space<hbm>>, %arg4: memref<320000xi32, #tpu.memory_space<hbm>>, %arg5: memref<320000xi32, #tpu.memory_space<hbm>>, %arg6: memref<10000x128xf32, #tpu.memory_space<hbm>>, %arg7: memref<10000x128xf32, #tpu.memory_space<hbm>>, %arg8: memref<10000x128xf32, #tpu.memory_space<hbm>>, %arg9: memref<2000xi32, #tpu.memory_space<vmem>>, %arg10: memref<40xi32, #tpu.memory_space<vmem>>, %arg11: memref<40xi32, #tpu.memory_space<vmem>>, %arg12: memref<40x128xf32, #tpu.memory_space<vmem>>, %arg13: memref<40x128xf32, #tpu.memory_space<vmem>>, %arg14: memref<40x128xf32, #tpu.memory_space<vmem>>, %arg15: memref<40x128xf32, #tpu.memory_space<vmem>>, %arg16: memref<40x128xf32, #tpu.memory_space<vmem>>, %arg17: memref<10000x128xf32, #tpu.memory_space<vmem_shared>>, %arg18: memref<!tpu.dma_semaphore, #tpu.memory_space<semaphore_mem>>, %arg19: memref<!tpu.dma_semaphore, #tpu.memory_space<semaphore_mem>>, %arg20: memref<!tpu.dma_semaphore, #tpu.memory_space<semaphore_mem>>, %arg21: memref<!tpu.dma_semaphore, #tpu.memory_space<semaphore_mem>>, %arg22: memref<!tpu.dma_semaphore, #tpu.memory_space<semaphore_mem>>) attributes {dimension_semantics = [#tpu.dimension_semantics<core_parallel>, #tpu.dimension_semantics<subcore_parallel>], iteration_bounds = array<i64: 2, 16>, scalar_prefetch = 0 : i64, scratch_operands = 14 : i64, tpu.core_type = #tpu.core_type<sc_vector_subcore>, window_params = [{transform_indices = #map}, {transform_indices = #map}, {transform_indices = #map1}, {transform_indices = #map1}, {transform_indices = #map}, {transform_indices = #map}, {transform_indices = #map}]} {
    %mul3A = arith.constant 2 : i32
    %mul3A_0 = arith.muli %arg1, %mul3A : i32
    %add3A = arith.addi %mul3A_0, %arg0 : i32
    %mul3A_1 = arith.constant 624 : i32
    %mul3A_2 = arith.muli %arg1, %mul3A_1 : i32
    %mul3A_3 = arith.constant 2000 : i32
    %mul3A_4 = arith.muli %add3A, %mul3A_3 : i32
    %add3A_5 = arith.constant 256000 : i32
    %add3A_6 = arith.addi %add3A_5, %mul3A_4 : i32
    %mul3A_7 = arith.constant 2000 : i32
    %mul3A_8 = arith.muli %add3A, %mul3A_7 : i32
    %lt3A = arith.constant 15 : i32
    %lt3A_9 = arith.cmpi slt, %arg1, %lt3A : i32
    %convert_element_type3A = arith.extui %lt3A_9 : i1 to i32
    %cond3A = arith.constant 0 : i32
    %cond3A_10 = arith.cmpi ne, %convert_element_type3A, %cond3A : i32
    scf.if %cond3A_10 {
      "tpu.region"() ({
        %run_scoped3A = tpu.sem_alloc : memref<!tpu.dma_semaphore, #tpu.memory_space<semaphore_mem>>
        %dma_start3A_67 = arith.constant 0 : i32
        %dma_start3A_68 = tpu.memref_slice %arg17[%mul3A_2, %dma_start3A_67] : memref<10000x128xf32, #tpu.memory_space<vmem_shared>> -> memref<624x128xf32, #tpu.memory_space<vmem_shared>>
        %dma_start3A_69 = arith.constant 0 : i32
        %dma_start3A_70 = tpu.memref_slice %arg6[%mul3A_2, %dma_start3A_69] : memref<10000x128xf32, #tpu.memory_space<hbm>> -> memref<624x128xf32, #tpu.memory_space<hbm>>
        tpu.enqueue_dma source(%dma_start3A_70 : memref<624x128xf32, #tpu.memory_space<hbm>>) target(%dma_start3A_68 : memref<624x128xf32, #tpu.memory_space<vmem_shared>>) target_semaphore(%run_scoped3A : memref<!tpu.dma_semaphore, #tpu.memory_space<semaphore_mem>>)
        %dma_wait3A_71 = arith.constant 0 : i32
        %dma_wait3A_72 = tpu.memref_slice %arg17[%mul3A_2, %dma_wait3A_71] : memref<10000x128xf32, #tpu.memory_space<vmem_shared>> -> memref<624x128xf32, #tpu.memory_space<vmem_shared>>
        %dma_wait3A_73 = arith.constant 0 : i32
        %dma_wait3A_74 = tpu.memref_slice %arg6[%mul3A_2, %dma_wait3A_73] : memref<10000x128xf32, #tpu.memory_space<hbm>> -> memref<624x128xf32, #tpu.memory_space<hbm>>
        tpu.wait_dma2 semaphore(%run_scoped3A : memref<!tpu.dma_semaphore, #tpu.memory_space<semaphore_mem>>) src(%dma_wait3A_74 : memref<624x128xf32, #tpu.memory_space<hbm>>) dst(%dma_wait3A_72 : memref<624x128xf32, #tpu.memory_space<vmem_shared>>)
        tpu.yield
      }) : () -> ()
    } else {
    }
    %eq3A = arith.constant 15 : i32
    %eq3A_11 = arith.cmpi eq, %arg1, %eq3A : i32
    %convert_element_type3A_12 = arith.extui %eq3A_11 : i1 to i32
    %cond3A_13 = arith.constant 0 : i32
    %cond3A_14 = arith.cmpi ne, %convert_element_type3A_12, %cond3A_13 : i32
    scf.if %cond3A_14 {
      "tpu.region"() ({
        %run_scoped3A = tpu.sem_alloc : memref<!tpu.dma_semaphore, #tpu.memory_space<semaphore_mem>>
        %dma_start3A_67 = arith.constant 9360 : i32
        %dma_start3A_68 = arith.constant 0 : i32
        %dma_start3A_69 = tpu.memref_slice %arg17[%dma_start3A_67, %dma_start3A_68] : memref<10000x128xf32, #tpu.memory_space<vmem_shared>> -> memref<640x128xf32, #tpu.memory_space<vmem_shared>>
        %dma_start3A_70 = arith.constant 9360 : i32
        %dma_start3A_71 = arith.constant 0 : i32
        %dma_start3A_72 = tpu.memref_slice %arg6[%dma_start3A_70, %dma_start3A_71] : memref<10000x128xf32, #tpu.memory_space<hbm>> -> memref<640x128xf32, #tpu.memory_space<hbm>>
        tpu.enqueue_dma source(%dma_start3A_72 : memref<640x128xf32, #tpu.memory_space<hbm>>) target(%dma_start3A_69 : memref<640x128xf32, #tpu.memory_space<vmem_shared>>) target_semaphore(%run_scoped3A : memref<!tpu.dma_semaphore, #tpu.memory_space<semaphore_mem>>)
        %dma_wait3A_73 = arith.constant 9360 : i32
        %dma_wait3A_74 = arith.constant 0 : i32
        %dma_wait3A_75 = tpu.memref_slice %arg17[%dma_wait3A_73, %dma_wait3A_74] : memref<10000x128xf32, #tpu.memory_space<vmem_shared>> -> memref<640x128xf32, #tpu.memory_space<vmem_shared>>
        %dma_wait3A_76 = arith.constant 9360 : i32
        %dma_wait3A_77 = arith.constant 0 : i32
        %dma_wait3A_78 = tpu.memref_slice %arg6[%dma_wait3A_76, %dma_wait3A_77] : memref<10000x128xf32, #tpu.memory_space<hbm>> -> memref<640x128xf32, #tpu.memory_space<hbm>>
        tpu.wait_dma2 semaphore(%run_scoped3A : memref<!tpu.dma_semaphore, #tpu.memory_space<semaphore_mem>>) src(%dma_wait3A_78 : memref<640x128xf32, #tpu.memory_space<hbm>>) dst(%dma_wait3A_75 : memref<640x128xf32, #tpu.memory_space<vmem_shared>>)
        tpu.yield
      }) : () -> ()
    } else {
    }
    "tpu.region"() ({
      %run_scoped3A = tpu.sem_alloc : memref<!tpu.dma_semaphore, #tpu.memory_space<semaphore_mem>>
      %dma_start3A_67 = tpu.memref_slice %arg4[%add3A_6] : memref<320000xi32, #tpu.memory_space<hbm>> -> memref<2000xi32, #tpu.memory_space<hbm>>
      %dma_start3A_68 = tpu.memref_slice %arg4[%add3A_6] : memref<320000xi32, #tpu.memory_space<hbm>> -> memref<2000xi32, #tpu.memory_space<hbm>>
      tpu.enqueue_dma source(%dma_start3A_68 : memref<2000xi32, #tpu.memory_space<hbm>>) target(%arg9 : memref<2000xi32, #tpu.memory_space<vmem>>) target_semaphore(%run_scoped3A : memref<!tpu.dma_semaphore, #tpu.memory_space<semaphore_mem>>)
      %dma_wait3A_69 = tpu.memref_slice %arg4[%add3A_6] : memref<320000xi32, #tpu.memory_space<hbm>> -> memref<2000xi32, #tpu.memory_space<hbm>>
      %dma_wait3A_70 = tpu.memref_slice %arg4[%add3A_6] : memref<320000xi32, #tpu.memory_space<hbm>> -> memref<2000xi32, #tpu.memory_space<hbm>>
      tpu.wait_dma2 semaphore(%run_scoped3A : memref<!tpu.dma_semaphore, #tpu.memory_space<semaphore_mem>>) src(%dma_wait3A_70 : memref<2000xi32, #tpu.memory_space<hbm>>) dst(%arg9 : memref<2000xi32, #tpu.memory_space<vmem>>)
      tpu.yield
    }) : () -> ()
    %barrier3A = arith.constant 0 : index
    tpu.barrier barrier_id(%barrier3A)
    %dma_start3A = arith.constant 0 : i32
    %dma_start3A_15 = tpu.memref_slice %arg9[%dma_start3A] : memref<2000xi32, #tpu.memory_space<vmem>> -> memref<40xi32, #tpu.memory_space<vmem>>
    %dma_start3A_16 = arith.constant 0 : i32
    %dma_start3A_17 = arith.constant 0 : i32
    %dma_start3A_18 = tpu.memref_slice %arg2[%dma_start3A_16, %dma_start3A_17] : memref<10000x128xf32, #tpu.memory_space<hbm>> -> memref<10000x128xf32, #tpu.memory_space<hbm>>
    tpu.enqueue_indirect_dma source(%dma_start3A_18 : memref<10000x128xf32, #tpu.memory_space<hbm>>) target(%arg14 : memref<40x128xf32, #tpu.memory_space<vmem>>) offsets(%dma_start3A_15 : memref<40xi32, #tpu.memory_space<vmem>>) semaphore(%arg18 : memref<!tpu.dma_semaphore, #tpu.memory_space<semaphore_mem>>)
    %dma_start3A_19 = arith.constant 0 : i32
    %dma_start3A_20 = tpu.memref_slice %arg3[%mul3A_8, %dma_start3A_19] : memref<64000x128xf32, #tpu.memory_space<hbm>> -> memref<40x128xf32, #tpu.memory_space<hbm>>
    %dma_start3A_21 = arith.constant 0 : i32
    %dma_start3A_22 = tpu.memref_slice %arg3[%mul3A_8, %dma_start3A_21] : memref<64000x128xf32, #tpu.memory_space<hbm>> -> memref<40x128xf32, #tpu.memory_space<hbm>>
    tpu.enqueue_dma source(%dma_start3A_22 : memref<40x128xf32, #tpu.memory_space<hbm>>) target(%arg12 : memref<40x128xf32, #tpu.memory_space<vmem>>) target_semaphore(%arg20 : memref<!tpu.dma_semaphore, #tpu.memory_space<semaphore_mem>>)
    %dma_start3A_23 = tpu.memref_slice %arg5[%add3A_6] : memref<320000xi32, #tpu.memory_space<hbm>> -> memref<40xi32, #tpu.memory_space<hbm>>
    %dma_start3A_24 = tpu.memref_slice %arg5[%add3A_6] : memref<320000xi32, #tpu.memory_space<hbm>> -> memref<40xi32, #tpu.memory_space<hbm>>
    tpu.enqueue_dma source(%dma_start3A_24 : memref<40xi32, #tpu.memory_space<hbm>>) target(%arg10 : memref<40xi32, #tpu.memory_space<vmem>>) target_semaphore(%arg20 : memref<!tpu.dma_semaphore, #tpu.memory_space<semaphore_mem>>)
    %scan3A = arith.constant 0 : i32
    %scan3A_25 = arith.constant 0 : i32
    %scan3A_26 = arith.constant 25 : i32
    %scan3A_27 = arith.addi %scan3A_25, %scan3A_26 : i32
    %scan3A_28 = arith.constant 1 : i32
    scf.for %scan3A_67 = %scan3A_25 to %scan3A_27 step %scan3A_28  : i32 {
      %mul3A_68 = arith.constant 2 : i32
      %mul3A_69 = arith.muli %scan3A_67, %mul3A_68 : i32
      %eq3A_70 = arith.constant 0 : i32
      %eq3A_71 = arith.cmpi eq, %scan3A_67, %eq3A_70 : i32
      %add3A_72 = arith.constant 1 : i32
      %add3A_73 = arith.addi %mul3A_69, %add3A_72 : i32
      %lt3A_74 = arith.constant 50 : i32
      %lt3A_75 = arith.cmpi slt, %add3A_73, %lt3A_74 : i32
      %convert_element_type3A_76 = arith.extui %lt3A_75 : i1 to i32
      %cond3A_77 = arith.constant 0 : i32
      %cond3A_78 = arith.cmpi ne, %convert_element_type3A_76, %cond3A_77 : i32
      scf.if %cond3A_78 {
        %add3A_148 = arith.constant 1 : i32
        %add3A_149 = arith.addi %mul3A_69, %add3A_148 : i32
        %mul3A_150 = arith.constant 40 : i32
        %mul3A_151 = arith.muli %add3A_149, %mul3A_150 : i32
        %dma_start3A_152 = tpu.memref_slice %arg9[%mul3A_151] : memref<2000xi32, #tpu.memory_space<vmem>> -> memref<40xi32, #tpu.memory_space<vmem>>
        %dma_start3A_153 = arith.constant 0 : i32
        %dma_start3A_154 = arith.constant 0 : i32
        %dma_start3A_155 = tpu.memref_slice %arg2[%dma_start3A_153, %dma_start3A_154] : memref<10000x128xf32, #tpu.memory_space<hbm>> -> memref<10000x128xf32, #tpu.memory_space<hbm>>
        tpu.enqueue_indirect_dma source(%dma_start3A_155 : memref<10000x128xf32, #tpu.memory_space<hbm>>) target(%arg15 : memref<40x128xf32, #tpu.memory_space<vmem>>) offsets(%dma_start3A_152 : memref<40xi32, #tpu.memory_space<vmem>>) semaphore(%arg19 : memref<!tpu.dma_semaphore, #tpu.memory_space<semaphore_mem>>)
        %add3A_156 = arith.constant 1 : i32
        %add3A_157 = arith.addi %mul3A_69, %add3A_156 : i32
        %mul3A_158 = arith.constant 40 : i32
        %mul3A_159 = arith.muli %add3A_157, %mul3A_158 : i32
        %add3A_160 = arith.addi %mul3A_8, %mul3A_159 : i32
        %dma_start3A_161 = arith.constant 0 : i32
        %dma_start3A_162 = tpu.memref_slice %arg3[%add3A_160, %dma_start3A_161] : memref<64000x128xf32, #tpu.memory_space<hbm>> -> memref<40x128xf32, #tpu.memory_space<hbm>>
        %dma_start3A_163 = arith.constant 0 : i32
        %dma_start3A_164 = tpu.memref_slice %arg3[%add3A_160, %dma_start3A_163] : memref<64000x128xf32, #tpu.memory_space<hbm>> -> memref<40x128xf32, #tpu.memory_space<hbm>>
        tpu.enqueue_dma source(%dma_start3A_164 : memref<40x128xf32, #tpu.memory_space<hbm>>) target(%arg13 : memref<40x128xf32, #tpu.memory_space<vmem>>) target_semaphore(%arg21 : memref<!tpu.dma_semaphore, #tpu.memory_space<semaphore_mem>>)
        %add3A_165 = arith.constant 1 : i32
        %add3A_166 = arith.addi %mul3A_69, %add3A_165 : i32
        %mul3A_167 = arith.constant 40 : i32
        %mul3A_168 = arith.muli %add3A_166, %mul3A_167 : i32
        %add3A_169 = arith.addi %add3A_6, %mul3A_168 : i32
        %dma_start3A_170 = tpu.memref_slice %arg5[%add3A_169] : memref<320000xi32, #tpu.memory_space<hbm>> -> memref<40xi32, #tpu.memory_space<hbm>>
        %dma_start3A_171 = tpu.memref_slice %arg5[%add3A_169] : memref<320000xi32, #tpu.memory_space<hbm>> -> memref<40xi32, #tpu.memory_space<hbm>>
        tpu.enqueue_dma source(%dma_start3A_171 : memref<40xi32, #tpu.memory_space<hbm>>) target(%arg11 : memref<40xi32, #tpu.memory_space<vmem>>) target_semaphore(%arg21 : memref<!tpu.dma_semaphore, #tpu.memory_space<semaphore_mem>>)
      } else {
      }
      %dma_wait3A_79 = arith.constant 0 : i32
      %dma_wait3A_80 = arith.constant 0 : i32
      %dma_wait3A_81 = tpu.memref_slice %arg2[%dma_wait3A_79, %dma_wait3A_80] : memref<10000x128xf32, #tpu.memory_space<hbm>> -> memref<40x128xf32, #tpu.memory_space<hbm>>
      %dma_wait3A_82 = arith.constant 0 : i32
      %dma_wait3A_83 = arith.constant 0 : i32
      %dma_wait3A_84 = tpu.memref_slice %arg2[%dma_wait3A_82, %dma_wait3A_83] : memref<10000x128xf32, #tpu.memory_space<hbm>> -> memref<40x128xf32, #tpu.memory_space<hbm>>
      tpu.wait_dma2 semaphore(%arg18 : memref<!tpu.dma_semaphore, #tpu.memory_space<semaphore_mem>>) src(%dma_wait3A_84 : memref<40x128xf32, #tpu.memory_space<hbm>>) dst(%arg14 : memref<40x128xf32, #tpu.memory_space<vmem>>)
      %dma_wait3A_85 = arith.constant 0 : i32
      %dma_wait3A_86 = arith.constant 0 : i32
      %dma_wait3A_87 = tpu.memref_slice %arg2[%dma_wait3A_85, %dma_wait3A_86] : memref<10000x128xf32, #tpu.memory_space<hbm>> -> memref<40x128xf32, #tpu.memory_space<hbm>>
      %dma_wait3A_88 = arith.constant 0 : i32
      %dma_wait3A_89 = arith.constant 0 : i32
      %dma_wait3A_90 = tpu.memref_slice %arg2[%dma_wait3A_88, %dma_wait3A_89] : memref<10000x128xf32, #tpu.memory_space<hbm>> -> memref<40x128xf32, #tpu.memory_space<hbm>>
      tpu.wait_dma2 semaphore(%arg20 : memref<!tpu.dma_semaphore, #tpu.memory_space<semaphore_mem>>) src(%dma_wait3A_90 : memref<40x128xf32, #tpu.memory_space<hbm>>) dst(%arg12 : memref<40x128xf32, #tpu.memory_space<vmem>>)
      %dma_wait3A_91 = arith.constant 0 : i32
      %dma_wait3A_92 = tpu.memref_slice %arg5[%dma_wait3A_91] : memref<320000xi32, #tpu.memory_space<hbm>> -> memref<40xi32, #tpu.memory_space<hbm>>
      %dma_wait3A_93 = arith.constant 0 : i32
      %dma_wait3A_94 = tpu.memref_slice %arg5[%dma_wait3A_93] : memref<320000xi32, #tpu.memory_space<hbm>> -> memref<40xi32, #tpu.memory_space<hbm>>
      tpu.wait_dma2 semaphore(%arg20 : memref<!tpu.dma_semaphore, #tpu.memory_space<semaphore_mem>>) src(%dma_wait3A_94 : memref<40xi32, #tpu.memory_space<hbm>>) dst(%arg10 : memref<40xi32, #tpu.memory_space<vmem>>)
      %not3A = arith.constant true
      %not3A_95 = arith.xori %eq3A_71, %not3A : i1
      %convert_element_type3A_96 = arith.extui %not3A_95 : i1 to i32
      %cond3A_97 = arith.constant 0 : i32
      %cond3A_98 = arith.cmpi ne, %convert_element_type3A_96, %cond3A_97 : i32
      scf.if %cond3A_98 {
        %dma_wait3A_148 = arith.constant 0 : i32
        %dma_wait3A_149 = arith.constant 0 : i32
        %dma_wait3A_150 = tpu.memref_slice %arg2[%dma_wait3A_148, %dma_wait3A_149] : memref<10000x128xf32, #tpu.memory_space<hbm>> -> memref<40x128xf32, #tpu.memory_space<hbm>>
        %dma_wait3A_151 = arith.constant 0 : i32
        %dma_wait3A_152 = arith.constant 0 : i32
        %dma_wait3A_153 = tpu.memref_slice %arg2[%dma_wait3A_151, %dma_wait3A_152] : memref<10000x128xf32, #tpu.memory_space<hbm>> -> memref<40x128xf32, #tpu.memory_space<hbm>>
        tpu.wait_dma2 semaphore(%arg22 : memref<!tpu.dma_semaphore, #tpu.memory_space<semaphore_mem>>) src(%dma_wait3A_153 : memref<40x128xf32, #tpu.memory_space<hbm>>) dst(%arg16 : memref<40x128xf32, #tpu.memory_space<vmem>>)
      } else {
      }
      %scan3A_99 = arith.constant 0 : i32
      %scan3A_100 = arith.constant 0 : i32
      %scan3A_101 = arith.constant 40 : i32
      %scan3A_102 = arith.addi %scan3A_100, %scan3A_101 : i32
      %scan3A_103 = arith.constant 1 : i32
      scf.for %scan3A_148 = %scan3A_100 to %scan3A_102 step %scan3A_103  : i32 {
        %get3A = arith.index_cast %scan3A_148 : i32 to index
        %get3A_149 = arith.constant 0 : index
        %get3A_150 = tpu.vector_load %arg14[%get3A, %get3A_149] {strides = array<i32>} : memref<40x128xf32, #tpu.memory_space<vmem>>, vector<1x16xf32>,
        %get3A_151 = vector.shape_cast %get3A_150 : vector<1x16xf32> to vector<16xf32>
        %get3A_152 = arith.index_cast %scan3A_148 : i32 to index
        %get3A_153 = arith.constant 0 : index
        %get3A_154 = tpu.vector_load %arg12[%get3A_152, %get3A_153] {strides = array<i32>} : memref<40x128xf32, #tpu.memory_space<vmem>>, vector<1x16xf32>,
        %get3A_155 = vector.shape_cast %get3A_154 : vector<1x16xf32> to vector<16xf32>
        %mul3A_156 = arith.mulf %get3A_151, %get3A_155 : vector<16xf32>
        %swap3A = arith.index_cast %scan3A_148 : i32 to index
        %swap3A_157 = arith.constant 0 : index
        %swap3A_158 = tpu.vector_load %arg16[%swap3A, %swap3A_157] {strides = array<i32>} : memref<40x128xf32, #tpu.memory_space<vmem>>, vector<1x16xf32>,
        %swap3A_159 = vector.shape_cast %swap3A_158 : vector<1x16xf32> to vector<16xf32>
        %swap3A_160 = vector.shape_cast %mul3A_156 : vector<16xf32> to vector<1x16xf32>
        tpu.vector_store %arg16[%swap3A, %swap3A_157], %swap3A_160 {strides = array<i32>} : memref<40x128xf32, #tpu.memory_space<vmem>>, vector<1x16xf32>,
        %get3A_161 = arith.index_cast %scan3A_148 : i32 to index
        %get3A_162 = arith.constant 16 : index
        %get3A_163 = tpu.vector_load %arg14[%get3A_161, %get3A_162] {strides = array<i32>} : memref<40x128xf32, #tpu.memory_space<vmem>>, vector<1x16xf32>,
        %get3A_164 = vector.shape_cast %get3A_163 : vector<1x16xf32> to vector<16xf32>
        %get3A_165 = arith.index_cast %scan3A_148 : i32 to index
        %get3A_166 = arith.constant 16 : index
        %get3A_167 = tpu.vector_load %arg12[%get3A_165, %get3A_166] {strides = array<i32>} : memref<40x128xf32, #tpu.memory_space<vmem>>, vector<1x16xf32>,
        %get3A_168 = vector.shape_cast %get3A_167 : vector<1x16xf32> to vector<16xf32>
        %mul3A_169 = arith.mulf %get3A_164, %get3A_168 : vector<16xf32>
        %swap3A_170 = arith.index_cast %scan3A_148 : i32 to index
        %swap3A_171 = arith.constant 16 : index
        %swap3A_172 = tpu.vector_load %arg16[%swap3A_170, %swap3A_171] {strides = array<i32>} : memref<40x128xf32, #tpu.memory_space<vmem>>, vector<1x16xf32>,
        %swap3A_173 = vector.shape_cast %swap3A_172 : vector<1x16xf32> to vector<16xf32>
        %swap3A_174 = vector.shape_cast %mul3A_169 : vector<16xf32> to vector<1x16xf32>
        tpu.vector_store %arg16[%swap3A_170, %swap3A_171], %swap3A_174 {strides = array<i32>} : memref<40x128xf32, #tpu.memory_space<vmem>>, vector<1x16xf32>,
        %get3A_175 = arith.index_cast %scan3A_148 : i32 to index
        %get3A_176 = arith.constant 32 : index
        %get3A_177 = tpu.vector_load %arg14[%get3A_175, %get3A_176] {strides = array<i32>} : memref<40x128xf32, #tpu.memory_space<vmem>>, vector<1x16xf32>,
        %get3A_178 = vector.shape_cast %get3A_177 : vector<1x16xf32> to vector<16xf32>
        %get3A_179 = arith.index_cast %scan3A_148 : i32 to index
        %get3A_180 = arith.constant 32 : index
        %get3A_181 = tpu.vector_load %arg12[%get3A_179, %get3A_180] {strides = array<i32>} : memref<40x128xf32, #tpu.memory_space<vmem>>, vector<1x16xf32>,
        %get3A_182 = vector.shape_cast %get3A_181 : vector<1x16xf32> to vector<16xf32>
        %mul3A_183 = arith.mulf %get3A_178, %get3A_182 : vector<16xf32>
        %swap3A_184 = arith.index_cast %scan3A_148 : i32 to index
        %swap3A_185 = arith.constant 32 : index
        %swap3A_186 = tpu.vector_load %arg16[%swap3A_184, %swap3A_185] {strides = array<i32>} : memref<40x128xf32, #tpu.memory_space<vmem>>, vector<1x16xf32>,
        %swap3A_187 = vector.shape_cast %swap3A_186 : vector<1x16xf32> to vector<16xf32>
        %swap3A_188 = vector.shape_cast %mul3A_183 : vector<16xf32> to vector<1x16xf32>
        tpu.vector_store %arg16[%swap3A_184, %swap3A_185], %swap3A_188 {strides = array<i32>} : memref<40x128xf32, #tpu.memory_space<vmem>>, vector<1x16xf32>,
        %get3A_189 = arith.index_cast %scan3A_148 : i32 to index
        %get3A_190 = arith.constant 48 : index
        %get3A_191 = tpu.vector_load %arg14[%get3A_189, %get3A_190] {strides = array<i32>} : memref<40x128xf32, #tpu.memory_space<vmem>>, vector<1x16xf32>,
        %get3A_192 = vector.shape_cast %get3A_191 : vector<1x16xf32> to vector<16xf32>
        %get3A_193 = arith.index_cast %scan3A_148 : i32 to index
        %get3A_194 = arith.constant 48 : index
        %get3A_195 = tpu.vector_load %arg12[%get3A_193, %get3A_194] {strides = array<i32>} : memref<40x128xf32, #tpu.memory_space<vmem>>, vector<1x16xf32>,
        %get3A_196 = vector.shape_cast %get3A_195 : vector<1x16xf32> to vector<16xf32>
        %mul3A_197 = arith.mulf %get3A_192, %get3A_196 : vector<16xf32>
        %swap3A_198 = arith.index_cast %scan3A_148 : i32 to index
        %swap3A_199 = arith.constant 48 : index
        %swap3A_200 = tpu.vector_load %arg16[%swap3A_198, %swap3A_199] {strides = array<i32>} : memref<40x128xf32, #tpu.memory_space<vmem>>, vector<1x16xf32>,
        %swap3A_201 = vector.shape_cast %swap3A_200 : vector<1x16xf32> to vector<16xf32>
        %swap3A_202 = vector.shape_cast %mul3A_197 : vector<16xf32> to vector<1x16xf32>
        tpu.vector_store %arg16[%swap3A_198, %swap3A_199], %swap3A_202 {strides = array<i32>} : memref<40x128xf32, #tpu.memory_space<vmem>>, vector<1x16xf32>,
        %get3A_203 = arith.index_cast %scan3A_148 : i32 to index
        %get3A_204 = arith.constant 64 : index
        %get3A_205 = tpu.vector_load %arg14[%get3A_203, %get3A_204] {strides = array<i32>} : memref<40x128xf32, #tpu.memory_space<vmem>>, vector<1x16xf32>,
        %get3A_206 = vector.shape_cast %get3A_205 : vector<1x16xf32> to vector<16xf32>
        %get3A_207 = arith.index_cast %scan3A_148 : i32 to index
        %get3A_208 = arith.constant 64 : index
        %get3A_209 = tpu.vector_load %arg12[%get3A_207, %get3A_208] {strides = array<i32>} : memref<40x128xf32, #tpu.memory_space<vmem>>, vector<1x16xf32>,
        %get3A_210 = vector.shape_cast %get3A_209 : vector<1x16xf32> to vector<16xf32>
        %mul3A_211 = arith.mulf %get3A_206, %get3A_210 : vector<16xf32>
        %swap3A_212 = arith.index_cast %scan3A_148 : i32 to index
        %swap3A_213 = arith.constant 64 : index
        %swap3A_214 = tpu.vector_load %arg16[%swap3A_212, %swap3A_213] {strides = array<i32>} : memref<40x128xf32, #tpu.memory_space<vmem>>, vector<1x16xf32>,
        %swap3A_215 = vector.shape_cast %swap3A_214 : vector<1x16xf32> to vector<16xf32>
        %swap3A_216 = vector.shape_cast %mul3A_211 : vector<16xf32> to vector<1x16xf32>
        tpu.vector_store %arg16[%swap3A_212, %swap3A_213], %swap3A_216 {strides = array<i32>} : memref<40x128xf32, #tpu.memory_space<vmem>>, vector<1x16xf32>,
        %get3A_217 = arith.index_cast %scan3A_148 : i32 to index
        %get3A_218 = arith.constant 80 : index
        %get3A_219 = tpu.vector_load %arg14[%get3A_217, %get3A_218] {strides = array<i32>} : memref<40x128xf32, #tpu.memory_space<vmem>>, vector<1x16xf32>,
        %get3A_220 = vector.shape_cast %get3A_219 : vector<1x16xf32> to vector<16xf32>
        %get3A_221 = arith.index_cast %scan3A_148 : i32 to index
        %get3A_222 = arith.constant 80 : index
        %get3A_223 = tpu.vector_load %arg12[%get3A_221, %get3A_222] {strides = array<i32>} : memref<40x128xf32, #tpu.memory_space<vmem>>, vector<1x16xf32>,
        %get3A_224 = vector.shape_cast %get3A_223 : vector<1x16xf32> to vector<16xf32>
        %mul3A_225 = arith.mulf %get3A_220, %get3A_224 : vector<16xf32>
        %swap3A_226 = arith.index_cast %scan3A_148 : i32 to index
        %swap3A_227 = arith.constant 80 : index
        %swap3A_228 = tpu.vector_load %arg16[%swap3A_226, %swap3A_227] {strides = array<i32>} : memref<40x128xf32, #tpu.memory_space<vmem>>, vector<1x16xf32>,
        %swap3A_229 = vector.shape_cast %swap3A_228 : vector<1x16xf32> to vector<16xf32>
        %swap3A_230 = vector.shape_cast %mul3A_225 : vector<16xf32> to vector<1x16xf32>
        tpu.vector_store %arg16[%swap3A_226, %swap3A_227], %swap3A_230 {strides = array<i32>} : memref<40x128xf32, #tpu.memory_space<vmem>>, vector<1x16xf32>,
        %get3A_231 = arith.index_cast %scan3A_148 : i32 to index
        %get3A_232 = arith.constant 96 : index
        %get3A_233 = tpu.vector_load %arg14[%get3A_231, %get3A_232] {strides = array<i32>} : memref<40x128xf32, #tpu.memory_space<vmem>>, vector<1x16xf32>,
        %get3A_234 = vector.shape_cast %get3A_233 : vector<1x16xf32> to vector<16xf32>
        %get3A_235 = arith.index_cast %scan3A_148 : i32 to index
        %get3A_236 = arith.constant 96 : index
        %get3A_237 = tpu.vector_load %arg12[%get3A_235, %get3A_236] {strides = array<i32>} : memref<40x128xf32, #tpu.memory_space<vmem>>, vector<1x16xf32>,
        %get3A_238 = vector.shape_cast %get3A_237 : vector<1x16xf32> to vector<16xf32>
        %mul3A_239 = arith.mulf %get3A_234, %get3A_238 : vector<16xf32>
        %swap3A_240 = arith.index_cast %scan3A_148 : i32 to index
        %swap3A_241 = arith.constant 96 : index
        %swap3A_242 = tpu.vector_load %arg16[%swap3A_240, %swap3A_241] {strides = array<i32>} : memref<40x128xf32, #tpu.memory_space<vmem>>, vector<1x16xf32>,
        %swap3A_243 = vector.shape_cast %swap3A_242 : vector<1x16xf32> to vector<16xf32>
        %swap3A_244 = vector.shape_cast %mul3A_239 : vector<16xf32> to vector<1x16xf32>
        tpu.vector_store %arg16[%swap3A_240, %swap3A_241], %swap3A_244 {strides = array<i32>} : memref<40x128xf32, #tpu.memory_space<vmem>>, vector<1x16xf32>,
        %get3A_245 = arith.index_cast %scan3A_148 : i32 to index
        %get3A_246 = arith.constant 112 : index
        %get3A_247 = tpu.vector_load %arg14[%get3A_245, %get3A_246] {strides = array<i32>} : memref<40x128xf32, #tpu.memory_space<vmem>>, vector<1x16xf32>,
        %get3A_248 = vector.shape_cast %get3A_247 : vector<1x16xf32> to vector<16xf32>
        %get3A_249 = arith.index_cast %scan3A_148 : i32 to index
        %get3A_250 = arith.constant 112 : index
        %get3A_251 = tpu.vector_load %arg12[%get3A_249, %get3A_250] {strides = array<i32>} : memref<40x128xf32, #tpu.memory_space<vmem>>, vector<1x16xf32>,
        %get3A_252 = vector.shape_cast %get3A_251 : vector<1x16xf32> to vector<16xf32>
        %mul3A_253 = arith.mulf %get3A_248, %get3A_252 : vector<16xf32>
        %swap3A_254 = arith.index_cast %scan3A_148 : i32 to index
        %swap3A_255 = arith.constant 112 : index
        %swap3A_256 = tpu.vector_load %arg16[%swap3A_254, %swap3A_255] {strides = array<i32>} : memref<40x128xf32, #tpu.memory_space<vmem>>, vector<1x16xf32>,
        %swap3A_257 = vector.shape_cast %swap3A_256 : vector<1x16xf32> to vector<16xf32>
        %swap3A_258 = vector.shape_cast %mul3A_253 : vector<16xf32> to vector<1x16xf32>
        tpu.vector_store %arg16[%swap3A_254, %swap3A_255], %swap3A_258 {strides = array<i32>} : memref<40x128xf32, #tpu.memory_space<vmem>>, vector<1x16xf32>,
      }
      %scan3A_104 = arith.constant 40 : i32
      %dma_start3A_105 = arith.constant 0 : i32
      %dma_start3A_106 = arith.constant 0 : i32
      %dma_start3A_107 = tpu.memref_slice %arg17[%dma_start3A_105, %dma_start3A_106] : memref<10000x128xf32, #tpu.memory_space<vmem_shared>> -> memref<10000x128xf32, #tpu.memory_space<vmem_shared>>
      tpu.enqueue_indirect_dma source(%arg16 : memref<40x128xf32, #tpu.memory_space<vmem>>) target(%dma_start3A_107 : memref<10000x128xf32, #tpu.memory_space<vmem_shared>>) offsets(%arg10 : memref<40xi32, #tpu.memory_space<vmem>>) semaphore(%arg22 : memref<!tpu.dma_semaphore, #tpu.memory_space<semaphore_mem>>) {add = true}
      %add3A_108 = arith.constant 1 : i32
      %add3A_109 = arith.addi %mul3A_69, %add3A_108 : i32
      %add3A_110 = arith.constant 1 : i32
      %add3A_111 = arith.addi %add3A_109, %add3A_110 : i32
      %lt3A_112 = arith.constant 50 : i32
      %lt3A_113 = arith.cmpi slt, %add3A_111, %lt3A_112 : i32
      %convert_element_type3A_114 = arith.extui %lt3A_113 : i1 to i32
      %cond3A_115 = arith.constant 0 : i32
      %cond3A_116 = arith.cmpi ne, %convert_element_type3A_114, %cond3A_115 : i32
      scf.if %cond3A_116 {
        %add3A_148 = arith.constant 1 : i32
        %add3A_149 = arith.addi %add3A_109, %add3A_148 : i32
        %mul3A_150 = arith.constant 40 : i32
        %mul3A_151 = arith.muli %add3A_149, %mul3A_150 : i32
        %dma_start3A_152 = tpu.memref_slice %arg9[%mul3A_151] : memref<2000xi32, #tpu.memory_space<vmem>> -> memref<40xi32, #tpu.memory_space<vmem>>
        %dma_start3A_153 = arith.constant 0 : i32
        %dma_start3A_154 = arith.constant 0 : i32
        %dma_start3A_155 = tpu.memref_slice %arg2[%dma_start3A_153, %dma_start3A_154] : memref<10000x128xf32, #tpu.memory_space<hbm>> -> memref<10000x128xf32, #tpu.memory_space<hbm>>
        tpu.enqueue_indirect_dma source(%dma_start3A_155 : memref<10000x128xf32, #tpu.memory_space<hbm>>) target(%arg14 : memref<40x128xf32, #tpu.memory_space<vmem>>) offsets(%dma_start3A_152 : memref<40xi32, #tpu.memory_space<vmem>>) semaphore(%arg18 : memref<!tpu.dma_semaphore, #tpu.memory_space<semaphore_mem>>)
        %add3A_156 = arith.constant 1 : i32
        %add3A_157 = arith.addi %add3A_109, %add3A_156 : i32
        %mul3A_158 = arith.constant 40 : i32
        %mul3A_159 = arith.muli %add3A_157, %mul3A_158 : i32
        %add3A_160 = arith.addi %mul3A_8, %mul3A_159 : i32
        %dma_start3A_161 = arith.constant 0 : i32
        %dma_start3A_162 = tpu.memref_slice %arg3[%add3A_160, %dma_start3A_161] : memref<64000x128xf32, #tpu.memory_space<hbm>> -> memref<40x128xf32, #tpu.memory_space<hbm>>
        %dma_start3A_163 = arith.constant 0 : i32
        %dma_start3A_164 = tpu.memref_slice %arg3[%add3A_160, %dma_start3A_163] : memref<64000x128xf32, #tpu.memory_space<hbm>> -> memref<40x128xf32, #tpu.memory_space<hbm>>
        tpu.enqueue_dma source(%dma_start3A_164 : memref<40x128xf32, #tpu.memory_space<hbm>>) target(%arg12 : memref<40x128xf32, #tpu.memory_space<vmem>>) target_semaphore(%arg20 : memref<!tpu.dma_semaphore, #tpu.memory_space<semaphore_mem>>)
        %add3A_165 = arith.constant 1 : i32
        %add3A_166 = arith.addi %add3A_109, %add3A_165 : i32
        %mul3A_167 = arith.constant 40 : i32
        %mul3A_168 = arith.muli %add3A_166, %mul3A_167 : i32
        %add3A_169 = arith.addi %add3A_6, %mul3A_168 : i32
        %dma_start3A_170 = tpu.memref_slice %arg5[%add3A_169] : memref<320000xi32, #tpu.memory_space<hbm>> -> memref<40xi32, #tpu.memory_space<hbm>>
        %dma_start3A_171 = tpu.memref_slice %arg5[%add3A_169] : memref<320000xi32, #tpu.memory_space<hbm>> -> memref<40xi32, #tpu.memory_space<hbm>>
        tpu.enqueue_dma source(%dma_start3A_171 : memref<40xi32, #tpu.memory_space<hbm>>) target(%arg10 : memref<40xi32, #tpu.memory_space<vmem>>) target_semaphore(%arg20 : memref<!tpu.dma_semaphore, #tpu.memory_space<semaphore_mem>>)
      } else {
      }
      %dma_wait3A_117 = arith.constant 0 : i32
      %dma_wait3A_118 = arith.constant 0 : i32
      %dma_wait3A_119 = tpu.memref_slice %arg2[%dma_wait3A_117, %dma_wait3A_118] : memref<10000x128xf32, #tpu.memory_space<hbm>> -> memref<40x128xf32, #tpu.memory_space<hbm>>
      %dma_wait3A_120 = arith.constant 0 : i32
      %dma_wait3A_121 = arith.constant 0 : i32
      %dma_wait3A_122 = tpu.memref_slice %arg2[%dma_wait3A_120, %dma_wait3A_121] : memref<10000x128xf32, #tpu.memory_space<hbm>> -> memref<40x128xf32, #tpu.memory_space<hbm>>
      tpu.wait_dma2 semaphore(%arg19 : memref<!tpu.dma_semaphore, #tpu.memory_space<semaphore_mem>>) src(%dma_wait3A_122 : memref<40x128xf32, #tpu.memory_space<hbm>>) dst(%arg15 : memref<40x128xf32, #tpu.memory_space<vmem>>)
      %dma_wait3A_123 = arith.constant 0 : i32
      %dma_wait3A_124 = arith.constant 0 : i32
      %dma_wait3A_125 = tpu.memref_slice %arg2[%dma_wait3A_123, %dma_wait3A_124] : memref<10000x128xf32, #tpu.memory_space<hbm>> -> memref<40x128xf32, #tpu.memory_space<hbm>>
      %dma_wait3A_126 = arith.constant 0 : i32
      %dma_wait3A_127 = arith.constant 0 : i32
      %dma_wait3A_128 = tpu.memref_slice %arg2[%dma_wait3A_126, %dma_wait3A_127] : memref<10000x128xf32, #tpu.memory_space<hbm>> -> memref<40x128xf32, #tpu.memory_space<hbm>>
      tpu.wait_dma2 semaphore(%arg21 : memref<!tpu.dma_semaphore, #tpu.memory_space<semaphore_mem>>) src(%dma_wait3A_128 : memref<40x128xf32, #tpu.memory_space<hbm>>) dst(%arg13 : memref<40x128xf32, #tpu.memory_space<vmem>>)
      %dma_wait3A_129 = arith.constant 0 : i32
      %dma_wait3A_130 = tpu.memref_slice %arg5[%dma_wait3A_129] : memref<320000xi32, #tpu.memory_space<hbm>> -> memref<40xi32, #tpu.memory_space<hbm>>
      %dma_wait3A_131 = arith.constant 0 : i32
      %dma_wait3A_132 = tpu.memref_slice %arg5[%dma_wait3A_131] : memref<320000xi32, #tpu.memory_space<hbm>> -> memref<40xi32, #tpu.memory_space<hbm>>
      tpu.wait_dma2 semaphore(%arg21 : memref<!tpu.dma_semaphore, #tpu.memory_space<semaphore_mem>>) src(%dma_wait3A_132 : memref<40xi32, #tpu.memory_space<hbm>>) dst(%arg11 : memref<40xi32, #tpu.memory_space<vmem>>)
      %not3A_133 = arith.constant false
      %not3A_134 = arith.constant true
      %not3A_135 = arith.xori %not3A_133, %not3A_134 : i1
      %convert_element_type3A_136 = arith.extui %not3A_135 : i1 to i32
      %cond3A_137 = arith.constant 0 : i32
      %cond3A_138 = arith.cmpi ne, %convert_element_type3A_136, %cond3A_137 : i32
      scf.if %cond3A_138 {
        %dma_wait3A_148 = arith.constant 0 : i32
        %dma_wait3A_149 = arith.constant 0 : i32
        %dma_wait3A_150 = tpu.memref_slice %arg2[%dma_wait3A_148, %dma_wait3A_149] : memref<10000x128xf32, #tpu.memory_space<hbm>> -> memref<40x128xf32, #tpu.memory_space<hbm>>
        %dma_wait3A_151 = arith.constant 0 : i32
        %dma_wait3A_152 = arith.constant 0 : i32
        %dma_wait3A_153 = tpu.memref_slice %arg2[%dma_wait3A_151, %dma_wait3A_152] : memref<10000x128xf32, #tpu.memory_space<hbm>> -> memref<40x128xf32, #tpu.memory_space<hbm>>
        tpu.wait_dma2 semaphore(%arg22 : memref<!tpu.dma_semaphore, #tpu.memory_space<semaphore_mem>>) src(%dma_wait3A_153 : memref<40x128xf32, #tpu.memory_space<hbm>>) dst(%arg16 : memref<40x128xf32, #tpu.memory_space<vmem>>)
      } else {
      }
      %scan3A_139 = arith.constant 0 : i32
      %scan3A_140 = arith.constant 0 : i32
      %scan3A_141 = arith.constant 40 : i32
      %scan3A_142 = arith.addi %scan3A_140, %scan3A_141 : i32
      %scan3A_143 = arith.constant 1 : i32
      scf.for %scan3A_148 = %scan3A_140 to %scan3A_142 step %scan3A_143  : i32 {
        %get3A = arith.index_cast %scan3A_148 : i32 to index
        %get3A_149 = arith.constant 0 : index
        %get3A_150 = tpu.vector_load %arg15[%get3A, %get3A_149] {strides = array<i32>} : memref<40x128xf32, #tpu.memory_space<vmem>>, vector<1x16xf32>,
        %get3A_151 = vector.shape_cast %get3A_150 : vector<1x16xf32> to vector<16xf32>
        %get3A_152 = arith.index_cast %scan3A_148 : i32 to index
        %get3A_153 = arith.constant 0 : index
        %get3A_154 = tpu.vector_load %arg13[%get3A_152, %get3A_153] {strides = array<i32>} : memref<40x128xf32, #tpu.memory_space<vmem>>, vector<1x16xf32>,
        %get3A_155 = vector.shape_cast %get3A_154 : vector<1x16xf32> to vector<16xf32>
        %mul3A_156 = arith.mulf %get3A_151, %get3A_155 : vector<16xf32>
        %swap3A = arith.index_cast %scan3A_148 : i32 to index
        %swap3A_157 = arith.constant 0 : index
        %swap3A_158 = tpu.vector_load %arg16[%swap3A, %swap3A_157] {strides = array<i32>} : memref<40x128xf32, #tpu.memory_space<vmem>>, vector<1x16xf32>,
        %swap3A_159 = vector.shape_cast %swap3A_158 : vector<1x16xf32> to vector<16xf32>
        %swap3A_160 = vector.shape_cast %mul3A_156 : vector<16xf32> to vector<1x16xf32>
        tpu.vector_store %arg16[%swap3A, %swap3A_157], %swap3A_160 {strides = array<i32>} : memref<40x128xf32, #tpu.memory_space<vmem>>, vector<1x16xf32>,
        %get3A_161 = arith.index_cast %scan3A_148 : i32 to index
        %get3A_162 = arith.constant 16 : index
        %get3A_163 = tpu.vector_load %arg15[%get3A_161, %get3A_162] {strides = array<i32>} : memref<40x128xf32, #tpu.memory_space<vmem>>, vector<1x16xf32>,
        %get3A_164 = vector.shape_cast %get3A_163 : vector<1x16xf32> to vector<16xf32>
        %get3A_165 = arith.index_cast %scan3A_148 : i32 to index
        %get3A_166 = arith.constant 16 : index
        %get3A_167 = tpu.vector_load %arg13[%get3A_165, %get3A_166] {strides = array<i32>} : memref<40x128xf32, #tpu.memory_space<vmem>>, vector<1x16xf32>,
        %get3A_168 = vector.shape_cast %get3A_167 : vector<1x16xf32> to vector<16xf32>
        %mul3A_169 = arith.mulf %get3A_164, %get3A_168 : vector<16xf32>
        %swap3A_170 = arith.index_cast %scan3A_148 : i32 to index
        %swap3A_171 = arith.constant 16 : index
        %swap3A_172 = tpu.vector_load %arg16[%swap3A_170, %swap3A_171] {strides = array<i32>} : memref<40x128xf32, #tpu.memory_space<vmem>>, vector<1x16xf32>,
        %swap3A_173 = vector.shape_cast %swap3A_172 : vector<1x16xf32> to vector<16xf32>
        %swap3A_174 = vector.shape_cast %mul3A_169 : vector<16xf32> to vector<1x16xf32>
        tpu.vector_store %arg16[%swap3A_170, %swap3A_171], %swap3A_174 {strides = array<i32>} : memref<40x128xf32, #tpu.memory_space<vmem>>, vector<1x16xf32>,
        %get3A_175 = arith.index_cast %scan3A_148 : i32 to index
        %get3A_176 = arith.constant 32 : index
        %get3A_177 = tpu.vector_load %arg15[%get3A_175, %get3A_176] {strides = array<i32>} : memref<40x128xf32, #tpu.memory_space<vmem>>, vector<1x16xf32>,
        %get3A_178 = vector.shape_cast %get3A_177 : vector<1x16xf32> to vector<16xf32>
        %get3A_179 = arith.index_cast %scan3A_148 : i32 to index
        %get3A_180 = arith.constant 32 : index
        %get3A_181 = tpu.vector_load %arg13[%get3A_179, %get3A_180] {strides = array<i32>} : memref<40x128xf32, #tpu.memory_space<vmem>>, vector<1x16xf32>,
        %get3A_182 = vector.shape_cast %get3A_181 : vector<1x16xf32> to vector<16xf32>
        %mul3A_183 = arith.mulf %get3A_178, %get3A_182 : vector<16xf32>
        %swap3A_184 = arith.index_cast %scan3A_148 : i32 to index
        %swap3A_185 = arith.constant 32 : index
        %swap3A_186 = tpu.vector_load %arg16[%swap3A_184, %swap3A_185] {strides = array<i32>} : memref<40x128xf32, #tpu.memory_space<vmem>>, vector<1x16xf32>,
        %swap3A_187 = vector.shape_cast %swap3A_186 : vector<1x16xf32> to vector<16xf32>
        %swap3A_188 = vector.shape_cast %mul3A_183 : vector<16xf32> to vector<1x16xf32>
        tpu.vector_store %arg16[%swap3A_184, %swap3A_185], %swap3A_188 {strides = array<i32>} : memref<40x128xf32, #tpu.memory_space<vmem>>, vector<1x16xf32>,
        %get3A_189 = arith.index_cast %scan3A_148 : i32 to index
        %get3A_190 = arith.constant 48 : index
        %get3A_191 = tpu.vector_load %arg15[%get3A_189, %get3A_190] {strides = array<i32>} : memref<40x128xf32, #tpu.memory_space<vmem>>, vector<1x16xf32>,
        %get3A_192 = vector.shape_cast %get3A_191 : vector<1x16xf32> to vector<16xf32>
        %get3A_193 = arith.index_cast %scan3A_148 : i32 to index
        %get3A_194 = arith.constant 48 : index
        %get3A_195 = tpu.vector_load %arg13[%get3A_193, %get3A_194] {strides = array<i32>} : memref<40x128xf32, #tpu.memory_space<vmem>>, vector<1x16xf32>,
        %get3A_196 = vector.shape_cast %get3A_195 : vector<1x16xf32> to vector<16xf32>
        %mul3A_197 = arith.mulf %get3A_192, %get3A_196 : vector<16xf32>
        %swap3A_198 = arith.index_cast %scan3A_148 : i32 to index
        %swap3A_199 = arith.constant 48 : index
        %swap3A_200 = tpu.vector_load %arg16[%swap3A_198, %swap3A_199] {strides = array<i32>} : memref<40x128xf32, #tpu.memory_space<vmem>>, vector<1x16xf32>,
        %swap3A_201 = vector.shape_cast %swap3A_200 : vector<1x16xf32> to vector<16xf32>
        %swap3A_202 = vector.shape_cast %mul3A_197 : vector<16xf32> to vector<1x16xf32>
        tpu.vector_store %arg16[%swap3A_198, %swap3A_199], %swap3A_202 {strides = array<i32>} : memref<40x128xf32, #tpu.memory_space<vmem>>, vector<1x16xf32>,
        %get3A_203 = arith.index_cast %scan3A_148 : i32 to index
        %get3A_204 = arith.constant 64 : index
        %get3A_205 = tpu.vector_load %arg15[%get3A_203, %get3A_204] {strides = array<i32>} : memref<40x128xf32, #tpu.memory_space<vmem>>, vector<1x16xf32>,
        %get3A_206 = vector.shape_cast %get3A_205 : vector<1x16xf32> to vector<16xf32>
        %get3A_207 = arith.index_cast %scan3A_148 : i32 to index
        %get3A_208 = arith.constant 64 : index
        %get3A_209 = tpu.vector_load %arg13[%get3A_207, %get3A_208] {strides = array<i32>} : memref<40x128xf32, #tpu.memory_space<vmem>>, vector<1x16xf32>,
        %get3A_210 = vector.shape_cast %get3A_209 : vector<1x16xf32> to vector<16xf32>
        %mul3A_211 = arith.mulf %get3A_206, %get3A_210 : vector<16xf32>
        %swap3A_212 = arith.index_cast %scan3A_148 : i32 to index
        %swap3A_213 = arith.constant 64 : index
        %swap3A_214 = tpu.vector_load %arg16[%swap3A_212, %swap3A_213] {strides = array<i32>} : memref<40x128xf32, #tpu.memory_space<vmem>>, vector<1x16xf32>,
        %swap3A_215 = vector.shape_cast %swap3A_214 : vector<1x16xf32> to vector<16xf32>
        %swap3A_216 = vector.shape_cast %mul3A_211 : vector<16xf32> to vector<1x16xf32>
        tpu.vector_store %arg16[%swap3A_212, %swap3A_213], %swap3A_216 {strides = array<i32>} : memref<40x128xf32, #tpu.memory_space<vmem>>, vector<1x16xf32>,
        %get3A_217 = arith.index_cast %scan3A_148 : i32 to index
        %get3A_218 = arith.constant 80 : index
        %get3A_219 = tpu.vector_load %arg15[%get3A_217, %get3A_218] {strides = array<i32>} : memref<40x128xf32, #tpu.memory_space<vmem>>, vector<1x16xf32>,
        %get3A_220 = vector.shape_cast %get3A_219 : vector<1x16xf32> to vector<16xf32>
        %get3A_221 = arith.index_cast %scan3A_148 : i32 to index
        %get3A_222 = arith.constant 80 : index
        %get3A_223 = tpu.vector_load %arg13[%get3A_221, %get3A_222] {strides = array<i32>} : memref<40x128xf32, #tpu.memory_space<vmem>>, vector<1x16xf32>,
        %get3A_224 = vector.shape_cast %get3A_223 : vector<1x16xf32> to vector<16xf32>
        %mul3A_225 = arith.mulf %get3A_220, %get3A_224 : vector<16xf32>
        %swap3A_226 = arith.index_cast %scan3A_148 : i32 to index
        %swap3A_227 = arith.constant 80 : index
        %swap3A_228 = tpu.vector_load %arg16[%swap3A_226, %swap3A_227] {strides = array<i32>} : memref<40x128xf32, #tpu.memory_space<vmem>>, vector<1x16xf32>,
        %swap3A_229 = vector.shape_cast %swap3A_228 : vector<1x16xf32> to vector<16xf32>
        %swap3A_230 = vector.shape_cast %mul3A_225 : vector<16xf32> to vector<1x16xf32>
        tpu.vector_store %arg16[%swap3A_226, %swap3A_227], %swap3A_230 {strides = array<i32>} : memref<40x128xf32, #tpu.memory_space<vmem>>, vector<1x16xf32>,
        %get3A_231 = arith.index_cast %scan3A_148 : i32 to index
        %get3A_232 = arith.constant 96 : index
        %get3A_233 = tpu.vector_load %arg15[%get3A_231, %get3A_232] {strides = array<i32>} : memref<40x128xf32, #tpu.memory_space<vmem>>, vector<1x16xf32>,
        %get3A_234 = vector.shape_cast %get3A_233 : vector<1x16xf32> to vector<16xf32>
        %get3A_235 = arith.index_cast %scan3A_148 : i32 to index
        %get3A_236 = arith.constant 96 : index
        %get3A_237 = tpu.vector_load %arg13[%get3A_235, %get3A_236] {strides = array<i32>} : memref<40x128xf32, #tpu.memory_space<vmem>>, vector<1x16xf32>,
        %get3A_238 = vector.shape_cast %get3A_237 : vector<1x16xf32> to vector<16xf32>
        %mul3A_239 = arith.mulf %get3A_234, %get3A_238 : vector<16xf32>
        %swap3A_240 = arith.index_cast %scan3A_148 : i32 to index
        %swap3A_241 = arith.constant 96 : index
        %swap3A_242 = tpu.vector_load %arg16[%swap3A_240, %swap3A_241] {strides = array<i32>} : memref<40x128xf32, #tpu.memory_space<vmem>>, vector<1x16xf32>,
        %swap3A_243 = vector.shape_cast %swap3A_242 : vector<1x16xf32> to vector<16xf32>
        %swap3A_244 = vector.shape_cast %mul3A_239 : vector<16xf32> to vector<1x16xf32>
        tpu.vector_store %arg16[%swap3A_240, %swap3A_241], %swap3A_244 {strides = array<i32>} : memref<40x128xf32, #tpu.memory_space<vmem>>, vector<1x16xf32>,
        %get3A_245 = arith.index_cast %scan3A_148 : i32 to index
        %get3A_246 = arith.constant 112 : index
        %get3A_247 = tpu.vector_load %arg15[%get3A_245, %get3A_246] {strides = array<i32>} : memref<40x128xf32, #tpu.memory_space<vmem>>, vector<1x16xf32>,
        %get3A_248 = vector.shape_cast %get3A_247 : vector<1x16xf32> to vector<16xf32>
        %get3A_249 = arith.index_cast %scan3A_148 : i32 to index
        %get3A_250 = arith.constant 112 : index
        %get3A_251 = tpu.vector_load %arg13[%get3A_249, %get3A_250] {strides = array<i32>} : memref<40x128xf32, #tpu.memory_space<vmem>>, vector<1x16xf32>,
        %get3A_252 = vector.shape_cast %get3A_251 : vector<1x16xf32> to vector<16xf32>
        %mul3A_253 = arith.mulf %get3A_248, %get3A_252 : vector<16xf32>
        %swap3A_254 = arith.index_cast %scan3A_148 : i32 to index
        %swap3A_255 = arith.constant 112 : index
        %swap3A_256 = tpu.vector_load %arg16[%swap3A_254, %swap3A_255] {strides = array<i32>} : memref<40x128xf32, #tpu.memory_space<vmem>>, vector<1x16xf32>,
        %swap3A_257 = vector.shape_cast %swap3A_256 : vector<1x16xf32> to vector<16xf32>
        %swap3A_258 = vector.shape_cast %mul3A_253 : vector<16xf32> to vector<1x16xf32>
        tpu.vector_store %arg16[%swap3A_254, %swap3A_255], %swap3A_258 {strides = array<i32>} : memref<40x128xf32, #tpu.memory_space<vmem>>, vector<1x16xf32>,
      }
      %scan3A_144 = arith.constant 40 : i32
      %dma_start3A_145 = arith.constant 0 : i32
      %dma_start3A_146 = arith.constant 0 : i32
      %dma_start3A_147 = tpu.memref_slice %arg17[%dma_start3A_145, %dma_start3A_146] : memref<10000x128xf32, #tpu.memory_space<vmem_shared>> -> memref<10000x128xf32, #tpu.memory_space<vmem_shared>>
      tpu.enqueue_indirect_dma source(%arg16 : memref<40x128xf32, #tpu.memory_space<vmem>>) target(%dma_start3A_147 : memref<10000x128xf32, #tpu.memory_space<vmem_shared>>) offsets(%arg11 : memref<40xi32, #tpu.memory_space<vmem>>) semaphore(%arg22 : memref<!tpu.dma_semaphore, #tpu.memory_space<semaphore_mem>>) {add = true}
    }
    %scan3A_29 = arith.constant 25 : i32
    %dma_wait3A = arith.constant 0 : i32
    %dma_wait3A_30 = arith.constant 0 : i32
    %dma_wait3A_31 = tpu.memref_slice %arg2[%dma_wait3A, %dma_wait3A_30] : memref<10000x128xf32, #tpu.memory_space<hbm>> -> memref<40x128xf32, #tpu.memory_space<hbm>>
    %dma_wait3A_32 = arith.constant 0 : i32
    %dma_wait3A_33 = arith.constant 0 : i32
    %dma_wait3A_34 = tpu.memref_slice %arg2[%dma_wait3A_32, %dma_wait3A_33] : memref<10000x128xf32, #tpu.memory_space<hbm>> -> memref<40x128xf32, #tpu.memory_space<hbm>>
    tpu.wait_dma2 semaphore(%arg22 : memref<!tpu.dma_semaphore, #tpu.memory_space<semaphore_mem>>) src(%dma_wait3A_34 : memref<40x128xf32, #tpu.memory_space<hbm>>) dst(%arg16 : memref<40x128xf32, #tpu.memory_space<vmem>>)
    %barrier3A_35 = arith.constant 0 : index
    tpu.barrier barrier_id(%barrier3A_35)
    %eq3A_36 = arith.constant 0 : i32
    %eq3A_37 = arith.cmpi eq, %arg0, %eq3A_36 : i32
    %lt3A_38 = arith.constant 15 : i32
    %lt3A_39 = arith.cmpi slt, %arg1, %lt3A_38 : i32
    %and3A = arith.andi %eq3A_37, %lt3A_39 : i1
    %convert_element_type3A_40 = arith.extui %and3A : i1 to i32
    %cond3A_41 = arith.constant 0 : i32
    %cond3A_42 = arith.cmpi ne, %convert_element_type3A_40, %cond3A_41 : i32
    scf.if %cond3A_42 {
      "tpu.region"() ({
        %run_scoped3A = tpu.sem_alloc : memref<!tpu.dma_semaphore, #tpu.memory_space<semaphore_mem>>
        %dma_start3A_67 = arith.constant 0 : i32
        %dma_start3A_68 = tpu.memref_slice %arg7[%mul3A_2, %dma_start3A_67] : memref<10000x128xf32, #tpu.memory_space<hbm>> -> memref<624x128xf32, #tpu.memory_space<hbm>>
        %dma_start3A_69 = arith.constant 0 : i32
        %dma_start3A_70 = tpu.memref_slice %arg17[%mul3A_2, %dma_start3A_69] : memref<10000x128xf32, #tpu.memory_space<vmem_shared>> -> memref<624x128xf32, #tpu.memory_space<vmem_shared>>
        tpu.enqueue_dma source(%dma_start3A_70 : memref<624x128xf32, #tpu.memory_space<vmem_shared>>) target(%dma_start3A_68 : memref<624x128xf32, #tpu.memory_space<hbm>>) target_semaphore(%run_scoped3A : memref<!tpu.dma_semaphore, #tpu.memory_space<semaphore_mem>>)
        %dma_wait3A_71 = arith.constant 0 : i32
        %dma_wait3A_72 = tpu.memref_slice %arg7[%mul3A_2, %dma_wait3A_71] : memref<10000x128xf32, #tpu.memory_space<hbm>> -> memref<624x128xf32, #tpu.memory_space<hbm>>
        %dma_wait3A_73 = arith.constant 0 : i32
        %dma_wait3A_74 = tpu.memref_slice %arg17[%mul3A_2, %dma_wait3A_73] : memref<10000x128xf32, #tpu.memory_space<vmem_shared>> -> memref<624x128xf32, #tpu.memory_space<vmem_shared>>
        tpu.wait_dma2 semaphore(%run_scoped3A : memref<!tpu.dma_semaphore, #tpu.memory_space<semaphore_mem>>) src(%dma_wait3A_74 : memref<624x128xf32, #tpu.memory_space<vmem_shared>>) dst(%dma_wait3A_72 : memref<624x128xf32, #tpu.memory_space<hbm>>)
        tpu.yield
      }) : () -> ()
    } else {
    }
    %eq3A_43 = arith.constant 0 : i32
    %eq3A_44 = arith.cmpi eq, %arg0, %eq3A_43 : i32
    %eq3A_45 = arith.constant 15 : i32
    %eq3A_46 = arith.cmpi eq, %arg1, %eq3A_45 : i32
    %and3A_47 = arith.andi %eq3A_44, %eq3A_46 : i1
    %convert_element_type3A_48 = arith.extui %and3A_47 : i1 to i32
    %cond3A_49 = arith.constant 0 : i32
    %cond3A_50 = arith.cmpi ne, %convert_element_type3A_48, %cond3A_49 : i32
    scf.if %cond3A_50 {
      "tpu.region"() ({
        %run_scoped3A = tpu.sem_alloc : memref<!tpu.dma_semaphore, #tpu.memory_space<semaphore_mem>>
        %dma_start3A_67 = arith.constant 9360 : i32
        %dma_start3A_68 = arith.constant 0 : i32
        %dma_start3A_69 = tpu.memref_slice %arg7[%dma_start3A_67, %dma_start3A_68] : memref<10000x128xf32, #tpu.memory_space<hbm>> -> memref<640x128xf32, #tpu.memory_space<hbm>>
        %dma_start3A_70 = arith.constant 9360 : i32
        %dma_start3A_71 = arith.constant 0 : i32
        %dma_start3A_72 = tpu.memref_slice %arg17[%dma_start3A_70, %dma_start3A_71] : memref<10000x128xf32, #tpu.memory_space<vmem_shared>> -> memref<640x128xf32, #tpu.memory_space<vmem_shared>>
        tpu.enqueue_dma source(%dma_start3A_72 : memref<640x128xf32, #tpu.memory_space<vmem_shared>>) target(%dma_start3A_69 : memref<640x128xf32, #tpu.memory_space<hbm>>) target_semaphore(%run_scoped3A : memref<!tpu.dma_semaphore, #tpu.memory_space<semaphore_mem>>)
        %dma_wait3A_73 = arith.constant 9360 : i32
        %dma_wait3A_74 = arith.constant 0 : i32
        %dma_wait3A_75 = tpu.memref_slice %arg7[%dma_wait3A_73, %dma_wait3A_74] : memref<10000x128xf32, #tpu.memory_space<hbm>> -> memref<640x128xf32, #tpu.memory_space<hbm>>
        %dma_wait3A_76 = arith.constant 9360 : i32
        %dma_wait3A_77 = arith.constant 0 : i32
        %dma_wait3A_78 = tpu.memref_slice %arg17[%dma_wait3A_76, %dma_wait3A_77] : memref<10000x128xf32, #tpu.memory_space<vmem_shared>> -> memref<640x128xf32, #tpu.memory_space<vmem_shared>>
        tpu.wait_dma2 semaphore(%run_scoped3A : memref<!tpu.dma_semaphore, #tpu.memory_space<semaphore_mem>>) src(%dma_wait3A_78 : memref<640x128xf32, #tpu.memory_space<vmem_shared>>) dst(%dma_wait3A_75 : memref<640x128xf32, #tpu.memory_space<hbm>>)
        tpu.yield
      }) : () -> ()
    } else {
    }
    %eq3A_51 = arith.constant 1 : i32
    %eq3A_52 = arith.cmpi eq, %arg0, %eq3A_51 : i32
    %lt3A_53 = arith.constant 15 : i32
    %lt3A_54 = arith.cmpi slt, %arg1, %lt3A_53 : i32
    %and3A_55 = arith.andi %eq3A_52, %lt3A_54 : i1
    %convert_element_type3A_56 = arith.extui %and3A_55 : i1 to i32
    %cond3A_57 = arith.constant 0 : i32
    %cond3A_58 = arith.cmpi ne, %convert_element_type3A_56, %cond3A_57 : i32
    scf.if %cond3A_58 {
      "tpu.region"() ({
        %run_scoped3A = tpu.sem_alloc : memref<!tpu.dma_semaphore, #tpu.memory_space<semaphore_mem>>
        %dma_start3A_67 = arith.constant 0 : i32
        %dma_start3A_68 = tpu.memref_slice %arg8[%mul3A_2, %dma_start3A_67] : memref<10000x128xf32, #tpu.memory_space<hbm>> -> memref<624x128xf32, #tpu.memory_space<hbm>>
        %dma_start3A_69 = arith.constant 0 : i32
        %dma_start3A_70 = tpu.memref_slice %arg17[%mul3A_2, %dma_start3A_69] : memref<10000x128xf32, #tpu.memory_space<vmem_shared>> -> memref<624x128xf32, #tpu.memory_space<vmem_shared>>
        tpu.enqueue_dma source(%dma_start3A_70 : memref<624x128xf32, #tpu.memory_space<vmem_shared>>) target(%dma_start3A_68 : memref<624x128xf32, #tpu.memory_space<hbm>>) target_semaphore(%run_scoped3A : memref<!tpu.dma_semaphore, #tpu.memory_space<semaphore_mem>>)
        %dma_wait3A_71 = arith.constant 0 : i32
        %dma_wait3A_72 = tpu.memref_slice %arg8[%mul3A_2, %dma_wait3A_71] : memref<10000x128xf32, #tpu.memory_space<hbm>> -> memref<624x128xf32, #tpu.memory_space<hbm>>
        %dma_wait3A_73 = arith.constant 0 : i32
        %dma_wait3A_74 = tpu.memref_slice %arg17[%mul3A_2, %dma_wait3A_73] : memref<10000x128xf32, #tpu.memory_space<vmem_shared>> -> memref<624x128xf32, #tpu.memory_space<vmem_shared>>
        tpu.wait_dma2 semaphore(%run_scoped3A : memref<!tpu.dma_semaphore, #tpu.memory_space<semaphore_mem>>) src(%dma_wait3A_74 : memref<624x128xf32, #tpu.memory_space<vmem_shared>>) dst(%dma_wait3A_72 : memref<624x128xf32, #tpu.memory_space<hbm>>)
        tpu.yield
      }) : () -> ()
    } else {
    }
    %eq3A_59 = arith.constant 1 : i32
    %eq3A_60 = arith.cmpi eq, %arg0, %eq3A_59 : i32
    %eq3A_61 = arith.constant 15 : i32
    %eq3A_62 = arith.cmpi eq, %arg1, %eq3A_61 : i32
    %and3A_63 = arith.andi %eq3A_60, %eq3A_62 : i1
    %convert_element_type3A_64 = arith.extui %and3A_63 : i1 to i32
    %cond3A_65 = arith.constant 0 : i32
    %cond3A_66 = arith.cmpi ne, %convert_element_type3A_64, %cond3A_65 : i32
    scf.if %cond3A_66 {
      "tpu.region"() ({
        %run_scoped3A = tpu.sem_alloc : memref<!tpu.dma_semaphore, #tpu.memory_space<semaphore_mem>>
        %dma_start3A_67 = arith.constant 9360 : i32
        %dma_start3A_68 = arith.constant 0 : i32
        %dma_start3A_69 = tpu.memref_slice %arg8[%dma_start3A_67, %dma_start3A_68] : memref<10000x128xf32, #tpu.memory_space<hbm>> -> memref<640x128xf32, #tpu.memory_space<hbm>>
        %dma_start3A_70 = arith.constant 9360 : i32
        %dma_start3A_71 = arith.constant 0 : i32
        %dma_start3A_72 = tpu.memref_slice %arg17[%dma_start3A_70, %dma_start3A_71] : memref<10000x128xf32, #tpu.memory_space<vmem_shared>> -> memref<640x128xf32, #tpu.memory_space<vmem_shared>>
        tpu.enqueue_dma source(%dma_start3A_72 : memref<640x128xf32, #tpu.memory_space<vmem_shared>>) target(%dma_start3A_69 : memref<640x128xf32, #tpu.memory_space<hbm>>) target_semaphore(%run_scoped3A : memref<!tpu.dma_semaphore, #tpu.memory_space<semaphore_mem>>)
        %dma_wait3A_73 = arith.constant 9360 : i32
        %dma_wait3A_74 = arith.constant 0 : i32
        %dma_wait3A_75 = tpu.memref_slice %arg8[%dma_wait3A_73, %dma_wait3A_74] : memref<10000x128xf32, #tpu.memory_space<hbm>> -> memref<640x128xf32, #tpu.memory_space<hbm>>
        %dma_wait3A_76 = arith.constant 9360 : i32
        %dma_wait3A_77 = arith.constant 0 : i32
        %dma_wait3A_78 = tpu.memref_slice %arg17[%dma_wait3A_76, %dma_wait3A_77] : memref<10000x128xf32, #tpu.memory_space<vmem_shared>> -> memref<640x128xf32, #tpu.memory_space<vmem_shared>>
        tpu.wait_dma2 semaphore(%run_scoped3A : memref<!tpu.dma_semaphore, #tpu.memory_space<semaphore_mem>>) src(%dma_wait3A_78 : memref<640x128xf32, #tpu.memory_space<vmem_shared>>) dst(%dma_wait3A_75 : memref<640x128xf32, #tpu.memory_space<hbm>>)
        tpu.yield
      }) : () -> ()
    } else {
    }
    return
  }
}

#map = affine_map<(d0, d1) -> (0, 0)>
#map1 = affine_map<(d0, d1) -> (0)>
module attributes {stable_mosaic.version = 14 : i64} {
  func.func @k(%arg0: i32, %arg1: i32, %arg2: memref<10000x128xf32, #tpu.memory_space<hbm>>, %arg3: memref<64000x128xf32, #tpu.memory_space<hbm>>, %arg4: memref<320000xi32, #tpu.memory_space<hbm>>, %arg5: memref<320000xi32, #tpu.memory_space<hbm>>, %arg6: memref<10000x128xf32, #tpu.memory_space<hbm>>, %arg7: memref<10000x128xf32, #tpu.memory_space<hbm>>, %arg8: memref<10000x128xf32, #tpu.memory_space<hbm>>, %arg9: memref<2000xi32, #tpu.memory_space<vmem>>, %arg10: memref<40xi32, #tpu.memory_space<vmem>>, %arg11: memref<40xi32, #tpu.memory_space<vmem>>, %arg12: memref<40x128xf32, #tpu.memory_space<vmem>>, %arg13: memref<40x128xf32, #tpu.memory_space<vmem>>, %arg14: memref<40x128xf32, #tpu.memory_space<vmem>>, %arg15: memref<40x128xf32, #tpu.memory_space<vmem>>, %arg16: memref<40x128xf32, #tpu.memory_space<vmem>>, %arg17: memref<10000x128xf32, #tpu.memory_space<vmem_shared>>, %arg18: memref<!tpu.dma_semaphore, #tpu.memory_space<semaphore_mem>>, %arg19: memref<!tpu.dma_semaphore, #tpu.memory_space<semaphore_mem>>, %arg20: memref<!tpu.dma_semaphore, #tpu.memory_space<semaphore_mem>>, %arg21: memref<!tpu.dma_semaphore, #tpu.memory_space<semaphore_mem>>, %arg22: memref<!tpu.dma_semaphore, #tpu.memory_space<semaphore_mem>>) attributes {dimension_semantics = [#tpu.dimension_semantics<core_parallel>, #tpu.dimension_semantics<subcore_parallel>], iteration_bounds = array<i64: 2, 16>, scalar_prefetch = 0 : i64, scratch_operands = 14 : i64, tpu.core_type = #tpu.core_type<sc_vector_subcore>, window_params = [{transform_indices = #map}, {transform_indices = #map}, {transform_indices = #map1}, {transform_indices = #map1}, {transform_indices = #map}, {transform_indices = #map}, {transform_indices = #map}]} {
    %mul3A = arith.constant 2 : i32
    %mul3A_0 = arith.muli %arg1, %mul3A : i32
    %add3A = arith.addi %mul3A_0, %arg0 : i32
    %mul3A_1 = arith.constant 624 : i32
    %mul3A_2 = arith.muli %arg1, %mul3A_1 : i32
    %mul3A_3 = arith.constant 2000 : i32
    %mul3A_4 = arith.muli %add3A, %mul3A_3 : i32
    %add3A_5 = arith.constant 128000 : i32
    %add3A_6 = arith.addi %add3A_5, %mul3A_4 : i32
    %mul3A_7 = arith.constant 2000 : i32
    %mul3A_8 = arith.muli %add3A, %mul3A_7 : i32
    %lt3A = arith.constant 15 : i32
    %lt3A_9 = arith.cmpi slt, %arg1, %lt3A : i32
    %convert_element_type3A = arith.extui %lt3A_9 : i1 to i32
    %cond3A = arith.constant 0 : i32
    %cond3A_10 = arith.cmpi ne, %convert_element_type3A, %cond3A : i32
    scf.if %cond3A_10 {
      "tpu.region"() ({
        %run_scoped3A = tpu.sem_alloc : memref<!tpu.dma_semaphore, #tpu.memory_space<semaphore_mem>>
        %dma_start3A_67 = arith.constant 0 : i32
        %dma_start3A_68 = tpu.memref_slice %arg17[%mul3A_2, %dma_start3A_67] : memref<10000x128xf32, #tpu.memory_space<vmem_shared>> -> memref<624x128xf32, #tpu.memory_space<vmem_shared>>
        %dma_start3A_69 = arith.constant 0 : i32
        %dma_start3A_70 = tpu.memref_slice %arg6[%mul3A_2, %dma_start3A_69] : memref<10000x128xf32, #tpu.memory_space<hbm>> -> memref<624x128xf32, #tpu.memory_space<hbm>>
        tpu.enqueue_dma source(%dma_start3A_70 : memref<624x128xf32, #tpu.memory_space<hbm>>) target(%dma_start3A_68 : memref<624x128xf32, #tpu.memory_space<vmem_shared>>) target_semaphore(%run_scoped3A : memref<!tpu.dma_semaphore, #tpu.memory_space<semaphore_mem>>)
        %dma_wait3A_71 = arith.constant 0 : i32
        %dma_wait3A_72 = tpu.memref_slice %arg17[%mul3A_2, %dma_wait3A_71] : memref<10000x128xf32, #tpu.memory_space<vmem_shared>> -> memref<624x128xf32, #tpu.memory_space<vmem_shared>>
        %dma_wait3A_73 = arith.constant 0 : i32
        %dma_wait3A_74 = tpu.memref_slice %arg6[%mul3A_2, %dma_wait3A_73] : memref<10000x128xf32, #tpu.memory_space<hbm>> -> memref<624x128xf32, #tpu.memory_space<hbm>>
        tpu.wait_dma2 semaphore(%run_scoped3A : memref<!tpu.dma_semaphore, #tpu.memory_space<semaphore_mem>>) src(%dma_wait3A_74 : memref<624x128xf32, #tpu.memory_space<hbm>>) dst(%dma_wait3A_72 : memref<624x128xf32, #tpu.memory_space<vmem_shared>>)
        tpu.yield
      }) : () -> ()
    } else {
    }
    %eq3A = arith.constant 15 : i32
    %eq3A_11 = arith.cmpi eq, %arg1, %eq3A : i32
    %convert_element_type3A_12 = arith.extui %eq3A_11 : i1 to i32
    %cond3A_13 = arith.constant 0 : i32
    %cond3A_14 = arith.cmpi ne, %convert_element_type3A_12, %cond3A_13 : i32
    scf.if %cond3A_14 {
      "tpu.region"() ({
        %run_scoped3A = tpu.sem_alloc : memref<!tpu.dma_semaphore, #tpu.memory_space<semaphore_mem>>
        %dma_start3A_67 = arith.constant 9360 : i32
        %dma_start3A_68 = arith.constant 0 : i32
        %dma_start3A_69 = tpu.memref_slice %arg17[%dma_start3A_67, %dma_start3A_68] : memref<10000x128xf32, #tpu.memory_space<vmem_shared>> -> memref<640x128xf32, #tpu.memory_space<vmem_shared>>
        %dma_start3A_70 = arith.constant 9360 : i32
        %dma_start3A_71 = arith.constant 0 : i32
        %dma_start3A_72 = tpu.memref_slice %arg6[%dma_start3A_70, %dma_start3A_71] : memref<10000x128xf32, #tpu.memory_space<hbm>> -> memref<640x128xf32, #tpu.memory_space<hbm>>
        tpu.enqueue_dma source(%dma_start3A_72 : memref<640x128xf32, #tpu.memory_space<hbm>>) target(%dma_start3A_69 : memref<640x128xf32, #tpu.memory_space<vmem_shared>>) target_semaphore(%run_scoped3A : memref<!tpu.dma_semaphore, #tpu.memory_space<semaphore_mem>>)
        %dma_wait3A_73 = arith.constant 9360 : i32
        %dma_wait3A_74 = arith.constant 0 : i32
        %dma_wait3A_75 = tpu.memref_slice %arg17[%dma_wait3A_73, %dma_wait3A_74] : memref<10000x128xf32, #tpu.memory_space<vmem_shared>> -> memref<640x128xf32, #tpu.memory_space<vmem_shared>>
        %dma_wait3A_76 = arith.constant 9360 : i32
        %dma_wait3A_77 = arith.constant 0 : i32
        %dma_wait3A_78 = tpu.memref_slice %arg6[%dma_wait3A_76, %dma_wait3A_77] : memref<10000x128xf32, #tpu.memory_space<hbm>> -> memref<640x128xf32, #tpu.memory_space<hbm>>
        tpu.wait_dma2 semaphore(%run_scoped3A : memref<!tpu.dma_semaphore, #tpu.memory_space<semaphore_mem>>) src(%dma_wait3A_78 : memref<640x128xf32, #tpu.memory_space<hbm>>) dst(%dma_wait3A_75 : memref<640x128xf32, #tpu.memory_space<vmem_shared>>)
        tpu.yield
      }) : () -> ()
    } else {
    }
    "tpu.region"() ({
      %run_scoped3A = tpu.sem_alloc : memref<!tpu.dma_semaphore, #tpu.memory_space<semaphore_mem>>
      %dma_start3A_67 = tpu.memref_slice %arg4[%add3A_6] : memref<320000xi32, #tpu.memory_space<hbm>> -> memref<2000xi32, #tpu.memory_space<hbm>>
      %dma_start3A_68 = tpu.memref_slice %arg4[%add3A_6] : memref<320000xi32, #tpu.memory_space<hbm>> -> memref<2000xi32, #tpu.memory_space<hbm>>
      tpu.enqueue_dma source(%dma_start3A_68 : memref<2000xi32, #tpu.memory_space<hbm>>) target(%arg9 : memref<2000xi32, #tpu.memory_space<vmem>>) target_semaphore(%run_scoped3A : memref<!tpu.dma_semaphore, #tpu.memory_space<semaphore_mem>>)
      %dma_wait3A_69 = tpu.memref_slice %arg4[%add3A_6] : memref<320000xi32, #tpu.memory_space<hbm>> -> memref<2000xi32, #tpu.memory_space<hbm>>
      %dma_wait3A_70 = tpu.memref_slice %arg4[%add3A_6] : memref<320000xi32, #tpu.memory_space<hbm>> -> memref<2000xi32, #tpu.memory_space<hbm>>
      tpu.wait_dma2 semaphore(%run_scoped3A : memref<!tpu.dma_semaphore, #tpu.memory_space<semaphore_mem>>) src(%dma_wait3A_70 : memref<2000xi32, #tpu.memory_space<hbm>>) dst(%arg9 : memref<2000xi32, #tpu.memory_space<vmem>>)
      tpu.yield
    }) : () -> ()
    %barrier3A = arith.constant 0 : index
    tpu.barrier barrier_id(%barrier3A)
    %dma_start3A = arith.constant 0 : i32
    %dma_start3A_15 = tpu.memref_slice %arg9[%dma_start3A] : memref<2000xi32, #tpu.memory_space<vmem>> -> memref<40xi32, #tpu.memory_space<vmem>>
    %dma_start3A_16 = arith.constant 0 : i32
    %dma_start3A_17 = arith.constant 0 : i32
    %dma_start3A_18 = tpu.memref_slice %arg2[%dma_start3A_16, %dma_start3A_17] : memref<10000x128xf32, #tpu.memory_space<hbm>> -> memref<10000x128xf32, #tpu.memory_space<hbm>>
    tpu.enqueue_indirect_dma source(%dma_start3A_18 : memref<10000x128xf32, #tpu.memory_space<hbm>>) target(%arg14 : memref<40x128xf32, #tpu.memory_space<vmem>>) offsets(%dma_start3A_15 : memref<40xi32, #tpu.memory_space<vmem>>) semaphore(%arg18 : memref<!tpu.dma_semaphore, #tpu.memory_space<semaphore_mem>>)
    %dma_start3A_19 = arith.constant 0 : i32
    %dma_start3A_20 = tpu.memref_slice %arg3[%mul3A_8, %dma_start3A_19] : memref<64000x128xf32, #tpu.memory_space<hbm>> -> memref<40x128xf32, #tpu.memory_space<hbm>>
    %dma_start3A_21 = arith.constant 0 : i32
    %dma_start3A_22 = tpu.memref_slice %arg3[%mul3A_8, %dma_start3A_21] : memref<64000x128xf32, #tpu.memory_space<hbm>> -> memref<40x128xf32, #tpu.memory_space<hbm>>
    tpu.enqueue_dma source(%dma_start3A_22 : memref<40x128xf32, #tpu.memory_space<hbm>>) target(%arg12 : memref<40x128xf32, #tpu.memory_space<vmem>>) target_semaphore(%arg20 : memref<!tpu.dma_semaphore, #tpu.memory_space<semaphore_mem>>)
    %dma_start3A_23 = tpu.memref_slice %arg5[%add3A_6] : memref<320000xi32, #tpu.memory_space<hbm>> -> memref<40xi32, #tpu.memory_space<hbm>>
    %dma_start3A_24 = tpu.memref_slice %arg5[%add3A_6] : memref<320000xi32, #tpu.memory_space<hbm>> -> memref<40xi32, #tpu.memory_space<hbm>>
    tpu.enqueue_dma source(%dma_start3A_24 : memref<40xi32, #tpu.memory_space<hbm>>) target(%arg10 : memref<40xi32, #tpu.memory_space<vmem>>) target_semaphore(%arg20 : memref<!tpu.dma_semaphore, #tpu.memory_space<semaphore_mem>>)
    %scan3A = arith.constant 0 : i32
    %scan3A_25 = arith.constant 0 : i32
    %scan3A_26 = arith.constant 25 : i32
    %scan3A_27 = arith.addi %scan3A_25, %scan3A_26 : i32
    %scan3A_28 = arith.constant 1 : i32
    scf.for %scan3A_67 = %scan3A_25 to %scan3A_27 step %scan3A_28  : i32 {
      %mul3A_68 = arith.constant 2 : i32
      %mul3A_69 = arith.muli %scan3A_67, %mul3A_68 : i32
      %eq3A_70 = arith.constant 0 : i32
      %eq3A_71 = arith.cmpi eq, %scan3A_67, %eq3A_70 : i32
      %add3A_72 = arith.constant 1 : i32
      %add3A_73 = arith.addi %mul3A_69, %add3A_72 : i32
      %lt3A_74 = arith.constant 50 : i32
      %lt3A_75 = arith.cmpi slt, %add3A_73, %lt3A_74 : i32
      %convert_element_type3A_76 = arith.extui %lt3A_75 : i1 to i32
      %cond3A_77 = arith.constant 0 : i32
      %cond3A_78 = arith.cmpi ne, %convert_element_type3A_76, %cond3A_77 : i32
      scf.if %cond3A_78 {
        %add3A_148 = arith.constant 1 : i32
        %add3A_149 = arith.addi %mul3A_69, %add3A_148 : i32
        %mul3A_150 = arith.constant 40 : i32
        %mul3A_151 = arith.muli %add3A_149, %mul3A_150 : i32
        %dma_start3A_152 = tpu.memref_slice %arg9[%mul3A_151] : memref<2000xi32, #tpu.memory_space<vmem>> -> memref<40xi32, #tpu.memory_space<vmem>>
        %dma_start3A_153 = arith.constant 0 : i32
        %dma_start3A_154 = arith.constant 0 : i32
        %dma_start3A_155 = tpu.memref_slice %arg2[%dma_start3A_153, %dma_start3A_154] : memref<10000x128xf32, #tpu.memory_space<hbm>> -> memref<10000x128xf32, #tpu.memory_space<hbm>>
        tpu.enqueue_indirect_dma source(%dma_start3A_155 : memref<10000x128xf32, #tpu.memory_space<hbm>>) target(%arg15 : memref<40x128xf32, #tpu.memory_space<vmem>>) offsets(%dma_start3A_152 : memref<40xi32, #tpu.memory_space<vmem>>) semaphore(%arg19 : memref<!tpu.dma_semaphore, #tpu.memory_space<semaphore_mem>>)
        %add3A_156 = arith.constant 1 : i32
        %add3A_157 = arith.addi %mul3A_69, %add3A_156 : i32
        %mul3A_158 = arith.constant 40 : i32
        %mul3A_159 = arith.muli %add3A_157, %mul3A_158 : i32
        %add3A_160 = arith.addi %mul3A_8, %mul3A_159 : i32
        %dma_start3A_161 = arith.constant 0 : i32
        %dma_start3A_162 = tpu.memref_slice %arg3[%add3A_160, %dma_start3A_161] : memref<64000x128xf32, #tpu.memory_space<hbm>> -> memref<40x128xf32, #tpu.memory_space<hbm>>
        %dma_start3A_163 = arith.constant 0 : i32
        %dma_start3A_164 = tpu.memref_slice %arg3[%add3A_160, %dma_start3A_163] : memref<64000x128xf32, #tpu.memory_space<hbm>> -> memref<40x128xf32, #tpu.memory_space<hbm>>
        tpu.enqueue_dma source(%dma_start3A_164 : memref<40x128xf32, #tpu.memory_space<hbm>>) target(%arg13 : memref<40x128xf32, #tpu.memory_space<vmem>>) target_semaphore(%arg21 : memref<!tpu.dma_semaphore, #tpu.memory_space<semaphore_mem>>)
        %add3A_165 = arith.constant 1 : i32
        %add3A_166 = arith.addi %mul3A_69, %add3A_165 : i32
        %mul3A_167 = arith.constant 40 : i32
        %mul3A_168 = arith.muli %add3A_166, %mul3A_167 : i32
        %add3A_169 = arith.addi %add3A_6, %mul3A_168 : i32
        %dma_start3A_170 = tpu.memref_slice %arg5[%add3A_169] : memref<320000xi32, #tpu.memory_space<hbm>> -> memref<40xi32, #tpu.memory_space<hbm>>
        %dma_start3A_171 = tpu.memref_slice %arg5[%add3A_169] : memref<320000xi32, #tpu.memory_space<hbm>> -> memref<40xi32, #tpu.memory_space<hbm>>
        tpu.enqueue_dma source(%dma_start3A_171 : memref<40xi32, #tpu.memory_space<hbm>>) target(%arg11 : memref<40xi32, #tpu.memory_space<vmem>>) target_semaphore(%arg21 : memref<!tpu.dma_semaphore, #tpu.memory_space<semaphore_mem>>)
      } else {
      }
      %dma_wait3A_79 = arith.constant 0 : i32
      %dma_wait3A_80 = arith.constant 0 : i32
      %dma_wait3A_81 = tpu.memref_slice %arg2[%dma_wait3A_79, %dma_wait3A_80] : memref<10000x128xf32, #tpu.memory_space<hbm>> -> memref<40x128xf32, #tpu.memory_space<hbm>>
      %dma_wait3A_82 = arith.constant 0 : i32
      %dma_wait3A_83 = arith.constant 0 : i32
      %dma_wait3A_84 = tpu.memref_slice %arg2[%dma_wait3A_82, %dma_wait3A_83] : memref<10000x128xf32, #tpu.memory_space<hbm>> -> memref<40x128xf32, #tpu.memory_space<hbm>>
      tpu.wait_dma2 semaphore(%arg18 : memref<!tpu.dma_semaphore, #tpu.memory_space<semaphore_mem>>) src(%dma_wait3A_84 : memref<40x128xf32, #tpu.memory_space<hbm>>) dst(%arg14 : memref<40x128xf32, #tpu.memory_space<vmem>>)
      %dma_wait3A_85 = arith.constant 0 : i32
      %dma_wait3A_86 = arith.constant 0 : i32
      %dma_wait3A_87 = tpu.memref_slice %arg2[%dma_wait3A_85, %dma_wait3A_86] : memref<10000x128xf32, #tpu.memory_space<hbm>> -> memref<40x128xf32, #tpu.memory_space<hbm>>
      %dma_wait3A_88 = arith.constant 0 : i32
      %dma_wait3A_89 = arith.constant 0 : i32
      %dma_wait3A_90 = tpu.memref_slice %arg2[%dma_wait3A_88, %dma_wait3A_89] : memref<10000x128xf32, #tpu.memory_space<hbm>> -> memref<40x128xf32, #tpu.memory_space<hbm>>
      tpu.wait_dma2 semaphore(%arg20 : memref<!tpu.dma_semaphore, #tpu.memory_space<semaphore_mem>>) src(%dma_wait3A_90 : memref<40x128xf32, #tpu.memory_space<hbm>>) dst(%arg12 : memref<40x128xf32, #tpu.memory_space<vmem>>)
      %dma_wait3A_91 = arith.constant 0 : i32
      %dma_wait3A_92 = tpu.memref_slice %arg5[%dma_wait3A_91] : memref<320000xi32, #tpu.memory_space<hbm>> -> memref<40xi32, #tpu.memory_space<hbm>>
      %dma_wait3A_93 = arith.constant 0 : i32
      %dma_wait3A_94 = tpu.memref_slice %arg5[%dma_wait3A_93] : memref<320000xi32, #tpu.memory_space<hbm>> -> memref<40xi32, #tpu.memory_space<hbm>>
      tpu.wait_dma2 semaphore(%arg20 : memref<!tpu.dma_semaphore, #tpu.memory_space<semaphore_mem>>) src(%dma_wait3A_94 : memref<40xi32, #tpu.memory_space<hbm>>) dst(%arg10 : memref<40xi32, #tpu.memory_space<vmem>>)
      %not3A = arith.constant true
      %not3A_95 = arith.xori %eq3A_71, %not3A : i1
      %convert_element_type3A_96 = arith.extui %not3A_95 : i1 to i32
      %cond3A_97 = arith.constant 0 : i32
      %cond3A_98 = arith.cmpi ne, %convert_element_type3A_96, %cond3A_97 : i32
      scf.if %cond3A_98 {
        %dma_wait3A_148 = arith.constant 0 : i32
        %dma_wait3A_149 = arith.constant 0 : i32
        %dma_wait3A_150 = tpu.memref_slice %arg2[%dma_wait3A_148, %dma_wait3A_149] : memref<10000x128xf32, #tpu.memory_space<hbm>> -> memref<40x128xf32, #tpu.memory_space<hbm>>
        %dma_wait3A_151 = arith.constant 0 : i32
        %dma_wait3A_152 = arith.constant 0 : i32
        %dma_wait3A_153 = tpu.memref_slice %arg2[%dma_wait3A_151, %dma_wait3A_152] : memref<10000x128xf32, #tpu.memory_space<hbm>> -> memref<40x128xf32, #tpu.memory_space<hbm>>
        tpu.wait_dma2 semaphore(%arg22 : memref<!tpu.dma_semaphore, #tpu.memory_space<semaphore_mem>>) src(%dma_wait3A_153 : memref<40x128xf32, #tpu.memory_space<hbm>>) dst(%arg16 : memref<40x128xf32, #tpu.memory_space<vmem>>)
      } else {
      }
      %scan3A_99 = arith.constant 0 : i32
      %scan3A_100 = arith.constant 0 : i32
      %scan3A_101 = arith.constant 40 : i32
      %scan3A_102 = arith.addi %scan3A_100, %scan3A_101 : i32
      %scan3A_103 = arith.constant 1 : i32
      scf.for %scan3A_148 = %scan3A_100 to %scan3A_102 step %scan3A_103  : i32 {
        %get3A = arith.index_cast %scan3A_148 : i32 to index
        %get3A_149 = arith.constant 0 : index
        %get3A_150 = tpu.vector_load %arg14[%get3A, %get3A_149] {strides = array<i32>} : memref<40x128xf32, #tpu.memory_space<vmem>>, vector<1x16xf32>,
        %get3A_151 = vector.shape_cast %get3A_150 : vector<1x16xf32> to vector<16xf32>
        %get3A_152 = arith.index_cast %scan3A_148 : i32 to index
        %get3A_153 = arith.constant 0 : index
        %get3A_154 = tpu.vector_load %arg12[%get3A_152, %get3A_153] {strides = array<i32>} : memref<40x128xf32, #tpu.memory_space<vmem>>, vector<1x16xf32>,
        %get3A_155 = vector.shape_cast %get3A_154 : vector<1x16xf32> to vector<16xf32>
        %mul3A_156 = arith.mulf %get3A_151, %get3A_155 : vector<16xf32>
        %swap3A = arith.index_cast %scan3A_148 : i32 to index
        %swap3A_157 = arith.constant 0 : index
        %swap3A_158 = tpu.vector_load %arg16[%swap3A, %swap3A_157] {strides = array<i32>} : memref<40x128xf32, #tpu.memory_space<vmem>>, vector<1x16xf32>,
        %swap3A_159 = vector.shape_cast %swap3A_158 : vector<1x16xf32> to vector<16xf32>
        %swap3A_160 = vector.shape_cast %mul3A_156 : vector<16xf32> to vector<1x16xf32>
        tpu.vector_store %arg16[%swap3A, %swap3A_157], %swap3A_160 {strides = array<i32>} : memref<40x128xf32, #tpu.memory_space<vmem>>, vector<1x16xf32>,
        %get3A_161 = arith.index_cast %scan3A_148 : i32 to index
        %get3A_162 = arith.constant 16 : index
        %get3A_163 = tpu.vector_load %arg14[%get3A_161, %get3A_162] {strides = array<i32>} : memref<40x128xf32, #tpu.memory_space<vmem>>, vector<1x16xf32>,
        %get3A_164 = vector.shape_cast %get3A_163 : vector<1x16xf32> to vector<16xf32>
        %get3A_165 = arith.index_cast %scan3A_148 : i32 to index
        %get3A_166 = arith.constant 16 : index
        %get3A_167 = tpu.vector_load %arg12[%get3A_165, %get3A_166] {strides = array<i32>} : memref<40x128xf32, #tpu.memory_space<vmem>>, vector<1x16xf32>,
        %get3A_168 = vector.shape_cast %get3A_167 : vector<1x16xf32> to vector<16xf32>
        %mul3A_169 = arith.mulf %get3A_164, %get3A_168 : vector<16xf32>
        %swap3A_170 = arith.index_cast %scan3A_148 : i32 to index
        %swap3A_171 = arith.constant 16 : index
        %swap3A_172 = tpu.vector_load %arg16[%swap3A_170, %swap3A_171] {strides = array<i32>} : memref<40x128xf32, #tpu.memory_space<vmem>>, vector<1x16xf32>,
        %swap3A_173 = vector.shape_cast %swap3A_172 : vector<1x16xf32> to vector<16xf32>
        %swap3A_174 = vector.shape_cast %mul3A_169 : vector<16xf32> to vector<1x16xf32>
        tpu.vector_store %arg16[%swap3A_170, %swap3A_171], %swap3A_174 {strides = array<i32>} : memref<40x128xf32, #tpu.memory_space<vmem>>, vector<1x16xf32>,
        %get3A_175 = arith.index_cast %scan3A_148 : i32 to index
        %get3A_176 = arith.constant 32 : index
        %get3A_177 = tpu.vector_load %arg14[%get3A_175, %get3A_176] {strides = array<i32>} : memref<40x128xf32, #tpu.memory_space<vmem>>, vector<1x16xf32>,
        %get3A_178 = vector.shape_cast %get3A_177 : vector<1x16xf32> to vector<16xf32>
        %get3A_179 = arith.index_cast %scan3A_148 : i32 to index
        %get3A_180 = arith.constant 32 : index
        %get3A_181 = tpu.vector_load %arg12[%get3A_179, %get3A_180] {strides = array<i32>} : memref<40x128xf32, #tpu.memory_space<vmem>>, vector<1x16xf32>,
        %get3A_182 = vector.shape_cast %get3A_181 : vector<1x16xf32> to vector<16xf32>
        %mul3A_183 = arith.mulf %get3A_178, %get3A_182 : vector<16xf32>
        %swap3A_184 = arith.index_cast %scan3A_148 : i32 to index
        %swap3A_185 = arith.constant 32 : index
        %swap3A_186 = tpu.vector_load %arg16[%swap3A_184, %swap3A_185] {strides = array<i32>} : memref<40x128xf32, #tpu.memory_space<vmem>>, vector<1x16xf32>,
        %swap3A_187 = vector.shape_cast %swap3A_186 : vector<1x16xf32> to vector<16xf32>
        %swap3A_188 = vector.shape_cast %mul3A_183 : vector<16xf32> to vector<1x16xf32>
        tpu.vector_store %arg16[%swap3A_184, %swap3A_185], %swap3A_188 {strides = array<i32>} : memref<40x128xf32, #tpu.memory_space<vmem>>, vector<1x16xf32>,
        %get3A_189 = arith.index_cast %scan3A_148 : i32 to index
        %get3A_190 = arith.constant 48 : index
        %get3A_191 = tpu.vector_load %arg14[%get3A_189, %get3A_190] {strides = array<i32>} : memref<40x128xf32, #tpu.memory_space<vmem>>, vector<1x16xf32>,
        %get3A_192 = vector.shape_cast %get3A_191 : vector<1x16xf32> to vector<16xf32>
        %get3A_193 = arith.index_cast %scan3A_148 : i32 to index
        %get3A_194 = arith.constant 48 : index
        %get3A_195 = tpu.vector_load %arg12[%get3A_193, %get3A_194] {strides = array<i32>} : memref<40x128xf32, #tpu.memory_space<vmem>>, vector<1x16xf32>,
        %get3A_196 = vector.shape_cast %get3A_195 : vector<1x16xf32> to vector<16xf32>
        %mul3A_197 = arith.mulf %get3A_192, %get3A_196 : vector<16xf32>
        %swap3A_198 = arith.index_cast %scan3A_148 : i32 to index
        %swap3A_199 = arith.constant 48 : index
        %swap3A_200 = tpu.vector_load %arg16[%swap3A_198, %swap3A_199] {strides = array<i32>} : memref<40x128xf32, #tpu.memory_space<vmem>>, vector<1x16xf32>,
        %swap3A_201 = vector.shape_cast %swap3A_200 : vector<1x16xf32> to vector<16xf32>
        %swap3A_202 = vector.shape_cast %mul3A_197 : vector<16xf32> to vector<1x16xf32>
        tpu.vector_store %arg16[%swap3A_198, %swap3A_199], %swap3A_202 {strides = array<i32>} : memref<40x128xf32, #tpu.memory_space<vmem>>, vector<1x16xf32>,
        %get3A_203 = arith.index_cast %scan3A_148 : i32 to index
        %get3A_204 = arith.constant 64 : index
        %get3A_205 = tpu.vector_load %arg14[%get3A_203, %get3A_204] {strides = array<i32>} : memref<40x128xf32, #tpu.memory_space<vmem>>, vector<1x16xf32>,
        %get3A_206 = vector.shape_cast %get3A_205 : vector<1x16xf32> to vector<16xf32>
        %get3A_207 = arith.index_cast %scan3A_148 : i32 to index
        %get3A_208 = arith.constant 64 : index
        %get3A_209 = tpu.vector_load %arg12[%get3A_207, %get3A_208] {strides = array<i32>} : memref<40x128xf32, #tpu.memory_space<vmem>>, vector<1x16xf32>,
        %get3A_210 = vector.shape_cast %get3A_209 : vector<1x16xf32> to vector<16xf32>
        %mul3A_211 = arith.mulf %get3A_206, %get3A_210 : vector<16xf32>
        %swap3A_212 = arith.index_cast %scan3A_148 : i32 to index
        %swap3A_213 = arith.constant 64 : index
        %swap3A_214 = tpu.vector_load %arg16[%swap3A_212, %swap3A_213] {strides = array<i32>} : memref<40x128xf32, #tpu.memory_space<vmem>>, vector<1x16xf32>,
        %swap3A_215 = vector.shape_cast %swap3A_214 : vector<1x16xf32> to vector<16xf32>
        %swap3A_216 = vector.shape_cast %mul3A_211 : vector<16xf32> to vector<1x16xf32>
        tpu.vector_store %arg16[%swap3A_212, %swap3A_213], %swap3A_216 {strides = array<i32>} : memref<40x128xf32, #tpu.memory_space<vmem>>, vector<1x16xf32>,
        %get3A_217 = arith.index_cast %scan3A_148 : i32 to index
        %get3A_218 = arith.constant 80 : index
        %get3A_219 = tpu.vector_load %arg14[%get3A_217, %get3A_218] {strides = array<i32>} : memref<40x128xf32, #tpu.memory_space<vmem>>, vector<1x16xf32>,
        %get3A_220 = vector.shape_cast %get3A_219 : vector<1x16xf32> to vector<16xf32>
        %get3A_221 = arith.index_cast %scan3A_148 : i32 to index
        %get3A_222 = arith.constant 80 : index
        %get3A_223 = tpu.vector_load %arg12[%get3A_221, %get3A_222] {strides = array<i32>} : memref<40x128xf32, #tpu.memory_space<vmem>>, vector<1x16xf32>,
        %get3A_224 = vector.shape_cast %get3A_223 : vector<1x16xf32> to vector<16xf32>
        %mul3A_225 = arith.mulf %get3A_220, %get3A_224 : vector<16xf32>
        %swap3A_226 = arith.index_cast %scan3A_148 : i32 to index
        %swap3A_227 = arith.constant 80 : index
        %swap3A_228 = tpu.vector_load %arg16[%swap3A_226, %swap3A_227] {strides = array<i32>} : memref<40x128xf32, #tpu.memory_space<vmem>>, vector<1x16xf32>,
        %swap3A_229 = vector.shape_cast %swap3A_228 : vector<1x16xf32> to vector<16xf32>
        %swap3A_230 = vector.shape_cast %mul3A_225 : vector<16xf32> to vector<1x16xf32>
        tpu.vector_store %arg16[%swap3A_226, %swap3A_227], %swap3A_230 {strides = array<i32>} : memref<40x128xf32, #tpu.memory_space<vmem>>, vector<1x16xf32>,
        %get3A_231 = arith.index_cast %scan3A_148 : i32 to index
        %get3A_232 = arith.constant 96 : index
        %get3A_233 = tpu.vector_load %arg14[%get3A_231, %get3A_232] {strides = array<i32>} : memref<40x128xf32, #tpu.memory_space<vmem>>, vector<1x16xf32>,
        %get3A_234 = vector.shape_cast %get3A_233 : vector<1x16xf32> to vector<16xf32>
        %get3A_235 = arith.index_cast %scan3A_148 : i32 to index
        %get3A_236 = arith.constant 96 : index
        %get3A_237 = tpu.vector_load %arg12[%get3A_235, %get3A_236] {strides = array<i32>} : memref<40x128xf32, #tpu.memory_space<vmem>>, vector<1x16xf32>,
        %get3A_238 = vector.shape_cast %get3A_237 : vector<1x16xf32> to vector<16xf32>
        %mul3A_239 = arith.mulf %get3A_234, %get3A_238 : vector<16xf32>
        %swap3A_240 = arith.index_cast %scan3A_148 : i32 to index
        %swap3A_241 = arith.constant 96 : index
        %swap3A_242 = tpu.vector_load %arg16[%swap3A_240, %swap3A_241] {strides = array<i32>} : memref<40x128xf32, #tpu.memory_space<vmem>>, vector<1x16xf32>,
        %swap3A_243 = vector.shape_cast %swap3A_242 : vector<1x16xf32> to vector<16xf32>
        %swap3A_244 = vector.shape_cast %mul3A_239 : vector<16xf32> to vector<1x16xf32>
        tpu.vector_store %arg16[%swap3A_240, %swap3A_241], %swap3A_244 {strides = array<i32>} : memref<40x128xf32, #tpu.memory_space<vmem>>, vector<1x16xf32>,
        %get3A_245 = arith.index_cast %scan3A_148 : i32 to index
        %get3A_246 = arith.constant 112 : index
        %get3A_247 = tpu.vector_load %arg14[%get3A_245, %get3A_246] {strides = array<i32>} : memref<40x128xf32, #tpu.memory_space<vmem>>, vector<1x16xf32>,
        %get3A_248 = vector.shape_cast %get3A_247 : vector<1x16xf32> to vector<16xf32>
        %get3A_249 = arith.index_cast %scan3A_148 : i32 to index
        %get3A_250 = arith.constant 112 : index
        %get3A_251 = tpu.vector_load %arg12[%get3A_249, %get3A_250] {strides = array<i32>} : memref<40x128xf32, #tpu.memory_space<vmem>>, vector<1x16xf32>,
        %get3A_252 = vector.shape_cast %get3A_251 : vector<1x16xf32> to vector<16xf32>
        %mul3A_253 = arith.mulf %get3A_248, %get3A_252 : vector<16xf32>
        %swap3A_254 = arith.index_cast %scan3A_148 : i32 to index
        %swap3A_255 = arith.constant 112 : index
        %swap3A_256 = tpu.vector_load %arg16[%swap3A_254, %swap3A_255] {strides = array<i32>} : memref<40x128xf32, #tpu.memory_space<vmem>>, vector<1x16xf32>,
        %swap3A_257 = vector.shape_cast %swap3A_256 : vector<1x16xf32> to vector<16xf32>
        %swap3A_258 = vector.shape_cast %mul3A_253 : vector<16xf32> to vector<1x16xf32>
        tpu.vector_store %arg16[%swap3A_254, %swap3A_255], %swap3A_258 {strides = array<i32>} : memref<40x128xf32, #tpu.memory_space<vmem>>, vector<1x16xf32>,
      }
      %scan3A_104 = arith.constant 40 : i32
      %dma_start3A_105 = arith.constant 0 : i32
      %dma_start3A_106 = arith.constant 0 : i32
      %dma_start3A_107 = tpu.memref_slice %arg17[%dma_start3A_105, %dma_start3A_106] : memref<10000x128xf32, #tpu.memory_space<vmem_shared>> -> memref<10000x128xf32, #tpu.memory_space<vmem_shared>>
      tpu.enqueue_indirect_dma source(%arg16 : memref<40x128xf32, #tpu.memory_space<vmem>>) target(%dma_start3A_107 : memref<10000x128xf32, #tpu.memory_space<vmem_shared>>) offsets(%arg10 : memref<40xi32, #tpu.memory_space<vmem>>) semaphore(%arg22 : memref<!tpu.dma_semaphore, #tpu.memory_space<semaphore_mem>>) {add = true}
      %add3A_108 = arith.constant 1 : i32
      %add3A_109 = arith.addi %mul3A_69, %add3A_108 : i32
      %add3A_110 = arith.constant 1 : i32
      %add3A_111 = arith.addi %add3A_109, %add3A_110 : i32
      %lt3A_112 = arith.constant 50 : i32
      %lt3A_113 = arith.cmpi slt, %add3A_111, %lt3A_112 : i32
      %convert_element_type3A_114 = arith.extui %lt3A_113 : i1 to i32
      %cond3A_115 = arith.constant 0 : i32
      %cond3A_116 = arith.cmpi ne, %convert_element_type3A_114, %cond3A_115 : i32
      scf.if %cond3A_116 {
        %add3A_148 = arith.constant 1 : i32
        %add3A_149 = arith.addi %add3A_109, %add3A_148 : i32
        %mul3A_150 = arith.constant 40 : i32
        %mul3A_151 = arith.muli %add3A_149, %mul3A_150 : i32
        %dma_start3A_152 = tpu.memref_slice %arg9[%mul3A_151] : memref<2000xi32, #tpu.memory_space<vmem>> -> memref<40xi32, #tpu.memory_space<vmem>>
        %dma_start3A_153 = arith.constant 0 : i32
        %dma_start3A_154 = arith.constant 0 : i32
        %dma_start3A_155 = tpu.memref_slice %arg2[%dma_start3A_153, %dma_start3A_154] : memref<10000x128xf32, #tpu.memory_space<hbm>> -> memref<10000x128xf32, #tpu.memory_space<hbm>>
        tpu.enqueue_indirect_dma source(%dma_start3A_155 : memref<10000x128xf32, #tpu.memory_space<hbm>>) target(%arg14 : memref<40x128xf32, #tpu.memory_space<vmem>>) offsets(%dma_start3A_152 : memref<40xi32, #tpu.memory_space<vmem>>) semaphore(%arg18 : memref<!tpu.dma_semaphore, #tpu.memory_space<semaphore_mem>>)
        %add3A_156 = arith.constant 1 : i32
        %add3A_157 = arith.addi %add3A_109, %add3A_156 : i32
        %mul3A_158 = arith.constant 40 : i32
        %mul3A_159 = arith.muli %add3A_157, %mul3A_158 : i32
        %add3A_160 = arith.addi %mul3A_8, %mul3A_159 : i32
        %dma_start3A_161 = arith.constant 0 : i32
        %dma_start3A_162 = tpu.memref_slice %arg3[%add3A_160, %dma_start3A_161] : memref<64000x128xf32, #tpu.memory_space<hbm>> -> memref<40x128xf32, #tpu.memory_space<hbm>>
        %dma_start3A_163 = arith.constant 0 : i32
        %dma_start3A_164 = tpu.memref_slice %arg3[%add3A_160, %dma_start3A_163] : memref<64000x128xf32, #tpu.memory_space<hbm>> -> memref<40x128xf32, #tpu.memory_space<hbm>>
        tpu.enqueue_dma source(%dma_start3A_164 : memref<40x128xf32, #tpu.memory_space<hbm>>) target(%arg12 : memref<40x128xf32, #tpu.memory_space<vmem>>) target_semaphore(%arg20 : memref<!tpu.dma_semaphore, #tpu.memory_space<semaphore_mem>>)
        %add3A_165 = arith.constant 1 : i32
        %add3A_166 = arith.addi %add3A_109, %add3A_165 : i32
        %mul3A_167 = arith.constant 40 : i32
        %mul3A_168 = arith.muli %add3A_166, %mul3A_167 : i32
        %add3A_169 = arith.addi %add3A_6, %mul3A_168 : i32
        %dma_start3A_170 = tpu.memref_slice %arg5[%add3A_169] : memref<320000xi32, #tpu.memory_space<hbm>> -> memref<40xi32, #tpu.memory_space<hbm>>
        %dma_start3A_171 = tpu.memref_slice %arg5[%add3A_169] : memref<320000xi32, #tpu.memory_space<hbm>> -> memref<40xi32, #tpu.memory_space<hbm>>
        tpu.enqueue_dma source(%dma_start3A_171 : memref<40xi32, #tpu.memory_space<hbm>>) target(%arg10 : memref<40xi32, #tpu.memory_space<vmem>>) target_semaphore(%arg20 : memref<!tpu.dma_semaphore, #tpu.memory_space<semaphore_mem>>)
      } else {
      }
      %dma_wait3A_117 = arith.constant 0 : i32
      %dma_wait3A_118 = arith.constant 0 : i32
      %dma_wait3A_119 = tpu.memref_slice %arg2[%dma_wait3A_117, %dma_wait3A_118] : memref<10000x128xf32, #tpu.memory_space<hbm>> -> memref<40x128xf32, #tpu.memory_space<hbm>>
      %dma_wait3A_120 = arith.constant 0 : i32
      %dma_wait3A_121 = arith.constant 0 : i32
      %dma_wait3A_122 = tpu.memref_slice %arg2[%dma_wait3A_120, %dma_wait3A_121] : memref<10000x128xf32, #tpu.memory_space<hbm>> -> memref<40x128xf32, #tpu.memory_space<hbm>>
      tpu.wait_dma2 semaphore(%arg19 : memref<!tpu.dma_semaphore, #tpu.memory_space<semaphore_mem>>) src(%dma_wait3A_122 : memref<40x128xf32, #tpu.memory_space<hbm>>) dst(%arg15 : memref<40x128xf32, #tpu.memory_space<vmem>>)
      %dma_wait3A_123 = arith.constant 0 : i32
      %dma_wait3A_124 = arith.constant 0 : i32
      %dma_wait3A_125 = tpu.memref_slice %arg2[%dma_wait3A_123, %dma_wait3A_124] : memref<10000x128xf32, #tpu.memory_space<hbm>> -> memref<40x128xf32, #tpu.memory_space<hbm>>
      %dma_wait3A_126 = arith.constant 0 : i32
      %dma_wait3A_127 = arith.constant 0 : i32
      %dma_wait3A_128 = tpu.memref_slice %arg2[%dma_wait3A_126, %dma_wait3A_127] : memref<10000x128xf32, #tpu.memory_space<hbm>> -> memref<40x128xf32, #tpu.memory_space<hbm>>
      tpu.wait_dma2 semaphore(%arg21 : memref<!tpu.dma_semaphore, #tpu.memory_space<semaphore_mem>>) src(%dma_wait3A_128 : memref<40x128xf32, #tpu.memory_space<hbm>>) dst(%arg13 : memref<40x128xf32, #tpu.memory_space<vmem>>)
      %dma_wait3A_129 = arith.constant 0 : i32
      %dma_wait3A_130 = tpu.memref_slice %arg5[%dma_wait3A_129] : memref<320000xi32, #tpu.memory_space<hbm>> -> memref<40xi32, #tpu.memory_space<hbm>>
      %dma_wait3A_131 = arith.constant 0 : i32
      %dma_wait3A_132 = tpu.memref_slice %arg5[%dma_wait3A_131] : memref<320000xi32, #tpu.memory_space<hbm>> -> memref<40xi32, #tpu.memory_space<hbm>>
      tpu.wait_dma2 semaphore(%arg21 : memref<!tpu.dma_semaphore, #tpu.memory_space<semaphore_mem>>) src(%dma_wait3A_132 : memref<40xi32, #tpu.memory_space<hbm>>) dst(%arg11 : memref<40xi32, #tpu.memory_space<vmem>>)
      %not3A_133 = arith.constant false
      %not3A_134 = arith.constant true
      %not3A_135 = arith.xori %not3A_133, %not3A_134 : i1
      %convert_element_type3A_136 = arith.extui %not3A_135 : i1 to i32
      %cond3A_137 = arith.constant 0 : i32
      %cond3A_138 = arith.cmpi ne, %convert_element_type3A_136, %cond3A_137 : i32
      scf.if %cond3A_138 {
        %dma_wait3A_148 = arith.constant 0 : i32
        %dma_wait3A_149 = arith.constant 0 : i32
        %dma_wait3A_150 = tpu.memref_slice %arg2[%dma_wait3A_148, %dma_wait3A_149] : memref<10000x128xf32, #tpu.memory_space<hbm>> -> memref<40x128xf32, #tpu.memory_space<hbm>>
        %dma_wait3A_151 = arith.constant 0 : i32
        %dma_wait3A_152 = arith.constant 0 : i32
        %dma_wait3A_153 = tpu.memref_slice %arg2[%dma_wait3A_151, %dma_wait3A_152] : memref<10000x128xf32, #tpu.memory_space<hbm>> -> memref<40x128xf32, #tpu.memory_space<hbm>>
        tpu.wait_dma2 semaphore(%arg22 : memref<!tpu.dma_semaphore, #tpu.memory_space<semaphore_mem>>) src(%dma_wait3A_153 : memref<40x128xf32, #tpu.memory_space<hbm>>) dst(%arg16 : memref<40x128xf32, #tpu.memory_space<vmem>>)
      } else {
      }
      %scan3A_139 = arith.constant 0 : i32
      %scan3A_140 = arith.constant 0 : i32
      %scan3A_141 = arith.constant 40 : i32
      %scan3A_142 = arith.addi %scan3A_140, %scan3A_141 : i32
      %scan3A_143 = arith.constant 1 : i32
      scf.for %scan3A_148 = %scan3A_140 to %scan3A_142 step %scan3A_143  : i32 {
        %get3A = arith.index_cast %scan3A_148 : i32 to index
        %get3A_149 = arith.constant 0 : index
        %get3A_150 = tpu.vector_load %arg15[%get3A, %get3A_149] {strides = array<i32>} : memref<40x128xf32, #tpu.memory_space<vmem>>, vector<1x16xf32>,
        %get3A_151 = vector.shape_cast %get3A_150 : vector<1x16xf32> to vector<16xf32>
        %get3A_152 = arith.index_cast %scan3A_148 : i32 to index
        %get3A_153 = arith.constant 0 : index
        %get3A_154 = tpu.vector_load %arg13[%get3A_152, %get3A_153] {strides = array<i32>} : memref<40x128xf32, #tpu.memory_space<vmem>>, vector<1x16xf32>,
        %get3A_155 = vector.shape_cast %get3A_154 : vector<1x16xf32> to vector<16xf32>
        %mul3A_156 = arith.mulf %get3A_151, %get3A_155 : vector<16xf32>
        %swap3A = arith.index_cast %scan3A_148 : i32 to index
        %swap3A_157 = arith.constant 0 : index
        %swap3A_158 = tpu.vector_load %arg16[%swap3A, %swap3A_157] {strides = array<i32>} : memref<40x128xf32, #tpu.memory_space<vmem>>, vector<1x16xf32>,
        %swap3A_159 = vector.shape_cast %swap3A_158 : vector<1x16xf32> to vector<16xf32>
        %swap3A_160 = vector.shape_cast %mul3A_156 : vector<16xf32> to vector<1x16xf32>
        tpu.vector_store %arg16[%swap3A, %swap3A_157], %swap3A_160 {strides = array<i32>} : memref<40x128xf32, #tpu.memory_space<vmem>>, vector<1x16xf32>,
        %get3A_161 = arith.index_cast %scan3A_148 : i32 to index
        %get3A_162 = arith.constant 16 : index
        %get3A_163 = tpu.vector_load %arg15[%get3A_161, %get3A_162] {strides = array<i32>} : memref<40x128xf32, #tpu.memory_space<vmem>>, vector<1x16xf32>,
        %get3A_164 = vector.shape_cast %get3A_163 : vector<1x16xf32> to vector<16xf32>
        %get3A_165 = arith.index_cast %scan3A_148 : i32 to index
        %get3A_166 = arith.constant 16 : index
        %get3A_167 = tpu.vector_load %arg13[%get3A_165, %get3A_166] {strides = array<i32>} : memref<40x128xf32, #tpu.memory_space<vmem>>, vector<1x16xf32>,
        %get3A_168 = vector.shape_cast %get3A_167 : vector<1x16xf32> to vector<16xf32>
        %mul3A_169 = arith.mulf %get3A_164, %get3A_168 : vector<16xf32>
        %swap3A_170 = arith.index_cast %scan3A_148 : i32 to index
        %swap3A_171 = arith.constant 16 : index
        %swap3A_172 = tpu.vector_load %arg16[%swap3A_170, %swap3A_171] {strides = array<i32>} : memref<40x128xf32, #tpu.memory_space<vmem>>, vector<1x16xf32>,
        %swap3A_173 = vector.shape_cast %swap3A_172 : vector<1x16xf32> to vector<16xf32>
        %swap3A_174 = vector.shape_cast %mul3A_169 : vector<16xf32> to vector<1x16xf32>
        tpu.vector_store %arg16[%swap3A_170, %swap3A_171], %swap3A_174 {strides = array<i32>} : memref<40x128xf32, #tpu.memory_space<vmem>>, vector<1x16xf32>,
        %get3A_175 = arith.index_cast %scan3A_148 : i32 to index
        %get3A_176 = arith.constant 32 : index
        %get3A_177 = tpu.vector_load %arg15[%get3A_175, %get3A_176] {strides = array<i32>} : memref<40x128xf32, #tpu.memory_space<vmem>>, vector<1x16xf32>,
        %get3A_178 = vector.shape_cast %get3A_177 : vector<1x16xf32> to vector<16xf32>
        %get3A_179 = arith.index_cast %scan3A_148 : i32 to index
        %get3A_180 = arith.constant 32 : index
        %get3A_181 = tpu.vector_load %arg13[%get3A_179, %get3A_180] {strides = array<i32>} : memref<40x128xf32, #tpu.memory_space<vmem>>, vector<1x16xf32>,
        %get3A_182 = vector.shape_cast %get3A_181 : vector<1x16xf32> to vector<16xf32>
        %mul3A_183 = arith.mulf %get3A_178, %get3A_182 : vector<16xf32>
        %swap3A_184 = arith.index_cast %scan3A_148 : i32 to index
        %swap3A_185 = arith.constant 32 : index
        %swap3A_186 = tpu.vector_load %arg16[%swap3A_184, %swap3A_185] {strides = array<i32>} : memref<40x128xf32, #tpu.memory_space<vmem>>, vector<1x16xf32>,
        %swap3A_187 = vector.shape_cast %swap3A_186 : vector<1x16xf32> to vector<16xf32>
        %swap3A_188 = vector.shape_cast %mul3A_183 : vector<16xf32> to vector<1x16xf32>
        tpu.vector_store %arg16[%swap3A_184, %swap3A_185], %swap3A_188 {strides = array<i32>} : memref<40x128xf32, #tpu.memory_space<vmem>>, vector<1x16xf32>,
        %get3A_189 = arith.index_cast %scan3A_148 : i32 to index
        %get3A_190 = arith.constant 48 : index
        %get3A_191 = tpu.vector_load %arg15[%get3A_189, %get3A_190] {strides = array<i32>} : memref<40x128xf32, #tpu.memory_space<vmem>>, vector<1x16xf32>,
        %get3A_192 = vector.shape_cast %get3A_191 : vector<1x16xf32> to vector<16xf32>
        %get3A_193 = arith.index_cast %scan3A_148 : i32 to index
        %get3A_194 = arith.constant 48 : index
        %get3A_195 = tpu.vector_load %arg13[%get3A_193, %get3A_194] {strides = array<i32>} : memref<40x128xf32, #tpu.memory_space<vmem>>, vector<1x16xf32>,
        %get3A_196 = vector.shape_cast %get3A_195 : vector<1x16xf32> to vector<16xf32>
        %mul3A_197 = arith.mulf %get3A_192, %get3A_196 : vector<16xf32>
        %swap3A_198 = arith.index_cast %scan3A_148 : i32 to index
        %swap3A_199 = arith.constant 48 : index
        %swap3A_200 = tpu.vector_load %arg16[%swap3A_198, %swap3A_199] {strides = array<i32>} : memref<40x128xf32, #tpu.memory_space<vmem>>, vector<1x16xf32>,
        %swap3A_201 = vector.shape_cast %swap3A_200 : vector<1x16xf32> to vector<16xf32>
        %swap3A_202 = vector.shape_cast %mul3A_197 : vector<16xf32> to vector<1x16xf32>
        tpu.vector_store %arg16[%swap3A_198, %swap3A_199], %swap3A_202 {strides = array<i32>} : memref<40x128xf32, #tpu.memory_space<vmem>>, vector<1x16xf32>,
        %get3A_203 = arith.index_cast %scan3A_148 : i32 to index
        %get3A_204 = arith.constant 64 : index
        %get3A_205 = tpu.vector_load %arg15[%get3A_203, %get3A_204] {strides = array<i32>} : memref<40x128xf32, #tpu.memory_space<vmem>>, vector<1x16xf32>,
        %get3A_206 = vector.shape_cast %get3A_205 : vector<1x16xf32> to vector<16xf32>
        %get3A_207 = arith.index_cast %scan3A_148 : i32 to index
        %get3A_208 = arith.constant 64 : index
        %get3A_209 = tpu.vector_load %arg13[%get3A_207, %get3A_208] {strides = array<i32>} : memref<40x128xf32, #tpu.memory_space<vmem>>, vector<1x16xf32>,
        %get3A_210 = vector.shape_cast %get3A_209 : vector<1x16xf32> to vector<16xf32>
        %mul3A_211 = arith.mulf %get3A_206, %get3A_210 : vector<16xf32>
        %swap3A_212 = arith.index_cast %scan3A_148 : i32 to index
        %swap3A_213 = arith.constant 64 : index
        %swap3A_214 = tpu.vector_load %arg16[%swap3A_212, %swap3A_213] {strides = array<i32>} : memref<40x128xf32, #tpu.memory_space<vmem>>, vector<1x16xf32>,
        %swap3A_215 = vector.shape_cast %swap3A_214 : vector<1x16xf32> to vector<16xf32>
        %swap3A_216 = vector.shape_cast %mul3A_211 : vector<16xf32> to vector<1x16xf32>
        tpu.vector_store %arg16[%swap3A_212, %swap3A_213], %swap3A_216 {strides = array<i32>} : memref<40x128xf32, #tpu.memory_space<vmem>>, vector<1x16xf32>,
        %get3A_217 = arith.index_cast %scan3A_148 : i32 to index
        %get3A_218 = arith.constant 80 : index
        %get3A_219 = tpu.vector_load %arg15[%get3A_217, %get3A_218] {strides = array<i32>} : memref<40x128xf32, #tpu.memory_space<vmem>>, vector<1x16xf32>,
        %get3A_220 = vector.shape_cast %get3A_219 : vector<1x16xf32> to vector<16xf32>
        %get3A_221 = arith.index_cast %scan3A_148 : i32 to index
        %get3A_222 = arith.constant 80 : index
        %get3A_223 = tpu.vector_load %arg13[%get3A_221, %get3A_222] {strides = array<i32>} : memref<40x128xf32, #tpu.memory_space<vmem>>, vector<1x16xf32>,
        %get3A_224 = vector.shape_cast %get3A_223 : vector<1x16xf32> to vector<16xf32>
        %mul3A_225 = arith.mulf %get3A_220, %get3A_224 : vector<16xf32>
        %swap3A_226 = arith.index_cast %scan3A_148 : i32 to index
        %swap3A_227 = arith.constant 80 : index
        %swap3A_228 = tpu.vector_load %arg16[%swap3A_226, %swap3A_227] {strides = array<i32>} : memref<40x128xf32, #tpu.memory_space<vmem>>, vector<1x16xf32>,
        %swap3A_229 = vector.shape_cast %swap3A_228 : vector<1x16xf32> to vector<16xf32>
        %swap3A_230 = vector.shape_cast %mul3A_225 : vector<16xf32> to vector<1x16xf32>
        tpu.vector_store %arg16[%swap3A_226, %swap3A_227], %swap3A_230 {strides = array<i32>} : memref<40x128xf32, #tpu.memory_space<vmem>>, vector<1x16xf32>,
        %get3A_231 = arith.index_cast %scan3A_148 : i32 to index
        %get3A_232 = arith.constant 96 : index
        %get3A_233 = tpu.vector_load %arg15[%get3A_231, %get3A_232] {strides = array<i32>} : memref<40x128xf32, #tpu.memory_space<vmem>>, vector<1x16xf32>,
        %get3A_234 = vector.shape_cast %get3A_233 : vector<1x16xf32> to vector<16xf32>
        %get3A_235 = arith.index_cast %scan3A_148 : i32 to index
        %get3A_236 = arith.constant 96 : index
        %get3A_237 = tpu.vector_load %arg13[%get3A_235, %get3A_236] {strides = array<i32>} : memref<40x128xf32, #tpu.memory_space<vmem>>, vector<1x16xf32>,
        %get3A_238 = vector.shape_cast %get3A_237 : vector<1x16xf32> to vector<16xf32>
        %mul3A_239 = arith.mulf %get3A_234, %get3A_238 : vector<16xf32>
        %swap3A_240 = arith.index_cast %scan3A_148 : i32 to index
        %swap3A_241 = arith.constant 96 : index
        %swap3A_242 = tpu.vector_load %arg16[%swap3A_240, %swap3A_241] {strides = array<i32>} : memref<40x128xf32, #tpu.memory_space<vmem>>, vector<1x16xf32>,
        %swap3A_243 = vector.shape_cast %swap3A_242 : vector<1x16xf32> to vector<16xf32>
        %swap3A_244 = vector.shape_cast %mul3A_239 : vector<16xf32> to vector<1x16xf32>
        tpu.vector_store %arg16[%swap3A_240, %swap3A_241], %swap3A_244 {strides = array<i32>} : memref<40x128xf32, #tpu.memory_space<vmem>>, vector<1x16xf32>,
        %get3A_245 = arith.index_cast %scan3A_148 : i32 to index
        %get3A_246 = arith.constant 112 : index
        %get3A_247 = tpu.vector_load %arg15[%get3A_245, %get3A_246] {strides = array<i32>} : memref<40x128xf32, #tpu.memory_space<vmem>>, vector<1x16xf32>,
        %get3A_248 = vector.shape_cast %get3A_247 : vector<1x16xf32> to vector<16xf32>
        %get3A_249 = arith.index_cast %scan3A_148 : i32 to index
        %get3A_250 = arith.constant 112 : index
        %get3A_251 = tpu.vector_load %arg13[%get3A_249, %get3A_250] {strides = array<i32>} : memref<40x128xf32, #tpu.memory_space<vmem>>, vector<1x16xf32>,
        %get3A_252 = vector.shape_cast %get3A_251 : vector<1x16xf32> to vector<16xf32>
        %mul3A_253 = arith.mulf %get3A_248, %get3A_252 : vector<16xf32>
        %swap3A_254 = arith.index_cast %scan3A_148 : i32 to index
        %swap3A_255 = arith.constant 112 : index
        %swap3A_256 = tpu.vector_load %arg16[%swap3A_254, %swap3A_255] {strides = array<i32>} : memref<40x128xf32, #tpu.memory_space<vmem>>, vector<1x16xf32>,
        %swap3A_257 = vector.shape_cast %swap3A_256 : vector<1x16xf32> to vector<16xf32>
        %swap3A_258 = vector.shape_cast %mul3A_253 : vector<16xf32> to vector<1x16xf32>
        tpu.vector_store %arg16[%swap3A_254, %swap3A_255], %swap3A_258 {strides = array<i32>} : memref<40x128xf32, #tpu.memory_space<vmem>>, vector<1x16xf32>,
      }
      %scan3A_144 = arith.constant 40 : i32
      %dma_start3A_145 = arith.constant 0 : i32
      %dma_start3A_146 = arith.constant 0 : i32
      %dma_start3A_147 = tpu.memref_slice %arg17[%dma_start3A_145, %dma_start3A_146] : memref<10000x128xf32, #tpu.memory_space<vmem_shared>> -> memref<10000x128xf32, #tpu.memory_space<vmem_shared>>
      tpu.enqueue_indirect_dma source(%arg16 : memref<40x128xf32, #tpu.memory_space<vmem>>) target(%dma_start3A_147 : memref<10000x128xf32, #tpu.memory_space<vmem_shared>>) offsets(%arg11 : memref<40xi32, #tpu.memory_space<vmem>>) semaphore(%arg22 : memref<!tpu.dma_semaphore, #tpu.memory_space<semaphore_mem>>) {add = true}
    }
    %scan3A_29 = arith.constant 25 : i32
    %dma_wait3A = arith.constant 0 : i32
    %dma_wait3A_30 = arith.constant 0 : i32
    %dma_wait3A_31 = tpu.memref_slice %arg2[%dma_wait3A, %dma_wait3A_30] : memref<10000x128xf32, #tpu.memory_space<hbm>> -> memref<40x128xf32, #tpu.memory_space<hbm>>
    %dma_wait3A_32 = arith.constant 0 : i32
    %dma_wait3A_33 = arith.constant 0 : i32
    %dma_wait3A_34 = tpu.memref_slice %arg2[%dma_wait3A_32, %dma_wait3A_33] : memref<10000x128xf32, #tpu.memory_space<hbm>> -> memref<40x128xf32, #tpu.memory_space<hbm>>
    tpu.wait_dma2 semaphore(%arg22 : memref<!tpu.dma_semaphore, #tpu.memory_space<semaphore_mem>>) src(%dma_wait3A_34 : memref<40x128xf32, #tpu.memory_space<hbm>>) dst(%arg16 : memref<40x128xf32, #tpu.memory_space<vmem>>)
    %barrier3A_35 = arith.constant 0 : index
    tpu.barrier barrier_id(%barrier3A_35)
    %eq3A_36 = arith.constant 0 : i32
    %eq3A_37 = arith.cmpi eq, %arg0, %eq3A_36 : i32
    %lt3A_38 = arith.constant 15 : i32
    %lt3A_39 = arith.cmpi slt, %arg1, %lt3A_38 : i32
    %and3A = arith.andi %eq3A_37, %lt3A_39 : i1
    %convert_element_type3A_40 = arith.extui %and3A : i1 to i32
    %cond3A_41 = arith.constant 0 : i32
    %cond3A_42 = arith.cmpi ne, %convert_element_type3A_40, %cond3A_41 : i32
    scf.if %cond3A_42 {
      "tpu.region"() ({
        %run_scoped3A = tpu.sem_alloc : memref<!tpu.dma_semaphore, #tpu.memory_space<semaphore_mem>>
        %dma_start3A_67 = arith.constant 0 : i32
        %dma_start3A_68 = tpu.memref_slice %arg7[%mul3A_2, %dma_start3A_67] : memref<10000x128xf32, #tpu.memory_space<hbm>> -> memref<624x128xf32, #tpu.memory_space<hbm>>
        %dma_start3A_69 = arith.constant 0 : i32
        %dma_start3A_70 = tpu.memref_slice %arg17[%mul3A_2, %dma_start3A_69] : memref<10000x128xf32, #tpu.memory_space<vmem_shared>> -> memref<624x128xf32, #tpu.memory_space<vmem_shared>>
        tpu.enqueue_dma source(%dma_start3A_70 : memref<624x128xf32, #tpu.memory_space<vmem_shared>>) target(%dma_start3A_68 : memref<624x128xf32, #tpu.memory_space<hbm>>) target_semaphore(%run_scoped3A : memref<!tpu.dma_semaphore, #tpu.memory_space<semaphore_mem>>)
        %dma_wait3A_71 = arith.constant 0 : i32
        %dma_wait3A_72 = tpu.memref_slice %arg7[%mul3A_2, %dma_wait3A_71] : memref<10000x128xf32, #tpu.memory_space<hbm>> -> memref<624x128xf32, #tpu.memory_space<hbm>>
        %dma_wait3A_73 = arith.constant 0 : i32
        %dma_wait3A_74 = tpu.memref_slice %arg17[%mul3A_2, %dma_wait3A_73] : memref<10000x128xf32, #tpu.memory_space<vmem_shared>> -> memref<624x128xf32, #tpu.memory_space<vmem_shared>>
        tpu.wait_dma2 semaphore(%run_scoped3A : memref<!tpu.dma_semaphore, #tpu.memory_space<semaphore_mem>>) src(%dma_wait3A_74 : memref<624x128xf32, #tpu.memory_space<vmem_shared>>) dst(%dma_wait3A_72 : memref<624x128xf32, #tpu.memory_space<hbm>>)
        tpu.yield
      }) : () -> ()
    } else {
    }
    %eq3A_43 = arith.constant 0 : i32
    %eq3A_44 = arith.cmpi eq, %arg0, %eq3A_43 : i32
    %eq3A_45 = arith.constant 15 : i32
    %eq3A_46 = arith.cmpi eq, %arg1, %eq3A_45 : i32
    %and3A_47 = arith.andi %eq3A_44, %eq3A_46 : i1
    %convert_element_type3A_48 = arith.extui %and3A_47 : i1 to i32
    %cond3A_49 = arith.constant 0 : i32
    %cond3A_50 = arith.cmpi ne, %convert_element_type3A_48, %cond3A_49 : i32
    scf.if %cond3A_50 {
      "tpu.region"() ({
        %run_scoped3A = tpu.sem_alloc : memref<!tpu.dma_semaphore, #tpu.memory_space<semaphore_mem>>
        %dma_start3A_67 = arith.constant 9360 : i32
        %dma_start3A_68 = arith.constant 0 : i32
        %dma_start3A_69 = tpu.memref_slice %arg7[%dma_start3A_67, %dma_start3A_68] : memref<10000x128xf32, #tpu.memory_space<hbm>> -> memref<640x128xf32, #tpu.memory_space<hbm>>
        %dma_start3A_70 = arith.constant 9360 : i32
        %dma_start3A_71 = arith.constant 0 : i32
        %dma_start3A_72 = tpu.memref_slice %arg17[%dma_start3A_70, %dma_start3A_71] : memref<10000x128xf32, #tpu.memory_space<vmem_shared>> -> memref<640x128xf32, #tpu.memory_space<vmem_shared>>
        tpu.enqueue_dma source(%dma_start3A_72 : memref<640x128xf32, #tpu.memory_space<vmem_shared>>) target(%dma_start3A_69 : memref<640x128xf32, #tpu.memory_space<hbm>>) target_semaphore(%run_scoped3A : memref<!tpu.dma_semaphore, #tpu.memory_space<semaphore_mem>>)
        %dma_wait3A_73 = arith.constant 9360 : i32
        %dma_wait3A_74 = arith.constant 0 : i32
        %dma_wait3A_75 = tpu.memref_slice %arg7[%dma_wait3A_73, %dma_wait3A_74] : memref<10000x128xf32, #tpu.memory_space<hbm>> -> memref<640x128xf32, #tpu.memory_space<hbm>>
        %dma_wait3A_76 = arith.constant 9360 : i32
        %dma_wait3A_77 = arith.constant 0 : i32
        %dma_wait3A_78 = tpu.memref_slice %arg17[%dma_wait3A_76, %dma_wait3A_77] : memref<10000x128xf32, #tpu.memory_space<vmem_shared>> -> memref<640x128xf32, #tpu.memory_space<vmem_shared>>
        tpu.wait_dma2 semaphore(%run_scoped3A : memref<!tpu.dma_semaphore, #tpu.memory_space<semaphore_mem>>) src(%dma_wait3A_78 : memref<640x128xf32, #tpu.memory_space<vmem_shared>>) dst(%dma_wait3A_75 : memref<640x128xf32, #tpu.memory_space<hbm>>)
        tpu.yield
      }) : () -> ()
    } else {
    }
    %eq3A_51 = arith.constant 1 : i32
    %eq3A_52 = arith.cmpi eq, %arg0, %eq3A_51 : i32
    %lt3A_53 = arith.constant 15 : i32
    %lt3A_54 = arith.cmpi slt, %arg1, %lt3A_53 : i32
    %and3A_55 = arith.andi %eq3A_52, %lt3A_54 : i1
    %convert_element_type3A_56 = arith.extui %and3A_55 : i1 to i32
    %cond3A_57 = arith.constant 0 : i32
    %cond3A_58 = arith.cmpi ne, %convert_element_type3A_56, %cond3A_57 : i32
    scf.if %cond3A_58 {
      "tpu.region"() ({
        %run_scoped3A = tpu.sem_alloc : memref<!tpu.dma_semaphore, #tpu.memory_space<semaphore_mem>>
        %dma_start3A_67 = arith.constant 0 : i32
        %dma_start3A_68 = tpu.memref_slice %arg8[%mul3A_2, %dma_start3A_67] : memref<10000x128xf32, #tpu.memory_space<hbm>> -> memref<624x128xf32, #tpu.memory_space<hbm>>
        %dma_start3A_69 = arith.constant 0 : i32
        %dma_start3A_70 = tpu.memref_slice %arg17[%mul3A_2, %dma_start3A_69] : memref<10000x128xf32, #tpu.memory_space<vmem_shared>> -> memref<624x128xf32, #tpu.memory_space<vmem_shared>>
        tpu.enqueue_dma source(%dma_start3A_70 : memref<624x128xf32, #tpu.memory_space<vmem_shared>>) target(%dma_start3A_68 : memref<624x128xf32, #tpu.memory_space<hbm>>) target_semaphore(%run_scoped3A : memref<!tpu.dma_semaphore, #tpu.memory_space<semaphore_mem>>)
        %dma_wait3A_71 = arith.constant 0 : i32
        %dma_wait3A_72 = tpu.memref_slice %arg8[%mul3A_2, %dma_wait3A_71] : memref<10000x128xf32, #tpu.memory_space<hbm>> -> memref<624x128xf32, #tpu.memory_space<hbm>>
        %dma_wait3A_73 = arith.constant 0 : i32
        %dma_wait3A_74 = tpu.memref_slice %arg17[%mul3A_2, %dma_wait3A_73] : memref<10000x128xf32, #tpu.memory_space<vmem_shared>> -> memref<624x128xf32, #tpu.memory_space<vmem_shared>>
        tpu.wait_dma2 semaphore(%run_scoped3A : memref<!tpu.dma_semaphore, #tpu.memory_space<semaphore_mem>>) src(%dma_wait3A_74 : memref<624x128xf32, #tpu.memory_space<vmem_shared>>) dst(%dma_wait3A_72 : memref<624x128xf32, #tpu.memory_space<hbm>>)
        tpu.yield
      }) : () -> ()
    } else {
    }
    %eq3A_59 = arith.constant 1 : i32
    %eq3A_60 = arith.cmpi eq, %arg0, %eq3A_59 : i32
    %eq3A_61 = arith.constant 15 : i32
    %eq3A_62 = arith.cmpi eq, %arg1, %eq3A_61 : i32
    %and3A_63 = arith.andi %eq3A_60, %eq3A_62 : i1
    %convert_element_type3A_64 = arith.extui %and3A_63 : i1 to i32
    %cond3A_65 = arith.constant 0 : i32
    %cond3A_66 = arith.cmpi ne, %convert_element_type3A_64, %cond3A_65 : i32
    scf.if %cond3A_66 {
      "tpu.region"() ({
        %run_scoped3A = tpu.sem_alloc : memref<!tpu.dma_semaphore, #tpu.memory_space<semaphore_mem>>
        %dma_start3A_67 = arith.constant 9360 : i32
        %dma_start3A_68 = arith.constant 0 : i32
        %dma_start3A_69 = tpu.memref_slice %arg8[%dma_start3A_67, %dma_start3A_68] : memref<10000x128xf32, #tpu.memory_space<hbm>> -> memref<640x128xf32, #tpu.memory_space<hbm>>
        %dma_start3A_70 = arith.constant 9360 : i32
        %dma_start3A_71 = arith.constant 0 : i32
        %dma_start3A_72 = tpu.memref_slice %arg17[%dma_start3A_70, %dma_start3A_71] : memref<10000x128xf32, #tpu.memory_space<vmem_shared>> -> memref<640x128xf32, #tpu.memory_space<vmem_shared>>
        tpu.enqueue_dma source(%dma_start3A_72 : memref<640x128xf32, #tpu.memory_space<vmem_shared>>) target(%dma_start3A_69 : memref<640x128xf32, #tpu.memory_space<hbm>>) target_semaphore(%run_scoped3A : memref<!tpu.dma_semaphore, #tpu.memory_space<semaphore_mem>>)
        %dma_wait3A_73 = arith.constant 9360 : i32
        %dma_wait3A_74 = arith.constant 0 : i32
        %dma_wait3A_75 = tpu.memref_slice %arg8[%dma_wait3A_73, %dma_wait3A_74] : memref<10000x128xf32, #tpu.memory_space<hbm>> -> memref<640x128xf32, #tpu.memory_space<hbm>>
        %dma_wait3A_76 = arith.constant 9360 : i32
        %dma_wait3A_77 = arith.constant 0 : i32
        %dma_wait3A_78 = tpu.memref_slice %arg17[%dma_wait3A_76, %dma_wait3A_77] : memref<10000x128xf32, #tpu.memory_space<vmem_shared>> -> memref<640x128xf32, #tpu.memory_space<vmem_shared>>
        tpu.wait_dma2 semaphore(%run_scoped3A : memref<!tpu.dma_semaphore, #tpu.memory_space<semaphore_mem>>) src(%dma_wait3A_78 : memref<640x128xf32, #tpu.memory_space<vmem_shared>>) dst(%dma_wait3A_75 : memref<640x128xf32, #tpu.memory_space<hbm>>)
        tpu.yield
      }) : () -> ()
    } else {
    }
    return
  }
}

#map = affine_map<(d0, d1) -> (0, 0)>
#map1 = affine_map<(d0, d1) -> (0)>
module attributes {stable_mosaic.version = 14 : i64} {
  func.func @k(%arg0: i32, %arg1: i32, %arg2: memref<10000x128xf32, #tpu.memory_space<hbm>>, %arg3: memref<64000x128xf32, #tpu.memory_space<hbm>>, %arg4: memref<320000xi32, #tpu.memory_space<hbm>>, %arg5: memref<320000xi32, #tpu.memory_space<hbm>>, %arg6: memref<10000x128xf32, #tpu.memory_space<hbm>>, %arg7: memref<10000x128xf32, #tpu.memory_space<hbm>>, %arg8: memref<10000x128xf32, #tpu.memory_space<hbm>>, %arg9: memref<2000xi32, #tpu.memory_space<vmem>>, %arg10: memref<40xi32, #tpu.memory_space<vmem>>, %arg11: memref<40xi32, #tpu.memory_space<vmem>>, %arg12: memref<40x128xf32, #tpu.memory_space<vmem>>, %arg13: memref<40x128xf32, #tpu.memory_space<vmem>>, %arg14: memref<40x128xf32, #tpu.memory_space<vmem>>, %arg15: memref<40x128xf32, #tpu.memory_space<vmem>>, %arg16: memref<40x128xf32, #tpu.memory_space<vmem>>, %arg17: memref<10000x128xf32, #tpu.memory_space<vmem_shared>>, %arg18: memref<!tpu.dma_semaphore, #tpu.memory_space<semaphore_mem>>, %arg19: memref<!tpu.dma_semaphore, #tpu.memory_space<semaphore_mem>>, %arg20: memref<!tpu.dma_semaphore, #tpu.memory_space<semaphore_mem>>, %arg21: memref<!tpu.dma_semaphore, #tpu.memory_space<semaphore_mem>>, %arg22: memref<!tpu.dma_semaphore, #tpu.memory_space<semaphore_mem>>) attributes {dimension_semantics = [#tpu.dimension_semantics<core_parallel>, #tpu.dimension_semantics<subcore_parallel>], iteration_bounds = array<i64: 2, 16>, scalar_prefetch = 0 : i64, scratch_operands = 14 : i64, tpu.core_type = #tpu.core_type<sc_vector_subcore>, window_params = [{transform_indices = #map}, {transform_indices = #map}, {transform_indices = #map1}, {transform_indices = #map1}, {transform_indices = #map}, {transform_indices = #map}, {transform_indices = #map}]} {
    %mul3A = arith.constant 2 : i32
    %mul3A_0 = arith.muli %arg1, %mul3A : i32
    %add3A = arith.addi %mul3A_0, %arg0 : i32
    %mul3A_1 = arith.constant 624 : i32
    %mul3A_2 = arith.muli %arg1, %mul3A_1 : i32
    %mul3A_3 = arith.constant 2000 : i32
    %mul3A_4 = arith.muli %add3A, %mul3A_3 : i32
    %add3A_5 = arith.constant 64000 : i32
    %add3A_6 = arith.addi %add3A_5, %mul3A_4 : i32
    %mul3A_7 = arith.constant 2000 : i32
    %mul3A_8 = arith.muli %add3A, %mul3A_7 : i32
    %lt3A = arith.constant 15 : i32
    %lt3A_9 = arith.cmpi slt, %arg1, %lt3A : i32
    %convert_element_type3A = arith.extui %lt3A_9 : i1 to i32
    %cond3A = arith.constant 0 : i32
    %cond3A_10 = arith.cmpi ne, %convert_element_type3A, %cond3A : i32
    scf.if %cond3A_10 {
      "tpu.region"() ({
        %run_scoped3A = tpu.sem_alloc : memref<!tpu.dma_semaphore, #tpu.memory_space<semaphore_mem>>
        %dma_start3A_67 = arith.constant 0 : i32
        %dma_start3A_68 = tpu.memref_slice %arg17[%mul3A_2, %dma_start3A_67] : memref<10000x128xf32, #tpu.memory_space<vmem_shared>> -> memref<624x128xf32, #tpu.memory_space<vmem_shared>>
        %dma_start3A_69 = arith.constant 0 : i32
        %dma_start3A_70 = tpu.memref_slice %arg6[%mul3A_2, %dma_start3A_69] : memref<10000x128xf32, #tpu.memory_space<hbm>> -> memref<624x128xf32, #tpu.memory_space<hbm>>
        tpu.enqueue_dma source(%dma_start3A_70 : memref<624x128xf32, #tpu.memory_space<hbm>>) target(%dma_start3A_68 : memref<624x128xf32, #tpu.memory_space<vmem_shared>>) target_semaphore(%run_scoped3A : memref<!tpu.dma_semaphore, #tpu.memory_space<semaphore_mem>>)
        %dma_wait3A_71 = arith.constant 0 : i32
        %dma_wait3A_72 = tpu.memref_slice %arg17[%mul3A_2, %dma_wait3A_71] : memref<10000x128xf32, #tpu.memory_space<vmem_shared>> -> memref<624x128xf32, #tpu.memory_space<vmem_shared>>
        %dma_wait3A_73 = arith.constant 0 : i32
        %dma_wait3A_74 = tpu.memref_slice %arg6[%mul3A_2, %dma_wait3A_73] : memref<10000x128xf32, #tpu.memory_space<hbm>> -> memref<624x128xf32, #tpu.memory_space<hbm>>
        tpu.wait_dma2 semaphore(%run_scoped3A : memref<!tpu.dma_semaphore, #tpu.memory_space<semaphore_mem>>) src(%dma_wait3A_74 : memref<624x128xf32, #tpu.memory_space<hbm>>) dst(%dma_wait3A_72 : memref<624x128xf32, #tpu.memory_space<vmem_shared>>)
        tpu.yield
      }) : () -> ()
    } else {
    }
    %eq3A = arith.constant 15 : i32
    %eq3A_11 = arith.cmpi eq, %arg1, %eq3A : i32
    %convert_element_type3A_12 = arith.extui %eq3A_11 : i1 to i32
    %cond3A_13 = arith.constant 0 : i32
    %cond3A_14 = arith.cmpi ne, %convert_element_type3A_12, %cond3A_13 : i32
    scf.if %cond3A_14 {
      "tpu.region"() ({
        %run_scoped3A = tpu.sem_alloc : memref<!tpu.dma_semaphore, #tpu.memory_space<semaphore_mem>>
        %dma_start3A_67 = arith.constant 9360 : i32
        %dma_start3A_68 = arith.constant 0 : i32
        %dma_start3A_69 = tpu.memref_slice %arg17[%dma_start3A_67, %dma_start3A_68] : memref<10000x128xf32, #tpu.memory_space<vmem_shared>> -> memref<640x128xf32, #tpu.memory_space<vmem_shared>>
        %dma_start3A_70 = arith.constant 9360 : i32
        %dma_start3A_71 = arith.constant 0 : i32
        %dma_start3A_72 = tpu.memref_slice %arg6[%dma_start3A_70, %dma_start3A_71] : memref<10000x128xf32, #tpu.memory_space<hbm>> -> memref<640x128xf32, #tpu.memory_space<hbm>>
        tpu.enqueue_dma source(%dma_start3A_72 : memref<640x128xf32, #tpu.memory_space<hbm>>) target(%dma_start3A_69 : memref<640x128xf32, #tpu.memory_space<vmem_shared>>) target_semaphore(%run_scoped3A : memref<!tpu.dma_semaphore, #tpu.memory_space<semaphore_mem>>)
        %dma_wait3A_73 = arith.constant 9360 : i32
        %dma_wait3A_74 = arith.constant 0 : i32
        %dma_wait3A_75 = tpu.memref_slice %arg17[%dma_wait3A_73, %dma_wait3A_74] : memref<10000x128xf32, #tpu.memory_space<vmem_shared>> -> memref<640x128xf32, #tpu.memory_space<vmem_shared>>
        %dma_wait3A_76 = arith.constant 9360 : i32
        %dma_wait3A_77 = arith.constant 0 : i32
        %dma_wait3A_78 = tpu.memref_slice %arg6[%dma_wait3A_76, %dma_wait3A_77] : memref<10000x128xf32, #tpu.memory_space<hbm>> -> memref<640x128xf32, #tpu.memory_space<hbm>>
        tpu.wait_dma2 semaphore(%run_scoped3A : memref<!tpu.dma_semaphore, #tpu.memory_space<semaphore_mem>>) src(%dma_wait3A_78 : memref<640x128xf32, #tpu.memory_space<hbm>>) dst(%dma_wait3A_75 : memref<640x128xf32, #tpu.memory_space<vmem_shared>>)
        tpu.yield
      }) : () -> ()
    } else {
    }
    "tpu.region"() ({
      %run_scoped3A = tpu.sem_alloc : memref<!tpu.dma_semaphore, #tpu.memory_space<semaphore_mem>>
      %dma_start3A_67 = tpu.memref_slice %arg4[%add3A_6] : memref<320000xi32, #tpu.memory_space<hbm>> -> memref<2000xi32, #tpu.memory_space<hbm>>
      %dma_start3A_68 = tpu.memref_slice %arg4[%add3A_6] : memref<320000xi32, #tpu.memory_space<hbm>> -> memref<2000xi32, #tpu.memory_space<hbm>>
      tpu.enqueue_dma source(%dma_start3A_68 : memref<2000xi32, #tpu.memory_space<hbm>>) target(%arg9 : memref<2000xi32, #tpu.memory_space<vmem>>) target_semaphore(%run_scoped3A : memref<!tpu.dma_semaphore, #tpu.memory_space<semaphore_mem>>)
      %dma_wait3A_69 = tpu.memref_slice %arg4[%add3A_6] : memref<320000xi32, #tpu.memory_space<hbm>> -> memref<2000xi32, #tpu.memory_space<hbm>>
      %dma_wait3A_70 = tpu.memref_slice %arg4[%add3A_6] : memref<320000xi32, #tpu.memory_space<hbm>> -> memref<2000xi32, #tpu.memory_space<hbm>>
      tpu.wait_dma2 semaphore(%run_scoped3A : memref<!tpu.dma_semaphore, #tpu.memory_space<semaphore_mem>>) src(%dma_wait3A_70 : memref<2000xi32, #tpu.memory_space<hbm>>) dst(%arg9 : memref<2000xi32, #tpu.memory_space<vmem>>)
      tpu.yield
    }) : () -> ()
    %barrier3A = arith.constant 0 : index
    tpu.barrier barrier_id(%barrier3A)
    %dma_start3A = arith.constant 0 : i32
    %dma_start3A_15 = tpu.memref_slice %arg9[%dma_start3A] : memref<2000xi32, #tpu.memory_space<vmem>> -> memref<40xi32, #tpu.memory_space<vmem>>
    %dma_start3A_16 = arith.constant 0 : i32
    %dma_start3A_17 = arith.constant 0 : i32
    %dma_start3A_18 = tpu.memref_slice %arg2[%dma_start3A_16, %dma_start3A_17] : memref<10000x128xf32, #tpu.memory_space<hbm>> -> memref<10000x128xf32, #tpu.memory_space<hbm>>
    tpu.enqueue_indirect_dma source(%dma_start3A_18 : memref<10000x128xf32, #tpu.memory_space<hbm>>) target(%arg14 : memref<40x128xf32, #tpu.memory_space<vmem>>) offsets(%dma_start3A_15 : memref<40xi32, #tpu.memory_space<vmem>>) semaphore(%arg18 : memref<!tpu.dma_semaphore, #tpu.memory_space<semaphore_mem>>)
    %dma_start3A_19 = arith.constant 0 : i32
    %dma_start3A_20 = tpu.memref_slice %arg3[%mul3A_8, %dma_start3A_19] : memref<64000x128xf32, #tpu.memory_space<hbm>> -> memref<40x128xf32, #tpu.memory_space<hbm>>
    %dma_start3A_21 = arith.constant 0 : i32
    %dma_start3A_22 = tpu.memref_slice %arg3[%mul3A_8, %dma_start3A_21] : memref<64000x128xf32, #tpu.memory_space<hbm>> -> memref<40x128xf32, #tpu.memory_space<hbm>>
    tpu.enqueue_dma source(%dma_start3A_22 : memref<40x128xf32, #tpu.memory_space<hbm>>) target(%arg12 : memref<40x128xf32, #tpu.memory_space<vmem>>) target_semaphore(%arg20 : memref<!tpu.dma_semaphore, #tpu.memory_space<semaphore_mem>>)
    %dma_start3A_23 = tpu.memref_slice %arg5[%add3A_6] : memref<320000xi32, #tpu.memory_space<hbm>> -> memref<40xi32, #tpu.memory_space<hbm>>
    %dma_start3A_24 = tpu.memref_slice %arg5[%add3A_6] : memref<320000xi32, #tpu.memory_space<hbm>> -> memref<40xi32, #tpu.memory_space<hbm>>
    tpu.enqueue_dma source(%dma_start3A_24 : memref<40xi32, #tpu.memory_space<hbm>>) target(%arg10 : memref<40xi32, #tpu.memory_space<vmem>>) target_semaphore(%arg20 : memref<!tpu.dma_semaphore, #tpu.memory_space<semaphore_mem>>)
    %scan3A = arith.constant 0 : i32
    %scan3A_25 = arith.constant 0 : i32
    %scan3A_26 = arith.constant 25 : i32
    %scan3A_27 = arith.addi %scan3A_25, %scan3A_26 : i32
    %scan3A_28 = arith.constant 1 : i32
    scf.for %scan3A_67 = %scan3A_25 to %scan3A_27 step %scan3A_28  : i32 {
      %mul3A_68 = arith.constant 2 : i32
      %mul3A_69 = arith.muli %scan3A_67, %mul3A_68 : i32
      %eq3A_70 = arith.constant 0 : i32
      %eq3A_71 = arith.cmpi eq, %scan3A_67, %eq3A_70 : i32
      %add3A_72 = arith.constant 1 : i32
      %add3A_73 = arith.addi %mul3A_69, %add3A_72 : i32
      %lt3A_74 = arith.constant 50 : i32
      %lt3A_75 = arith.cmpi slt, %add3A_73, %lt3A_74 : i32
      %convert_element_type3A_76 = arith.extui %lt3A_75 : i1 to i32
      %cond3A_77 = arith.constant 0 : i32
      %cond3A_78 = arith.cmpi ne, %convert_element_type3A_76, %cond3A_77 : i32
      scf.if %cond3A_78 {
        %add3A_148 = arith.constant 1 : i32
        %add3A_149 = arith.addi %mul3A_69, %add3A_148 : i32
        %mul3A_150 = arith.constant 40 : i32
        %mul3A_151 = arith.muli %add3A_149, %mul3A_150 : i32
        %dma_start3A_152 = tpu.memref_slice %arg9[%mul3A_151] : memref<2000xi32, #tpu.memory_space<vmem>> -> memref<40xi32, #tpu.memory_space<vmem>>
        %dma_start3A_153 = arith.constant 0 : i32
        %dma_start3A_154 = arith.constant 0 : i32
        %dma_start3A_155 = tpu.memref_slice %arg2[%dma_start3A_153, %dma_start3A_154] : memref<10000x128xf32, #tpu.memory_space<hbm>> -> memref<10000x128xf32, #tpu.memory_space<hbm>>
        tpu.enqueue_indirect_dma source(%dma_start3A_155 : memref<10000x128xf32, #tpu.memory_space<hbm>>) target(%arg15 : memref<40x128xf32, #tpu.memory_space<vmem>>) offsets(%dma_start3A_152 : memref<40xi32, #tpu.memory_space<vmem>>) semaphore(%arg19 : memref<!tpu.dma_semaphore, #tpu.memory_space<semaphore_mem>>)
        %add3A_156 = arith.constant 1 : i32
        %add3A_157 = arith.addi %mul3A_69, %add3A_156 : i32
        %mul3A_158 = arith.constant 40 : i32
        %mul3A_159 = arith.muli %add3A_157, %mul3A_158 : i32
        %add3A_160 = arith.addi %mul3A_8, %mul3A_159 : i32
        %dma_start3A_161 = arith.constant 0 : i32
        %dma_start3A_162 = tpu.memref_slice %arg3[%add3A_160, %dma_start3A_161] : memref<64000x128xf32, #tpu.memory_space<hbm>> -> memref<40x128xf32, #tpu.memory_space<hbm>>
        %dma_start3A_163 = arith.constant 0 : i32
        %dma_start3A_164 = tpu.memref_slice %arg3[%add3A_160, %dma_start3A_163] : memref<64000x128xf32, #tpu.memory_space<hbm>> -> memref<40x128xf32, #tpu.memory_space<hbm>>
        tpu.enqueue_dma source(%dma_start3A_164 : memref<40x128xf32, #tpu.memory_space<hbm>>) target(%arg13 : memref<40x128xf32, #tpu.memory_space<vmem>>) target_semaphore(%arg21 : memref<!tpu.dma_semaphore, #tpu.memory_space<semaphore_mem>>)
        %add3A_165 = arith.constant 1 : i32
        %add3A_166 = arith.addi %mul3A_69, %add3A_165 : i32
        %mul3A_167 = arith.constant 40 : i32
        %mul3A_168 = arith.muli %add3A_166, %mul3A_167 : i32
        %add3A_169 = arith.addi %add3A_6, %mul3A_168 : i32
        %dma_start3A_170 = tpu.memref_slice %arg5[%add3A_169] : memref<320000xi32, #tpu.memory_space<hbm>> -> memref<40xi32, #tpu.memory_space<hbm>>
        %dma_start3A_171 = tpu.memref_slice %arg5[%add3A_169] : memref<320000xi32, #tpu.memory_space<hbm>> -> memref<40xi32, #tpu.memory_space<hbm>>
        tpu.enqueue_dma source(%dma_start3A_171 : memref<40xi32, #tpu.memory_space<hbm>>) target(%arg11 : memref<40xi32, #tpu.memory_space<vmem>>) target_semaphore(%arg21 : memref<!tpu.dma_semaphore, #tpu.memory_space<semaphore_mem>>)
      } else {
      }
      %dma_wait3A_79 = arith.constant 0 : i32
      %dma_wait3A_80 = arith.constant 0 : i32
      %dma_wait3A_81 = tpu.memref_slice %arg2[%dma_wait3A_79, %dma_wait3A_80] : memref<10000x128xf32, #tpu.memory_space<hbm>> -> memref<40x128xf32, #tpu.memory_space<hbm>>
      %dma_wait3A_82 = arith.constant 0 : i32
      %dma_wait3A_83 = arith.constant 0 : i32
      %dma_wait3A_84 = tpu.memref_slice %arg2[%dma_wait3A_82, %dma_wait3A_83] : memref<10000x128xf32, #tpu.memory_space<hbm>> -> memref<40x128xf32, #tpu.memory_space<hbm>>
      tpu.wait_dma2 semaphore(%arg18 : memref<!tpu.dma_semaphore, #tpu.memory_space<semaphore_mem>>) src(%dma_wait3A_84 : memref<40x128xf32, #tpu.memory_space<hbm>>) dst(%arg14 : memref<40x128xf32, #tpu.memory_space<vmem>>)
      %dma_wait3A_85 = arith.constant 0 : i32
      %dma_wait3A_86 = arith.constant 0 : i32
      %dma_wait3A_87 = tpu.memref_slice %arg2[%dma_wait3A_85, %dma_wait3A_86] : memref<10000x128xf32, #tpu.memory_space<hbm>> -> memref<40x128xf32, #tpu.memory_space<hbm>>
      %dma_wait3A_88 = arith.constant 0 : i32
      %dma_wait3A_89 = arith.constant 0 : i32
      %dma_wait3A_90 = tpu.memref_slice %arg2[%dma_wait3A_88, %dma_wait3A_89] : memref<10000x128xf32, #tpu.memory_space<hbm>> -> memref<40x128xf32, #tpu.memory_space<hbm>>
      tpu.wait_dma2 semaphore(%arg20 : memref<!tpu.dma_semaphore, #tpu.memory_space<semaphore_mem>>) src(%dma_wait3A_90 : memref<40x128xf32, #tpu.memory_space<hbm>>) dst(%arg12 : memref<40x128xf32, #tpu.memory_space<vmem>>)
      %dma_wait3A_91 = arith.constant 0 : i32
      %dma_wait3A_92 = tpu.memref_slice %arg5[%dma_wait3A_91] : memref<320000xi32, #tpu.memory_space<hbm>> -> memref<40xi32, #tpu.memory_space<hbm>>
      %dma_wait3A_93 = arith.constant 0 : i32
      %dma_wait3A_94 = tpu.memref_slice %arg5[%dma_wait3A_93] : memref<320000xi32, #tpu.memory_space<hbm>> -> memref<40xi32, #tpu.memory_space<hbm>>
      tpu.wait_dma2 semaphore(%arg20 : memref<!tpu.dma_semaphore, #tpu.memory_space<semaphore_mem>>) src(%dma_wait3A_94 : memref<40xi32, #tpu.memory_space<hbm>>) dst(%arg10 : memref<40xi32, #tpu.memory_space<vmem>>)
      %not3A = arith.constant true
      %not3A_95 = arith.xori %eq3A_71, %not3A : i1
      %convert_element_type3A_96 = arith.extui %not3A_95 : i1 to i32
      %cond3A_97 = arith.constant 0 : i32
      %cond3A_98 = arith.cmpi ne, %convert_element_type3A_96, %cond3A_97 : i32
      scf.if %cond3A_98 {
        %dma_wait3A_148 = arith.constant 0 : i32
        %dma_wait3A_149 = arith.constant 0 : i32
        %dma_wait3A_150 = tpu.memref_slice %arg2[%dma_wait3A_148, %dma_wait3A_149] : memref<10000x128xf32, #tpu.memory_space<hbm>> -> memref<40x128xf32, #tpu.memory_space<hbm>>
        %dma_wait3A_151 = arith.constant 0 : i32
        %dma_wait3A_152 = arith.constant 0 : i32
        %dma_wait3A_153 = tpu.memref_slice %arg2[%dma_wait3A_151, %dma_wait3A_152] : memref<10000x128xf32, #tpu.memory_space<hbm>> -> memref<40x128xf32, #tpu.memory_space<hbm>>
        tpu.wait_dma2 semaphore(%arg22 : memref<!tpu.dma_semaphore, #tpu.memory_space<semaphore_mem>>) src(%dma_wait3A_153 : memref<40x128xf32, #tpu.memory_space<hbm>>) dst(%arg16 : memref<40x128xf32, #tpu.memory_space<vmem>>)
      } else {
      }
      %scan3A_99 = arith.constant 0 : i32
      %scan3A_100 = arith.constant 0 : i32
      %scan3A_101 = arith.constant 40 : i32
      %scan3A_102 = arith.addi %scan3A_100, %scan3A_101 : i32
      %scan3A_103 = arith.constant 1 : i32
      scf.for %scan3A_148 = %scan3A_100 to %scan3A_102 step %scan3A_103  : i32 {
        %get3A = arith.index_cast %scan3A_148 : i32 to index
        %get3A_149 = arith.constant 0 : index
        %get3A_150 = tpu.vector_load %arg14[%get3A, %get3A_149] {strides = array<i32>} : memref<40x128xf32, #tpu.memory_space<vmem>>, vector<1x16xf32>,
        %get3A_151 = vector.shape_cast %get3A_150 : vector<1x16xf32> to vector<16xf32>
        %get3A_152 = arith.index_cast %scan3A_148 : i32 to index
        %get3A_153 = arith.constant 0 : index
        %get3A_154 = tpu.vector_load %arg12[%get3A_152, %get3A_153] {strides = array<i32>} : memref<40x128xf32, #tpu.memory_space<vmem>>, vector<1x16xf32>,
        %get3A_155 = vector.shape_cast %get3A_154 : vector<1x16xf32> to vector<16xf32>
        %mul3A_156 = arith.mulf %get3A_151, %get3A_155 : vector<16xf32>
        %swap3A = arith.index_cast %scan3A_148 : i32 to index
        %swap3A_157 = arith.constant 0 : index
        %swap3A_158 = tpu.vector_load %arg16[%swap3A, %swap3A_157] {strides = array<i32>} : memref<40x128xf32, #tpu.memory_space<vmem>>, vector<1x16xf32>,
        %swap3A_159 = vector.shape_cast %swap3A_158 : vector<1x16xf32> to vector<16xf32>
        %swap3A_160 = vector.shape_cast %mul3A_156 : vector<16xf32> to vector<1x16xf32>
        tpu.vector_store %arg16[%swap3A, %swap3A_157], %swap3A_160 {strides = array<i32>} : memref<40x128xf32, #tpu.memory_space<vmem>>, vector<1x16xf32>,
        %get3A_161 = arith.index_cast %scan3A_148 : i32 to index
        %get3A_162 = arith.constant 16 : index
        %get3A_163 = tpu.vector_load %arg14[%get3A_161, %get3A_162] {strides = array<i32>} : memref<40x128xf32, #tpu.memory_space<vmem>>, vector<1x16xf32>,
        %get3A_164 = vector.shape_cast %get3A_163 : vector<1x16xf32> to vector<16xf32>
        %get3A_165 = arith.index_cast %scan3A_148 : i32 to index
        %get3A_166 = arith.constant 16 : index
        %get3A_167 = tpu.vector_load %arg12[%get3A_165, %get3A_166] {strides = array<i32>} : memref<40x128xf32, #tpu.memory_space<vmem>>, vector<1x16xf32>,
        %get3A_168 = vector.shape_cast %get3A_167 : vector<1x16xf32> to vector<16xf32>
        %mul3A_169 = arith.mulf %get3A_164, %get3A_168 : vector<16xf32>
        %swap3A_170 = arith.index_cast %scan3A_148 : i32 to index
        %swap3A_171 = arith.constant 16 : index
        %swap3A_172 = tpu.vector_load %arg16[%swap3A_170, %swap3A_171] {strides = array<i32>} : memref<40x128xf32, #tpu.memory_space<vmem>>, vector<1x16xf32>,
        %swap3A_173 = vector.shape_cast %swap3A_172 : vector<1x16xf32> to vector<16xf32>
        %swap3A_174 = vector.shape_cast %mul3A_169 : vector<16xf32> to vector<1x16xf32>
        tpu.vector_store %arg16[%swap3A_170, %swap3A_171], %swap3A_174 {strides = array<i32>} : memref<40x128xf32, #tpu.memory_space<vmem>>, vector<1x16xf32>,
        %get3A_175 = arith.index_cast %scan3A_148 : i32 to index
        %get3A_176 = arith.constant 32 : index
        %get3A_177 = tpu.vector_load %arg14[%get3A_175, %get3A_176] {strides = array<i32>} : memref<40x128xf32, #tpu.memory_space<vmem>>, vector<1x16xf32>,
        %get3A_178 = vector.shape_cast %get3A_177 : vector<1x16xf32> to vector<16xf32>
        %get3A_179 = arith.index_cast %scan3A_148 : i32 to index
        %get3A_180 = arith.constant 32 : index
        %get3A_181 = tpu.vector_load %arg12[%get3A_179, %get3A_180] {strides = array<i32>} : memref<40x128xf32, #tpu.memory_space<vmem>>, vector<1x16xf32>,
        %get3A_182 = vector.shape_cast %get3A_181 : vector<1x16xf32> to vector<16xf32>
        %mul3A_183 = arith.mulf %get3A_178, %get3A_182 : vector<16xf32>
        %swap3A_184 = arith.index_cast %scan3A_148 : i32 to index
        %swap3A_185 = arith.constant 32 : index
        %swap3A_186 = tpu.vector_load %arg16[%swap3A_184, %swap3A_185] {strides = array<i32>} : memref<40x128xf32, #tpu.memory_space<vmem>>, vector<1x16xf32>,
        %swap3A_187 = vector.shape_cast %swap3A_186 : vector<1x16xf32> to vector<16xf32>
        %swap3A_188 = vector.shape_cast %mul3A_183 : vector<16xf32> to vector<1x16xf32>
        tpu.vector_store %arg16[%swap3A_184, %swap3A_185], %swap3A_188 {strides = array<i32>} : memref<40x128xf32, #tpu.memory_space<vmem>>, vector<1x16xf32>,
        %get3A_189 = arith.index_cast %scan3A_148 : i32 to index
        %get3A_190 = arith.constant 48 : index
        %get3A_191 = tpu.vector_load %arg14[%get3A_189, %get3A_190] {strides = array<i32>} : memref<40x128xf32, #tpu.memory_space<vmem>>, vector<1x16xf32>,
        %get3A_192 = vector.shape_cast %get3A_191 : vector<1x16xf32> to vector<16xf32>
        %get3A_193 = arith.index_cast %scan3A_148 : i32 to index
        %get3A_194 = arith.constant 48 : index
        %get3A_195 = tpu.vector_load %arg12[%get3A_193, %get3A_194] {strides = array<i32>} : memref<40x128xf32, #tpu.memory_space<vmem>>, vector<1x16xf32>,
        %get3A_196 = vector.shape_cast %get3A_195 : vector<1x16xf32> to vector<16xf32>
        %mul3A_197 = arith.mulf %get3A_192, %get3A_196 : vector<16xf32>
        %swap3A_198 = arith.index_cast %scan3A_148 : i32 to index
        %swap3A_199 = arith.constant 48 : index
        %swap3A_200 = tpu.vector_load %arg16[%swap3A_198, %swap3A_199] {strides = array<i32>} : memref<40x128xf32, #tpu.memory_space<vmem>>, vector<1x16xf32>,
        %swap3A_201 = vector.shape_cast %swap3A_200 : vector<1x16xf32> to vector<16xf32>
        %swap3A_202 = vector.shape_cast %mul3A_197 : vector<16xf32> to vector<1x16xf32>
        tpu.vector_store %arg16[%swap3A_198, %swap3A_199], %swap3A_202 {strides = array<i32>} : memref<40x128xf32, #tpu.memory_space<vmem>>, vector<1x16xf32>,
        %get3A_203 = arith.index_cast %scan3A_148 : i32 to index
        %get3A_204 = arith.constant 64 : index
        %get3A_205 = tpu.vector_load %arg14[%get3A_203, %get3A_204] {strides = array<i32>} : memref<40x128xf32, #tpu.memory_space<vmem>>, vector<1x16xf32>,
        %get3A_206 = vector.shape_cast %get3A_205 : vector<1x16xf32> to vector<16xf32>
        %get3A_207 = arith.index_cast %scan3A_148 : i32 to index
        %get3A_208 = arith.constant 64 : index
        %get3A_209 = tpu.vector_load %arg12[%get3A_207, %get3A_208] {strides = array<i32>} : memref<40x128xf32, #tpu.memory_space<vmem>>, vector<1x16xf32>,
        %get3A_210 = vector.shape_cast %get3A_209 : vector<1x16xf32> to vector<16xf32>
        %mul3A_211 = arith.mulf %get3A_206, %get3A_210 : vector<16xf32>
        %swap3A_212 = arith.index_cast %scan3A_148 : i32 to index
        %swap3A_213 = arith.constant 64 : index
        %swap3A_214 = tpu.vector_load %arg16[%swap3A_212, %swap3A_213] {strides = array<i32>} : memref<40x128xf32, #tpu.memory_space<vmem>>, vector<1x16xf32>,
        %swap3A_215 = vector.shape_cast %swap3A_214 : vector<1x16xf32> to vector<16xf32>
        %swap3A_216 = vector.shape_cast %mul3A_211 : vector<16xf32> to vector<1x16xf32>
        tpu.vector_store %arg16[%swap3A_212, %swap3A_213], %swap3A_216 {strides = array<i32>} : memref<40x128xf32, #tpu.memory_space<vmem>>, vector<1x16xf32>,
        %get3A_217 = arith.index_cast %scan3A_148 : i32 to index
        %get3A_218 = arith.constant 80 : index
        %get3A_219 = tpu.vector_load %arg14[%get3A_217, %get3A_218] {strides = array<i32>} : memref<40x128xf32, #tpu.memory_space<vmem>>, vector<1x16xf32>,
        %get3A_220 = vector.shape_cast %get3A_219 : vector<1x16xf32> to vector<16xf32>
        %get3A_221 = arith.index_cast %scan3A_148 : i32 to index
        %get3A_222 = arith.constant 80 : index
        %get3A_223 = tpu.vector_load %arg12[%get3A_221, %get3A_222] {strides = array<i32>} : memref<40x128xf32, #tpu.memory_space<vmem>>, vector<1x16xf32>,
        %get3A_224 = vector.shape_cast %get3A_223 : vector<1x16xf32> to vector<16xf32>
        %mul3A_225 = arith.mulf %get3A_220, %get3A_224 : vector<16xf32>
        %swap3A_226 = arith.index_cast %scan3A_148 : i32 to index
        %swap3A_227 = arith.constant 80 : index
        %swap3A_228 = tpu.vector_load %arg16[%swap3A_226, %swap3A_227] {strides = array<i32>} : memref<40x128xf32, #tpu.memory_space<vmem>>, vector<1x16xf32>,
        %swap3A_229 = vector.shape_cast %swap3A_228 : vector<1x16xf32> to vector<16xf32>
        %swap3A_230 = vector.shape_cast %mul3A_225 : vector<16xf32> to vector<1x16xf32>
        tpu.vector_store %arg16[%swap3A_226, %swap3A_227], %swap3A_230 {strides = array<i32>} : memref<40x128xf32, #tpu.memory_space<vmem>>, vector<1x16xf32>,
        %get3A_231 = arith.index_cast %scan3A_148 : i32 to index
        %get3A_232 = arith.constant 96 : index
        %get3A_233 = tpu.vector_load %arg14[%get3A_231, %get3A_232] {strides = array<i32>} : memref<40x128xf32, #tpu.memory_space<vmem>>, vector<1x16xf32>,
        %get3A_234 = vector.shape_cast %get3A_233 : vector<1x16xf32> to vector<16xf32>
        %get3A_235 = arith.index_cast %scan3A_148 : i32 to index
        %get3A_236 = arith.constant 96 : index
        %get3A_237 = tpu.vector_load %arg12[%get3A_235, %get3A_236] {strides = array<i32>} : memref<40x128xf32, #tpu.memory_space<vmem>>, vector<1x16xf32>,
        %get3A_238 = vector.shape_cast %get3A_237 : vector<1x16xf32> to vector<16xf32>
        %mul3A_239 = arith.mulf %get3A_234, %get3A_238 : vector<16xf32>
        %swap3A_240 = arith.index_cast %scan3A_148 : i32 to index
        %swap3A_241 = arith.constant 96 : index
        %swap3A_242 = tpu.vector_load %arg16[%swap3A_240, %swap3A_241] {strides = array<i32>} : memref<40x128xf32, #tpu.memory_space<vmem>>, vector<1x16xf32>,
        %swap3A_243 = vector.shape_cast %swap3A_242 : vector<1x16xf32> to vector<16xf32>
        %swap3A_244 = vector.shape_cast %mul3A_239 : vector<16xf32> to vector<1x16xf32>
        tpu.vector_store %arg16[%swap3A_240, %swap3A_241], %swap3A_244 {strides = array<i32>} : memref<40x128xf32, #tpu.memory_space<vmem>>, vector<1x16xf32>,
        %get3A_245 = arith.index_cast %scan3A_148 : i32 to index
        %get3A_246 = arith.constant 112 : index
        %get3A_247 = tpu.vector_load %arg14[%get3A_245, %get3A_246] {strides = array<i32>} : memref<40x128xf32, #tpu.memory_space<vmem>>, vector<1x16xf32>,
        %get3A_248 = vector.shape_cast %get3A_247 : vector<1x16xf32> to vector<16xf32>
        %get3A_249 = arith.index_cast %scan3A_148 : i32 to index
        %get3A_250 = arith.constant 112 : index
        %get3A_251 = tpu.vector_load %arg12[%get3A_249, %get3A_250] {strides = array<i32>} : memref<40x128xf32, #tpu.memory_space<vmem>>, vector<1x16xf32>,
        %get3A_252 = vector.shape_cast %get3A_251 : vector<1x16xf32> to vector<16xf32>
        %mul3A_253 = arith.mulf %get3A_248, %get3A_252 : vector<16xf32>
        %swap3A_254 = arith.index_cast %scan3A_148 : i32 to index
        %swap3A_255 = arith.constant 112 : index
        %swap3A_256 = tpu.vector_load %arg16[%swap3A_254, %swap3A_255] {strides = array<i32>} : memref<40x128xf32, #tpu.memory_space<vmem>>, vector<1x16xf32>,
        %swap3A_257 = vector.shape_cast %swap3A_256 : vector<1x16xf32> to vector<16xf32>
        %swap3A_258 = vector.shape_cast %mul3A_253 : vector<16xf32> to vector<1x16xf32>
        tpu.vector_store %arg16[%swap3A_254, %swap3A_255], %swap3A_258 {strides = array<i32>} : memref<40x128xf32, #tpu.memory_space<vmem>>, vector<1x16xf32>,
      }
      %scan3A_104 = arith.constant 40 : i32
      %dma_start3A_105 = arith.constant 0 : i32
      %dma_start3A_106 = arith.constant 0 : i32
      %dma_start3A_107 = tpu.memref_slice %arg17[%dma_start3A_105, %dma_start3A_106] : memref<10000x128xf32, #tpu.memory_space<vmem_shared>> -> memref<10000x128xf32, #tpu.memory_space<vmem_shared>>
      tpu.enqueue_indirect_dma source(%arg16 : memref<40x128xf32, #tpu.memory_space<vmem>>) target(%dma_start3A_107 : memref<10000x128xf32, #tpu.memory_space<vmem_shared>>) offsets(%arg10 : memref<40xi32, #tpu.memory_space<vmem>>) semaphore(%arg22 : memref<!tpu.dma_semaphore, #tpu.memory_space<semaphore_mem>>) {add = true}
      %add3A_108 = arith.constant 1 : i32
      %add3A_109 = arith.addi %mul3A_69, %add3A_108 : i32
      %add3A_110 = arith.constant 1 : i32
      %add3A_111 = arith.addi %add3A_109, %add3A_110 : i32
      %lt3A_112 = arith.constant 50 : i32
      %lt3A_113 = arith.cmpi slt, %add3A_111, %lt3A_112 : i32
      %convert_element_type3A_114 = arith.extui %lt3A_113 : i1 to i32
      %cond3A_115 = arith.constant 0 : i32
      %cond3A_116 = arith.cmpi ne, %convert_element_type3A_114, %cond3A_115 : i32
      scf.if %cond3A_116 {
        %add3A_148 = arith.constant 1 : i32
        %add3A_149 = arith.addi %add3A_109, %add3A_148 : i32
        %mul3A_150 = arith.constant 40 : i32
        %mul3A_151 = arith.muli %add3A_149, %mul3A_150 : i32
        %dma_start3A_152 = tpu.memref_slice %arg9[%mul3A_151] : memref<2000xi32, #tpu.memory_space<vmem>> -> memref<40xi32, #tpu.memory_space<vmem>>
        %dma_start3A_153 = arith.constant 0 : i32
        %dma_start3A_154 = arith.constant 0 : i32
        %dma_start3A_155 = tpu.memref_slice %arg2[%dma_start3A_153, %dma_start3A_154] : memref<10000x128xf32, #tpu.memory_space<hbm>> -> memref<10000x128xf32, #tpu.memory_space<hbm>>
        tpu.enqueue_indirect_dma source(%dma_start3A_155 : memref<10000x128xf32, #tpu.memory_space<hbm>>) target(%arg14 : memref<40x128xf32, #tpu.memory_space<vmem>>) offsets(%dma_start3A_152 : memref<40xi32, #tpu.memory_space<vmem>>) semaphore(%arg18 : memref<!tpu.dma_semaphore, #tpu.memory_space<semaphore_mem>>)
        %add3A_156 = arith.constant 1 : i32
        %add3A_157 = arith.addi %add3A_109, %add3A_156 : i32
        %mul3A_158 = arith.constant 40 : i32
        %mul3A_159 = arith.muli %add3A_157, %mul3A_158 : i32
        %add3A_160 = arith.addi %mul3A_8, %mul3A_159 : i32
        %dma_start3A_161 = arith.constant 0 : i32
        %dma_start3A_162 = tpu.memref_slice %arg3[%add3A_160, %dma_start3A_161] : memref<64000x128xf32, #tpu.memory_space<hbm>> -> memref<40x128xf32, #tpu.memory_space<hbm>>
        %dma_start3A_163 = arith.constant 0 : i32
        %dma_start3A_164 = tpu.memref_slice %arg3[%add3A_160, %dma_start3A_163] : memref<64000x128xf32, #tpu.memory_space<hbm>> -> memref<40x128xf32, #tpu.memory_space<hbm>>
        tpu.enqueue_dma source(%dma_start3A_164 : memref<40x128xf32, #tpu.memory_space<hbm>>) target(%arg12 : memref<40x128xf32, #tpu.memory_space<vmem>>) target_semaphore(%arg20 : memref<!tpu.dma_semaphore, #tpu.memory_space<semaphore_mem>>)
        %add3A_165 = arith.constant 1 : i32
        %add3A_166 = arith.addi %add3A_109, %add3A_165 : i32
        %mul3A_167 = arith.constant 40 : i32
        %mul3A_168 = arith.muli %add3A_166, %mul3A_167 : i32
        %add3A_169 = arith.addi %add3A_6, %mul3A_168 : i32
        %dma_start3A_170 = tpu.memref_slice %arg5[%add3A_169] : memref<320000xi32, #tpu.memory_space<hbm>> -> memref<40xi32, #tpu.memory_space<hbm>>
        %dma_start3A_171 = tpu.memref_slice %arg5[%add3A_169] : memref<320000xi32, #tpu.memory_space<hbm>> -> memref<40xi32, #tpu.memory_space<hbm>>
        tpu.enqueue_dma source(%dma_start3A_171 : memref<40xi32, #tpu.memory_space<hbm>>) target(%arg10 : memref<40xi32, #tpu.memory_space<vmem>>) target_semaphore(%arg20 : memref<!tpu.dma_semaphore, #tpu.memory_space<semaphore_mem>>)
      } else {
      }
      %dma_wait3A_117 = arith.constant 0 : i32
      %dma_wait3A_118 = arith.constant 0 : i32
      %dma_wait3A_119 = tpu.memref_slice %arg2[%dma_wait3A_117, %dma_wait3A_118] : memref<10000x128xf32, #tpu.memory_space<hbm>> -> memref<40x128xf32, #tpu.memory_space<hbm>>
      %dma_wait3A_120 = arith.constant 0 : i32
      %dma_wait3A_121 = arith.constant 0 : i32
      %dma_wait3A_122 = tpu.memref_slice %arg2[%dma_wait3A_120, %dma_wait3A_121] : memref<10000x128xf32, #tpu.memory_space<hbm>> -> memref<40x128xf32, #tpu.memory_space<hbm>>
      tpu.wait_dma2 semaphore(%arg19 : memref<!tpu.dma_semaphore, #tpu.memory_space<semaphore_mem>>) src(%dma_wait3A_122 : memref<40x128xf32, #tpu.memory_space<hbm>>) dst(%arg15 : memref<40x128xf32, #tpu.memory_space<vmem>>)
      %dma_wait3A_123 = arith.constant 0 : i32
      %dma_wait3A_124 = arith.constant 0 : i32
      %dma_wait3A_125 = tpu.memref_slice %arg2[%dma_wait3A_123, %dma_wait3A_124] : memref<10000x128xf32, #tpu.memory_space<hbm>> -> memref<40x128xf32, #tpu.memory_space<hbm>>
      %dma_wait3A_126 = arith.constant 0 : i32
      %dma_wait3A_127 = arith.constant 0 : i32
      %dma_wait3A_128 = tpu.memref_slice %arg2[%dma_wait3A_126, %dma_wait3A_127] : memref<10000x128xf32, #tpu.memory_space<hbm>> -> memref<40x128xf32, #tpu.memory_space<hbm>>
      tpu.wait_dma2 semaphore(%arg21 : memref<!tpu.dma_semaphore, #tpu.memory_space<semaphore_mem>>) src(%dma_wait3A_128 : memref<40x128xf32, #tpu.memory_space<hbm>>) dst(%arg13 : memref<40x128xf32, #tpu.memory_space<vmem>>)
      %dma_wait3A_129 = arith.constant 0 : i32
      %dma_wait3A_130 = tpu.memref_slice %arg5[%dma_wait3A_129] : memref<320000xi32, #tpu.memory_space<hbm>> -> memref<40xi32, #tpu.memory_space<hbm>>
      %dma_wait3A_131 = arith.constant 0 : i32
      %dma_wait3A_132 = tpu.memref_slice %arg5[%dma_wait3A_131] : memref<320000xi32, #tpu.memory_space<hbm>> -> memref<40xi32, #tpu.memory_space<hbm>>
      tpu.wait_dma2 semaphore(%arg21 : memref<!tpu.dma_semaphore, #tpu.memory_space<semaphore_mem>>) src(%dma_wait3A_132 : memref<40xi32, #tpu.memory_space<hbm>>) dst(%arg11 : memref<40xi32, #tpu.memory_space<vmem>>)
      %not3A_133 = arith.constant false
      %not3A_134 = arith.constant true
      %not3A_135 = arith.xori %not3A_133, %not3A_134 : i1
      %convert_element_type3A_136 = arith.extui %not3A_135 : i1 to i32
      %cond3A_137 = arith.constant 0 : i32
      %cond3A_138 = arith.cmpi ne, %convert_element_type3A_136, %cond3A_137 : i32
      scf.if %cond3A_138 {
        %dma_wait3A_148 = arith.constant 0 : i32
        %dma_wait3A_149 = arith.constant 0 : i32
        %dma_wait3A_150 = tpu.memref_slice %arg2[%dma_wait3A_148, %dma_wait3A_149] : memref<10000x128xf32, #tpu.memory_space<hbm>> -> memref<40x128xf32, #tpu.memory_space<hbm>>
        %dma_wait3A_151 = arith.constant 0 : i32
        %dma_wait3A_152 = arith.constant 0 : i32
        %dma_wait3A_153 = tpu.memref_slice %arg2[%dma_wait3A_151, %dma_wait3A_152] : memref<10000x128xf32, #tpu.memory_space<hbm>> -> memref<40x128xf32, #tpu.memory_space<hbm>>
        tpu.wait_dma2 semaphore(%arg22 : memref<!tpu.dma_semaphore, #tpu.memory_space<semaphore_mem>>) src(%dma_wait3A_153 : memref<40x128xf32, #tpu.memory_space<hbm>>) dst(%arg16 : memref<40x128xf32, #tpu.memory_space<vmem>>)
      } else {
      }
      %scan3A_139 = arith.constant 0 : i32
      %scan3A_140 = arith.constant 0 : i32
      %scan3A_141 = arith.constant 40 : i32
      %scan3A_142 = arith.addi %scan3A_140, %scan3A_141 : i32
      %scan3A_143 = arith.constant 1 : i32
      scf.for %scan3A_148 = %scan3A_140 to %scan3A_142 step %scan3A_143  : i32 {
        %get3A = arith.index_cast %scan3A_148 : i32 to index
        %get3A_149 = arith.constant 0 : index
        %get3A_150 = tpu.vector_load %arg15[%get3A, %get3A_149] {strides = array<i32>} : memref<40x128xf32, #tpu.memory_space<vmem>>, vector<1x16xf32>,
        %get3A_151 = vector.shape_cast %get3A_150 : vector<1x16xf32> to vector<16xf32>
        %get3A_152 = arith.index_cast %scan3A_148 : i32 to index
        %get3A_153 = arith.constant 0 : index
        %get3A_154 = tpu.vector_load %arg13[%get3A_152, %get3A_153] {strides = array<i32>} : memref<40x128xf32, #tpu.memory_space<vmem>>, vector<1x16xf32>,
        %get3A_155 = vector.shape_cast %get3A_154 : vector<1x16xf32> to vector<16xf32>
        %mul3A_156 = arith.mulf %get3A_151, %get3A_155 : vector<16xf32>
        %swap3A = arith.index_cast %scan3A_148 : i32 to index
        %swap3A_157 = arith.constant 0 : index
        %swap3A_158 = tpu.vector_load %arg16[%swap3A, %swap3A_157] {strides = array<i32>} : memref<40x128xf32, #tpu.memory_space<vmem>>, vector<1x16xf32>,
        %swap3A_159 = vector.shape_cast %swap3A_158 : vector<1x16xf32> to vector<16xf32>
        %swap3A_160 = vector.shape_cast %mul3A_156 : vector<16xf32> to vector<1x16xf32>
        tpu.vector_store %arg16[%swap3A, %swap3A_157], %swap3A_160 {strides = array<i32>} : memref<40x128xf32, #tpu.memory_space<vmem>>, vector<1x16xf32>,
        %get3A_161 = arith.index_cast %scan3A_148 : i32 to index
        %get3A_162 = arith.constant 16 : index
        %get3A_163 = tpu.vector_load %arg15[%get3A_161, %get3A_162] {strides = array<i32>} : memref<40x128xf32, #tpu.memory_space<vmem>>, vector<1x16xf32>,
        %get3A_164 = vector.shape_cast %get3A_163 : vector<1x16xf32> to vector<16xf32>
        %get3A_165 = arith.index_cast %scan3A_148 : i32 to index
        %get3A_166 = arith.constant 16 : index
        %get3A_167 = tpu.vector_load %arg13[%get3A_165, %get3A_166] {strides = array<i32>} : memref<40x128xf32, #tpu.memory_space<vmem>>, vector<1x16xf32>,
        %get3A_168 = vector.shape_cast %get3A_167 : vector<1x16xf32> to vector<16xf32>
        %mul3A_169 = arith.mulf %get3A_164, %get3A_168 : vector<16xf32>
        %swap3A_170 = arith.index_cast %scan3A_148 : i32 to index
        %swap3A_171 = arith.constant 16 : index
        %swap3A_172 = tpu.vector_load %arg16[%swap3A_170, %swap3A_171] {strides = array<i32>} : memref<40x128xf32, #tpu.memory_space<vmem>>, vector<1x16xf32>,
        %swap3A_173 = vector.shape_cast %swap3A_172 : vector<1x16xf32> to vector<16xf32>
        %swap3A_174 = vector.shape_cast %mul3A_169 : vector<16xf32> to vector<1x16xf32>
        tpu.vector_store %arg16[%swap3A_170, %swap3A_171], %swap3A_174 {strides = array<i32>} : memref<40x128xf32, #tpu.memory_space<vmem>>, vector<1x16xf32>,
        %get3A_175 = arith.index_cast %scan3A_148 : i32 to index
        %get3A_176 = arith.constant 32 : index
        %get3A_177 = tpu.vector_load %arg15[%get3A_175, %get3A_176] {strides = array<i32>} : memref<40x128xf32, #tpu.memory_space<vmem>>, vector<1x16xf32>,
        %get3A_178 = vector.shape_cast %get3A_177 : vector<1x16xf32> to vector<16xf32>
        %get3A_179 = arith.index_cast %scan3A_148 : i32 to index
        %get3A_180 = arith.constant 32 : index
        %get3A_181 = tpu.vector_load %arg13[%get3A_179, %get3A_180] {strides = array<i32>} : memref<40x128xf32, #tpu.memory_space<vmem>>, vector<1x16xf32>,
        %get3A_182 = vector.shape_cast %get3A_181 : vector<1x16xf32> to vector<16xf32>
        %mul3A_183 = arith.mulf %get3A_178, %get3A_182 : vector<16xf32>
        %swap3A_184 = arith.index_cast %scan3A_148 : i32 to index
        %swap3A_185 = arith.constant 32 : index
        %swap3A_186 = tpu.vector_load %arg16[%swap3A_184, %swap3A_185] {strides = array<i32>} : memref<40x128xf32, #tpu.memory_space<vmem>>, vector<1x16xf32>,
        %swap3A_187 = vector.shape_cast %swap3A_186 : vector<1x16xf32> to vector<16xf32>
        %swap3A_188 = vector.shape_cast %mul3A_183 : vector<16xf32> to vector<1x16xf32>
        tpu.vector_store %arg16[%swap3A_184, %swap3A_185], %swap3A_188 {strides = array<i32>} : memref<40x128xf32, #tpu.memory_space<vmem>>, vector<1x16xf32>,
        %get3A_189 = arith.index_cast %scan3A_148 : i32 to index
        %get3A_190 = arith.constant 48 : index
        %get3A_191 = tpu.vector_load %arg15[%get3A_189, %get3A_190] {strides = array<i32>} : memref<40x128xf32, #tpu.memory_space<vmem>>, vector<1x16xf32>,
        %get3A_192 = vector.shape_cast %get3A_191 : vector<1x16xf32> to vector<16xf32>
        %get3A_193 = arith.index_cast %scan3A_148 : i32 to index
        %get3A_194 = arith.constant 48 : index
        %get3A_195 = tpu.vector_load %arg13[%get3A_193, %get3A_194] {strides = array<i32>} : memref<40x128xf32, #tpu.memory_space<vmem>>, vector<1x16xf32>,
        %get3A_196 = vector.shape_cast %get3A_195 : vector<1x16xf32> to vector<16xf32>
        %mul3A_197 = arith.mulf %get3A_192, %get3A_196 : vector<16xf32>
        %swap3A_198 = arith.index_cast %scan3A_148 : i32 to index
        %swap3A_199 = arith.constant 48 : index
        %swap3A_200 = tpu.vector_load %arg16[%swap3A_198, %swap3A_199] {strides = array<i32>} : memref<40x128xf32, #tpu.memory_space<vmem>>, vector<1x16xf32>,
        %swap3A_201 = vector.shape_cast %swap3A_200 : vector<1x16xf32> to vector<16xf32>
        %swap3A_202 = vector.shape_cast %mul3A_197 : vector<16xf32> to vector<1x16xf32>
        tpu.vector_store %arg16[%swap3A_198, %swap3A_199], %swap3A_202 {strides = array<i32>} : memref<40x128xf32, #tpu.memory_space<vmem>>, vector<1x16xf32>,
        %get3A_203 = arith.index_cast %scan3A_148 : i32 to index
        %get3A_204 = arith.constant 64 : index
        %get3A_205 = tpu.vector_load %arg15[%get3A_203, %get3A_204] {strides = array<i32>} : memref<40x128xf32, #tpu.memory_space<vmem>>, vector<1x16xf32>,
        %get3A_206 = vector.shape_cast %get3A_205 : vector<1x16xf32> to vector<16xf32>
        %get3A_207 = arith.index_cast %scan3A_148 : i32 to index
        %get3A_208 = arith.constant 64 : index
        %get3A_209 = tpu.vector_load %arg13[%get3A_207, %get3A_208] {strides = array<i32>} : memref<40x128xf32, #tpu.memory_space<vmem>>, vector<1x16xf32>,
        %get3A_210 = vector.shape_cast %get3A_209 : vector<1x16xf32> to vector<16xf32>
        %mul3A_211 = arith.mulf %get3A_206, %get3A_210 : vector<16xf32>
        %swap3A_212 = arith.index_cast %scan3A_148 : i32 to index
        %swap3A_213 = arith.constant 64 : index
        %swap3A_214 = tpu.vector_load %arg16[%swap3A_212, %swap3A_213] {strides = array<i32>} : memref<40x128xf32, #tpu.memory_space<vmem>>, vector<1x16xf32>,
        %swap3A_215 = vector.shape_cast %swap3A_214 : vector<1x16xf32> to vector<16xf32>
        %swap3A_216 = vector.shape_cast %mul3A_211 : vector<16xf32> to vector<1x16xf32>
        tpu.vector_store %arg16[%swap3A_212, %swap3A_213], %swap3A_216 {strides = array<i32>} : memref<40x128xf32, #tpu.memory_space<vmem>>, vector<1x16xf32>,
        %get3A_217 = arith.index_cast %scan3A_148 : i32 to index
        %get3A_218 = arith.constant 80 : index
        %get3A_219 = tpu.vector_load %arg15[%get3A_217, %get3A_218] {strides = array<i32>} : memref<40x128xf32, #tpu.memory_space<vmem>>, vector<1x16xf32>,
        %get3A_220 = vector.shape_cast %get3A_219 : vector<1x16xf32> to vector<16xf32>
        %get3A_221 = arith.index_cast %scan3A_148 : i32 to index
        %get3A_222 = arith.constant 80 : index
        %get3A_223 = tpu.vector_load %arg13[%get3A_221, %get3A_222] {strides = array<i32>} : memref<40x128xf32, #tpu.memory_space<vmem>>, vector<1x16xf32>,
        %get3A_224 = vector.shape_cast %get3A_223 : vector<1x16xf32> to vector<16xf32>
        %mul3A_225 = arith.mulf %get3A_220, %get3A_224 : vector<16xf32>
        %swap3A_226 = arith.index_cast %scan3A_148 : i32 to index
        %swap3A_227 = arith.constant 80 : index
        %swap3A_228 = tpu.vector_load %arg16[%swap3A_226, %swap3A_227] {strides = array<i32>} : memref<40x128xf32, #tpu.memory_space<vmem>>, vector<1x16xf32>,
        %swap3A_229 = vector.shape_cast %swap3A_228 : vector<1x16xf32> to vector<16xf32>
        %swap3A_230 = vector.shape_cast %mul3A_225 : vector<16xf32> to vector<1x16xf32>
        tpu.vector_store %arg16[%swap3A_226, %swap3A_227], %swap3A_230 {strides = array<i32>} : memref<40x128xf32, #tpu.memory_space<vmem>>, vector<1x16xf32>,
        %get3A_231 = arith.index_cast %scan3A_148 : i32 to index
        %get3A_232 = arith.constant 96 : index
        %get3A_233 = tpu.vector_load %arg15[%get3A_231, %get3A_232] {strides = array<i32>} : memref<40x128xf32, #tpu.memory_space<vmem>>, vector<1x16xf32>,
        %get3A_234 = vector.shape_cast %get3A_233 : vector<1x16xf32> to vector<16xf32>
        %get3A_235 = arith.index_cast %scan3A_148 : i32 to index
        %get3A_236 = arith.constant 96 : index
        %get3A_237 = tpu.vector_load %arg13[%get3A_235, %get3A_236] {strides = array<i32>} : memref<40x128xf32, #tpu.memory_space<vmem>>, vector<1x16xf32>,
        %get3A_238 = vector.shape_cast %get3A_237 : vector<1x16xf32> to vector<16xf32>
        %mul3A_239 = arith.mulf %get3A_234, %get3A_238 : vector<16xf32>
        %swap3A_240 = arith.index_cast %scan3A_148 : i32 to index
        %swap3A_241 = arith.constant 96 : index
        %swap3A_242 = tpu.vector_load %arg16[%swap3A_240, %swap3A_241] {strides = array<i32>} : memref<40x128xf32, #tpu.memory_space<vmem>>, vector<1x16xf32>,
        %swap3A_243 = vector.shape_cast %swap3A_242 : vector<1x16xf32> to vector<16xf32>
        %swap3A_244 = vector.shape_cast %mul3A_239 : vector<16xf32> to vector<1x16xf32>
        tpu.vector_store %arg16[%swap3A_240, %swap3A_241], %swap3A_244 {strides = array<i32>} : memref<40x128xf32, #tpu.memory_space<vmem>>, vector<1x16xf32>,
        %get3A_245 = arith.index_cast %scan3A_148 : i32 to index
        %get3A_246 = arith.constant 112 : index
        %get3A_247 = tpu.vector_load %arg15[%get3A_245, %get3A_246] {strides = array<i32>} : memref<40x128xf32, #tpu.memory_space<vmem>>, vector<1x16xf32>,
        %get3A_248 = vector.shape_cast %get3A_247 : vector<1x16xf32> to vector<16xf32>
        %get3A_249 = arith.index_cast %scan3A_148 : i32 to index
        %get3A_250 = arith.constant 112 : index
        %get3A_251 = tpu.vector_load %arg13[%get3A_249, %get3A_250] {strides = array<i32>} : memref<40x128xf32, #tpu.memory_space<vmem>>, vector<1x16xf32>,
        %get3A_252 = vector.shape_cast %get3A_251 : vector<1x16xf32> to vector<16xf32>
        %mul3A_253 = arith.mulf %get3A_248, %get3A_252 : vector<16xf32>
        %swap3A_254 = arith.index_cast %scan3A_148 : i32 to index
        %swap3A_255 = arith.constant 112 : index
        %swap3A_256 = tpu.vector_load %arg16[%swap3A_254, %swap3A_255] {strides = array<i32>} : memref<40x128xf32, #tpu.memory_space<vmem>>, vector<1x16xf32>,
        %swap3A_257 = vector.shape_cast %swap3A_256 : vector<1x16xf32> to vector<16xf32>
        %swap3A_258 = vector.shape_cast %mul3A_253 : vector<16xf32> to vector<1x16xf32>
        tpu.vector_store %arg16[%swap3A_254, %swap3A_255], %swap3A_258 {strides = array<i32>} : memref<40x128xf32, #tpu.memory_space<vmem>>, vector<1x16xf32>,
      }
      %scan3A_144 = arith.constant 40 : i32
      %dma_start3A_145 = arith.constant 0 : i32
      %dma_start3A_146 = arith.constant 0 : i32
      %dma_start3A_147 = tpu.memref_slice %arg17[%dma_start3A_145, %dma_start3A_146] : memref<10000x128xf32, #tpu.memory_space<vmem_shared>> -> memref<10000x128xf32, #tpu.memory_space<vmem_shared>>
      tpu.enqueue_indirect_dma source(%arg16 : memref<40x128xf32, #tpu.memory_space<vmem>>) target(%dma_start3A_147 : memref<10000x128xf32, #tpu.memory_space<vmem_shared>>) offsets(%arg11 : memref<40xi32, #tpu.memory_space<vmem>>) semaphore(%arg22 : memref<!tpu.dma_semaphore, #tpu.memory_space<semaphore_mem>>) {add = true}
    }
    %scan3A_29 = arith.constant 25 : i32
    %dma_wait3A = arith.constant 0 : i32
    %dma_wait3A_30 = arith.constant 0 : i32
    %dma_wait3A_31 = tpu.memref_slice %arg2[%dma_wait3A, %dma_wait3A_30] : memref<10000x128xf32, #tpu.memory_space<hbm>> -> memref<40x128xf32, #tpu.memory_space<hbm>>
    %dma_wait3A_32 = arith.constant 0 : i32
    %dma_wait3A_33 = arith.constant 0 : i32
    %dma_wait3A_34 = tpu.memref_slice %arg2[%dma_wait3A_32, %dma_wait3A_33] : memref<10000x128xf32, #tpu.memory_space<hbm>> -> memref<40x128xf32, #tpu.memory_space<hbm>>
    tpu.wait_dma2 semaphore(%arg22 : memref<!tpu.dma_semaphore, #tpu.memory_space<semaphore_mem>>) src(%dma_wait3A_34 : memref<40x128xf32, #tpu.memory_space<hbm>>) dst(%arg16 : memref<40x128xf32, #tpu.memory_space<vmem>>)
    %barrier3A_35 = arith.constant 0 : index
    tpu.barrier barrier_id(%barrier3A_35)
    %eq3A_36 = arith.constant 0 : i32
    %eq3A_37 = arith.cmpi eq, %arg0, %eq3A_36 : i32
    %lt3A_38 = arith.constant 15 : i32
    %lt3A_39 = arith.cmpi slt, %arg1, %lt3A_38 : i32
    %and3A = arith.andi %eq3A_37, %lt3A_39 : i1
    %convert_element_type3A_40 = arith.extui %and3A : i1 to i32
    %cond3A_41 = arith.constant 0 : i32
    %cond3A_42 = arith.cmpi ne, %convert_element_type3A_40, %cond3A_41 : i32
    scf.if %cond3A_42 {
      "tpu.region"() ({
        %run_scoped3A = tpu.sem_alloc : memref<!tpu.dma_semaphore, #tpu.memory_space<semaphore_mem>>
        %dma_start3A_67 = arith.constant 0 : i32
        %dma_start3A_68 = tpu.memref_slice %arg7[%mul3A_2, %dma_start3A_67] : memref<10000x128xf32, #tpu.memory_space<hbm>> -> memref<624x128xf32, #tpu.memory_space<hbm>>
        %dma_start3A_69 = arith.constant 0 : i32
        %dma_start3A_70 = tpu.memref_slice %arg17[%mul3A_2, %dma_start3A_69] : memref<10000x128xf32, #tpu.memory_space<vmem_shared>> -> memref<624x128xf32, #tpu.memory_space<vmem_shared>>
        tpu.enqueue_dma source(%dma_start3A_70 : memref<624x128xf32, #tpu.memory_space<vmem_shared>>) target(%dma_start3A_68 : memref<624x128xf32, #tpu.memory_space<hbm>>) target_semaphore(%run_scoped3A : memref<!tpu.dma_semaphore, #tpu.memory_space<semaphore_mem>>)
        %dma_wait3A_71 = arith.constant 0 : i32
        %dma_wait3A_72 = tpu.memref_slice %arg7[%mul3A_2, %dma_wait3A_71] : memref<10000x128xf32, #tpu.memory_space<hbm>> -> memref<624x128xf32, #tpu.memory_space<hbm>>
        %dma_wait3A_73 = arith.constant 0 : i32
        %dma_wait3A_74 = tpu.memref_slice %arg17[%mul3A_2, %dma_wait3A_73] : memref<10000x128xf32, #tpu.memory_space<vmem_shared>> -> memref<624x128xf32, #tpu.memory_space<vmem_shared>>
        tpu.wait_dma2 semaphore(%run_scoped3A : memref<!tpu.dma_semaphore, #tpu.memory_space<semaphore_mem>>) src(%dma_wait3A_74 : memref<624x128xf32, #tpu.memory_space<vmem_shared>>) dst(%dma_wait3A_72 : memref<624x128xf32, #tpu.memory_space<hbm>>)
        tpu.yield
      }) : () -> ()
    } else {
    }
    %eq3A_43 = arith.constant 0 : i32
    %eq3A_44 = arith.cmpi eq, %arg0, %eq3A_43 : i32
    %eq3A_45 = arith.constant 15 : i32
    %eq3A_46 = arith.cmpi eq, %arg1, %eq3A_45 : i32
    %and3A_47 = arith.andi %eq3A_44, %eq3A_46 : i1
    %convert_element_type3A_48 = arith.extui %and3A_47 : i1 to i32
    %cond3A_49 = arith.constant 0 : i32
    %cond3A_50 = arith.cmpi ne, %convert_element_type3A_48, %cond3A_49 : i32
    scf.if %cond3A_50 {
      "tpu.region"() ({
        %run_scoped3A = tpu.sem_alloc : memref<!tpu.dma_semaphore, #tpu.memory_space<semaphore_mem>>
        %dma_start3A_67 = arith.constant 9360 : i32
        %dma_start3A_68 = arith.constant 0 : i32
        %dma_start3A_69 = tpu.memref_slice %arg7[%dma_start3A_67, %dma_start3A_68] : memref<10000x128xf32, #tpu.memory_space<hbm>> -> memref<640x128xf32, #tpu.memory_space<hbm>>
        %dma_start3A_70 = arith.constant 9360 : i32
        %dma_start3A_71 = arith.constant 0 : i32
        %dma_start3A_72 = tpu.memref_slice %arg17[%dma_start3A_70, %dma_start3A_71] : memref<10000x128xf32, #tpu.memory_space<vmem_shared>> -> memref<640x128xf32, #tpu.memory_space<vmem_shared>>
        tpu.enqueue_dma source(%dma_start3A_72 : memref<640x128xf32, #tpu.memory_space<vmem_shared>>) target(%dma_start3A_69 : memref<640x128xf32, #tpu.memory_space<hbm>>) target_semaphore(%run_scoped3A : memref<!tpu.dma_semaphore, #tpu.memory_space<semaphore_mem>>)
        %dma_wait3A_73 = arith.constant 9360 : i32
        %dma_wait3A_74 = arith.constant 0 : i32
        %dma_wait3A_75 = tpu.memref_slice %arg7[%dma_wait3A_73, %dma_wait3A_74] : memref<10000x128xf32, #tpu.memory_space<hbm>> -> memref<640x128xf32, #tpu.memory_space<hbm>>
        %dma_wait3A_76 = arith.constant 9360 : i32
        %dma_wait3A_77 = arith.constant 0 : i32
        %dma_wait3A_78 = tpu.memref_slice %arg17[%dma_wait3A_76, %dma_wait3A_77] : memref<10000x128xf32, #tpu.memory_space<vmem_shared>> -> memref<640x128xf32, #tpu.memory_space<vmem_shared>>
        tpu.wait_dma2 semaphore(%run_scoped3A : memref<!tpu.dma_semaphore, #tpu.memory_space<semaphore_mem>>) src(%dma_wait3A_78 : memref<640x128xf32, #tpu.memory_space<vmem_shared>>) dst(%dma_wait3A_75 : memref<640x128xf32, #tpu.memory_space<hbm>>)
        tpu.yield
      }) : () -> ()
    } else {
    }
    %eq3A_51 = arith.constant 1 : i32
    %eq3A_52 = arith.cmpi eq, %arg0, %eq3A_51 : i32
    %lt3A_53 = arith.constant 15 : i32
    %lt3A_54 = arith.cmpi slt, %arg1, %lt3A_53 : i32
    %and3A_55 = arith.andi %eq3A_52, %lt3A_54 : i1
    %convert_element_type3A_56 = arith.extui %and3A_55 : i1 to i32
    %cond3A_57 = arith.constant 0 : i32
    %cond3A_58 = arith.cmpi ne, %convert_element_type3A_56, %cond3A_57 : i32
    scf.if %cond3A_58 {
      "tpu.region"() ({
        %run_scoped3A = tpu.sem_alloc : memref<!tpu.dma_semaphore, #tpu.memory_space<semaphore_mem>>
        %dma_start3A_67 = arith.constant 0 : i32
        %dma_start3A_68 = tpu.memref_slice %arg8[%mul3A_2, %dma_start3A_67] : memref<10000x128xf32, #tpu.memory_space<hbm>> -> memref<624x128xf32, #tpu.memory_space<hbm>>
        %dma_start3A_69 = arith.constant 0 : i32
        %dma_start3A_70 = tpu.memref_slice %arg17[%mul3A_2, %dma_start3A_69] : memref<10000x128xf32, #tpu.memory_space<vmem_shared>> -> memref<624x128xf32, #tpu.memory_space<vmem_shared>>
        tpu.enqueue_dma source(%dma_start3A_70 : memref<624x128xf32, #tpu.memory_space<vmem_shared>>) target(%dma_start3A_68 : memref<624x128xf32, #tpu.memory_space<hbm>>) target_semaphore(%run_scoped3A : memref<!tpu.dma_semaphore, #tpu.memory_space<semaphore_mem>>)
        %dma_wait3A_71 = arith.constant 0 : i32
        %dma_wait3A_72 = tpu.memref_slice %arg8[%mul3A_2, %dma_wait3A_71] : memref<10000x128xf32, #tpu.memory_space<hbm>> -> memref<624x128xf32, #tpu.memory_space<hbm>>
        %dma_wait3A_73 = arith.constant 0 : i32
        %dma_wait3A_74 = tpu.memref_slice %arg17[%mul3A_2, %dma_wait3A_73] : memref<10000x128xf32, #tpu.memory_space<vmem_shared>> -> memref<624x128xf32, #tpu.memory_space<vmem_shared>>
        tpu.wait_dma2 semaphore(%run_scoped3A : memref<!tpu.dma_semaphore, #tpu.memory_space<semaphore_mem>>) src(%dma_wait3A_74 : memref<624x128xf32, #tpu.memory_space<vmem_shared>>) dst(%dma_wait3A_72 : memref<624x128xf32, #tpu.memory_space<hbm>>)
        tpu.yield
      }) : () -> ()
    } else {
    }
    %eq3A_59 = arith.constant 1 : i32
    %eq3A_60 = arith.cmpi eq, %arg0, %eq3A_59 : i32
    %eq3A_61 = arith.constant 15 : i32
    %eq3A_62 = arith.cmpi eq, %arg1, %eq3A_61 : i32
    %and3A_63 = arith.andi %eq3A_60, %eq3A_62 : i1
    %convert_element_type3A_64 = arith.extui %and3A_63 : i1 to i32
    %cond3A_65 = arith.constant 0 : i32
    %cond3A_66 = arith.cmpi ne, %convert_element_type3A_64, %cond3A_65 : i32
    scf.if %cond3A_66 {
      "tpu.region"() ({
        %run_scoped3A = tpu.sem_alloc : memref<!tpu.dma_semaphore, #tpu.memory_space<semaphore_mem>>
        %dma_start3A_67 = arith.constant 9360 : i32
        %dma_start3A_68 = arith.constant 0 : i32
        %dma_start3A_69 = tpu.memref_slice %arg8[%dma_start3A_67, %dma_start3A_68] : memref<10000x128xf32, #tpu.memory_space<hbm>> -> memref<640x128xf32, #tpu.memory_space<hbm>>
        %dma_start3A_70 = arith.constant 9360 : i32
        %dma_start3A_71 = arith.constant 0 : i32
        %dma_start3A_72 = tpu.memref_slice %arg17[%dma_start3A_70, %dma_start3A_71] : memref<10000x128xf32, #tpu.memory_space<vmem_shared>> -> memref<640x128xf32, #tpu.memory_space<vmem_shared>>
        tpu.enqueue_dma source(%dma_start3A_72 : memref<640x128xf32, #tpu.memory_space<vmem_shared>>) target(%dma_start3A_69 : memref<640x128xf32, #tpu.memory_space<hbm>>) target_semaphore(%run_scoped3A : memref<!tpu.dma_semaphore, #tpu.memory_space<semaphore_mem>>)
        %dma_wait3A_73 = arith.constant 9360 : i32
        %dma_wait3A_74 = arith.constant 0 : i32
        %dma_wait3A_75 = tpu.memref_slice %arg8[%dma_wait3A_73, %dma_wait3A_74] : memref<10000x128xf32, #tpu.memory_space<hbm>> -> memref<640x128xf32, #tpu.memory_space<hbm>>
        %dma_wait3A_76 = arith.constant 9360 : i32
        %dma_wait3A_77 = arith.constant 0 : i32
        %dma_wait3A_78 = tpu.memref_slice %arg17[%dma_wait3A_76, %dma_wait3A_77] : memref<10000x128xf32, #tpu.memory_space<vmem_shared>> -> memref<640x128xf32, #tpu.memory_space<vmem_shared>>
        tpu.wait_dma2 semaphore(%run_scoped3A : memref<!tpu.dma_semaphore, #tpu.memory_space<semaphore_mem>>) src(%dma_wait3A_78 : memref<640x128xf32, #tpu.memory_space<vmem_shared>>) dst(%dma_wait3A_75 : memref<640x128xf32, #tpu.memory_space<hbm>>)
        tpu.yield
      }) : () -> ()
    } else {
    }
    return
  }
}

#map = affine_map<(d0, d1) -> (0, 0)>
#map1 = affine_map<(d0, d1) -> (0)>
module attributes {stable_mosaic.version = 14 : i64} {
  func.func @k(%arg0: i32, %arg1: i32, %arg2: memref<10000x128xf32, #tpu.memory_space<hbm>>, %arg3: memref<64000x128xf32, #tpu.memory_space<hbm>>, %arg4: memref<320000xi32, #tpu.memory_space<hbm>>, %arg5: memref<320000xi32, #tpu.memory_space<hbm>>, %arg6: memref<10000x128xf32, #tpu.memory_space<hbm>>, %arg7: memref<10000x128xf32, #tpu.memory_space<hbm>>, %arg8: memref<10000x128xf32, #tpu.memory_space<hbm>>, %arg9: memref<2000xi32, #tpu.memory_space<vmem>>, %arg10: memref<40xi32, #tpu.memory_space<vmem>>, %arg11: memref<40xi32, #tpu.memory_space<vmem>>, %arg12: memref<40x128xf32, #tpu.memory_space<vmem>>, %arg13: memref<40x128xf32, #tpu.memory_space<vmem>>, %arg14: memref<40x128xf32, #tpu.memory_space<vmem>>, %arg15: memref<40x128xf32, #tpu.memory_space<vmem>>, %arg16: memref<40x128xf32, #tpu.memory_space<vmem>>, %arg17: memref<10000x128xf32, #tpu.memory_space<vmem_shared>>, %arg18: memref<!tpu.dma_semaphore, #tpu.memory_space<semaphore_mem>>, %arg19: memref<!tpu.dma_semaphore, #tpu.memory_space<semaphore_mem>>, %arg20: memref<!tpu.dma_semaphore, #tpu.memory_space<semaphore_mem>>, %arg21: memref<!tpu.dma_semaphore, #tpu.memory_space<semaphore_mem>>, %arg22: memref<!tpu.dma_semaphore, #tpu.memory_space<semaphore_mem>>) attributes {dimension_semantics = [#tpu.dimension_semantics<core_parallel>, #tpu.dimension_semantics<subcore_parallel>], iteration_bounds = array<i64: 2, 16>, scalar_prefetch = 0 : i64, scratch_operands = 14 : i64, tpu.core_type = #tpu.core_type<sc_vector_subcore>, window_params = [{transform_indices = #map}, {transform_indices = #map}, {transform_indices = #map1}, {transform_indices = #map1}, {transform_indices = #map}, {transform_indices = #map}, {transform_indices = #map}]} {
    %mul3A = arith.constant 2 : i32
    %mul3A_0 = arith.muli %arg1, %mul3A : i32
    %add3A = arith.addi %mul3A_0, %arg0 : i32
    %mul3A_1 = arith.constant 624 : i32
    %mul3A_2 = arith.muli %arg1, %mul3A_1 : i32
    %mul3A_3 = arith.constant 2000 : i32
    %mul3A_4 = arith.muli %add3A, %mul3A_3 : i32
    %add3A_5 = arith.constant 192000 : i32
    %add3A_6 = arith.addi %add3A_5, %mul3A_4 : i32
    %mul3A_7 = arith.constant 2000 : i32
    %mul3A_8 = arith.muli %add3A, %mul3A_7 : i32
    %lt3A = arith.constant 15 : i32
    %lt3A_9 = arith.cmpi slt, %arg1, %lt3A : i32
    %convert_element_type3A = arith.extui %lt3A_9 : i1 to i32
    %cond3A = arith.constant 0 : i32
    %cond3A_10 = arith.cmpi ne, %convert_element_type3A, %cond3A : i32
    scf.if %cond3A_10 {
      "tpu.region"() ({
        %run_scoped3A = tpu.sem_alloc : memref<!tpu.dma_semaphore, #tpu.memory_space<semaphore_mem>>
        %dma_start3A_67 = arith.constant 0 : i32
        %dma_start3A_68 = tpu.memref_slice %arg17[%mul3A_2, %dma_start3A_67] : memref<10000x128xf32, #tpu.memory_space<vmem_shared>> -> memref<624x128xf32, #tpu.memory_space<vmem_shared>>
        %dma_start3A_69 = arith.constant 0 : i32
        %dma_start3A_70 = tpu.memref_slice %arg6[%mul3A_2, %dma_start3A_69] : memref<10000x128xf32, #tpu.memory_space<hbm>> -> memref<624x128xf32, #tpu.memory_space<hbm>>
        tpu.enqueue_dma source(%dma_start3A_70 : memref<624x128xf32, #tpu.memory_space<hbm>>) target(%dma_start3A_68 : memref<624x128xf32, #tpu.memory_space<vmem_shared>>) target_semaphore(%run_scoped3A : memref<!tpu.dma_semaphore, #tpu.memory_space<semaphore_mem>>)
        %dma_wait3A_71 = arith.constant 0 : i32
        %dma_wait3A_72 = tpu.memref_slice %arg17[%mul3A_2, %dma_wait3A_71] : memref<10000x128xf32, #tpu.memory_space<vmem_shared>> -> memref<624x128xf32, #tpu.memory_space<vmem_shared>>
        %dma_wait3A_73 = arith.constant 0 : i32
        %dma_wait3A_74 = tpu.memref_slice %arg6[%mul3A_2, %dma_wait3A_73] : memref<10000x128xf32, #tpu.memory_space<hbm>> -> memref<624x128xf32, #tpu.memory_space<hbm>>
        tpu.wait_dma2 semaphore(%run_scoped3A : memref<!tpu.dma_semaphore, #tpu.memory_space<semaphore_mem>>) src(%dma_wait3A_74 : memref<624x128xf32, #tpu.memory_space<hbm>>) dst(%dma_wait3A_72 : memref<624x128xf32, #tpu.memory_space<vmem_shared>>)
        tpu.yield
      }) : () -> ()
    } else {
    }
    %eq3A = arith.constant 15 : i32
    %eq3A_11 = arith.cmpi eq, %arg1, %eq3A : i32
    %convert_element_type3A_12 = arith.extui %eq3A_11 : i1 to i32
    %cond3A_13 = arith.constant 0 : i32
    %cond3A_14 = arith.cmpi ne, %convert_element_type3A_12, %cond3A_13 : i32
    scf.if %cond3A_14 {
      "tpu.region"() ({
        %run_scoped3A = tpu.sem_alloc : memref<!tpu.dma_semaphore, #tpu.memory_space<semaphore_mem>>
        %dma_start3A_67 = arith.constant 9360 : i32
        %dma_start3A_68 = arith.constant 0 : i32
        %dma_start3A_69 = tpu.memref_slice %arg17[%dma_start3A_67, %dma_start3A_68] : memref<10000x128xf32, #tpu.memory_space<vmem_shared>> -> memref<640x128xf32, #tpu.memory_space<vmem_shared>>
        %dma_start3A_70 = arith.constant 9360 : i32
        %dma_start3A_71 = arith.constant 0 : i32
        %dma_start3A_72 = tpu.memref_slice %arg6[%dma_start3A_70, %dma_start3A_71] : memref<10000x128xf32, #tpu.memory_space<hbm>> -> memref<640x128xf32, #tpu.memory_space<hbm>>
        tpu.enqueue_dma source(%dma_start3A_72 : memref<640x128xf32, #tpu.memory_space<hbm>>) target(%dma_start3A_69 : memref<640x128xf32, #tpu.memory_space<vmem_shared>>) target_semaphore(%run_scoped3A : memref<!tpu.dma_semaphore, #tpu.memory_space<semaphore_mem>>)
        %dma_wait3A_73 = arith.constant 9360 : i32
        %dma_wait3A_74 = arith.constant 0 : i32
        %dma_wait3A_75 = tpu.memref_slice %arg17[%dma_wait3A_73, %dma_wait3A_74] : memref<10000x128xf32, #tpu.memory_space<vmem_shared>> -> memref<640x128xf32, #tpu.memory_space<vmem_shared>>
        %dma_wait3A_76 = arith.constant 9360 : i32
        %dma_wait3A_77 = arith.constant 0 : i32
        %dma_wait3A_78 = tpu.memref_slice %arg6[%dma_wait3A_76, %dma_wait3A_77] : memref<10000x128xf32, #tpu.memory_space<hbm>> -> memref<640x128xf32, #tpu.memory_space<hbm>>
        tpu.wait_dma2 semaphore(%run_scoped3A : memref<!tpu.dma_semaphore, #tpu.memory_space<semaphore_mem>>) src(%dma_wait3A_78 : memref<640x128xf32, #tpu.memory_space<hbm>>) dst(%dma_wait3A_75 : memref<640x128xf32, #tpu.memory_space<vmem_shared>>)
        tpu.yield
      }) : () -> ()
    } else {
    }
    "tpu.region"() ({
      %run_scoped3A = tpu.sem_alloc : memref<!tpu.dma_semaphore, #tpu.memory_space<semaphore_mem>>
      %dma_start3A_67 = tpu.memref_slice %arg4[%add3A_6] : memref<320000xi32, #tpu.memory_space<hbm>> -> memref<2000xi32, #tpu.memory_space<hbm>>
      %dma_start3A_68 = tpu.memref_slice %arg4[%add3A_6] : memref<320000xi32, #tpu.memory_space<hbm>> -> memref<2000xi32, #tpu.memory_space<hbm>>
      tpu.enqueue_dma source(%dma_start3A_68 : memref<2000xi32, #tpu.memory_space<hbm>>) target(%arg9 : memref<2000xi32, #tpu.memory_space<vmem>>) target_semaphore(%run_scoped3A : memref<!tpu.dma_semaphore, #tpu.memory_space<semaphore_mem>>)
      %dma_wait3A_69 = tpu.memref_slice %arg4[%add3A_6] : memref<320000xi32, #tpu.memory_space<hbm>> -> memref<2000xi32, #tpu.memory_space<hbm>>
      %dma_wait3A_70 = tpu.memref_slice %arg4[%add3A_6] : memref<320000xi32, #tpu.memory_space<hbm>> -> memref<2000xi32, #tpu.memory_space<hbm>>
      tpu.wait_dma2 semaphore(%run_scoped3A : memref<!tpu.dma_semaphore, #tpu.memory_space<semaphore_mem>>) src(%dma_wait3A_70 : memref<2000xi32, #tpu.memory_space<hbm>>) dst(%arg9 : memref<2000xi32, #tpu.memory_space<vmem>>)
      tpu.yield
    }) : () -> ()
    %barrier3A = arith.constant 0 : index
    tpu.barrier barrier_id(%barrier3A)
    %dma_start3A = arith.constant 0 : i32
    %dma_start3A_15 = tpu.memref_slice %arg9[%dma_start3A] : memref<2000xi32, #tpu.memory_space<vmem>> -> memref<40xi32, #tpu.memory_space<vmem>>
    %dma_start3A_16 = arith.constant 0 : i32
    %dma_start3A_17 = arith.constant 0 : i32
    %dma_start3A_18 = tpu.memref_slice %arg2[%dma_start3A_16, %dma_start3A_17] : memref<10000x128xf32, #tpu.memory_space<hbm>> -> memref<10000x128xf32, #tpu.memory_space<hbm>>
    tpu.enqueue_indirect_dma source(%dma_start3A_18 : memref<10000x128xf32, #tpu.memory_space<hbm>>) target(%arg14 : memref<40x128xf32, #tpu.memory_space<vmem>>) offsets(%dma_start3A_15 : memref<40xi32, #tpu.memory_space<vmem>>) semaphore(%arg18 : memref<!tpu.dma_semaphore, #tpu.memory_space<semaphore_mem>>)
    %dma_start3A_19 = arith.constant 0 : i32
    %dma_start3A_20 = tpu.memref_slice %arg3[%mul3A_8, %dma_start3A_19] : memref<64000x128xf32, #tpu.memory_space<hbm>> -> memref<40x128xf32, #tpu.memory_space<hbm>>
    %dma_start3A_21 = arith.constant 0 : i32
    %dma_start3A_22 = tpu.memref_slice %arg3[%mul3A_8, %dma_start3A_21] : memref<64000x128xf32, #tpu.memory_space<hbm>> -> memref<40x128xf32, #tpu.memory_space<hbm>>
    tpu.enqueue_dma source(%dma_start3A_22 : memref<40x128xf32, #tpu.memory_space<hbm>>) target(%arg12 : memref<40x128xf32, #tpu.memory_space<vmem>>) target_semaphore(%arg20 : memref<!tpu.dma_semaphore, #tpu.memory_space<semaphore_mem>>)
    %dma_start3A_23 = tpu.memref_slice %arg5[%add3A_6] : memref<320000xi32, #tpu.memory_space<hbm>> -> memref<40xi32, #tpu.memory_space<hbm>>
    %dma_start3A_24 = tpu.memref_slice %arg5[%add3A_6] : memref<320000xi32, #tpu.memory_space<hbm>> -> memref<40xi32, #tpu.memory_space<hbm>>
    tpu.enqueue_dma source(%dma_start3A_24 : memref<40xi32, #tpu.memory_space<hbm>>) target(%arg10 : memref<40xi32, #tpu.memory_space<vmem>>) target_semaphore(%arg20 : memref<!tpu.dma_semaphore, #tpu.memory_space<semaphore_mem>>)
    %scan3A = arith.constant 0 : i32
    %scan3A_25 = arith.constant 0 : i32
    %scan3A_26 = arith.constant 25 : i32
    %scan3A_27 = arith.addi %scan3A_25, %scan3A_26 : i32
    %scan3A_28 = arith.constant 1 : i32
    scf.for %scan3A_67 = %scan3A_25 to %scan3A_27 step %scan3A_28  : i32 {
      %mul3A_68 = arith.constant 2 : i32
      %mul3A_69 = arith.muli %scan3A_67, %mul3A_68 : i32
      %eq3A_70 = arith.constant 0 : i32
      %eq3A_71 = arith.cmpi eq, %scan3A_67, %eq3A_70 : i32
      %add3A_72 = arith.constant 1 : i32
      %add3A_73 = arith.addi %mul3A_69, %add3A_72 : i32
      %lt3A_74 = arith.constant 50 : i32
      %lt3A_75 = arith.cmpi slt, %add3A_73, %lt3A_74 : i32
      %convert_element_type3A_76 = arith.extui %lt3A_75 : i1 to i32
      %cond3A_77 = arith.constant 0 : i32
      %cond3A_78 = arith.cmpi ne, %convert_element_type3A_76, %cond3A_77 : i32
      scf.if %cond3A_78 {
        %add3A_148 = arith.constant 1 : i32
        %add3A_149 = arith.addi %mul3A_69, %add3A_148 : i32
        %mul3A_150 = arith.constant 40 : i32
        %mul3A_151 = arith.muli %add3A_149, %mul3A_150 : i32
        %dma_start3A_152 = tpu.memref_slice %arg9[%mul3A_151] : memref<2000xi32, #tpu.memory_space<vmem>> -> memref<40xi32, #tpu.memory_space<vmem>>
        %dma_start3A_153 = arith.constant 0 : i32
        %dma_start3A_154 = arith.constant 0 : i32
        %dma_start3A_155 = tpu.memref_slice %arg2[%dma_start3A_153, %dma_start3A_154] : memref<10000x128xf32, #tpu.memory_space<hbm>> -> memref<10000x128xf32, #tpu.memory_space<hbm>>
        tpu.enqueue_indirect_dma source(%dma_start3A_155 : memref<10000x128xf32, #tpu.memory_space<hbm>>) target(%arg15 : memref<40x128xf32, #tpu.memory_space<vmem>>) offsets(%dma_start3A_152 : memref<40xi32, #tpu.memory_space<vmem>>) semaphore(%arg19 : memref<!tpu.dma_semaphore, #tpu.memory_space<semaphore_mem>>)
        %add3A_156 = arith.constant 1 : i32
        %add3A_157 = arith.addi %mul3A_69, %add3A_156 : i32
        %mul3A_158 = arith.constant 40 : i32
        %mul3A_159 = arith.muli %add3A_157, %mul3A_158 : i32
        %add3A_160 = arith.addi %mul3A_8, %mul3A_159 : i32
        %dma_start3A_161 = arith.constant 0 : i32
        %dma_start3A_162 = tpu.memref_slice %arg3[%add3A_160, %dma_start3A_161] : memref<64000x128xf32, #tpu.memory_space<hbm>> -> memref<40x128xf32, #tpu.memory_space<hbm>>
        %dma_start3A_163 = arith.constant 0 : i32
        %dma_start3A_164 = tpu.memref_slice %arg3[%add3A_160, %dma_start3A_163] : memref<64000x128xf32, #tpu.memory_space<hbm>> -> memref<40x128xf32, #tpu.memory_space<hbm>>
        tpu.enqueue_dma source(%dma_start3A_164 : memref<40x128xf32, #tpu.memory_space<hbm>>) target(%arg13 : memref<40x128xf32, #tpu.memory_space<vmem>>) target_semaphore(%arg21 : memref<!tpu.dma_semaphore, #tpu.memory_space<semaphore_mem>>)
        %add3A_165 = arith.constant 1 : i32
        %add3A_166 = arith.addi %mul3A_69, %add3A_165 : i32
        %mul3A_167 = arith.constant 40 : i32
        %mul3A_168 = arith.muli %add3A_166, %mul3A_167 : i32
        %add3A_169 = arith.addi %add3A_6, %mul3A_168 : i32
        %dma_start3A_170 = tpu.memref_slice %arg5[%add3A_169] : memref<320000xi32, #tpu.memory_space<hbm>> -> memref<40xi32, #tpu.memory_space<hbm>>
        %dma_start3A_171 = tpu.memref_slice %arg5[%add3A_169] : memref<320000xi32, #tpu.memory_space<hbm>> -> memref<40xi32, #tpu.memory_space<hbm>>
        tpu.enqueue_dma source(%dma_start3A_171 : memref<40xi32, #tpu.memory_space<hbm>>) target(%arg11 : memref<40xi32, #tpu.memory_space<vmem>>) target_semaphore(%arg21 : memref<!tpu.dma_semaphore, #tpu.memory_space<semaphore_mem>>)
      } else {
      }
      %dma_wait3A_79 = arith.constant 0 : i32
      %dma_wait3A_80 = arith.constant 0 : i32
      %dma_wait3A_81 = tpu.memref_slice %arg2[%dma_wait3A_79, %dma_wait3A_80] : memref<10000x128xf32, #tpu.memory_space<hbm>> -> memref<40x128xf32, #tpu.memory_space<hbm>>
      %dma_wait3A_82 = arith.constant 0 : i32
      %dma_wait3A_83 = arith.constant 0 : i32
      %dma_wait3A_84 = tpu.memref_slice %arg2[%dma_wait3A_82, %dma_wait3A_83] : memref<10000x128xf32, #tpu.memory_space<hbm>> -> memref<40x128xf32, #tpu.memory_space<hbm>>
      tpu.wait_dma2 semaphore(%arg18 : memref<!tpu.dma_semaphore, #tpu.memory_space<semaphore_mem>>) src(%dma_wait3A_84 : memref<40x128xf32, #tpu.memory_space<hbm>>) dst(%arg14 : memref<40x128xf32, #tpu.memory_space<vmem>>)
      %dma_wait3A_85 = arith.constant 0 : i32
      %dma_wait3A_86 = arith.constant 0 : i32
      %dma_wait3A_87 = tpu.memref_slice %arg2[%dma_wait3A_85, %dma_wait3A_86] : memref<10000x128xf32, #tpu.memory_space<hbm>> -> memref<40x128xf32, #tpu.memory_space<hbm>>
      %dma_wait3A_88 = arith.constant 0 : i32
      %dma_wait3A_89 = arith.constant 0 : i32
      %dma_wait3A_90 = tpu.memref_slice %arg2[%dma_wait3A_88, %dma_wait3A_89] : memref<10000x128xf32, #tpu.memory_space<hbm>> -> memref<40x128xf32, #tpu.memory_space<hbm>>
      tpu.wait_dma2 semaphore(%arg20 : memref<!tpu.dma_semaphore, #tpu.memory_space<semaphore_mem>>) src(%dma_wait3A_90 : memref<40x128xf32, #tpu.memory_space<hbm>>) dst(%arg12 : memref<40x128xf32, #tpu.memory_space<vmem>>)
      %dma_wait3A_91 = arith.constant 0 : i32
      %dma_wait3A_92 = tpu.memref_slice %arg5[%dma_wait3A_91] : memref<320000xi32, #tpu.memory_space<hbm>> -> memref<40xi32, #tpu.memory_space<hbm>>
      %dma_wait3A_93 = arith.constant 0 : i32
      %dma_wait3A_94 = tpu.memref_slice %arg5[%dma_wait3A_93] : memref<320000xi32, #tpu.memory_space<hbm>> -> memref<40xi32, #tpu.memory_space<hbm>>
      tpu.wait_dma2 semaphore(%arg20 : memref<!tpu.dma_semaphore, #tpu.memory_space<semaphore_mem>>) src(%dma_wait3A_94 : memref<40xi32, #tpu.memory_space<hbm>>) dst(%arg10 : memref<40xi32, #tpu.memory_space<vmem>>)
      %not3A = arith.constant true
      %not3A_95 = arith.xori %eq3A_71, %not3A : i1
      %convert_element_type3A_96 = arith.extui %not3A_95 : i1 to i32
      %cond3A_97 = arith.constant 0 : i32
      %cond3A_98 = arith.cmpi ne, %convert_element_type3A_96, %cond3A_97 : i32
      scf.if %cond3A_98 {
        %dma_wait3A_148 = arith.constant 0 : i32
        %dma_wait3A_149 = arith.constant 0 : i32
        %dma_wait3A_150 = tpu.memref_slice %arg2[%dma_wait3A_148, %dma_wait3A_149] : memref<10000x128xf32, #tpu.memory_space<hbm>> -> memref<40x128xf32, #tpu.memory_space<hbm>>
        %dma_wait3A_151 = arith.constant 0 : i32
        %dma_wait3A_152 = arith.constant 0 : i32
        %dma_wait3A_153 = tpu.memref_slice %arg2[%dma_wait3A_151, %dma_wait3A_152] : memref<10000x128xf32, #tpu.memory_space<hbm>> -> memref<40x128xf32, #tpu.memory_space<hbm>>
        tpu.wait_dma2 semaphore(%arg22 : memref<!tpu.dma_semaphore, #tpu.memory_space<semaphore_mem>>) src(%dma_wait3A_153 : memref<40x128xf32, #tpu.memory_space<hbm>>) dst(%arg16 : memref<40x128xf32, #tpu.memory_space<vmem>>)
      } else {
      }
      %scan3A_99 = arith.constant 0 : i32
      %scan3A_100 = arith.constant 0 : i32
      %scan3A_101 = arith.constant 40 : i32
      %scan3A_102 = arith.addi %scan3A_100, %scan3A_101 : i32
      %scan3A_103 = arith.constant 1 : i32
      scf.for %scan3A_148 = %scan3A_100 to %scan3A_102 step %scan3A_103  : i32 {
        %get3A = arith.index_cast %scan3A_148 : i32 to index
        %get3A_149 = arith.constant 0 : index
        %get3A_150 = tpu.vector_load %arg14[%get3A, %get3A_149] {strides = array<i32>} : memref<40x128xf32, #tpu.memory_space<vmem>>, vector<1x16xf32>,
        %get3A_151 = vector.shape_cast %get3A_150 : vector<1x16xf32> to vector<16xf32>
        %get3A_152 = arith.index_cast %scan3A_148 : i32 to index
        %get3A_153 = arith.constant 0 : index
        %get3A_154 = tpu.vector_load %arg12[%get3A_152, %get3A_153] {strides = array<i32>} : memref<40x128xf32, #tpu.memory_space<vmem>>, vector<1x16xf32>,
        %get3A_155 = vector.shape_cast %get3A_154 : vector<1x16xf32> to vector<16xf32>
        %mul3A_156 = arith.mulf %get3A_151, %get3A_155 : vector<16xf32>
        %swap3A = arith.index_cast %scan3A_148 : i32 to index
        %swap3A_157 = arith.constant 0 : index
        %swap3A_158 = tpu.vector_load %arg16[%swap3A, %swap3A_157] {strides = array<i32>} : memref<40x128xf32, #tpu.memory_space<vmem>>, vector<1x16xf32>,
        %swap3A_159 = vector.shape_cast %swap3A_158 : vector<1x16xf32> to vector<16xf32>
        %swap3A_160 = vector.shape_cast %mul3A_156 : vector<16xf32> to vector<1x16xf32>
        tpu.vector_store %arg16[%swap3A, %swap3A_157], %swap3A_160 {strides = array<i32>} : memref<40x128xf32, #tpu.memory_space<vmem>>, vector<1x16xf32>,
        %get3A_161 = arith.index_cast %scan3A_148 : i32 to index
        %get3A_162 = arith.constant 16 : index
        %get3A_163 = tpu.vector_load %arg14[%get3A_161, %get3A_162] {strides = array<i32>} : memref<40x128xf32, #tpu.memory_space<vmem>>, vector<1x16xf32>,
        %get3A_164 = vector.shape_cast %get3A_163 : vector<1x16xf32> to vector<16xf32>
        %get3A_165 = arith.index_cast %scan3A_148 : i32 to index
        %get3A_166 = arith.constant 16 : index
        %get3A_167 = tpu.vector_load %arg12[%get3A_165, %get3A_166] {strides = array<i32>} : memref<40x128xf32, #tpu.memory_space<vmem>>, vector<1x16xf32>,
        %get3A_168 = vector.shape_cast %get3A_167 : vector<1x16xf32> to vector<16xf32>
        %mul3A_169 = arith.mulf %get3A_164, %get3A_168 : vector<16xf32>
        %swap3A_170 = arith.index_cast %scan3A_148 : i32 to index
        %swap3A_171 = arith.constant 16 : index
        %swap3A_172 = tpu.vector_load %arg16[%swap3A_170, %swap3A_171] {strides = array<i32>} : memref<40x128xf32, #tpu.memory_space<vmem>>, vector<1x16xf32>,
        %swap3A_173 = vector.shape_cast %swap3A_172 : vector<1x16xf32> to vector<16xf32>
        %swap3A_174 = vector.shape_cast %mul3A_169 : vector<16xf32> to vector<1x16xf32>
        tpu.vector_store %arg16[%swap3A_170, %swap3A_171], %swap3A_174 {strides = array<i32>} : memref<40x128xf32, #tpu.memory_space<vmem>>, vector<1x16xf32>,
        %get3A_175 = arith.index_cast %scan3A_148 : i32 to index
        %get3A_176 = arith.constant 32 : index
        %get3A_177 = tpu.vector_load %arg14[%get3A_175, %get3A_176] {strides = array<i32>} : memref<40x128xf32, #tpu.memory_space<vmem>>, vector<1x16xf32>,
        %get3A_178 = vector.shape_cast %get3A_177 : vector<1x16xf32> to vector<16xf32>
        %get3A_179 = arith.index_cast %scan3A_148 : i32 to index
        %get3A_180 = arith.constant 32 : index
        %get3A_181 = tpu.vector_load %arg12[%get3A_179, %get3A_180] {strides = array<i32>} : memref<40x128xf32, #tpu.memory_space<vmem>>, vector<1x16xf32>,
        %get3A_182 = vector.shape_cast %get3A_181 : vector<1x16xf32> to vector<16xf32>
        %mul3A_183 = arith.mulf %get3A_178, %get3A_182 : vector<16xf32>
        %swap3A_184 = arith.index_cast %scan3A_148 : i32 to index
        %swap3A_185 = arith.constant 32 : index
        %swap3A_186 = tpu.vector_load %arg16[%swap3A_184, %swap3A_185] {strides = array<i32>} : memref<40x128xf32, #tpu.memory_space<vmem>>, vector<1x16xf32>,
        %swap3A_187 = vector.shape_cast %swap3A_186 : vector<1x16xf32> to vector<16xf32>
        %swap3A_188 = vector.shape_cast %mul3A_183 : vector<16xf32> to vector<1x16xf32>
        tpu.vector_store %arg16[%swap3A_184, %swap3A_185], %swap3A_188 {strides = array<i32>} : memref<40x128xf32, #tpu.memory_space<vmem>>, vector<1x16xf32>,
        %get3A_189 = arith.index_cast %scan3A_148 : i32 to index
        %get3A_190 = arith.constant 48 : index
        %get3A_191 = tpu.vector_load %arg14[%get3A_189, %get3A_190] {strides = array<i32>} : memref<40x128xf32, #tpu.memory_space<vmem>>, vector<1x16xf32>,
        %get3A_192 = vector.shape_cast %get3A_191 : vector<1x16xf32> to vector<16xf32>
        %get3A_193 = arith.index_cast %scan3A_148 : i32 to index
        %get3A_194 = arith.constant 48 : index
        %get3A_195 = tpu.vector_load %arg12[%get3A_193, %get3A_194] {strides = array<i32>} : memref<40x128xf32, #tpu.memory_space<vmem>>, vector<1x16xf32>,
        %get3A_196 = vector.shape_cast %get3A_195 : vector<1x16xf32> to vector<16xf32>
        %mul3A_197 = arith.mulf %get3A_192, %get3A_196 : vector<16xf32>
        %swap3A_198 = arith.index_cast %scan3A_148 : i32 to index
        %swap3A_199 = arith.constant 48 : index
        %swap3A_200 = tpu.vector_load %arg16[%swap3A_198, %swap3A_199] {strides = array<i32>} : memref<40x128xf32, #tpu.memory_space<vmem>>, vector<1x16xf32>,
        %swap3A_201 = vector.shape_cast %swap3A_200 : vector<1x16xf32> to vector<16xf32>
        %swap3A_202 = vector.shape_cast %mul3A_197 : vector<16xf32> to vector<1x16xf32>
        tpu.vector_store %arg16[%swap3A_198, %swap3A_199], %swap3A_202 {strides = array<i32>} : memref<40x128xf32, #tpu.memory_space<vmem>>, vector<1x16xf32>,
        %get3A_203 = arith.index_cast %scan3A_148 : i32 to index
        %get3A_204 = arith.constant 64 : index
        %get3A_205 = tpu.vector_load %arg14[%get3A_203, %get3A_204] {strides = array<i32>} : memref<40x128xf32, #tpu.memory_space<vmem>>, vector<1x16xf32>,
        %get3A_206 = vector.shape_cast %get3A_205 : vector<1x16xf32> to vector<16xf32>
        %get3A_207 = arith.index_cast %scan3A_148 : i32 to index
        %get3A_208 = arith.constant 64 : index
        %get3A_209 = tpu.vector_load %arg12[%get3A_207, %get3A_208] {strides = array<i32>} : memref<40x128xf32, #tpu.memory_space<vmem>>, vector<1x16xf32>,
        %get3A_210 = vector.shape_cast %get3A_209 : vector<1x16xf32> to vector<16xf32>
        %mul3A_211 = arith.mulf %get3A_206, %get3A_210 : vector<16xf32>
        %swap3A_212 = arith.index_cast %scan3A_148 : i32 to index
        %swap3A_213 = arith.constant 64 : index
        %swap3A_214 = tpu.vector_load %arg16[%swap3A_212, %swap3A_213] {strides = array<i32>} : memref<40x128xf32, #tpu.memory_space<vmem>>, vector<1x16xf32>,
        %swap3A_215 = vector.shape_cast %swap3A_214 : vector<1x16xf32> to vector<16xf32>
        %swap3A_216 = vector.shape_cast %mul3A_211 : vector<16xf32> to vector<1x16xf32>
        tpu.vector_store %arg16[%swap3A_212, %swap3A_213], %swap3A_216 {strides = array<i32>} : memref<40x128xf32, #tpu.memory_space<vmem>>, vector<1x16xf32>,
        %get3A_217 = arith.index_cast %scan3A_148 : i32 to index
        %get3A_218 = arith.constant 80 : index
        %get3A_219 = tpu.vector_load %arg14[%get3A_217, %get3A_218] {strides = array<i32>} : memref<40x128xf32, #tpu.memory_space<vmem>>, vector<1x16xf32>,
        %get3A_220 = vector.shape_cast %get3A_219 : vector<1x16xf32> to vector<16xf32>
        %get3A_221 = arith.index_cast %scan3A_148 : i32 to index
        %get3A_222 = arith.constant 80 : index
        %get3A_223 = tpu.vector_load %arg12[%get3A_221, %get3A_222] {strides = array<i32>} : memref<40x128xf32, #tpu.memory_space<vmem>>, vector<1x16xf32>,
        %get3A_224 = vector.shape_cast %get3A_223 : vector<1x16xf32> to vector<16xf32>
        %mul3A_225 = arith.mulf %get3A_220, %get3A_224 : vector<16xf32>
        %swap3A_226 = arith.index_cast %scan3A_148 : i32 to index
        %swap3A_227 = arith.constant 80 : index
        %swap3A_228 = tpu.vector_load %arg16[%swap3A_226, %swap3A_227] {strides = array<i32>} : memref<40x128xf32, #tpu.memory_space<vmem>>, vector<1x16xf32>,
        %swap3A_229 = vector.shape_cast %swap3A_228 : vector<1x16xf32> to vector<16xf32>
        %swap3A_230 = vector.shape_cast %mul3A_225 : vector<16xf32> to vector<1x16xf32>
        tpu.vector_store %arg16[%swap3A_226, %swap3A_227], %swap3A_230 {strides = array<i32>} : memref<40x128xf32, #tpu.memory_space<vmem>>, vector<1x16xf32>,
        %get3A_231 = arith.index_cast %scan3A_148 : i32 to index
        %get3A_232 = arith.constant 96 : index
        %get3A_233 = tpu.vector_load %arg14[%get3A_231, %get3A_232] {strides = array<i32>} : memref<40x128xf32, #tpu.memory_space<vmem>>, vector<1x16xf32>,
        %get3A_234 = vector.shape_cast %get3A_233 : vector<1x16xf32> to vector<16xf32>
        %get3A_235 = arith.index_cast %scan3A_148 : i32 to index
        %get3A_236 = arith.constant 96 : index
        %get3A_237 = tpu.vector_load %arg12[%get3A_235, %get3A_236] {strides = array<i32>} : memref<40x128xf32, #tpu.memory_space<vmem>>, vector<1x16xf32>,
        %get3A_238 = vector.shape_cast %get3A_237 : vector<1x16xf32> to vector<16xf32>
        %mul3A_239 = arith.mulf %get3A_234, %get3A_238 : vector<16xf32>
        %swap3A_240 = arith.index_cast %scan3A_148 : i32 to index
        %swap3A_241 = arith.constant 96 : index
        %swap3A_242 = tpu.vector_load %arg16[%swap3A_240, %swap3A_241] {strides = array<i32>} : memref<40x128xf32, #tpu.memory_space<vmem>>, vector<1x16xf32>,
        %swap3A_243 = vector.shape_cast %swap3A_242 : vector<1x16xf32> to vector<16xf32>
        %swap3A_244 = vector.shape_cast %mul3A_239 : vector<16xf32> to vector<1x16xf32>
        tpu.vector_store %arg16[%swap3A_240, %swap3A_241], %swap3A_244 {strides = array<i32>} : memref<40x128xf32, #tpu.memory_space<vmem>>, vector<1x16xf32>,
        %get3A_245 = arith.index_cast %scan3A_148 : i32 to index
        %get3A_246 = arith.constant 112 : index
        %get3A_247 = tpu.vector_load %arg14[%get3A_245, %get3A_246] {strides = array<i32>} : memref<40x128xf32, #tpu.memory_space<vmem>>, vector<1x16xf32>,
        %get3A_248 = vector.shape_cast %get3A_247 : vector<1x16xf32> to vector<16xf32>
        %get3A_249 = arith.index_cast %scan3A_148 : i32 to index
        %get3A_250 = arith.constant 112 : index
        %get3A_251 = tpu.vector_load %arg12[%get3A_249, %get3A_250] {strides = array<i32>} : memref<40x128xf32, #tpu.memory_space<vmem>>, vector<1x16xf32>,
        %get3A_252 = vector.shape_cast %get3A_251 : vector<1x16xf32> to vector<16xf32>
        %mul3A_253 = arith.mulf %get3A_248, %get3A_252 : vector<16xf32>
        %swap3A_254 = arith.index_cast %scan3A_148 : i32 to index
        %swap3A_255 = arith.constant 112 : index
        %swap3A_256 = tpu.vector_load %arg16[%swap3A_254, %swap3A_255] {strides = array<i32>} : memref<40x128xf32, #tpu.memory_space<vmem>>, vector<1x16xf32>,
        %swap3A_257 = vector.shape_cast %swap3A_256 : vector<1x16xf32> to vector<16xf32>
        %swap3A_258 = vector.shape_cast %mul3A_253 : vector<16xf32> to vector<1x16xf32>
        tpu.vector_store %arg16[%swap3A_254, %swap3A_255], %swap3A_258 {strides = array<i32>} : memref<40x128xf32, #tpu.memory_space<vmem>>, vector<1x16xf32>,
      }
      %scan3A_104 = arith.constant 40 : i32
      %dma_start3A_105 = arith.constant 0 : i32
      %dma_start3A_106 = arith.constant 0 : i32
      %dma_start3A_107 = tpu.memref_slice %arg17[%dma_start3A_105, %dma_start3A_106] : memref<10000x128xf32, #tpu.memory_space<vmem_shared>> -> memref<10000x128xf32, #tpu.memory_space<vmem_shared>>
      tpu.enqueue_indirect_dma source(%arg16 : memref<40x128xf32, #tpu.memory_space<vmem>>) target(%dma_start3A_107 : memref<10000x128xf32, #tpu.memory_space<vmem_shared>>) offsets(%arg10 : memref<40xi32, #tpu.memory_space<vmem>>) semaphore(%arg22 : memref<!tpu.dma_semaphore, #tpu.memory_space<semaphore_mem>>) {add = true}
      %add3A_108 = arith.constant 1 : i32
      %add3A_109 = arith.addi %mul3A_69, %add3A_108 : i32
      %add3A_110 = arith.constant 1 : i32
      %add3A_111 = arith.addi %add3A_109, %add3A_110 : i32
      %lt3A_112 = arith.constant 50 : i32
      %lt3A_113 = arith.cmpi slt, %add3A_111, %lt3A_112 : i32
      %convert_element_type3A_114 = arith.extui %lt3A_113 : i1 to i32
      %cond3A_115 = arith.constant 0 : i32
      %cond3A_116 = arith.cmpi ne, %convert_element_type3A_114, %cond3A_115 : i32
      scf.if %cond3A_116 {
        %add3A_148 = arith.constant 1 : i32
        %add3A_149 = arith.addi %add3A_109, %add3A_148 : i32
        %mul3A_150 = arith.constant 40 : i32
        %mul3A_151 = arith.muli %add3A_149, %mul3A_150 : i32
        %dma_start3A_152 = tpu.memref_slice %arg9[%mul3A_151] : memref<2000xi32, #tpu.memory_space<vmem>> -> memref<40xi32, #tpu.memory_space<vmem>>
        %dma_start3A_153 = arith.constant 0 : i32
        %dma_start3A_154 = arith.constant 0 : i32
        %dma_start3A_155 = tpu.memref_slice %arg2[%dma_start3A_153, %dma_start3A_154] : memref<10000x128xf32, #tpu.memory_space<hbm>> -> memref<10000x128xf32, #tpu.memory_space<hbm>>
        tpu.enqueue_indirect_dma source(%dma_start3A_155 : memref<10000x128xf32, #tpu.memory_space<hbm>>) target(%arg14 : memref<40x128xf32, #tpu.memory_space<vmem>>) offsets(%dma_start3A_152 : memref<40xi32, #tpu.memory_space<vmem>>) semaphore(%arg18 : memref<!tpu.dma_semaphore, #tpu.memory_space<semaphore_mem>>)
        %add3A_156 = arith.constant 1 : i32
        %add3A_157 = arith.addi %add3A_109, %add3A_156 : i32
        %mul3A_158 = arith.constant 40 : i32
        %mul3A_159 = arith.muli %add3A_157, %mul3A_158 : i32
        %add3A_160 = arith.addi %mul3A_8, %mul3A_159 : i32
        %dma_start3A_161 = arith.constant 0 : i32
        %dma_start3A_162 = tpu.memref_slice %arg3[%add3A_160, %dma_start3A_161] : memref<64000x128xf32, #tpu.memory_space<hbm>> -> memref<40x128xf32, #tpu.memory_space<hbm>>
        %dma_start3A_163 = arith.constant 0 : i32
        %dma_start3A_164 = tpu.memref_slice %arg3[%add3A_160, %dma_start3A_163] : memref<64000x128xf32, #tpu.memory_space<hbm>> -> memref<40x128xf32, #tpu.memory_space<hbm>>
        tpu.enqueue_dma source(%dma_start3A_164 : memref<40x128xf32, #tpu.memory_space<hbm>>) target(%arg12 : memref<40x128xf32, #tpu.memory_space<vmem>>) target_semaphore(%arg20 : memref<!tpu.dma_semaphore, #tpu.memory_space<semaphore_mem>>)
        %add3A_165 = arith.constant 1 : i32
        %add3A_166 = arith.addi %add3A_109, %add3A_165 : i32
        %mul3A_167 = arith.constant 40 : i32
        %mul3A_168 = arith.muli %add3A_166, %mul3A_167 : i32
        %add3A_169 = arith.addi %add3A_6, %mul3A_168 : i32
        %dma_start3A_170 = tpu.memref_slice %arg5[%add3A_169] : memref<320000xi32, #tpu.memory_space<hbm>> -> memref<40xi32, #tpu.memory_space<hbm>>
        %dma_start3A_171 = tpu.memref_slice %arg5[%add3A_169] : memref<320000xi32, #tpu.memory_space<hbm>> -> memref<40xi32, #tpu.memory_space<hbm>>
        tpu.enqueue_dma source(%dma_start3A_171 : memref<40xi32, #tpu.memory_space<hbm>>) target(%arg10 : memref<40xi32, #tpu.memory_space<vmem>>) target_semaphore(%arg20 : memref<!tpu.dma_semaphore, #tpu.memory_space<semaphore_mem>>)
      } else {
      }
      %dma_wait3A_117 = arith.constant 0 : i32
      %dma_wait3A_118 = arith.constant 0 : i32
      %dma_wait3A_119 = tpu.memref_slice %arg2[%dma_wait3A_117, %dma_wait3A_118] : memref<10000x128xf32, #tpu.memory_space<hbm>> -> memref<40x128xf32, #tpu.memory_space<hbm>>
      %dma_wait3A_120 = arith.constant 0 : i32
      %dma_wait3A_121 = arith.constant 0 : i32
      %dma_wait3A_122 = tpu.memref_slice %arg2[%dma_wait3A_120, %dma_wait3A_121] : memref<10000x128xf32, #tpu.memory_space<hbm>> -> memref<40x128xf32, #tpu.memory_space<hbm>>
      tpu.wait_dma2 semaphore(%arg19 : memref<!tpu.dma_semaphore, #tpu.memory_space<semaphore_mem>>) src(%dma_wait3A_122 : memref<40x128xf32, #tpu.memory_space<hbm>>) dst(%arg15 : memref<40x128xf32, #tpu.memory_space<vmem>>)
      %dma_wait3A_123 = arith.constant 0 : i32
      %dma_wait3A_124 = arith.constant 0 : i32
      %dma_wait3A_125 = tpu.memref_slice %arg2[%dma_wait3A_123, %dma_wait3A_124] : memref<10000x128xf32, #tpu.memory_space<hbm>> -> memref<40x128xf32, #tpu.memory_space<hbm>>
      %dma_wait3A_126 = arith.constant 0 : i32
      %dma_wait3A_127 = arith.constant 0 : i32
      %dma_wait3A_128 = tpu.memref_slice %arg2[%dma_wait3A_126, %dma_wait3A_127] : memref<10000x128xf32, #tpu.memory_space<hbm>> -> memref<40x128xf32, #tpu.memory_space<hbm>>
      tpu.wait_dma2 semaphore(%arg21 : memref<!tpu.dma_semaphore, #tpu.memory_space<semaphore_mem>>) src(%dma_wait3A_128 : memref<40x128xf32, #tpu.memory_space<hbm>>) dst(%arg13 : memref<40x128xf32, #tpu.memory_space<vmem>>)
      %dma_wait3A_129 = arith.constant 0 : i32
      %dma_wait3A_130 = tpu.memref_slice %arg5[%dma_wait3A_129] : memref<320000xi32, #tpu.memory_space<hbm>> -> memref<40xi32, #tpu.memory_space<hbm>>
      %dma_wait3A_131 = arith.constant 0 : i32
      %dma_wait3A_132 = tpu.memref_slice %arg5[%dma_wait3A_131] : memref<320000xi32, #tpu.memory_space<hbm>> -> memref<40xi32, #tpu.memory_space<hbm>>
      tpu.wait_dma2 semaphore(%arg21 : memref<!tpu.dma_semaphore, #tpu.memory_space<semaphore_mem>>) src(%dma_wait3A_132 : memref<40xi32, #tpu.memory_space<hbm>>) dst(%arg11 : memref<40xi32, #tpu.memory_space<vmem>>)
      %not3A_133 = arith.constant false
      %not3A_134 = arith.constant true
      %not3A_135 = arith.xori %not3A_133, %not3A_134 : i1
      %convert_element_type3A_136 = arith.extui %not3A_135 : i1 to i32
      %cond3A_137 = arith.constant 0 : i32
      %cond3A_138 = arith.cmpi ne, %convert_element_type3A_136, %cond3A_137 : i32
      scf.if %cond3A_138 {
        %dma_wait3A_148 = arith.constant 0 : i32
        %dma_wait3A_149 = arith.constant 0 : i32
        %dma_wait3A_150 = tpu.memref_slice %arg2[%dma_wait3A_148, %dma_wait3A_149] : memref<10000x128xf32, #tpu.memory_space<hbm>> -> memref<40x128xf32, #tpu.memory_space<hbm>>
        %dma_wait3A_151 = arith.constant 0 : i32
        %dma_wait3A_152 = arith.constant 0 : i32
        %dma_wait3A_153 = tpu.memref_slice %arg2[%dma_wait3A_151, %dma_wait3A_152] : memref<10000x128xf32, #tpu.memory_space<hbm>> -> memref<40x128xf32, #tpu.memory_space<hbm>>
        tpu.wait_dma2 semaphore(%arg22 : memref<!tpu.dma_semaphore, #tpu.memory_space<semaphore_mem>>) src(%dma_wait3A_153 : memref<40x128xf32, #tpu.memory_space<hbm>>) dst(%arg16 : memref<40x128xf32, #tpu.memory_space<vmem>>)
      } else {
      }
      %scan3A_139 = arith.constant 0 : i32
      %scan3A_140 = arith.constant 0 : i32
      %scan3A_141 = arith.constant 40 : i32
      %scan3A_142 = arith.addi %scan3A_140, %scan3A_141 : i32
      %scan3A_143 = arith.constant 1 : i32
      scf.for %scan3A_148 = %scan3A_140 to %scan3A_142 step %scan3A_143  : i32 {
        %get3A = arith.index_cast %scan3A_148 : i32 to index
        %get3A_149 = arith.constant 0 : index
        %get3A_150 = tpu.vector_load %arg15[%get3A, %get3A_149] {strides = array<i32>} : memref<40x128xf32, #tpu.memory_space<vmem>>, vector<1x16xf32>,
        %get3A_151 = vector.shape_cast %get3A_150 : vector<1x16xf32> to vector<16xf32>
        %get3A_152 = arith.index_cast %scan3A_148 : i32 to index
        %get3A_153 = arith.constant 0 : index
        %get3A_154 = tpu.vector_load %arg13[%get3A_152, %get3A_153] {strides = array<i32>} : memref<40x128xf32, #tpu.memory_space<vmem>>, vector<1x16xf32>,
        %get3A_155 = vector.shape_cast %get3A_154 : vector<1x16xf32> to vector<16xf32>
        %mul3A_156 = arith.mulf %get3A_151, %get3A_155 : vector<16xf32>
        %swap3A = arith.index_cast %scan3A_148 : i32 to index
        %swap3A_157 = arith.constant 0 : index
        %swap3A_158 = tpu.vector_load %arg16[%swap3A, %swap3A_157] {strides = array<i32>} : memref<40x128xf32, #tpu.memory_space<vmem>>, vector<1x16xf32>,
        %swap3A_159 = vector.shape_cast %swap3A_158 : vector<1x16xf32> to vector<16xf32>
        %swap3A_160 = vector.shape_cast %mul3A_156 : vector<16xf32> to vector<1x16xf32>
        tpu.vector_store %arg16[%swap3A, %swap3A_157], %swap3A_160 {strides = array<i32>} : memref<40x128xf32, #tpu.memory_space<vmem>>, vector<1x16xf32>,
        %get3A_161 = arith.index_cast %scan3A_148 : i32 to index
        %get3A_162 = arith.constant 16 : index
        %get3A_163 = tpu.vector_load %arg15[%get3A_161, %get3A_162] {strides = array<i32>} : memref<40x128xf32, #tpu.memory_space<vmem>>, vector<1x16xf32>,
        %get3A_164 = vector.shape_cast %get3A_163 : vector<1x16xf32> to vector<16xf32>
        %get3A_165 = arith.index_cast %scan3A_148 : i32 to index
        %get3A_166 = arith.constant 16 : index
        %get3A_167 = tpu.vector_load %arg13[%get3A_165, %get3A_166] {strides = array<i32>} : memref<40x128xf32, #tpu.memory_space<vmem>>, vector<1x16xf32>,
        %get3A_168 = vector.shape_cast %get3A_167 : vector<1x16xf32> to vector<16xf32>
        %mul3A_169 = arith.mulf %get3A_164, %get3A_168 : vector<16xf32>
        %swap3A_170 = arith.index_cast %scan3A_148 : i32 to index
        %swap3A_171 = arith.constant 16 : index
        %swap3A_172 = tpu.vector_load %arg16[%swap3A_170, %swap3A_171] {strides = array<i32>} : memref<40x128xf32, #tpu.memory_space<vmem>>, vector<1x16xf32>,
        %swap3A_173 = vector.shape_cast %swap3A_172 : vector<1x16xf32> to vector<16xf32>
        %swap3A_174 = vector.shape_cast %mul3A_169 : vector<16xf32> to vector<1x16xf32>
        tpu.vector_store %arg16[%swap3A_170, %swap3A_171], %swap3A_174 {strides = array<i32>} : memref<40x128xf32, #tpu.memory_space<vmem>>, vector<1x16xf32>,
        %get3A_175 = arith.index_cast %scan3A_148 : i32 to index
        %get3A_176 = arith.constant 32 : index
        %get3A_177 = tpu.vector_load %arg15[%get3A_175, %get3A_176] {strides = array<i32>} : memref<40x128xf32, #tpu.memory_space<vmem>>, vector<1x16xf32>,
        %get3A_178 = vector.shape_cast %get3A_177 : vector<1x16xf32> to vector<16xf32>
        %get3A_179 = arith.index_cast %scan3A_148 : i32 to index
        %get3A_180 = arith.constant 32 : index
        %get3A_181 = tpu.vector_load %arg13[%get3A_179, %get3A_180] {strides = array<i32>} : memref<40x128xf32, #tpu.memory_space<vmem>>, vector<1x16xf32>,
        %get3A_182 = vector.shape_cast %get3A_181 : vector<1x16xf32> to vector<16xf32>
        %mul3A_183 = arith.mulf %get3A_178, %get3A_182 : vector<16xf32>
        %swap3A_184 = arith.index_cast %scan3A_148 : i32 to index
        %swap3A_185 = arith.constant 32 : index
        %swap3A_186 = tpu.vector_load %arg16[%swap3A_184, %swap3A_185] {strides = array<i32>} : memref<40x128xf32, #tpu.memory_space<vmem>>, vector<1x16xf32>,
        %swap3A_187 = vector.shape_cast %swap3A_186 : vector<1x16xf32> to vector<16xf32>
        %swap3A_188 = vector.shape_cast %mul3A_183 : vector<16xf32> to vector<1x16xf32>
        tpu.vector_store %arg16[%swap3A_184, %swap3A_185], %swap3A_188 {strides = array<i32>} : memref<40x128xf32, #tpu.memory_space<vmem>>, vector<1x16xf32>,
        %get3A_189 = arith.index_cast %scan3A_148 : i32 to index
        %get3A_190 = arith.constant 48 : index
        %get3A_191 = tpu.vector_load %arg15[%get3A_189, %get3A_190] {strides = array<i32>} : memref<40x128xf32, #tpu.memory_space<vmem>>, vector<1x16xf32>,
        %get3A_192 = vector.shape_cast %get3A_191 : vector<1x16xf32> to vector<16xf32>
        %get3A_193 = arith.index_cast %scan3A_148 : i32 to index
        %get3A_194 = arith.constant 48 : index
        %get3A_195 = tpu.vector_load %arg13[%get3A_193, %get3A_194] {strides = array<i32>} : memref<40x128xf32, #tpu.memory_space<vmem>>, vector<1x16xf32>,
        %get3A_196 = vector.shape_cast %get3A_195 : vector<1x16xf32> to vector<16xf32>
        %mul3A_197 = arith.mulf %get3A_192, %get3A_196 : vector<16xf32>
        %swap3A_198 = arith.index_cast %scan3A_148 : i32 to index
        %swap3A_199 = arith.constant 48 : index
        %swap3A_200 = tpu.vector_load %arg16[%swap3A_198, %swap3A_199] {strides = array<i32>} : memref<40x128xf32, #tpu.memory_space<vmem>>, vector<1x16xf32>,
        %swap3A_201 = vector.shape_cast %swap3A_200 : vector<1x16xf32> to vector<16xf32>
        %swap3A_202 = vector.shape_cast %mul3A_197 : vector<16xf32> to vector<1x16xf32>
        tpu.vector_store %arg16[%swap3A_198, %swap3A_199], %swap3A_202 {strides = array<i32>} : memref<40x128xf32, #tpu.memory_space<vmem>>, vector<1x16xf32>,
        %get3A_203 = arith.index_cast %scan3A_148 : i32 to index
        %get3A_204 = arith.constant 64 : index
        %get3A_205 = tpu.vector_load %arg15[%get3A_203, %get3A_204] {strides = array<i32>} : memref<40x128xf32, #tpu.memory_space<vmem>>, vector<1x16xf32>,
        %get3A_206 = vector.shape_cast %get3A_205 : vector<1x16xf32> to vector<16xf32>
        %get3A_207 = arith.index_cast %scan3A_148 : i32 to index
        %get3A_208 = arith.constant 64 : index
        %get3A_209 = tpu.vector_load %arg13[%get3A_207, %get3A_208] {strides = array<i32>} : memref<40x128xf32, #tpu.memory_space<vmem>>, vector<1x16xf32>,
        %get3A_210 = vector.shape_cast %get3A_209 : vector<1x16xf32> to vector<16xf32>
        %mul3A_211 = arith.mulf %get3A_206, %get3A_210 : vector<16xf32>
        %swap3A_212 = arith.index_cast %scan3A_148 : i32 to index
        %swap3A_213 = arith.constant 64 : index
        %swap3A_214 = tpu.vector_load %arg16[%swap3A_212, %swap3A_213] {strides = array<i32>} : memref<40x128xf32, #tpu.memory_space<vmem>>, vector<1x16xf32>,
        %swap3A_215 = vector.shape_cast %swap3A_214 : vector<1x16xf32> to vector<16xf32>
        %swap3A_216 = vector.shape_cast %mul3A_211 : vector<16xf32> to vector<1x16xf32>
        tpu.vector_store %arg16[%swap3A_212, %swap3A_213], %swap3A_216 {strides = array<i32>} : memref<40x128xf32, #tpu.memory_space<vmem>>, vector<1x16xf32>,
        %get3A_217 = arith.index_cast %scan3A_148 : i32 to index
        %get3A_218 = arith.constant 80 : index
        %get3A_219 = tpu.vector_load %arg15[%get3A_217, %get3A_218] {strides = array<i32>} : memref<40x128xf32, #tpu.memory_space<vmem>>, vector<1x16xf32>,
        %get3A_220 = vector.shape_cast %get3A_219 : vector<1x16xf32> to vector<16xf32>
        %get3A_221 = arith.index_cast %scan3A_148 : i32 to index
        %get3A_222 = arith.constant 80 : index
        %get3A_223 = tpu.vector_load %arg13[%get3A_221, %get3A_222] {strides = array<i32>} : memref<40x128xf32, #tpu.memory_space<vmem>>, vector<1x16xf32>,
        %get3A_224 = vector.shape_cast %get3A_223 : vector<1x16xf32> to vector<16xf32>
        %mul3A_225 = arith.mulf %get3A_220, %get3A_224 : vector<16xf32>
        %swap3A_226 = arith.index_cast %scan3A_148 : i32 to index
        %swap3A_227 = arith.constant 80 : index
        %swap3A_228 = tpu.vector_load %arg16[%swap3A_226, %swap3A_227] {strides = array<i32>} : memref<40x128xf32, #tpu.memory_space<vmem>>, vector<1x16xf32>,
        %swap3A_229 = vector.shape_cast %swap3A_228 : vector<1x16xf32> to vector<16xf32>
        %swap3A_230 = vector.shape_cast %mul3A_225 : vector<16xf32> to vector<1x16xf32>
        tpu.vector_store %arg16[%swap3A_226, %swap3A_227], %swap3A_230 {strides = array<i32>} : memref<40x128xf32, #tpu.memory_space<vmem>>, vector<1x16xf32>,
        %get3A_231 = arith.index_cast %scan3A_148 : i32 to index
        %get3A_232 = arith.constant 96 : index
        %get3A_233 = tpu.vector_load %arg15[%get3A_231, %get3A_232] {strides = array<i32>} : memref<40x128xf32, #tpu.memory_space<vmem>>, vector<1x16xf32>,
        %get3A_234 = vector.shape_cast %get3A_233 : vector<1x16xf32> to vector<16xf32>
        %get3A_235 = arith.index_cast %scan3A_148 : i32 to index
        %get3A_236 = arith.constant 96 : index
        %get3A_237 = tpu.vector_load %arg13[%get3A_235, %get3A_236] {strides = array<i32>} : memref<40x128xf32, #tpu.memory_space<vmem>>, vector<1x16xf32>,
        %get3A_238 = vector.shape_cast %get3A_237 : vector<1x16xf32> to vector<16xf32>
        %mul3A_239 = arith.mulf %get3A_234, %get3A_238 : vector<16xf32>
        %swap3A_240 = arith.index_cast %scan3A_148 : i32 to index
        %swap3A_241 = arith.constant 96 : index
        %swap3A_242 = tpu.vector_load %arg16[%swap3A_240, %swap3A_241] {strides = array<i32>} : memref<40x128xf32, #tpu.memory_space<vmem>>, vector<1x16xf32>,
        %swap3A_243 = vector.shape_cast %swap3A_242 : vector<1x16xf32> to vector<16xf32>
        %swap3A_244 = vector.shape_cast %mul3A_239 : vector<16xf32> to vector<1x16xf32>
        tpu.vector_store %arg16[%swap3A_240, %swap3A_241], %swap3A_244 {strides = array<i32>} : memref<40x128xf32, #tpu.memory_space<vmem>>, vector<1x16xf32>,
        %get3A_245 = arith.index_cast %scan3A_148 : i32 to index
        %get3A_246 = arith.constant 112 : index
        %get3A_247 = tpu.vector_load %arg15[%get3A_245, %get3A_246] {strides = array<i32>} : memref<40x128xf32, #tpu.memory_space<vmem>>, vector<1x16xf32>,
        %get3A_248 = vector.shape_cast %get3A_247 : vector<1x16xf32> to vector<16xf32>
        %get3A_249 = arith.index_cast %scan3A_148 : i32 to index
        %get3A_250 = arith.constant 112 : index
        %get3A_251 = tpu.vector_load %arg13[%get3A_249, %get3A_250] {strides = array<i32>} : memref<40x128xf32, #tpu.memory_space<vmem>>, vector<1x16xf32>,
        %get3A_252 = vector.shape_cast %get3A_251 : vector<1x16xf32> to vector<16xf32>
        %mul3A_253 = arith.mulf %get3A_248, %get3A_252 : vector<16xf32>
        %swap3A_254 = arith.index_cast %scan3A_148 : i32 to index
        %swap3A_255 = arith.constant 112 : index
        %swap3A_256 = tpu.vector_load %arg16[%swap3A_254, %swap3A_255] {strides = array<i32>} : memref<40x128xf32, #tpu.memory_space<vmem>>, vector<1x16xf32>,
        %swap3A_257 = vector.shape_cast %swap3A_256 : vector<1x16xf32> to vector<16xf32>
        %swap3A_258 = vector.shape_cast %mul3A_253 : vector<16xf32> to vector<1x16xf32>
        tpu.vector_store %arg16[%swap3A_254, %swap3A_255], %swap3A_258 {strides = array<i32>} : memref<40x128xf32, #tpu.memory_space<vmem>>, vector<1x16xf32>,
      }
      %scan3A_144 = arith.constant 40 : i32
      %dma_start3A_145 = arith.constant 0 : i32
      %dma_start3A_146 = arith.constant 0 : i32
      %dma_start3A_147 = tpu.memref_slice %arg17[%dma_start3A_145, %dma_start3A_146] : memref<10000x128xf32, #tpu.memory_space<vmem_shared>> -> memref<10000x128xf32, #tpu.memory_space<vmem_shared>>
      tpu.enqueue_indirect_dma source(%arg16 : memref<40x128xf32, #tpu.memory_space<vmem>>) target(%dma_start3A_147 : memref<10000x128xf32, #tpu.memory_space<vmem_shared>>) offsets(%arg11 : memref<40xi32, #tpu.memory_space<vmem>>) semaphore(%arg22 : memref<!tpu.dma_semaphore, #tpu.memory_space<semaphore_mem>>) {add = true}
    }
    %scan3A_29 = arith.constant 25 : i32
    %dma_wait3A = arith.constant 0 : i32
    %dma_wait3A_30 = arith.constant 0 : i32
    %dma_wait3A_31 = tpu.memref_slice %arg2[%dma_wait3A, %dma_wait3A_30] : memref<10000x128xf32, #tpu.memory_space<hbm>> -> memref<40x128xf32, #tpu.memory_space<hbm>>
    %dma_wait3A_32 = arith.constant 0 : i32
    %dma_wait3A_33 = arith.constant 0 : i32
    %dma_wait3A_34 = tpu.memref_slice %arg2[%dma_wait3A_32, %dma_wait3A_33] : memref<10000x128xf32, #tpu.memory_space<hbm>> -> memref<40x128xf32, #tpu.memory_space<hbm>>
    tpu.wait_dma2 semaphore(%arg22 : memref<!tpu.dma_semaphore, #tpu.memory_space<semaphore_mem>>) src(%dma_wait3A_34 : memref<40x128xf32, #tpu.memory_space<hbm>>) dst(%arg16 : memref<40x128xf32, #tpu.memory_space<vmem>>)
    %barrier3A_35 = arith.constant 0 : index
    tpu.barrier barrier_id(%barrier3A_35)
    %eq3A_36 = arith.constant 0 : i32
    %eq3A_37 = arith.cmpi eq, %arg0, %eq3A_36 : i32
    %lt3A_38 = arith.constant 15 : i32
    %lt3A_39 = arith.cmpi slt, %arg1, %lt3A_38 : i32
    %and3A = arith.andi %eq3A_37, %lt3A_39 : i1
    %convert_element_type3A_40 = arith.extui %and3A : i1 to i32
    %cond3A_41 = arith.constant 0 : i32
    %cond3A_42 = arith.cmpi ne, %convert_element_type3A_40, %cond3A_41 : i32
    scf.if %cond3A_42 {
      "tpu.region"() ({
        %run_scoped3A = tpu.sem_alloc : memref<!tpu.dma_semaphore, #tpu.memory_space<semaphore_mem>>
        %dma_start3A_67 = arith.constant 0 : i32
        %dma_start3A_68 = tpu.memref_slice %arg7[%mul3A_2, %dma_start3A_67] : memref<10000x128xf32, #tpu.memory_space<hbm>> -> memref<624x128xf32, #tpu.memory_space<hbm>>
        %dma_start3A_69 = arith.constant 0 : i32
        %dma_start3A_70 = tpu.memref_slice %arg17[%mul3A_2, %dma_start3A_69] : memref<10000x128xf32, #tpu.memory_space<vmem_shared>> -> memref<624x128xf32, #tpu.memory_space<vmem_shared>>
        tpu.enqueue_dma source(%dma_start3A_70 : memref<624x128xf32, #tpu.memory_space<vmem_shared>>) target(%dma_start3A_68 : memref<624x128xf32, #tpu.memory_space<hbm>>) target_semaphore(%run_scoped3A : memref<!tpu.dma_semaphore, #tpu.memory_space<semaphore_mem>>)
        %dma_wait3A_71 = arith.constant 0 : i32
        %dma_wait3A_72 = tpu.memref_slice %arg7[%mul3A_2, %dma_wait3A_71] : memref<10000x128xf32, #tpu.memory_space<hbm>> -> memref<624x128xf32, #tpu.memory_space<hbm>>
        %dma_wait3A_73 = arith.constant 0 : i32
        %dma_wait3A_74 = tpu.memref_slice %arg17[%mul3A_2, %dma_wait3A_73] : memref<10000x128xf32, #tpu.memory_space<vmem_shared>> -> memref<624x128xf32, #tpu.memory_space<vmem_shared>>
        tpu.wait_dma2 semaphore(%run_scoped3A : memref<!tpu.dma_semaphore, #tpu.memory_space<semaphore_mem>>) src(%dma_wait3A_74 : memref<624x128xf32, #tpu.memory_space<vmem_shared>>) dst(%dma_wait3A_72 : memref<624x128xf32, #tpu.memory_space<hbm>>)
        tpu.yield
      }) : () -> ()
    } else {
    }
    %eq3A_43 = arith.constant 0 : i32
    %eq3A_44 = arith.cmpi eq, %arg0, %eq3A_43 : i32
    %eq3A_45 = arith.constant 15 : i32
    %eq3A_46 = arith.cmpi eq, %arg1, %eq3A_45 : i32
    %and3A_47 = arith.andi %eq3A_44, %eq3A_46 : i1
    %convert_element_type3A_48 = arith.extui %and3A_47 : i1 to i32
    %cond3A_49 = arith.constant 0 : i32
    %cond3A_50 = arith.cmpi ne, %convert_element_type3A_48, %cond3A_49 : i32
    scf.if %cond3A_50 {
      "tpu.region"() ({
        %run_scoped3A = tpu.sem_alloc : memref<!tpu.dma_semaphore, #tpu.memory_space<semaphore_mem>>
        %dma_start3A_67 = arith.constant 9360 : i32
        %dma_start3A_68 = arith.constant 0 : i32
        %dma_start3A_69 = tpu.memref_slice %arg7[%dma_start3A_67, %dma_start3A_68] : memref<10000x128xf32, #tpu.memory_space<hbm>> -> memref<640x128xf32, #tpu.memory_space<hbm>>
        %dma_start3A_70 = arith.constant 9360 : i32
        %dma_start3A_71 = arith.constant 0 : i32
        %dma_start3A_72 = tpu.memref_slice %arg17[%dma_start3A_70, %dma_start3A_71] : memref<10000x128xf32, #tpu.memory_space<vmem_shared>> -> memref<640x128xf32, #tpu.memory_space<vmem_shared>>
        tpu.enqueue_dma source(%dma_start3A_72 : memref<640x128xf32, #tpu.memory_space<vmem_shared>>) target(%dma_start3A_69 : memref<640x128xf32, #tpu.memory_space<hbm>>) target_semaphore(%run_scoped3A : memref<!tpu.dma_semaphore, #tpu.memory_space<semaphore_mem>>)
        %dma_wait3A_73 = arith.constant 9360 : i32
        %dma_wait3A_74 = arith.constant 0 : i32
        %dma_wait3A_75 = tpu.memref_slice %arg7[%dma_wait3A_73, %dma_wait3A_74] : memref<10000x128xf32, #tpu.memory_space<hbm>> -> memref<640x128xf32, #tpu.memory_space<hbm>>
        %dma_wait3A_76 = arith.constant 9360 : i32
        %dma_wait3A_77 = arith.constant 0 : i32
        %dma_wait3A_78 = tpu.memref_slice %arg17[%dma_wait3A_76, %dma_wait3A_77] : memref<10000x128xf32, #tpu.memory_space<vmem_shared>> -> memref<640x128xf32, #tpu.memory_space<vmem_shared>>
        tpu.wait_dma2 semaphore(%run_scoped3A : memref<!tpu.dma_semaphore, #tpu.memory_space<semaphore_mem>>) src(%dma_wait3A_78 : memref<640x128xf32, #tpu.memory_space<vmem_shared>>) dst(%dma_wait3A_75 : memref<640x128xf32, #tpu.memory_space<hbm>>)
        tpu.yield
      }) : () -> ()
    } else {
    }
    %eq3A_51 = arith.constant 1 : i32
    %eq3A_52 = arith.cmpi eq, %arg0, %eq3A_51 : i32
    %lt3A_53 = arith.constant 15 : i32
    %lt3A_54 = arith.cmpi slt, %arg1, %lt3A_53 : i32
    %and3A_55 = arith.andi %eq3A_52, %lt3A_54 : i1
    %convert_element_type3A_56 = arith.extui %and3A_55 : i1 to i32
    %cond3A_57 = arith.constant 0 : i32
    %cond3A_58 = arith.cmpi ne, %convert_element_type3A_56, %cond3A_57 : i32
    scf.if %cond3A_58 {
      "tpu.region"() ({
        %run_scoped3A = tpu.sem_alloc : memref<!tpu.dma_semaphore, #tpu.memory_space<semaphore_mem>>
        %dma_start3A_67 = arith.constant 0 : i32
        %dma_start3A_68 = tpu.memref_slice %arg8[%mul3A_2, %dma_start3A_67] : memref<10000x128xf32, #tpu.memory_space<hbm>> -> memref<624x128xf32, #tpu.memory_space<hbm>>
        %dma_start3A_69 = arith.constant 0 : i32
        %dma_start3A_70 = tpu.memref_slice %arg17[%mul3A_2, %dma_start3A_69] : memref<10000x128xf32, #tpu.memory_space<vmem_shared>> -> memref<624x128xf32, #tpu.memory_space<vmem_shared>>
        tpu.enqueue_dma source(%dma_start3A_70 : memref<624x128xf32, #tpu.memory_space<vmem_shared>>) target(%dma_start3A_68 : memref<624x128xf32, #tpu.memory_space<hbm>>) target_semaphore(%run_scoped3A : memref<!tpu.dma_semaphore, #tpu.memory_space<semaphore_mem>>)
        %dma_wait3A_71 = arith.constant 0 : i32
        %dma_wait3A_72 = tpu.memref_slice %arg8[%mul3A_2, %dma_wait3A_71] : memref<10000x128xf32, #tpu.memory_space<hbm>> -> memref<624x128xf32, #tpu.memory_space<hbm>>
        %dma_wait3A_73 = arith.constant 0 : i32
        %dma_wait3A_74 = tpu.memref_slice %arg17[%mul3A_2, %dma_wait3A_73] : memref<10000x128xf32, #tpu.memory_space<vmem_shared>> -> memref<624x128xf32, #tpu.memory_space<vmem_shared>>
        tpu.wait_dma2 semaphore(%run_scoped3A : memref<!tpu.dma_semaphore, #tpu.memory_space<semaphore_mem>>) src(%dma_wait3A_74 : memref<624x128xf32, #tpu.memory_space<vmem_shared>>) dst(%dma_wait3A_72 : memref<624x128xf32, #tpu.memory_space<hbm>>)
        tpu.yield
      }) : () -> ()
    } else {
    }
    %eq3A_59 = arith.constant 1 : i32
    %eq3A_60 = arith.cmpi eq, %arg0, %eq3A_59 : i32
    %eq3A_61 = arith.constant 15 : i32
    %eq3A_62 = arith.cmpi eq, %arg1, %eq3A_61 : i32
    %and3A_63 = arith.andi %eq3A_60, %eq3A_62 : i1
    %convert_element_type3A_64 = arith.extui %and3A_63 : i1 to i32
    %cond3A_65 = arith.constant 0 : i32
    %cond3A_66 = arith.cmpi ne, %convert_element_type3A_64, %cond3A_65 : i32
    scf.if %cond3A_66 {
      "tpu.region"() ({
        %run_scoped3A = tpu.sem_alloc : memref<!tpu.dma_semaphore, #tpu.memory_space<semaphore_mem>>
        %dma_start3A_67 = arith.constant 9360 : i32
        %dma_start3A_68 = arith.constant 0 : i32
        %dma_start3A_69 = tpu.memref_slice %arg8[%dma_start3A_67, %dma_start3A_68] : memref<10000x128xf32, #tpu.memory_space<hbm>> -> memref<640x128xf32, #tpu.memory_space<hbm>>
        %dma_start3A_70 = arith.constant 9360 : i32
        %dma_start3A_71 = arith.constant 0 : i32
        %dma_start3A_72 = tpu.memref_slice %arg17[%dma_start3A_70, %dma_start3A_71] : memref<10000x128xf32, #tpu.memory_space<vmem_shared>> -> memref<640x128xf32, #tpu.memory_space<vmem_shared>>
        tpu.enqueue_dma source(%dma_start3A_72 : memref<640x128xf32, #tpu.memory_space<vmem_shared>>) target(%dma_start3A_69 : memref<640x128xf32, #tpu.memory_space<hbm>>) target_semaphore(%run_scoped3A : memref<!tpu.dma_semaphore, #tpu.memory_space<semaphore_mem>>)
        %dma_wait3A_73 = arith.constant 9360 : i32
        %dma_wait3A_74 = arith.constant 0 : i32
        %dma_wait3A_75 = tpu.memref_slice %arg8[%dma_wait3A_73, %dma_wait3A_74] : memref<10000x128xf32, #tpu.memory_space<hbm>> -> memref<640x128xf32, #tpu.memory_space<hbm>>
        %dma_wait3A_76 = arith.constant 9360 : i32
        %dma_wait3A_77 = arith.constant 0 : i32
        %dma_wait3A_78 = tpu.memref_slice %arg17[%dma_wait3A_76, %dma_wait3A_77] : memref<10000x128xf32, #tpu.memory_space<vmem_shared>> -> memref<640x128xf32, #tpu.memory_space<vmem_shared>>
        tpu.wait_dma2 semaphore(%run_scoped3A : memref<!tpu.dma_semaphore, #tpu.memory_space<semaphore_mem>>) src(%dma_wait3A_78 : memref<640x128xf32, #tpu.memory_space<vmem_shared>>) dst(%dma_wait3A_75 : memref<640x128xf32, #tpu.memory_space<hbm>>)
        tpu.yield
      }) : () -> ()
    } else {
    }
    return
  }
}

#map = affine_map<(d0, d1) -> (0, 0)>
#map1 = affine_map<(d0, d1) -> (0)>
module attributes {stable_mosaic.version = 14 : i64} {
  func.func @k(%arg0: i32, %arg1: i32, %arg2: memref<10000x128xf32, #tpu.memory_space<hbm>>, %arg3: memref<64000x128xf32, #tpu.memory_space<hbm>>, %arg4: memref<320000xi32, #tpu.memory_space<hbm>>, %arg5: memref<320000xi32, #tpu.memory_space<hbm>>, %arg6: memref<10000x128xf32, #tpu.memory_space<hbm>>, %arg7: memref<10000x128xf32, #tpu.memory_space<hbm>>, %arg8: memref<10000x128xf32, #tpu.memory_space<hbm>>, %arg9: memref<2000xi32, #tpu.memory_space<vmem>>, %arg10: memref<40xi32, #tpu.memory_space<vmem>>, %arg11: memref<40xi32, #tpu.memory_space<vmem>>, %arg12: memref<40x128xf32, #tpu.memory_space<vmem>>, %arg13: memref<40x128xf32, #tpu.memory_space<vmem>>, %arg14: memref<40x128xf32, #tpu.memory_space<vmem>>, %arg15: memref<40x128xf32, #tpu.memory_space<vmem>>, %arg16: memref<40x128xf32, #tpu.memory_space<vmem>>, %arg17: memref<10000x128xf32, #tpu.memory_space<vmem_shared>>, %arg18: memref<!tpu.dma_semaphore, #tpu.memory_space<semaphore_mem>>, %arg19: memref<!tpu.dma_semaphore, #tpu.memory_space<semaphore_mem>>, %arg20: memref<!tpu.dma_semaphore, #tpu.memory_space<semaphore_mem>>, %arg21: memref<!tpu.dma_semaphore, #tpu.memory_space<semaphore_mem>>, %arg22: memref<!tpu.dma_semaphore, #tpu.memory_space<semaphore_mem>>) attributes {dimension_semantics = [#tpu.dimension_semantics<core_parallel>, #tpu.dimension_semantics<subcore_parallel>], iteration_bounds = array<i64: 2, 16>, scalar_prefetch = 0 : i64, scratch_operands = 14 : i64, tpu.core_type = #tpu.core_type<sc_vector_subcore>, window_params = [{transform_indices = #map}, {transform_indices = #map}, {transform_indices = #map1}, {transform_indices = #map1}, {transform_indices = #map}, {transform_indices = #map}, {transform_indices = #map}]} {
    %mul3A = arith.constant 2 : i32
    %mul3A_0 = arith.muli %arg1, %mul3A : i32
    %add3A = arith.addi %mul3A_0, %arg0 : i32
    %mul3A_1 = arith.constant 624 : i32
    %mul3A_2 = arith.muli %arg1, %mul3A_1 : i32
    %mul3A_3 = arith.constant 2000 : i32
    %mul3A_4 = arith.muli %add3A, %mul3A_3 : i32
    %add3A_5 = arith.constant 0 : i32
    %add3A_6 = arith.addi %add3A_5, %mul3A_4 : i32
    %mul3A_7 = arith.constant 2000 : i32
    %mul3A_8 = arith.muli %add3A, %mul3A_7 : i32
    %lt3A = arith.constant 15 : i32
    %lt3A_9 = arith.cmpi slt, %arg1, %lt3A : i32
    %convert_element_type3A = arith.extui %lt3A_9 : i1 to i32
    %cond3A = arith.constant 0 : i32
    %cond3A_10 = arith.cmpi ne, %convert_element_type3A, %cond3A : i32
    scf.if %cond3A_10 {
      "tpu.region"() ({
        %run_scoped3A = tpu.sem_alloc : memref<!tpu.dma_semaphore, #tpu.memory_space<semaphore_mem>>
        %dma_start3A_67 = arith.constant 0 : i32
        %dma_start3A_68 = tpu.memref_slice %arg17[%mul3A_2, %dma_start3A_67] : memref<10000x128xf32, #tpu.memory_space<vmem_shared>> -> memref<624x128xf32, #tpu.memory_space<vmem_shared>>
        %dma_start3A_69 = arith.constant 0 : i32
        %dma_start3A_70 = tpu.memref_slice %arg6[%mul3A_2, %dma_start3A_69] : memref<10000x128xf32, #tpu.memory_space<hbm>> -> memref<624x128xf32, #tpu.memory_space<hbm>>
        tpu.enqueue_dma source(%dma_start3A_70 : memref<624x128xf32, #tpu.memory_space<hbm>>) target(%dma_start3A_68 : memref<624x128xf32, #tpu.memory_space<vmem_shared>>) target_semaphore(%run_scoped3A : memref<!tpu.dma_semaphore, #tpu.memory_space<semaphore_mem>>)
        %dma_wait3A_71 = arith.constant 0 : i32
        %dma_wait3A_72 = tpu.memref_slice %arg17[%mul3A_2, %dma_wait3A_71] : memref<10000x128xf32, #tpu.memory_space<vmem_shared>> -> memref<624x128xf32, #tpu.memory_space<vmem_shared>>
        %dma_wait3A_73 = arith.constant 0 : i32
        %dma_wait3A_74 = tpu.memref_slice %arg6[%mul3A_2, %dma_wait3A_73] : memref<10000x128xf32, #tpu.memory_space<hbm>> -> memref<624x128xf32, #tpu.memory_space<hbm>>
        tpu.wait_dma2 semaphore(%run_scoped3A : memref<!tpu.dma_semaphore, #tpu.memory_space<semaphore_mem>>) src(%dma_wait3A_74 : memref<624x128xf32, #tpu.memory_space<hbm>>) dst(%dma_wait3A_72 : memref<624x128xf32, #tpu.memory_space<vmem_shared>>)
        tpu.yield
      }) : () -> ()
    } else {
    }
    %eq3A = arith.constant 15 : i32
    %eq3A_11 = arith.cmpi eq, %arg1, %eq3A : i32
    %convert_element_type3A_12 = arith.extui %eq3A_11 : i1 to i32
    %cond3A_13 = arith.constant 0 : i32
    %cond3A_14 = arith.cmpi ne, %convert_element_type3A_12, %cond3A_13 : i32
    scf.if %cond3A_14 {
      "tpu.region"() ({
        %run_scoped3A = tpu.sem_alloc : memref<!tpu.dma_semaphore, #tpu.memory_space<semaphore_mem>>
        %dma_start3A_67 = arith.constant 9360 : i32
        %dma_start3A_68 = arith.constant 0 : i32
        %dma_start3A_69 = tpu.memref_slice %arg17[%dma_start3A_67, %dma_start3A_68] : memref<10000x128xf32, #tpu.memory_space<vmem_shared>> -> memref<640x128xf32, #tpu.memory_space<vmem_shared>>
        %dma_start3A_70 = arith.constant 9360 : i32
        %dma_start3A_71 = arith.constant 0 : i32
        %dma_start3A_72 = tpu.memref_slice %arg6[%dma_start3A_70, %dma_start3A_71] : memref<10000x128xf32, #tpu.memory_space<hbm>> -> memref<640x128xf32, #tpu.memory_space<hbm>>
        tpu.enqueue_dma source(%dma_start3A_72 : memref<640x128xf32, #tpu.memory_space<hbm>>) target(%dma_start3A_69 : memref<640x128xf32, #tpu.memory_space<vmem_shared>>) target_semaphore(%run_scoped3A : memref<!tpu.dma_semaphore, #tpu.memory_space<semaphore_mem>>)
        %dma_wait3A_73 = arith.constant 9360 : i32
        %dma_wait3A_74 = arith.constant 0 : i32
        %dma_wait3A_75 = tpu.memref_slice %arg17[%dma_wait3A_73, %dma_wait3A_74] : memref<10000x128xf32, #tpu.memory_space<vmem_shared>> -> memref<640x128xf32, #tpu.memory_space<vmem_shared>>
        %dma_wait3A_76 = arith.constant 9360 : i32
        %dma_wait3A_77 = arith.constant 0 : i32
        %dma_wait3A_78 = tpu.memref_slice %arg6[%dma_wait3A_76, %dma_wait3A_77] : memref<10000x128xf32, #tpu.memory_space<hbm>> -> memref<640x128xf32, #tpu.memory_space<hbm>>
        tpu.wait_dma2 semaphore(%run_scoped3A : memref<!tpu.dma_semaphore, #tpu.memory_space<semaphore_mem>>) src(%dma_wait3A_78 : memref<640x128xf32, #tpu.memory_space<hbm>>) dst(%dma_wait3A_75 : memref<640x128xf32, #tpu.memory_space<vmem_shared>>)
        tpu.yield
      }) : () -> ()
    } else {
    }
    "tpu.region"() ({
      %run_scoped3A = tpu.sem_alloc : memref<!tpu.dma_semaphore, #tpu.memory_space<semaphore_mem>>
      %dma_start3A_67 = tpu.memref_slice %arg4[%add3A_6] : memref<320000xi32, #tpu.memory_space<hbm>> -> memref<2000xi32, #tpu.memory_space<hbm>>
      %dma_start3A_68 = tpu.memref_slice %arg4[%add3A_6] : memref<320000xi32, #tpu.memory_space<hbm>> -> memref<2000xi32, #tpu.memory_space<hbm>>
      tpu.enqueue_dma source(%dma_start3A_68 : memref<2000xi32, #tpu.memory_space<hbm>>) target(%arg9 : memref<2000xi32, #tpu.memory_space<vmem>>) target_semaphore(%run_scoped3A : memref<!tpu.dma_semaphore, #tpu.memory_space<semaphore_mem>>)
      %dma_wait3A_69 = tpu.memref_slice %arg4[%add3A_6] : memref<320000xi32, #tpu.memory_space<hbm>> -> memref<2000xi32, #tpu.memory_space<hbm>>
      %dma_wait3A_70 = tpu.memref_slice %arg4[%add3A_6] : memref<320000xi32, #tpu.memory_space<hbm>> -> memref<2000xi32, #tpu.memory_space<hbm>>
      tpu.wait_dma2 semaphore(%run_scoped3A : memref<!tpu.dma_semaphore, #tpu.memory_space<semaphore_mem>>) src(%dma_wait3A_70 : memref<2000xi32, #tpu.memory_space<hbm>>) dst(%arg9 : memref<2000xi32, #tpu.memory_space<vmem>>)
      tpu.yield
    }) : () -> ()
    %barrier3A = arith.constant 0 : index
    tpu.barrier barrier_id(%barrier3A)
    %dma_start3A = arith.constant 0 : i32
    %dma_start3A_15 = tpu.memref_slice %arg9[%dma_start3A] : memref<2000xi32, #tpu.memory_space<vmem>> -> memref<40xi32, #tpu.memory_space<vmem>>
    %dma_start3A_16 = arith.constant 0 : i32
    %dma_start3A_17 = arith.constant 0 : i32
    %dma_start3A_18 = tpu.memref_slice %arg2[%dma_start3A_16, %dma_start3A_17] : memref<10000x128xf32, #tpu.memory_space<hbm>> -> memref<10000x128xf32, #tpu.memory_space<hbm>>
    tpu.enqueue_indirect_dma source(%dma_start3A_18 : memref<10000x128xf32, #tpu.memory_space<hbm>>) target(%arg14 : memref<40x128xf32, #tpu.memory_space<vmem>>) offsets(%dma_start3A_15 : memref<40xi32, #tpu.memory_space<vmem>>) semaphore(%arg18 : memref<!tpu.dma_semaphore, #tpu.memory_space<semaphore_mem>>)
    %dma_start3A_19 = arith.constant 0 : i32
    %dma_start3A_20 = tpu.memref_slice %arg3[%mul3A_8, %dma_start3A_19] : memref<64000x128xf32, #tpu.memory_space<hbm>> -> memref<40x128xf32, #tpu.memory_space<hbm>>
    %dma_start3A_21 = arith.constant 0 : i32
    %dma_start3A_22 = tpu.memref_slice %arg3[%mul3A_8, %dma_start3A_21] : memref<64000x128xf32, #tpu.memory_space<hbm>> -> memref<40x128xf32, #tpu.memory_space<hbm>>
    tpu.enqueue_dma source(%dma_start3A_22 : memref<40x128xf32, #tpu.memory_space<hbm>>) target(%arg12 : memref<40x128xf32, #tpu.memory_space<vmem>>) target_semaphore(%arg20 : memref<!tpu.dma_semaphore, #tpu.memory_space<semaphore_mem>>)
    %dma_start3A_23 = tpu.memref_slice %arg5[%add3A_6] : memref<320000xi32, #tpu.memory_space<hbm>> -> memref<40xi32, #tpu.memory_space<hbm>>
    %dma_start3A_24 = tpu.memref_slice %arg5[%add3A_6] : memref<320000xi32, #tpu.memory_space<hbm>> -> memref<40xi32, #tpu.memory_space<hbm>>
    tpu.enqueue_dma source(%dma_start3A_24 : memref<40xi32, #tpu.memory_space<hbm>>) target(%arg10 : memref<40xi32, #tpu.memory_space<vmem>>) target_semaphore(%arg20 : memref<!tpu.dma_semaphore, #tpu.memory_space<semaphore_mem>>)
    %scan3A = arith.constant 0 : i32
    %scan3A_25 = arith.constant 0 : i32
    %scan3A_26 = arith.constant 25 : i32
    %scan3A_27 = arith.addi %scan3A_25, %scan3A_26 : i32
    %scan3A_28 = arith.constant 1 : i32
    scf.for %scan3A_67 = %scan3A_25 to %scan3A_27 step %scan3A_28  : i32 {
      %mul3A_68 = arith.constant 2 : i32
      %mul3A_69 = arith.muli %scan3A_67, %mul3A_68 : i32
      %eq3A_70 = arith.constant 0 : i32
      %eq3A_71 = arith.cmpi eq, %scan3A_67, %eq3A_70 : i32
      %add3A_72 = arith.constant 1 : i32
      %add3A_73 = arith.addi %mul3A_69, %add3A_72 : i32
      %lt3A_74 = arith.constant 50 : i32
      %lt3A_75 = arith.cmpi slt, %add3A_73, %lt3A_74 : i32
      %convert_element_type3A_76 = arith.extui %lt3A_75 : i1 to i32
      %cond3A_77 = arith.constant 0 : i32
      %cond3A_78 = arith.cmpi ne, %convert_element_type3A_76, %cond3A_77 : i32
      scf.if %cond3A_78 {
        %add3A_148 = arith.constant 1 : i32
        %add3A_149 = arith.addi %mul3A_69, %add3A_148 : i32
        %mul3A_150 = arith.constant 40 : i32
        %mul3A_151 = arith.muli %add3A_149, %mul3A_150 : i32
        %dma_start3A_152 = tpu.memref_slice %arg9[%mul3A_151] : memref<2000xi32, #tpu.memory_space<vmem>> -> memref<40xi32, #tpu.memory_space<vmem>>
        %dma_start3A_153 = arith.constant 0 : i32
        %dma_start3A_154 = arith.constant 0 : i32
        %dma_start3A_155 = tpu.memref_slice %arg2[%dma_start3A_153, %dma_start3A_154] : memref<10000x128xf32, #tpu.memory_space<hbm>> -> memref<10000x128xf32, #tpu.memory_space<hbm>>
        tpu.enqueue_indirect_dma source(%dma_start3A_155 : memref<10000x128xf32, #tpu.memory_space<hbm>>) target(%arg15 : memref<40x128xf32, #tpu.memory_space<vmem>>) offsets(%dma_start3A_152 : memref<40xi32, #tpu.memory_space<vmem>>) semaphore(%arg19 : memref<!tpu.dma_semaphore, #tpu.memory_space<semaphore_mem>>)
        %add3A_156 = arith.constant 1 : i32
        %add3A_157 = arith.addi %mul3A_69, %add3A_156 : i32
        %mul3A_158 = arith.constant 40 : i32
        %mul3A_159 = arith.muli %add3A_157, %mul3A_158 : i32
        %add3A_160 = arith.addi %mul3A_8, %mul3A_159 : i32
        %dma_start3A_161 = arith.constant 0 : i32
        %dma_start3A_162 = tpu.memref_slice %arg3[%add3A_160, %dma_start3A_161] : memref<64000x128xf32, #tpu.memory_space<hbm>> -> memref<40x128xf32, #tpu.memory_space<hbm>>
        %dma_start3A_163 = arith.constant 0 : i32
        %dma_start3A_164 = tpu.memref_slice %arg3[%add3A_160, %dma_start3A_163] : memref<64000x128xf32, #tpu.memory_space<hbm>> -> memref<40x128xf32, #tpu.memory_space<hbm>>
        tpu.enqueue_dma source(%dma_start3A_164 : memref<40x128xf32, #tpu.memory_space<hbm>>) target(%arg13 : memref<40x128xf32, #tpu.memory_space<vmem>>) target_semaphore(%arg21 : memref<!tpu.dma_semaphore, #tpu.memory_space<semaphore_mem>>)
        %add3A_165 = arith.constant 1 : i32
        %add3A_166 = arith.addi %mul3A_69, %add3A_165 : i32
        %mul3A_167 = arith.constant 40 : i32
        %mul3A_168 = arith.muli %add3A_166, %mul3A_167 : i32
        %add3A_169 = arith.addi %add3A_6, %mul3A_168 : i32
        %dma_start3A_170 = tpu.memref_slice %arg5[%add3A_169] : memref<320000xi32, #tpu.memory_space<hbm>> -> memref<40xi32, #tpu.memory_space<hbm>>
        %dma_start3A_171 = tpu.memref_slice %arg5[%add3A_169] : memref<320000xi32, #tpu.memory_space<hbm>> -> memref<40xi32, #tpu.memory_space<hbm>>
        tpu.enqueue_dma source(%dma_start3A_171 : memref<40xi32, #tpu.memory_space<hbm>>) target(%arg11 : memref<40xi32, #tpu.memory_space<vmem>>) target_semaphore(%arg21 : memref<!tpu.dma_semaphore, #tpu.memory_space<semaphore_mem>>)
      } else {
      }
      %dma_wait3A_79 = arith.constant 0 : i32
      %dma_wait3A_80 = arith.constant 0 : i32
      %dma_wait3A_81 = tpu.memref_slice %arg2[%dma_wait3A_79, %dma_wait3A_80] : memref<10000x128xf32, #tpu.memory_space<hbm>> -> memref<40x128xf32, #tpu.memory_space<hbm>>
      %dma_wait3A_82 = arith.constant 0 : i32
      %dma_wait3A_83 = arith.constant 0 : i32
      %dma_wait3A_84 = tpu.memref_slice %arg2[%dma_wait3A_82, %dma_wait3A_83] : memref<10000x128xf32, #tpu.memory_space<hbm>> -> memref<40x128xf32, #tpu.memory_space<hbm>>
      tpu.wait_dma2 semaphore(%arg18 : memref<!tpu.dma_semaphore, #tpu.memory_space<semaphore_mem>>) src(%dma_wait3A_84 : memref<40x128xf32, #tpu.memory_space<hbm>>) dst(%arg14 : memref<40x128xf32, #tpu.memory_space<vmem>>)
      %dma_wait3A_85 = arith.constant 0 : i32
      %dma_wait3A_86 = arith.constant 0 : i32
      %dma_wait3A_87 = tpu.memref_slice %arg2[%dma_wait3A_85, %dma_wait3A_86] : memref<10000x128xf32, #tpu.memory_space<hbm>> -> memref<40x128xf32, #tpu.memory_space<hbm>>
      %dma_wait3A_88 = arith.constant 0 : i32
      %dma_wait3A_89 = arith.constant 0 : i32
      %dma_wait3A_90 = tpu.memref_slice %arg2[%dma_wait3A_88, %dma_wait3A_89] : memref<10000x128xf32, #tpu.memory_space<hbm>> -> memref<40x128xf32, #tpu.memory_space<hbm>>
      tpu.wait_dma2 semaphore(%arg20 : memref<!tpu.dma_semaphore, #tpu.memory_space<semaphore_mem>>) src(%dma_wait3A_90 : memref<40x128xf32, #tpu.memory_space<hbm>>) dst(%arg12 : memref<40x128xf32, #tpu.memory_space<vmem>>)
      %dma_wait3A_91 = arith.constant 0 : i32
      %dma_wait3A_92 = tpu.memref_slice %arg5[%dma_wait3A_91] : memref<320000xi32, #tpu.memory_space<hbm>> -> memref<40xi32, #tpu.memory_space<hbm>>
      %dma_wait3A_93 = arith.constant 0 : i32
      %dma_wait3A_94 = tpu.memref_slice %arg5[%dma_wait3A_93] : memref<320000xi32, #tpu.memory_space<hbm>> -> memref<40xi32, #tpu.memory_space<hbm>>
      tpu.wait_dma2 semaphore(%arg20 : memref<!tpu.dma_semaphore, #tpu.memory_space<semaphore_mem>>) src(%dma_wait3A_94 : memref<40xi32, #tpu.memory_space<hbm>>) dst(%arg10 : memref<40xi32, #tpu.memory_space<vmem>>)
      %not3A = arith.constant true
      %not3A_95 = arith.xori %eq3A_71, %not3A : i1
      %convert_element_type3A_96 = arith.extui %not3A_95 : i1 to i32
      %cond3A_97 = arith.constant 0 : i32
      %cond3A_98 = arith.cmpi ne, %convert_element_type3A_96, %cond3A_97 : i32
      scf.if %cond3A_98 {
        %dma_wait3A_148 = arith.constant 0 : i32
        %dma_wait3A_149 = arith.constant 0 : i32
        %dma_wait3A_150 = tpu.memref_slice %arg2[%dma_wait3A_148, %dma_wait3A_149] : memref<10000x128xf32, #tpu.memory_space<hbm>> -> memref<40x128xf32, #tpu.memory_space<hbm>>
        %dma_wait3A_151 = arith.constant 0 : i32
        %dma_wait3A_152 = arith.constant 0 : i32
        %dma_wait3A_153 = tpu.memref_slice %arg2[%dma_wait3A_151, %dma_wait3A_152] : memref<10000x128xf32, #tpu.memory_space<hbm>> -> memref<40x128xf32, #tpu.memory_space<hbm>>
        tpu.wait_dma2 semaphore(%arg22 : memref<!tpu.dma_semaphore, #tpu.memory_space<semaphore_mem>>) src(%dma_wait3A_153 : memref<40x128xf32, #tpu.memory_space<hbm>>) dst(%arg16 : memref<40x128xf32, #tpu.memory_space<vmem>>)
      } else {
      }
      %scan3A_99 = arith.constant 0 : i32
      %scan3A_100 = arith.constant 0 : i32
      %scan3A_101 = arith.constant 40 : i32
      %scan3A_102 = arith.addi %scan3A_100, %scan3A_101 : i32
      %scan3A_103 = arith.constant 1 : i32
      scf.for %scan3A_148 = %scan3A_100 to %scan3A_102 step %scan3A_103  : i32 {
        %get3A = arith.index_cast %scan3A_148 : i32 to index
        %get3A_149 = arith.constant 0 : index
        %get3A_150 = tpu.vector_load %arg14[%get3A, %get3A_149] {strides = array<i32>} : memref<40x128xf32, #tpu.memory_space<vmem>>, vector<1x16xf32>,
        %get3A_151 = vector.shape_cast %get3A_150 : vector<1x16xf32> to vector<16xf32>
        %get3A_152 = arith.index_cast %scan3A_148 : i32 to index
        %get3A_153 = arith.constant 0 : index
        %get3A_154 = tpu.vector_load %arg12[%get3A_152, %get3A_153] {strides = array<i32>} : memref<40x128xf32, #tpu.memory_space<vmem>>, vector<1x16xf32>,
        %get3A_155 = vector.shape_cast %get3A_154 : vector<1x16xf32> to vector<16xf32>
        %mul3A_156 = arith.mulf %get3A_151, %get3A_155 : vector<16xf32>
        %swap3A = arith.index_cast %scan3A_148 : i32 to index
        %swap3A_157 = arith.constant 0 : index
        %swap3A_158 = tpu.vector_load %arg16[%swap3A, %swap3A_157] {strides = array<i32>} : memref<40x128xf32, #tpu.memory_space<vmem>>, vector<1x16xf32>,
        %swap3A_159 = vector.shape_cast %swap3A_158 : vector<1x16xf32> to vector<16xf32>
        %swap3A_160 = vector.shape_cast %mul3A_156 : vector<16xf32> to vector<1x16xf32>
        tpu.vector_store %arg16[%swap3A, %swap3A_157], %swap3A_160 {strides = array<i32>} : memref<40x128xf32, #tpu.memory_space<vmem>>, vector<1x16xf32>,
        %get3A_161 = arith.index_cast %scan3A_148 : i32 to index
        %get3A_162 = arith.constant 16 : index
        %get3A_163 = tpu.vector_load %arg14[%get3A_161, %get3A_162] {strides = array<i32>} : memref<40x128xf32, #tpu.memory_space<vmem>>, vector<1x16xf32>,
        %get3A_164 = vector.shape_cast %get3A_163 : vector<1x16xf32> to vector<16xf32>
        %get3A_165 = arith.index_cast %scan3A_148 : i32 to index
        %get3A_166 = arith.constant 16 : index
        %get3A_167 = tpu.vector_load %arg12[%get3A_165, %get3A_166] {strides = array<i32>} : memref<40x128xf32, #tpu.memory_space<vmem>>, vector<1x16xf32>,
        %get3A_168 = vector.shape_cast %get3A_167 : vector<1x16xf32> to vector<16xf32>
        %mul3A_169 = arith.mulf %get3A_164, %get3A_168 : vector<16xf32>
        %swap3A_170 = arith.index_cast %scan3A_148 : i32 to index
        %swap3A_171 = arith.constant 16 : index
        %swap3A_172 = tpu.vector_load %arg16[%swap3A_170, %swap3A_171] {strides = array<i32>} : memref<40x128xf32, #tpu.memory_space<vmem>>, vector<1x16xf32>,
        %swap3A_173 = vector.shape_cast %swap3A_172 : vector<1x16xf32> to vector<16xf32>
        %swap3A_174 = vector.shape_cast %mul3A_169 : vector<16xf32> to vector<1x16xf32>
        tpu.vector_store %arg16[%swap3A_170, %swap3A_171], %swap3A_174 {strides = array<i32>} : memref<40x128xf32, #tpu.memory_space<vmem>>, vector<1x16xf32>,
        %get3A_175 = arith.index_cast %scan3A_148 : i32 to index
        %get3A_176 = arith.constant 32 : index
        %get3A_177 = tpu.vector_load %arg14[%get3A_175, %get3A_176] {strides = array<i32>} : memref<40x128xf32, #tpu.memory_space<vmem>>, vector<1x16xf32>,
        %get3A_178 = vector.shape_cast %get3A_177 : vector<1x16xf32> to vector<16xf32>
        %get3A_179 = arith.index_cast %scan3A_148 : i32 to index
        %get3A_180 = arith.constant 32 : index
        %get3A_181 = tpu.vector_load %arg12[%get3A_179, %get3A_180] {strides = array<i32>} : memref<40x128xf32, #tpu.memory_space<vmem>>, vector<1x16xf32>,
        %get3A_182 = vector.shape_cast %get3A_181 : vector<1x16xf32> to vector<16xf32>
        %mul3A_183 = arith.mulf %get3A_178, %get3A_182 : vector<16xf32>
        %swap3A_184 = arith.index_cast %scan3A_148 : i32 to index
        %swap3A_185 = arith.constant 32 : index
        %swap3A_186 = tpu.vector_load %arg16[%swap3A_184, %swap3A_185] {strides = array<i32>} : memref<40x128xf32, #tpu.memory_space<vmem>>, vector<1x16xf32>,
        %swap3A_187 = vector.shape_cast %swap3A_186 : vector<1x16xf32> to vector<16xf32>
        %swap3A_188 = vector.shape_cast %mul3A_183 : vector<16xf32> to vector<1x16xf32>
        tpu.vector_store %arg16[%swap3A_184, %swap3A_185], %swap3A_188 {strides = array<i32>} : memref<40x128xf32, #tpu.memory_space<vmem>>, vector<1x16xf32>,
        %get3A_189 = arith.index_cast %scan3A_148 : i32 to index
        %get3A_190 = arith.constant 48 : index
        %get3A_191 = tpu.vector_load %arg14[%get3A_189, %get3A_190] {strides = array<i32>} : memref<40x128xf32, #tpu.memory_space<vmem>>, vector<1x16xf32>,
        %get3A_192 = vector.shape_cast %get3A_191 : vector<1x16xf32> to vector<16xf32>
        %get3A_193 = arith.index_cast %scan3A_148 : i32 to index
        %get3A_194 = arith.constant 48 : index
        %get3A_195 = tpu.vector_load %arg12[%get3A_193, %get3A_194] {strides = array<i32>} : memref<40x128xf32, #tpu.memory_space<vmem>>, vector<1x16xf32>,
        %get3A_196 = vector.shape_cast %get3A_195 : vector<1x16xf32> to vector<16xf32>
        %mul3A_197 = arith.mulf %get3A_192, %get3A_196 : vector<16xf32>
        %swap3A_198 = arith.index_cast %scan3A_148 : i32 to index
        %swap3A_199 = arith.constant 48 : index
        %swap3A_200 = tpu.vector_load %arg16[%swap3A_198, %swap3A_199] {strides = array<i32>} : memref<40x128xf32, #tpu.memory_space<vmem>>, vector<1x16xf32>,
        %swap3A_201 = vector.shape_cast %swap3A_200 : vector<1x16xf32> to vector<16xf32>
        %swap3A_202 = vector.shape_cast %mul3A_197 : vector<16xf32> to vector<1x16xf32>
        tpu.vector_store %arg16[%swap3A_198, %swap3A_199], %swap3A_202 {strides = array<i32>} : memref<40x128xf32, #tpu.memory_space<vmem>>, vector<1x16xf32>,
        %get3A_203 = arith.index_cast %scan3A_148 : i32 to index
        %get3A_204 = arith.constant 64 : index
        %get3A_205 = tpu.vector_load %arg14[%get3A_203, %get3A_204] {strides = array<i32>} : memref<40x128xf32, #tpu.memory_space<vmem>>, vector<1x16xf32>,
        %get3A_206 = vector.shape_cast %get3A_205 : vector<1x16xf32> to vector<16xf32>
        %get3A_207 = arith.index_cast %scan3A_148 : i32 to index
        %get3A_208 = arith.constant 64 : index
        %get3A_209 = tpu.vector_load %arg12[%get3A_207, %get3A_208] {strides = array<i32>} : memref<40x128xf32, #tpu.memory_space<vmem>>, vector<1x16xf32>,
        %get3A_210 = vector.shape_cast %get3A_209 : vector<1x16xf32> to vector<16xf32>
        %mul3A_211 = arith.mulf %get3A_206, %get3A_210 : vector<16xf32>
        %swap3A_212 = arith.index_cast %scan3A_148 : i32 to index
        %swap3A_213 = arith.constant 64 : index
        %swap3A_214 = tpu.vector_load %arg16[%swap3A_212, %swap3A_213] {strides = array<i32>} : memref<40x128xf32, #tpu.memory_space<vmem>>, vector<1x16xf32>,
        %swap3A_215 = vector.shape_cast %swap3A_214 : vector<1x16xf32> to vector<16xf32>
        %swap3A_216 = vector.shape_cast %mul3A_211 : vector<16xf32> to vector<1x16xf32>
        tpu.vector_store %arg16[%swap3A_212, %swap3A_213], %swap3A_216 {strides = array<i32>} : memref<40x128xf32, #tpu.memory_space<vmem>>, vector<1x16xf32>,
        %get3A_217 = arith.index_cast %scan3A_148 : i32 to index
        %get3A_218 = arith.constant 80 : index
        %get3A_219 = tpu.vector_load %arg14[%get3A_217, %get3A_218] {strides = array<i32>} : memref<40x128xf32, #tpu.memory_space<vmem>>, vector<1x16xf32>,
        %get3A_220 = vector.shape_cast %get3A_219 : vector<1x16xf32> to vector<16xf32>
        %get3A_221 = arith.index_cast %scan3A_148 : i32 to index
        %get3A_222 = arith.constant 80 : index
        %get3A_223 = tpu.vector_load %arg12[%get3A_221, %get3A_222] {strides = array<i32>} : memref<40x128xf32, #tpu.memory_space<vmem>>, vector<1x16xf32>,
        %get3A_224 = vector.shape_cast %get3A_223 : vector<1x16xf32> to vector<16xf32>
        %mul3A_225 = arith.mulf %get3A_220, %get3A_224 : vector<16xf32>
        %swap3A_226 = arith.index_cast %scan3A_148 : i32 to index
        %swap3A_227 = arith.constant 80 : index
        %swap3A_228 = tpu.vector_load %arg16[%swap3A_226, %swap3A_227] {strides = array<i32>} : memref<40x128xf32, #tpu.memory_space<vmem>>, vector<1x16xf32>,
        %swap3A_229 = vector.shape_cast %swap3A_228 : vector<1x16xf32> to vector<16xf32>
        %swap3A_230 = vector.shape_cast %mul3A_225 : vector<16xf32> to vector<1x16xf32>
        tpu.vector_store %arg16[%swap3A_226, %swap3A_227], %swap3A_230 {strides = array<i32>} : memref<40x128xf32, #tpu.memory_space<vmem>>, vector<1x16xf32>,
        %get3A_231 = arith.index_cast %scan3A_148 : i32 to index
        %get3A_232 = arith.constant 96 : index
        %get3A_233 = tpu.vector_load %arg14[%get3A_231, %get3A_232] {strides = array<i32>} : memref<40x128xf32, #tpu.memory_space<vmem>>, vector<1x16xf32>,
        %get3A_234 = vector.shape_cast %get3A_233 : vector<1x16xf32> to vector<16xf32>
        %get3A_235 = arith.index_cast %scan3A_148 : i32 to index
        %get3A_236 = arith.constant 96 : index
        %get3A_237 = tpu.vector_load %arg12[%get3A_235, %get3A_236] {strides = array<i32>} : memref<40x128xf32, #tpu.memory_space<vmem>>, vector<1x16xf32>,
        %get3A_238 = vector.shape_cast %get3A_237 : vector<1x16xf32> to vector<16xf32>
        %mul3A_239 = arith.mulf %get3A_234, %get3A_238 : vector<16xf32>
        %swap3A_240 = arith.index_cast %scan3A_148 : i32 to index
        %swap3A_241 = arith.constant 96 : index
        %swap3A_242 = tpu.vector_load %arg16[%swap3A_240, %swap3A_241] {strides = array<i32>} : memref<40x128xf32, #tpu.memory_space<vmem>>, vector<1x16xf32>,
        %swap3A_243 = vector.shape_cast %swap3A_242 : vector<1x16xf32> to vector<16xf32>
        %swap3A_244 = vector.shape_cast %mul3A_239 : vector<16xf32> to vector<1x16xf32>
        tpu.vector_store %arg16[%swap3A_240, %swap3A_241], %swap3A_244 {strides = array<i32>} : memref<40x128xf32, #tpu.memory_space<vmem>>, vector<1x16xf32>,
        %get3A_245 = arith.index_cast %scan3A_148 : i32 to index
        %get3A_246 = arith.constant 112 : index
        %get3A_247 = tpu.vector_load %arg14[%get3A_245, %get3A_246] {strides = array<i32>} : memref<40x128xf32, #tpu.memory_space<vmem>>, vector<1x16xf32>,
        %get3A_248 = vector.shape_cast %get3A_247 : vector<1x16xf32> to vector<16xf32>
        %get3A_249 = arith.index_cast %scan3A_148 : i32 to index
        %get3A_250 = arith.constant 112 : index
        %get3A_251 = tpu.vector_load %arg12[%get3A_249, %get3A_250] {strides = array<i32>} : memref<40x128xf32, #tpu.memory_space<vmem>>, vector<1x16xf32>,
        %get3A_252 = vector.shape_cast %get3A_251 : vector<1x16xf32> to vector<16xf32>
        %mul3A_253 = arith.mulf %get3A_248, %get3A_252 : vector<16xf32>
        %swap3A_254 = arith.index_cast %scan3A_148 : i32 to index
        %swap3A_255 = arith.constant 112 : index
        %swap3A_256 = tpu.vector_load %arg16[%swap3A_254, %swap3A_255] {strides = array<i32>} : memref<40x128xf32, #tpu.memory_space<vmem>>, vector<1x16xf32>,
        %swap3A_257 = vector.shape_cast %swap3A_256 : vector<1x16xf32> to vector<16xf32>
        %swap3A_258 = vector.shape_cast %mul3A_253 : vector<16xf32> to vector<1x16xf32>
        tpu.vector_store %arg16[%swap3A_254, %swap3A_255], %swap3A_258 {strides = array<i32>} : memref<40x128xf32, #tpu.memory_space<vmem>>, vector<1x16xf32>,
      }
      %scan3A_104 = arith.constant 40 : i32
      %dma_start3A_105 = arith.constant 0 : i32
      %dma_start3A_106 = arith.constant 0 : i32
      %dma_start3A_107 = tpu.memref_slice %arg17[%dma_start3A_105, %dma_start3A_106] : memref<10000x128xf32, #tpu.memory_space<vmem_shared>> -> memref<10000x128xf32, #tpu.memory_space<vmem_shared>>
      tpu.enqueue_indirect_dma source(%arg16 : memref<40x128xf32, #tpu.memory_space<vmem>>) target(%dma_start3A_107 : memref<10000x128xf32, #tpu.memory_space<vmem_shared>>) offsets(%arg10 : memref<40xi32, #tpu.memory_space<vmem>>) semaphore(%arg22 : memref<!tpu.dma_semaphore, #tpu.memory_space<semaphore_mem>>) {add = true}
      %add3A_108 = arith.constant 1 : i32
      %add3A_109 = arith.addi %mul3A_69, %add3A_108 : i32
      %add3A_110 = arith.constant 1 : i32
      %add3A_111 = arith.addi %add3A_109, %add3A_110 : i32
      %lt3A_112 = arith.constant 50 : i32
      %lt3A_113 = arith.cmpi slt, %add3A_111, %lt3A_112 : i32
      %convert_element_type3A_114 = arith.extui %lt3A_113 : i1 to i32
      %cond3A_115 = arith.constant 0 : i32
      %cond3A_116 = arith.cmpi ne, %convert_element_type3A_114, %cond3A_115 : i32
      scf.if %cond3A_116 {
        %add3A_148 = arith.constant 1 : i32
        %add3A_149 = arith.addi %add3A_109, %add3A_148 : i32
        %mul3A_150 = arith.constant 40 : i32
        %mul3A_151 = arith.muli %add3A_149, %mul3A_150 : i32
        %dma_start3A_152 = tpu.memref_slice %arg9[%mul3A_151] : memref<2000xi32, #tpu.memory_space<vmem>> -> memref<40xi32, #tpu.memory_space<vmem>>
        %dma_start3A_153 = arith.constant 0 : i32
        %dma_start3A_154 = arith.constant 0 : i32
        %dma_start3A_155 = tpu.memref_slice %arg2[%dma_start3A_153, %dma_start3A_154] : memref<10000x128xf32, #tpu.memory_space<hbm>> -> memref<10000x128xf32, #tpu.memory_space<hbm>>
        tpu.enqueue_indirect_dma source(%dma_start3A_155 : memref<10000x128xf32, #tpu.memory_space<hbm>>) target(%arg14 : memref<40x128xf32, #tpu.memory_space<vmem>>) offsets(%dma_start3A_152 : memref<40xi32, #tpu.memory_space<vmem>>) semaphore(%arg18 : memref<!tpu.dma_semaphore, #tpu.memory_space<semaphore_mem>>)
        %add3A_156 = arith.constant 1 : i32
        %add3A_157 = arith.addi %add3A_109, %add3A_156 : i32
        %mul3A_158 = arith.constant 40 : i32
        %mul3A_159 = arith.muli %add3A_157, %mul3A_158 : i32
        %add3A_160 = arith.addi %mul3A_8, %mul3A_159 : i32
        %dma_start3A_161 = arith.constant 0 : i32
        %dma_start3A_162 = tpu.memref_slice %arg3[%add3A_160, %dma_start3A_161] : memref<64000x128xf32, #tpu.memory_space<hbm>> -> memref<40x128xf32, #tpu.memory_space<hbm>>
        %dma_start3A_163 = arith.constant 0 : i32
        %dma_start3A_164 = tpu.memref_slice %arg3[%add3A_160, %dma_start3A_163] : memref<64000x128xf32, #tpu.memory_space<hbm>> -> memref<40x128xf32, #tpu.memory_space<hbm>>
        tpu.enqueue_dma source(%dma_start3A_164 : memref<40x128xf32, #tpu.memory_space<hbm>>) target(%arg12 : memref<40x128xf32, #tpu.memory_space<vmem>>) target_semaphore(%arg20 : memref<!tpu.dma_semaphore, #tpu.memory_space<semaphore_mem>>)
        %add3A_165 = arith.constant 1 : i32
        %add3A_166 = arith.addi %add3A_109, %add3A_165 : i32
        %mul3A_167 = arith.constant 40 : i32
        %mul3A_168 = arith.muli %add3A_166, %mul3A_167 : i32
        %add3A_169 = arith.addi %add3A_6, %mul3A_168 : i32
        %dma_start3A_170 = tpu.memref_slice %arg5[%add3A_169] : memref<320000xi32, #tpu.memory_space<hbm>> -> memref<40xi32, #tpu.memory_space<hbm>>
        %dma_start3A_171 = tpu.memref_slice %arg5[%add3A_169] : memref<320000xi32, #tpu.memory_space<hbm>> -> memref<40xi32, #tpu.memory_space<hbm>>
        tpu.enqueue_dma source(%dma_start3A_171 : memref<40xi32, #tpu.memory_space<hbm>>) target(%arg10 : memref<40xi32, #tpu.memory_space<vmem>>) target_semaphore(%arg20 : memref<!tpu.dma_semaphore, #tpu.memory_space<semaphore_mem>>)
      } else {
      }
      %dma_wait3A_117 = arith.constant 0 : i32
      %dma_wait3A_118 = arith.constant 0 : i32
      %dma_wait3A_119 = tpu.memref_slice %arg2[%dma_wait3A_117, %dma_wait3A_118] : memref<10000x128xf32, #tpu.memory_space<hbm>> -> memref<40x128xf32, #tpu.memory_space<hbm>>
      %dma_wait3A_120 = arith.constant 0 : i32
      %dma_wait3A_121 = arith.constant 0 : i32
      %dma_wait3A_122 = tpu.memref_slice %arg2[%dma_wait3A_120, %dma_wait3A_121] : memref<10000x128xf32, #tpu.memory_space<hbm>> -> memref<40x128xf32, #tpu.memory_space<hbm>>
      tpu.wait_dma2 semaphore(%arg19 : memref<!tpu.dma_semaphore, #tpu.memory_space<semaphore_mem>>) src(%dma_wait3A_122 : memref<40x128xf32, #tpu.memory_space<hbm>>) dst(%arg15 : memref<40x128xf32, #tpu.memory_space<vmem>>)
      %dma_wait3A_123 = arith.constant 0 : i32
      %dma_wait3A_124 = arith.constant 0 : i32
      %dma_wait3A_125 = tpu.memref_slice %arg2[%dma_wait3A_123, %dma_wait3A_124] : memref<10000x128xf32, #tpu.memory_space<hbm>> -> memref<40x128xf32, #tpu.memory_space<hbm>>
      %dma_wait3A_126 = arith.constant 0 : i32
      %dma_wait3A_127 = arith.constant 0 : i32
      %dma_wait3A_128 = tpu.memref_slice %arg2[%dma_wait3A_126, %dma_wait3A_127] : memref<10000x128xf32, #tpu.memory_space<hbm>> -> memref<40x128xf32, #tpu.memory_space<hbm>>
      tpu.wait_dma2 semaphore(%arg21 : memref<!tpu.dma_semaphore, #tpu.memory_space<semaphore_mem>>) src(%dma_wait3A_128 : memref<40x128xf32, #tpu.memory_space<hbm>>) dst(%arg13 : memref<40x128xf32, #tpu.memory_space<vmem>>)
      %dma_wait3A_129 = arith.constant 0 : i32
      %dma_wait3A_130 = tpu.memref_slice %arg5[%dma_wait3A_129] : memref<320000xi32, #tpu.memory_space<hbm>> -> memref<40xi32, #tpu.memory_space<hbm>>
      %dma_wait3A_131 = arith.constant 0 : i32
      %dma_wait3A_132 = tpu.memref_slice %arg5[%dma_wait3A_131] : memref<320000xi32, #tpu.memory_space<hbm>> -> memref<40xi32, #tpu.memory_space<hbm>>
      tpu.wait_dma2 semaphore(%arg21 : memref<!tpu.dma_semaphore, #tpu.memory_space<semaphore_mem>>) src(%dma_wait3A_132 : memref<40xi32, #tpu.memory_space<hbm>>) dst(%arg11 : memref<40xi32, #tpu.memory_space<vmem>>)
      %not3A_133 = arith.constant false
      %not3A_134 = arith.constant true
      %not3A_135 = arith.xori %not3A_133, %not3A_134 : i1
      %convert_element_type3A_136 = arith.extui %not3A_135 : i1 to i32
      %cond3A_137 = arith.constant 0 : i32
      %cond3A_138 = arith.cmpi ne, %convert_element_type3A_136, %cond3A_137 : i32
      scf.if %cond3A_138 {
        %dma_wait3A_148 = arith.constant 0 : i32
        %dma_wait3A_149 = arith.constant 0 : i32
        %dma_wait3A_150 = tpu.memref_slice %arg2[%dma_wait3A_148, %dma_wait3A_149] : memref<10000x128xf32, #tpu.memory_space<hbm>> -> memref<40x128xf32, #tpu.memory_space<hbm>>
        %dma_wait3A_151 = arith.constant 0 : i32
        %dma_wait3A_152 = arith.constant 0 : i32
        %dma_wait3A_153 = tpu.memref_slice %arg2[%dma_wait3A_151, %dma_wait3A_152] : memref<10000x128xf32, #tpu.memory_space<hbm>> -> memref<40x128xf32, #tpu.memory_space<hbm>>
        tpu.wait_dma2 semaphore(%arg22 : memref<!tpu.dma_semaphore, #tpu.memory_space<semaphore_mem>>) src(%dma_wait3A_153 : memref<40x128xf32, #tpu.memory_space<hbm>>) dst(%arg16 : memref<40x128xf32, #tpu.memory_space<vmem>>)
      } else {
      }
      %scan3A_139 = arith.constant 0 : i32
      %scan3A_140 = arith.constant 0 : i32
      %scan3A_141 = arith.constant 40 : i32
      %scan3A_142 = arith.addi %scan3A_140, %scan3A_141 : i32
      %scan3A_143 = arith.constant 1 : i32
      scf.for %scan3A_148 = %scan3A_140 to %scan3A_142 step %scan3A_143  : i32 {
        %get3A = arith.index_cast %scan3A_148 : i32 to index
        %get3A_149 = arith.constant 0 : index
        %get3A_150 = tpu.vector_load %arg15[%get3A, %get3A_149] {strides = array<i32>} : memref<40x128xf32, #tpu.memory_space<vmem>>, vector<1x16xf32>,
        %get3A_151 = vector.shape_cast %get3A_150 : vector<1x16xf32> to vector<16xf32>
        %get3A_152 = arith.index_cast %scan3A_148 : i32 to index
        %get3A_153 = arith.constant 0 : index
        %get3A_154 = tpu.vector_load %arg13[%get3A_152, %get3A_153] {strides = array<i32>} : memref<40x128xf32, #tpu.memory_space<vmem>>, vector<1x16xf32>,
        %get3A_155 = vector.shape_cast %get3A_154 : vector<1x16xf32> to vector<16xf32>
        %mul3A_156 = arith.mulf %get3A_151, %get3A_155 : vector<16xf32>
        %swap3A = arith.index_cast %scan3A_148 : i32 to index
        %swap3A_157 = arith.constant 0 : index
        %swap3A_158 = tpu.vector_load %arg16[%swap3A, %swap3A_157] {strides = array<i32>} : memref<40x128xf32, #tpu.memory_space<vmem>>, vector<1x16xf32>,
        %swap3A_159 = vector.shape_cast %swap3A_158 : vector<1x16xf32> to vector<16xf32>
        %swap3A_160 = vector.shape_cast %mul3A_156 : vector<16xf32> to vector<1x16xf32>
        tpu.vector_store %arg16[%swap3A, %swap3A_157], %swap3A_160 {strides = array<i32>} : memref<40x128xf32, #tpu.memory_space<vmem>>, vector<1x16xf32>,
        %get3A_161 = arith.index_cast %scan3A_148 : i32 to index
        %get3A_162 = arith.constant 16 : index
        %get3A_163 = tpu.vector_load %arg15[%get3A_161, %get3A_162] {strides = array<i32>} : memref<40x128xf32, #tpu.memory_space<vmem>>, vector<1x16xf32>,
        %get3A_164 = vector.shape_cast %get3A_163 : vector<1x16xf32> to vector<16xf32>
        %get3A_165 = arith.index_cast %scan3A_148 : i32 to index
        %get3A_166 = arith.constant 16 : index
        %get3A_167 = tpu.vector_load %arg13[%get3A_165, %get3A_166] {strides = array<i32>} : memref<40x128xf32, #tpu.memory_space<vmem>>, vector<1x16xf32>,
        %get3A_168 = vector.shape_cast %get3A_167 : vector<1x16xf32> to vector<16xf32>
        %mul3A_169 = arith.mulf %get3A_164, %get3A_168 : vector<16xf32>
        %swap3A_170 = arith.index_cast %scan3A_148 : i32 to index
        %swap3A_171 = arith.constant 16 : index
        %swap3A_172 = tpu.vector_load %arg16[%swap3A_170, %swap3A_171] {strides = array<i32>} : memref<40x128xf32, #tpu.memory_space<vmem>>, vector<1x16xf32>,
        %swap3A_173 = vector.shape_cast %swap3A_172 : vector<1x16xf32> to vector<16xf32>
        %swap3A_174 = vector.shape_cast %mul3A_169 : vector<16xf32> to vector<1x16xf32>
        tpu.vector_store %arg16[%swap3A_170, %swap3A_171], %swap3A_174 {strides = array<i32>} : memref<40x128xf32, #tpu.memory_space<vmem>>, vector<1x16xf32>,
        %get3A_175 = arith.index_cast %scan3A_148 : i32 to index
        %get3A_176 = arith.constant 32 : index
        %get3A_177 = tpu.vector_load %arg15[%get3A_175, %get3A_176] {strides = array<i32>} : memref<40x128xf32, #tpu.memory_space<vmem>>, vector<1x16xf32>,
        %get3A_178 = vector.shape_cast %get3A_177 : vector<1x16xf32> to vector<16xf32>
        %get3A_179 = arith.index_cast %scan3A_148 : i32 to index
        %get3A_180 = arith.constant 32 : index
        %get3A_181 = tpu.vector_load %arg13[%get3A_179, %get3A_180] {strides = array<i32>} : memref<40x128xf32, #tpu.memory_space<vmem>>, vector<1x16xf32>,
        %get3A_182 = vector.shape_cast %get3A_181 : vector<1x16xf32> to vector<16xf32>
        %mul3A_183 = arith.mulf %get3A_178, %get3A_182 : vector<16xf32>
        %swap3A_184 = arith.index_cast %scan3A_148 : i32 to index
        %swap3A_185 = arith.constant 32 : index
        %swap3A_186 = tpu.vector_load %arg16[%swap3A_184, %swap3A_185] {strides = array<i32>} : memref<40x128xf32, #tpu.memory_space<vmem>>, vector<1x16xf32>,
        %swap3A_187 = vector.shape_cast %swap3A_186 : vector<1x16xf32> to vector<16xf32>
        %swap3A_188 = vector.shape_cast %mul3A_183 : vector<16xf32> to vector<1x16xf32>
        tpu.vector_store %arg16[%swap3A_184, %swap3A_185], %swap3A_188 {strides = array<i32>} : memref<40x128xf32, #tpu.memory_space<vmem>>, vector<1x16xf32>,
        %get3A_189 = arith.index_cast %scan3A_148 : i32 to index
        %get3A_190 = arith.constant 48 : index
        %get3A_191 = tpu.vector_load %arg15[%get3A_189, %get3A_190] {strides = array<i32>} : memref<40x128xf32, #tpu.memory_space<vmem>>, vector<1x16xf32>,
        %get3A_192 = vector.shape_cast %get3A_191 : vector<1x16xf32> to vector<16xf32>
        %get3A_193 = arith.index_cast %scan3A_148 : i32 to index
        %get3A_194 = arith.constant 48 : index
        %get3A_195 = tpu.vector_load %arg13[%get3A_193, %get3A_194] {strides = array<i32>} : memref<40x128xf32, #tpu.memory_space<vmem>>, vector<1x16xf32>,
        %get3A_196 = vector.shape_cast %get3A_195 : vector<1x16xf32> to vector<16xf32>
        %mul3A_197 = arith.mulf %get3A_192, %get3A_196 : vector<16xf32>
        %swap3A_198 = arith.index_cast %scan3A_148 : i32 to index
        %swap3A_199 = arith.constant 48 : index
        %swap3A_200 = tpu.vector_load %arg16[%swap3A_198, %swap3A_199] {strides = array<i32>} : memref<40x128xf32, #tpu.memory_space<vmem>>, vector<1x16xf32>,
        %swap3A_201 = vector.shape_cast %swap3A_200 : vector<1x16xf32> to vector<16xf32>
        %swap3A_202 = vector.shape_cast %mul3A_197 : vector<16xf32> to vector<1x16xf32>
        tpu.vector_store %arg16[%swap3A_198, %swap3A_199], %swap3A_202 {strides = array<i32>} : memref<40x128xf32, #tpu.memory_space<vmem>>, vector<1x16xf32>,
        %get3A_203 = arith.index_cast %scan3A_148 : i32 to index
        %get3A_204 = arith.constant 64 : index
        %get3A_205 = tpu.vector_load %arg15[%get3A_203, %get3A_204] {strides = array<i32>} : memref<40x128xf32, #tpu.memory_space<vmem>>, vector<1x16xf32>,
        %get3A_206 = vector.shape_cast %get3A_205 : vector<1x16xf32> to vector<16xf32>
        %get3A_207 = arith.index_cast %scan3A_148 : i32 to index
        %get3A_208 = arith.constant 64 : index
        %get3A_209 = tpu.vector_load %arg13[%get3A_207, %get3A_208] {strides = array<i32>} : memref<40x128xf32, #tpu.memory_space<vmem>>, vector<1x16xf32>,
        %get3A_210 = vector.shape_cast %get3A_209 : vector<1x16xf32> to vector<16xf32>
        %mul3A_211 = arith.mulf %get3A_206, %get3A_210 : vector<16xf32>
        %swap3A_212 = arith.index_cast %scan3A_148 : i32 to index
        %swap3A_213 = arith.constant 64 : index
        %swap3A_214 = tpu.vector_load %arg16[%swap3A_212, %swap3A_213] {strides = array<i32>} : memref<40x128xf32, #tpu.memory_space<vmem>>, vector<1x16xf32>,
        %swap3A_215 = vector.shape_cast %swap3A_214 : vector<1x16xf32> to vector<16xf32>
        %swap3A_216 = vector.shape_cast %mul3A_211 : vector<16xf32> to vector<1x16xf32>
        tpu.vector_store %arg16[%swap3A_212, %swap3A_213], %swap3A_216 {strides = array<i32>} : memref<40x128xf32, #tpu.memory_space<vmem>>, vector<1x16xf32>,
        %get3A_217 = arith.index_cast %scan3A_148 : i32 to index
        %get3A_218 = arith.constant 80 : index
        %get3A_219 = tpu.vector_load %arg15[%get3A_217, %get3A_218] {strides = array<i32>} : memref<40x128xf32, #tpu.memory_space<vmem>>, vector<1x16xf32>,
        %get3A_220 = vector.shape_cast %get3A_219 : vector<1x16xf32> to vector<16xf32>
        %get3A_221 = arith.index_cast %scan3A_148 : i32 to index
        %get3A_222 = arith.constant 80 : index
        %get3A_223 = tpu.vector_load %arg13[%get3A_221, %get3A_222] {strides = array<i32>} : memref<40x128xf32, #tpu.memory_space<vmem>>, vector<1x16xf32>,
        %get3A_224 = vector.shape_cast %get3A_223 : vector<1x16xf32> to vector<16xf32>
        %mul3A_225 = arith.mulf %get3A_220, %get3A_224 : vector<16xf32>
        %swap3A_226 = arith.index_cast %scan3A_148 : i32 to index
        %swap3A_227 = arith.constant 80 : index
        %swap3A_228 = tpu.vector_load %arg16[%swap3A_226, %swap3A_227] {strides = array<i32>} : memref<40x128xf32, #tpu.memory_space<vmem>>, vector<1x16xf32>,
        %swap3A_229 = vector.shape_cast %swap3A_228 : vector<1x16xf32> to vector<16xf32>
        %swap3A_230 = vector.shape_cast %mul3A_225 : vector<16xf32> to vector<1x16xf32>
        tpu.vector_store %arg16[%swap3A_226, %swap3A_227], %swap3A_230 {strides = array<i32>} : memref<40x128xf32, #tpu.memory_space<vmem>>, vector<1x16xf32>,
        %get3A_231 = arith.index_cast %scan3A_148 : i32 to index
        %get3A_232 = arith.constant 96 : index
        %get3A_233 = tpu.vector_load %arg15[%get3A_231, %get3A_232] {strides = array<i32>} : memref<40x128xf32, #tpu.memory_space<vmem>>, vector<1x16xf32>,
        %get3A_234 = vector.shape_cast %get3A_233 : vector<1x16xf32> to vector<16xf32>
        %get3A_235 = arith.index_cast %scan3A_148 : i32 to index
        %get3A_236 = arith.constant 96 : index
        %get3A_237 = tpu.vector_load %arg13[%get3A_235, %get3A_236] {strides = array<i32>} : memref<40x128xf32, #tpu.memory_space<vmem>>, vector<1x16xf32>,
        %get3A_238 = vector.shape_cast %get3A_237 : vector<1x16xf32> to vector<16xf32>
        %mul3A_239 = arith.mulf %get3A_234, %get3A_238 : vector<16xf32>
        %swap3A_240 = arith.index_cast %scan3A_148 : i32 to index
        %swap3A_241 = arith.constant 96 : index
        %swap3A_242 = tpu.vector_load %arg16[%swap3A_240, %swap3A_241] {strides = array<i32>} : memref<40x128xf32, #tpu.memory_space<vmem>>, vector<1x16xf32>,
        %swap3A_243 = vector.shape_cast %swap3A_242 : vector<1x16xf32> to vector<16xf32>
        %swap3A_244 = vector.shape_cast %mul3A_239 : vector<16xf32> to vector<1x16xf32>
        tpu.vector_store %arg16[%swap3A_240, %swap3A_241], %swap3A_244 {strides = array<i32>} : memref<40x128xf32, #tpu.memory_space<vmem>>, vector<1x16xf32>,
        %get3A_245 = arith.index_cast %scan3A_148 : i32 to index
        %get3A_246 = arith.constant 112 : index
        %get3A_247 = tpu.vector_load %arg15[%get3A_245, %get3A_246] {strides = array<i32>} : memref<40x128xf32, #tpu.memory_space<vmem>>, vector<1x16xf32>,
        %get3A_248 = vector.shape_cast %get3A_247 : vector<1x16xf32> to vector<16xf32>
        %get3A_249 = arith.index_cast %scan3A_148 : i32 to index
        %get3A_250 = arith.constant 112 : index
        %get3A_251 = tpu.vector_load %arg13[%get3A_249, %get3A_250] {strides = array<i32>} : memref<40x128xf32, #tpu.memory_space<vmem>>, vector<1x16xf32>,
        %get3A_252 = vector.shape_cast %get3A_251 : vector<1x16xf32> to vector<16xf32>
        %mul3A_253 = arith.mulf %get3A_248, %get3A_252 : vector<16xf32>
        %swap3A_254 = arith.index_cast %scan3A_148 : i32 to index
        %swap3A_255 = arith.constant 112 : index
        %swap3A_256 = tpu.vector_load %arg16[%swap3A_254, %swap3A_255] {strides = array<i32>} : memref<40x128xf32, #tpu.memory_space<vmem>>, vector<1x16xf32>,
        %swap3A_257 = vector.shape_cast %swap3A_256 : vector<1x16xf32> to vector<16xf32>
        %swap3A_258 = vector.shape_cast %mul3A_253 : vector<16xf32> to vector<1x16xf32>
        tpu.vector_store %arg16[%swap3A_254, %swap3A_255], %swap3A_258 {strides = array<i32>} : memref<40x128xf32, #tpu.memory_space<vmem>>, vector<1x16xf32>,
      }
      %scan3A_144 = arith.constant 40 : i32
      %dma_start3A_145 = arith.constant 0 : i32
      %dma_start3A_146 = arith.constant 0 : i32
      %dma_start3A_147 = tpu.memref_slice %arg17[%dma_start3A_145, %dma_start3A_146] : memref<10000x128xf32, #tpu.memory_space<vmem_shared>> -> memref<10000x128xf32, #tpu.memory_space<vmem_shared>>
      tpu.enqueue_indirect_dma source(%arg16 : memref<40x128xf32, #tpu.memory_space<vmem>>) target(%dma_start3A_147 : memref<10000x128xf32, #tpu.memory_space<vmem_shared>>) offsets(%arg11 : memref<40xi32, #tpu.memory_space<vmem>>) semaphore(%arg22 : memref<!tpu.dma_semaphore, #tpu.memory_space<semaphore_mem>>) {add = true}
    }
    %scan3A_29 = arith.constant 25 : i32
    %dma_wait3A = arith.constant 0 : i32
    %dma_wait3A_30 = arith.constant 0 : i32
    %dma_wait3A_31 = tpu.memref_slice %arg2[%dma_wait3A, %dma_wait3A_30] : memref<10000x128xf32, #tpu.memory_space<hbm>> -> memref<40x128xf32, #tpu.memory_space<hbm>>
    %dma_wait3A_32 = arith.constant 0 : i32
    %dma_wait3A_33 = arith.constant 0 : i32
    %dma_wait3A_34 = tpu.memref_slice %arg2[%dma_wait3A_32, %dma_wait3A_33] : memref<10000x128xf32, #tpu.memory_space<hbm>> -> memref<40x128xf32, #tpu.memory_space<hbm>>
    tpu.wait_dma2 semaphore(%arg22 : memref<!tpu.dma_semaphore, #tpu.memory_space<semaphore_mem>>) src(%dma_wait3A_34 : memref<40x128xf32, #tpu.memory_space<hbm>>) dst(%arg16 : memref<40x128xf32, #tpu.memory_space<vmem>>)
    %barrier3A_35 = arith.constant 0 : index
    tpu.barrier barrier_id(%barrier3A_35)
    %eq3A_36 = arith.constant 0 : i32
    %eq3A_37 = arith.cmpi eq, %arg0, %eq3A_36 : i32
    %lt3A_38 = arith.constant 15 : i32
    %lt3A_39 = arith.cmpi slt, %arg1, %lt3A_38 : i32
    %and3A = arith.andi %eq3A_37, %lt3A_39 : i1
    %convert_element_type3A_40 = arith.extui %and3A : i1 to i32
    %cond3A_41 = arith.constant 0 : i32
    %cond3A_42 = arith.cmpi ne, %convert_element_type3A_40, %cond3A_41 : i32
    scf.if %cond3A_42 {
      "tpu.region"() ({
        %run_scoped3A = tpu.sem_alloc : memref<!tpu.dma_semaphore, #tpu.memory_space<semaphore_mem>>
        %dma_start3A_67 = arith.constant 0 : i32
        %dma_start3A_68 = tpu.memref_slice %arg7[%mul3A_2, %dma_start3A_67] : memref<10000x128xf32, #tpu.memory_space<hbm>> -> memref<624x128xf32, #tpu.memory_space<hbm>>
        %dma_start3A_69 = arith.constant 0 : i32
        %dma_start3A_70 = tpu.memref_slice %arg17[%mul3A_2, %dma_start3A_69] : memref<10000x128xf32, #tpu.memory_space<vmem_shared>> -> memref<624x128xf32, #tpu.memory_space<vmem_shared>>
        tpu.enqueue_dma source(%dma_start3A_70 : memref<624x128xf32, #tpu.memory_space<vmem_shared>>) target(%dma_start3A_68 : memref<624x128xf32, #tpu.memory_space<hbm>>) target_semaphore(%run_scoped3A : memref<!tpu.dma_semaphore, #tpu.memory_space<semaphore_mem>>)
        %dma_wait3A_71 = arith.constant 0 : i32
        %dma_wait3A_72 = tpu.memref_slice %arg7[%mul3A_2, %dma_wait3A_71] : memref<10000x128xf32, #tpu.memory_space<hbm>> -> memref<624x128xf32, #tpu.memory_space<hbm>>
        %dma_wait3A_73 = arith.constant 0 : i32
        %dma_wait3A_74 = tpu.memref_slice %arg17[%mul3A_2, %dma_wait3A_73] : memref<10000x128xf32, #tpu.memory_space<vmem_shared>> -> memref<624x128xf32, #tpu.memory_space<vmem_shared>>
        tpu.wait_dma2 semaphore(%run_scoped3A : memref<!tpu.dma_semaphore, #tpu.memory_space<semaphore_mem>>) src(%dma_wait3A_74 : memref<624x128xf32, #tpu.memory_space<vmem_shared>>) dst(%dma_wait3A_72 : memref<624x128xf32, #tpu.memory_space<hbm>>)
        tpu.yield
      }) : () -> ()
    } else {
    }
    %eq3A_43 = arith.constant 0 : i32
    %eq3A_44 = arith.cmpi eq, %arg0, %eq3A_43 : i32
    %eq3A_45 = arith.constant 15 : i32
    %eq3A_46 = arith.cmpi eq, %arg1, %eq3A_45 : i32
    %and3A_47 = arith.andi %eq3A_44, %eq3A_46 : i1
    %convert_element_type3A_48 = arith.extui %and3A_47 : i1 to i32
    %cond3A_49 = arith.constant 0 : i32
    %cond3A_50 = arith.cmpi ne, %convert_element_type3A_48, %cond3A_49 : i32
    scf.if %cond3A_50 {
      "tpu.region"() ({
        %run_scoped3A = tpu.sem_alloc : memref<!tpu.dma_semaphore, #tpu.memory_space<semaphore_mem>>
        %dma_start3A_67 = arith.constant 9360 : i32
        %dma_start3A_68 = arith.constant 0 : i32
        %dma_start3A_69 = tpu.memref_slice %arg7[%dma_start3A_67, %dma_start3A_68] : memref<10000x128xf32, #tpu.memory_space<hbm>> -> memref<640x128xf32, #tpu.memory_space<hbm>>
        %dma_start3A_70 = arith.constant 9360 : i32
        %dma_start3A_71 = arith.constant 0 : i32
        %dma_start3A_72 = tpu.memref_slice %arg17[%dma_start3A_70, %dma_start3A_71] : memref<10000x128xf32, #tpu.memory_space<vmem_shared>> -> memref<640x128xf32, #tpu.memory_space<vmem_shared>>
        tpu.enqueue_dma source(%dma_start3A_72 : memref<640x128xf32, #tpu.memory_space<vmem_shared>>) target(%dma_start3A_69 : memref<640x128xf32, #tpu.memory_space<hbm>>) target_semaphore(%run_scoped3A : memref<!tpu.dma_semaphore, #tpu.memory_space<semaphore_mem>>)
        %dma_wait3A_73 = arith.constant 9360 : i32
        %dma_wait3A_74 = arith.constant 0 : i32
        %dma_wait3A_75 = tpu.memref_slice %arg7[%dma_wait3A_73, %dma_wait3A_74] : memref<10000x128xf32, #tpu.memory_space<hbm>> -> memref<640x128xf32, #tpu.memory_space<hbm>>
        %dma_wait3A_76 = arith.constant 9360 : i32
        %dma_wait3A_77 = arith.constant 0 : i32
        %dma_wait3A_78 = tpu.memref_slice %arg17[%dma_wait3A_76, %dma_wait3A_77] : memref<10000x128xf32, #tpu.memory_space<vmem_shared>> -> memref<640x128xf32, #tpu.memory_space<vmem_shared>>
        tpu.wait_dma2 semaphore(%run_scoped3A : memref<!tpu.dma_semaphore, #tpu.memory_space<semaphore_mem>>) src(%dma_wait3A_78 : memref<640x128xf32, #tpu.memory_space<vmem_shared>>) dst(%dma_wait3A_75 : memref<640x128xf32, #tpu.memory_space<hbm>>)
        tpu.yield
      }) : () -> ()
    } else {
    }
    %eq3A_51 = arith.constant 1 : i32
    %eq3A_52 = arith.cmpi eq, %arg0, %eq3A_51 : i32
    %lt3A_53 = arith.constant 15 : i32
    %lt3A_54 = arith.cmpi slt, %arg1, %lt3A_53 : i32
    %and3A_55 = arith.andi %eq3A_52, %lt3A_54 : i1
    %convert_element_type3A_56 = arith.extui %and3A_55 : i1 to i32
    %cond3A_57 = arith.constant 0 : i32
    %cond3A_58 = arith.cmpi ne, %convert_element_type3A_56, %cond3A_57 : i32
    scf.if %cond3A_58 {
      "tpu.region"() ({
        %run_scoped3A = tpu.sem_alloc : memref<!tpu.dma_semaphore, #tpu.memory_space<semaphore_mem>>
        %dma_start3A_67 = arith.constant 0 : i32
        %dma_start3A_68 = tpu.memref_slice %arg8[%mul3A_2, %dma_start3A_67] : memref<10000x128xf32, #tpu.memory_space<hbm>> -> memref<624x128xf32, #tpu.memory_space<hbm>>
        %dma_start3A_69 = arith.constant 0 : i32
        %dma_start3A_70 = tpu.memref_slice %arg17[%mul3A_2, %dma_start3A_69] : memref<10000x128xf32, #tpu.memory_space<vmem_shared>> -> memref<624x128xf32, #tpu.memory_space<vmem_shared>>
        tpu.enqueue_dma source(%dma_start3A_70 : memref<624x128xf32, #tpu.memory_space<vmem_shared>>) target(%dma_start3A_68 : memref<624x128xf32, #tpu.memory_space<hbm>>) target_semaphore(%run_scoped3A : memref<!tpu.dma_semaphore, #tpu.memory_space<semaphore_mem>>)
        %dma_wait3A_71 = arith.constant 0 : i32
        %dma_wait3A_72 = tpu.memref_slice %arg8[%mul3A_2, %dma_wait3A_71] : memref<10000x128xf32, #tpu.memory_space<hbm>> -> memref<624x128xf32, #tpu.memory_space<hbm>>
        %dma_wait3A_73 = arith.constant 0 : i32
        %dma_wait3A_74 = tpu.memref_slice %arg17[%mul3A_2, %dma_wait3A_73] : memref<10000x128xf32, #tpu.memory_space<vmem_shared>> -> memref<624x128xf32, #tpu.memory_space<vmem_shared>>
        tpu.wait_dma2 semaphore(%run_scoped3A : memref<!tpu.dma_semaphore, #tpu.memory_space<semaphore_mem>>) src(%dma_wait3A_74 : memref<624x128xf32, #tpu.memory_space<vmem_shared>>) dst(%dma_wait3A_72 : memref<624x128xf32, #tpu.memory_space<hbm>>)
        tpu.yield
      }) : () -> ()
    } else {
    }
    %eq3A_59 = arith.constant 1 : i32
    %eq3A_60 = arith.cmpi eq, %arg0, %eq3A_59 : i32
    %eq3A_61 = arith.constant 15 : i32
    %eq3A_62 = arith.cmpi eq, %arg1, %eq3A_61 : i32
    %and3A_63 = arith.andi %eq3A_60, %eq3A_62 : i1
    %convert_element_type3A_64 = arith.extui %and3A_63 : i1 to i32
    %cond3A_65 = arith.constant 0 : i32
    %cond3A_66 = arith.cmpi ne, %convert_element_type3A_64, %cond3A_65 : i32
    scf.if %cond3A_66 {
      "tpu.region"() ({
        %run_scoped3A = tpu.sem_alloc : memref<!tpu.dma_semaphore, #tpu.memory_space<semaphore_mem>>
        %dma_start3A_67 = arith.constant 9360 : i32
        %dma_start3A_68 = arith.constant 0 : i32
        %dma_start3A_69 = tpu.memref_slice %arg8[%dma_start3A_67, %dma_start3A_68] : memref<10000x128xf32, #tpu.memory_space<hbm>> -> memref<640x128xf32, #tpu.memory_space<hbm>>
        %dma_start3A_70 = arith.constant 9360 : i32
        %dma_start3A_71 = arith.constant 0 : i32
        %dma_start3A_72 = tpu.memref_slice %arg17[%dma_start3A_70, %dma_start3A_71] : memref<10000x128xf32, #tpu.memory_space<vmem_shared>> -> memref<640x128xf32, #tpu.memory_space<vmem_shared>>
        tpu.enqueue_dma source(%dma_start3A_72 : memref<640x128xf32, #tpu.memory_space<vmem_shared>>) target(%dma_start3A_69 : memref<640x128xf32, #tpu.memory_space<hbm>>) target_semaphore(%run_scoped3A : memref<!tpu.dma_semaphore, #tpu.memory_space<semaphore_mem>>)
        %dma_wait3A_73 = arith.constant 9360 : i32
        %dma_wait3A_74 = arith.constant 0 : i32
        %dma_wait3A_75 = tpu.memref_slice %arg8[%dma_wait3A_73, %dma_wait3A_74] : memref<10000x128xf32, #tpu.memory_space<hbm>> -> memref<640x128xf32, #tpu.memory_space<hbm>>
        %dma_wait3A_76 = arith.constant 9360 : i32
        %dma_wait3A_77 = arith.constant 0 : i32
        %dma_wait3A_78 = tpu.memref_slice %arg17[%dma_wait3A_76, %dma_wait3A_77] : memref<10000x128xf32, #tpu.memory_space<vmem_shared>> -> memref<640x128xf32, #tpu.memory_space<vmem_shared>>
        tpu.wait_dma2 semaphore(%run_scoped3A : memref<!tpu.dma_semaphore, #tpu.memory_space<semaphore_mem>>) src(%dma_wait3A_78 : memref<640x128xf32, #tpu.memory_space<vmem_shared>>) dst(%dma_wait3A_75 : memref<640x128xf32, #tpu.memory_space<hbm>>)
        tpu.yield
      }) : () -> ()
    } else {
    }
    return
  }
}

module attributes {stable_mosaic.version = 14 : i64} {
  func.func @_node_proj_body(%arg0: i32, %arg1: memref<2000x128xf32, #tpu.memory_space<vmem>>, %arg2: memref<128x128xf32, #tpu.memory_space<vmem>>, %arg3: memref<1x128xf32, #tpu.memory_space<vmem>>, %arg4: memref<2000x128xf32, #tpu.memory_space<vmem>>) attributes {dimension_semantics = [#tpu.dimension_semantics<arbitrary>], iteration_bounds = array<i64: 5>, scalar_prefetch = 0 : i64, scratch_operands = 0 : i64, tpu.core_type = #tpu.core_type<tc>, window_params = [{transform_indices = @transform_0, window_bounds = array<i64: 2000, 128>}, {pipeline_mode = #tpu.pipeline_mode<synchronous>, transform_indices = @transform_1, window_bounds = array<i64: 128, 128>}, {pipeline_mode = #tpu.pipeline_mode<synchronous>, transform_indices = @transform_2, window_bounds = array<i64: 1, 128>}, {transform_indices = @transform_3, window_bounds = array<i64: 2000, 128>}]} {
    %get3A = arith.constant 0 : index
    %get3A_0 = arith.constant 0 : index
    %get3A_1 = vector.load %arg1[%get3A, %get3A_0] : memref<2000x128xf32, #tpu.memory_space<vmem>>, vector<2000x128xf32>
    %get3A_2 = arith.constant 0 : index
    %get3A_3 = arith.constant 0 : index
    %get3A_4 = vector.load %arg2[%get3A_2, %get3A_3] : memref<128x128xf32, #tpu.memory_space<vmem>>, vector<128x128xf32>
    %dot_general3A = arith.constant dense<0.000000e+00> : vector<2000x128xf32>
    %dot_general3A_5 = tpu.matmul %get3A_1, %get3A_4, %dot_general3A {dimension_numbers = #tpu.dot_dimension_numbers<[1], [0], [0], [1], [0, 0, 1, 1], [], []>, transpose_lhs_hint = false} : vector<2000x128xf32>, vector<128x128xf32>, vector<2000x128xf32> -> vector<2000x128xf32>
    %get3A_6 = arith.constant 0 : index
    %get3A_7 = arith.constant 0 : index
    %get3A_8 = vector.load %arg3[%get3A_6, %get3A_7] : memref<1x128xf32, #tpu.memory_space<vmem>>, vector<1x128xf32>
    %add3A = vector.broadcast %get3A_8 : vector<1x128xf32> to vector<2000x128xf32>
    %add3A_9 = arith.addf %dot_general3A_5, %add3A : vector<2000x128xf32>
    %swap3A = arith.constant 0 : index
    %swap3A_10 = arith.constant 0 : index
    %swap3A_11 = vector.load %arg4[%swap3A, %swap3A_10] : memref<2000x128xf32, #tpu.memory_space<vmem>>, vector<2000x128xf32>
    tpu.vector_store %arg4[%swap3A, %swap3A_10], %add3A_9 {strides = array<i32>} : memref<2000x128xf32, #tpu.memory_space<vmem>>, vector<2000x128xf32>,
    return
  }
  func.func @transform_0(%arg0: i32) -> (i32, i32) {
    %c0_i32 = arith.constant 0 : i32
    %c0_i32_0 = arith.constant 0 : i32
    return %arg0, %c0_i32 : i32, i32
  }
  func.func @transform_1(%arg0: i32) -> (i32, i32) {
    %c0_i32 = arith.constant 0 : i32
    %c0_i32_0 = arith.constant 0 : i32
    %c0_i32_1 = arith.constant 0 : i32
    return %c0_i32, %c0_i32_0 : i32, i32
  }
  func.func @transform_2(%arg0: i32) -> (i32, i32) {
    %c0_i32 = arith.constant 0 : i32
    %c0_i32_0 = arith.constant 0 : i32
    %c0_i32_1 = arith.constant 0 : i32
    return %c0_i32, %c0_i32_0 : i32, i32
  }
  func.func @transform_3(%arg0: i32) -> (i32, i32) {
    %c0_i32 = arith.constant 0 : i32
    %c0_i32_0 = arith.constant 0 : i32
    return %arg0, %c0_i32 : i32, i32
  }
}

module attributes {stable_mosaic.version = 14 : i64} {
  func.func @_edge_mlp_body(%arg0: i32, %arg1: memref<16x1280xf32, #tpu.memory_space<vmem>>, %arg2: memref<16x128xf32, #tpu.memory_space<vmem>>, %arg3: memref<1x128xf32, #tpu.memory_space<vmem>>, %arg4: memref<128x128xf32, #tpu.memory_space<vmem>>, %arg5: memref<1x128xf32, #tpu.memory_space<vmem>>, %arg6: memref<1280x128xf32, #tpu.memory_space<vmem>>) attributes {dimension_semantics = [#tpu.dimension_semantics<arbitrary>], iteration_bounds = array<i64: 50>, scalar_prefetch = 0 : i64, scratch_operands = 0 : i64, tpu.core_type = #tpu.core_type<tc>, window_params = [{transform_indices = @transform_0, window_bounds = array<i64: 16, 1280>}, {pipeline_mode = #tpu.pipeline_mode<synchronous>, transform_indices = @transform_1, window_bounds = array<i64: 16, 128>}, {pipeline_mode = #tpu.pipeline_mode<synchronous>, transform_indices = @transform_2, window_bounds = array<i64: 1, 128>}, {pipeline_mode = #tpu.pipeline_mode<synchronous>, transform_indices = @transform_3, window_bounds = array<i64: 128, 128>}, {pipeline_mode = #tpu.pipeline_mode<synchronous>, transform_indices = @transform_4, window_bounds = array<i64: 1, 128>}, {transform_indices = @transform_5, window_bounds = array<i64: 1280, 128>}]} {
    %get3A = arith.constant 0 : index
    %get3A_0 = arith.constant 0 : index
    %get3A_1 = vector.load %arg1[%get3A, %get3A_0] : memref<16x1280xf32, #tpu.memory_space<vmem>>, vector<16x1280xf32>
    %get3A_2 = arith.constant 0 : index
    %get3A_3 = arith.constant 0 : index
    %get3A_4 = vector.load %arg2[%get3A_2, %get3A_3] : memref<16x128xf32, #tpu.memory_space<vmem>>, vector<16x128xf32>
    %dot_general3A = arith.constant dense<0.000000e+00> : vector<1280x128xf32>
    %dot_general3A_5 = tpu.matmul %get3A_1, %get3A_4, %dot_general3A {dimension_numbers = #tpu.dot_dimension_numbers<[0], [0], [1], [1], [0, 1, 1, 1], [], []>, transpose_lhs_hint = false} : vector<16x1280xf32>, vector<16x128xf32>, vector<1280x128xf32> -> vector<1280x128xf32>
    %get3A_6 = arith.constant 0 : index
    %get3A_7 = arith.constant 0 : index
    %get3A_8 = vector.load %arg3[%get3A_6, %get3A_7] : memref<1x128xf32, #tpu.memory_space<vmem>>, vector<1x128xf32>
    %add3A = vector.broadcast %get3A_8 : vector<1x128xf32> to vector<1280x128xf32>
    %add3A_9 = arith.addf %dot_general3A_5, %add3A : vector<1280x128xf32>
    %max3A = arith.constant 0.000000e+00 : f32
    %max3A_10 = vector.broadcast %max3A : f32 to vector<1280x128xf32>
    %max3A_11 = arith.maximumf %add3A_9, %max3A_10 : vector<1280x128xf32>
    %abs3A = math.absf %add3A_9 : vector<1280x128xf32>
    %neg3A = arith.constant 0.000000e+00 : f32
    %neg3A_12 = vector.broadcast %neg3A : f32 to vector<1280x128xf32>
    %neg3A_13 = arith.subf %neg3A_12, %abs3A : vector<1280x128xf32>
    %exp3A = math.exp %neg3A_13 : vector<1280x128xf32>
    %log1p3A = math.log1p %exp3A : vector<1280x128xf32>
    %add3A_14 = arith.addf %max3A_11, %log1p3A : vector<1280x128xf32>
    %sub3A = arith.constant 0.693147182 : f32
    %sub3A_15 = vector.broadcast %sub3A : f32 to vector<1280x128xf32>
    %sub3A_16 = arith.subf %add3A_14, %sub3A_15 : vector<1280x128xf32>
    %get3A_17 = arith.constant 0 : index
    %get3A_18 = arith.constant 0 : index
    %get3A_19 = vector.load %arg4[%get3A_17, %get3A_18] : memref<128x128xf32, #tpu.memory_space<vmem>>, vector<128x128xf32>
    %dot_general3A_20 = arith.constant dense<0.000000e+00> : vector<1280x128xf32>
    %dot_general3A_21 = tpu.matmul %sub3A_16, %get3A_19, %dot_general3A_20 {dimension_numbers = #tpu.dot_dimension_numbers<[1], [0], [0], [1], [0, 0, 1, 1], [], []>, transpose_lhs_hint = false} : vector<1280x128xf32>, vector<128x128xf32>, vector<1280x128xf32> -> vector<1280x128xf32>
    %get3A_22 = arith.constant 0 : index
    %get3A_23 = arith.constant 0 : index
    %get3A_24 = vector.load %arg5[%get3A_22, %get3A_23] : memref<1x128xf32, #tpu.memory_space<vmem>>, vector<1x128xf32>
    %add3A_25 = vector.broadcast %get3A_24 : vector<1x128xf32> to vector<1280x128xf32>
    %add3A_26 = arith.addf %dot_general3A_21, %add3A_25 : vector<1280x128xf32>
    %max3A_27 = arith.constant 0.000000e+00 : f32
    %max3A_28 = vector.broadcast %max3A_27 : f32 to vector<1280x128xf32>
    %max3A_29 = arith.maximumf %add3A_26, %max3A_28 : vector<1280x128xf32>
    %abs3A_30 = math.absf %add3A_26 : vector<1280x128xf32>
    %neg3A_31 = arith.constant 0.000000e+00 : f32
    %neg3A_32 = vector.broadcast %neg3A_31 : f32 to vector<1280x128xf32>
    %neg3A_33 = arith.subf %neg3A_32, %abs3A_30 : vector<1280x128xf32>
    %exp3A_34 = math.exp %neg3A_33 : vector<1280x128xf32>
    %log1p3A_35 = math.log1p %exp3A_34 : vector<1280x128xf32>
    %add3A_36 = arith.addf %max3A_29, %log1p3A_35 : vector<1280x128xf32>
    %sub3A_37 = arith.constant 0.693147182 : f32
    %sub3A_38 = vector.broadcast %sub3A_37 : f32 to vector<1280x128xf32>
    %sub3A_39 = arith.subf %add3A_36, %sub3A_38 : vector<1280x128xf32>
    %swap3A = arith.constant 0 : index
    %swap3A_40 = arith.constant 0 : index
    %swap3A_41 = vector.load %arg6[%swap3A, %swap3A_40] : memref<1280x128xf32, #tpu.memory_space<vmem>>, vector<1280x128xf32>
    tpu.vector_store %arg6[%swap3A, %swap3A_40], %sub3A_39 {strides = array<i32>} : memref<1280x128xf32, #tpu.memory_space<vmem>>, vector<1280x128xf32>,
    return
  }
  func.func @transform_0(%arg0: i32) -> (i32, i32) {
    %add3A = arith.constant 200 : i32
    %add3A_0 = arith.addi %arg0, %add3A : i32
    %c0_i32 = arith.constant 0 : i32
    %c0_i32_1 = arith.constant 0 : i32
    return %c0_i32, %add3A_0 : i32, i32
  }
  func.func @transform_1(%arg0: i32) -> (i32, i32) {
    %c0_i32 = arith.constant 0 : i32
    %c0_i32_0 = arith.constant 0 : i32
    %c0_i32_1 = arith.constant 0 : i32
    return %c0_i32, %c0_i32_0 : i32, i32
  }
  func.func @transform_2(%arg0: i32) -> (i32, i32) {
    %c0_i32 = arith.constant 0 : i32
    %c0_i32_0 = arith.constant 0 : i32
    %c0_i32_1 = arith.constant 0 : i32
    return %c0_i32, %c0_i32_0 : i32, i32
  }
  func.func @transform_3(%arg0: i32) -> (i32, i32) {
    %c0_i32 = arith.constant 0 : i32
    %c0_i32_0 = arith.constant 0 : i32
    %c0_i32_1 = arith.constant 0 : i32
    return %c0_i32, %c0_i32_0 : i32, i32
  }
  func.func @transform_4(%arg0: i32) -> (i32, i32) {
    %c0_i32 = arith.constant 0 : i32
    %c0_i32_0 = arith.constant 0 : i32
    %c0_i32_1 = arith.constant 0 : i32
    return %c0_i32, %c0_i32_0 : i32, i32
  }
  func.func @transform_5(%arg0: i32) -> (i32, i32) {
    %c0_i32 = arith.constant 0 : i32
    %c0_i32_0 = arith.constant 0 : i32
    return %arg0, %c0_i32 : i32, i32
  }
}

module attributes {stable_mosaic.version = 14 : i64} {
  func.func @_edge_mlp_body(%arg0: i32, %arg1: memref<16x1280xf32, #tpu.memory_space<vmem>>, %arg2: memref<16x128xf32, #tpu.memory_space<vmem>>, %arg3: memref<1x128xf32, #tpu.memory_space<vmem>>, %arg4: memref<128x128xf32, #tpu.memory_space<vmem>>, %arg5: memref<1x128xf32, #tpu.memory_space<vmem>>, %arg6: memref<1280x128xf32, #tpu.memory_space<vmem>>) attributes {dimension_semantics = [#tpu.dimension_semantics<arbitrary>], iteration_bounds = array<i64: 50>, scalar_prefetch = 0 : i64, scratch_operands = 0 : i64, tpu.core_type = #tpu.core_type<tc>, window_params = [{transform_indices = @transform_0, window_bounds = array<i64: 16, 1280>}, {pipeline_mode = #tpu.pipeline_mode<synchronous>, transform_indices = @transform_1, window_bounds = array<i64: 16, 128>}, {pipeline_mode = #tpu.pipeline_mode<synchronous>, transform_indices = @transform_2, window_bounds = array<i64: 1, 128>}, {pipeline_mode = #tpu.pipeline_mode<synchronous>, transform_indices = @transform_3, window_bounds = array<i64: 128, 128>}, {pipeline_mode = #tpu.pipeline_mode<synchronous>, transform_indices = @transform_4, window_bounds = array<i64: 1, 128>}, {transform_indices = @transform_5, window_bounds = array<i64: 1280, 128>}]} {
    %get3A = arith.constant 0 : index
    %get3A_0 = arith.constant 0 : index
    %get3A_1 = vector.load %arg1[%get3A, %get3A_0] : memref<16x1280xf32, #tpu.memory_space<vmem>>, vector<16x1280xf32>
    %get3A_2 = arith.constant 0 : index
    %get3A_3 = arith.constant 0 : index
    %get3A_4 = vector.load %arg2[%get3A_2, %get3A_3] : memref<16x128xf32, #tpu.memory_space<vmem>>, vector<16x128xf32>
    %dot_general3A = arith.constant dense<0.000000e+00> : vector<1280x128xf32>
    %dot_general3A_5 = tpu.matmul %get3A_1, %get3A_4, %dot_general3A {dimension_numbers = #tpu.dot_dimension_numbers<[0], [0], [1], [1], [0, 1, 1, 1], [], []>, transpose_lhs_hint = false} : vector<16x1280xf32>, vector<16x128xf32>, vector<1280x128xf32> -> vector<1280x128xf32>
    %get3A_6 = arith.constant 0 : index
    %get3A_7 = arith.constant 0 : index
    %get3A_8 = vector.load %arg3[%get3A_6, %get3A_7] : memref<1x128xf32, #tpu.memory_space<vmem>>, vector<1x128xf32>
    %add3A = vector.broadcast %get3A_8 : vector<1x128xf32> to vector<1280x128xf32>
    %add3A_9 = arith.addf %dot_general3A_5, %add3A : vector<1280x128xf32>
    %max3A = arith.constant 0.000000e+00 : f32
    %max3A_10 = vector.broadcast %max3A : f32 to vector<1280x128xf32>
    %max3A_11 = arith.maximumf %add3A_9, %max3A_10 : vector<1280x128xf32>
    %abs3A = math.absf %add3A_9 : vector<1280x128xf32>
    %neg3A = arith.constant 0.000000e+00 : f32
    %neg3A_12 = vector.broadcast %neg3A : f32 to vector<1280x128xf32>
    %neg3A_13 = arith.subf %neg3A_12, %abs3A : vector<1280x128xf32>
    %exp3A = math.exp %neg3A_13 : vector<1280x128xf32>
    %log1p3A = math.log1p %exp3A : vector<1280x128xf32>
    %add3A_14 = arith.addf %max3A_11, %log1p3A : vector<1280x128xf32>
    %sub3A = arith.constant 0.693147182 : f32
    %sub3A_15 = vector.broadcast %sub3A : f32 to vector<1280x128xf32>
    %sub3A_16 = arith.subf %add3A_14, %sub3A_15 : vector<1280x128xf32>
    %get3A_17 = arith.constant 0 : index
    %get3A_18 = arith.constant 0 : index
    %get3A_19 = vector.load %arg4[%get3A_17, %get3A_18] : memref<128x128xf32, #tpu.memory_space<vmem>>, vector<128x128xf32>
    %dot_general3A_20 = arith.constant dense<0.000000e+00> : vector<1280x128xf32>
    %dot_general3A_21 = tpu.matmul %sub3A_16, %get3A_19, %dot_general3A_20 {dimension_numbers = #tpu.dot_dimension_numbers<[1], [0], [0], [1], [0, 0, 1, 1], [], []>, transpose_lhs_hint = false} : vector<1280x128xf32>, vector<128x128xf32>, vector<1280x128xf32> -> vector<1280x128xf32>
    %get3A_22 = arith.constant 0 : index
    %get3A_23 = arith.constant 0 : index
    %get3A_24 = vector.load %arg5[%get3A_22, %get3A_23] : memref<1x128xf32, #tpu.memory_space<vmem>>, vector<1x128xf32>
    %add3A_25 = vector.broadcast %get3A_24 : vector<1x128xf32> to vector<1280x128xf32>
    %add3A_26 = arith.addf %dot_general3A_21, %add3A_25 : vector<1280x128xf32>
    %max3A_27 = arith.constant 0.000000e+00 : f32
    %max3A_28 = vector.broadcast %max3A_27 : f32 to vector<1280x128xf32>
    %max3A_29 = arith.maximumf %add3A_26, %max3A_28 : vector<1280x128xf32>
    %abs3A_30 = math.absf %add3A_26 : vector<1280x128xf32>
    %neg3A_31 = arith.constant 0.000000e+00 : f32
    %neg3A_32 = vector.broadcast %neg3A_31 : f32 to vector<1280x128xf32>
    %neg3A_33 = arith.subf %neg3A_32, %abs3A_30 : vector<1280x128xf32>
    %exp3A_34 = math.exp %neg3A_33 : vector<1280x128xf32>
    %log1p3A_35 = math.log1p %exp3A_34 : vector<1280x128xf32>
    %add3A_36 = arith.addf %max3A_29, %log1p3A_35 : vector<1280x128xf32>
    %sub3A_37 = arith.constant 0.693147182 : f32
    %sub3A_38 = vector.broadcast %sub3A_37 : f32 to vector<1280x128xf32>
    %sub3A_39 = arith.subf %add3A_36, %sub3A_38 : vector<1280x128xf32>
    %swap3A = arith.constant 0 : index
    %swap3A_40 = arith.constant 0 : index
    %swap3A_41 = vector.load %arg6[%swap3A, %swap3A_40] : memref<1280x128xf32, #tpu.memory_space<vmem>>, vector<1280x128xf32>
    tpu.vector_store %arg6[%swap3A, %swap3A_40], %sub3A_39 {strides = array<i32>} : memref<1280x128xf32, #tpu.memory_space<vmem>>, vector<1280x128xf32>,
    return
  }
  func.func @transform_0(%arg0: i32) -> (i32, i32) {
    %add3A = arith.constant 150 : i32
    %add3A_0 = arith.addi %arg0, %add3A : i32
    %c0_i32 = arith.constant 0 : i32
    %c0_i32_1 = arith.constant 0 : i32
    return %c0_i32, %add3A_0 : i32, i32
  }
  func.func @transform_1(%arg0: i32) -> (i32, i32) {
    %c0_i32 = arith.constant 0 : i32
    %c0_i32_0 = arith.constant 0 : i32
    %c0_i32_1 = arith.constant 0 : i32
    return %c0_i32, %c0_i32_0 : i32, i32
  }
  func.func @transform_2(%arg0: i32) -> (i32, i32) {
    %c0_i32 = arith.constant 0 : i32
    %c0_i32_0 = arith.constant 0 : i32
    %c0_i32_1 = arith.constant 0 : i32
    return %c0_i32, %c0_i32_0 : i32, i32
  }
  func.func @transform_3(%arg0: i32) -> (i32, i32) {
    %c0_i32 = arith.constant 0 : i32
    %c0_i32_0 = arith.constant 0 : i32
    %c0_i32_1 = arith.constant 0 : i32
    return %c0_i32, %c0_i32_0 : i32, i32
  }
  func.func @transform_4(%arg0: i32) -> (i32, i32) {
    %c0_i32 = arith.constant 0 : i32
    %c0_i32_0 = arith.constant 0 : i32
    %c0_i32_1 = arith.constant 0 : i32
    return %c0_i32, %c0_i32_0 : i32, i32
  }
  func.func @transform_5(%arg0: i32) -> (i32, i32) {
    %c0_i32 = arith.constant 0 : i32
    %c0_i32_0 = arith.constant 0 : i32
    return %arg0, %c0_i32 : i32, i32
  }
}

module attributes {stable_mosaic.version = 14 : i64} {
  func.func @_edge_mlp_body(%arg0: i32, %arg1: memref<16x1280xf32, #tpu.memory_space<vmem>>, %arg2: memref<16x128xf32, #tpu.memory_space<vmem>>, %arg3: memref<1x128xf32, #tpu.memory_space<vmem>>, %arg4: memref<128x128xf32, #tpu.memory_space<vmem>>, %arg5: memref<1x128xf32, #tpu.memory_space<vmem>>, %arg6: memref<1280x128xf32, #tpu.memory_space<vmem>>) attributes {dimension_semantics = [#tpu.dimension_semantics<arbitrary>], iteration_bounds = array<i64: 50>, scalar_prefetch = 0 : i64, scratch_operands = 0 : i64, tpu.core_type = #tpu.core_type<tc>, window_params = [{transform_indices = @transform_0, window_bounds = array<i64: 16, 1280>}, {pipeline_mode = #tpu.pipeline_mode<synchronous>, transform_indices = @transform_1, window_bounds = array<i64: 16, 128>}, {pipeline_mode = #tpu.pipeline_mode<synchronous>, transform_indices = @transform_2, window_bounds = array<i64: 1, 128>}, {pipeline_mode = #tpu.pipeline_mode<synchronous>, transform_indices = @transform_3, window_bounds = array<i64: 128, 128>}, {pipeline_mode = #tpu.pipeline_mode<synchronous>, transform_indices = @transform_4, window_bounds = array<i64: 1, 128>}, {transform_indices = @transform_5, window_bounds = array<i64: 1280, 128>}]} {
    %get3A = arith.constant 0 : index
    %get3A_0 = arith.constant 0 : index
    %get3A_1 = vector.load %arg1[%get3A, %get3A_0] : memref<16x1280xf32, #tpu.memory_space<vmem>>, vector<16x1280xf32>
    %get3A_2 = arith.constant 0 : index
    %get3A_3 = arith.constant 0 : index
    %get3A_4 = vector.load %arg2[%get3A_2, %get3A_3] : memref<16x128xf32, #tpu.memory_space<vmem>>, vector<16x128xf32>
    %dot_general3A = arith.constant dense<0.000000e+00> : vector<1280x128xf32>
    %dot_general3A_5 = tpu.matmul %get3A_1, %get3A_4, %dot_general3A {dimension_numbers = #tpu.dot_dimension_numbers<[0], [0], [1], [1], [0, 1, 1, 1], [], []>, transpose_lhs_hint = false} : vector<16x1280xf32>, vector<16x128xf32>, vector<1280x128xf32> -> vector<1280x128xf32>
    %get3A_6 = arith.constant 0 : index
    %get3A_7 = arith.constant 0 : index
    %get3A_8 = vector.load %arg3[%get3A_6, %get3A_7] : memref<1x128xf32, #tpu.memory_space<vmem>>, vector<1x128xf32>
    %add3A = vector.broadcast %get3A_8 : vector<1x128xf32> to vector<1280x128xf32>
    %add3A_9 = arith.addf %dot_general3A_5, %add3A : vector<1280x128xf32>
    %max3A = arith.constant 0.000000e+00 : f32
    %max3A_10 = vector.broadcast %max3A : f32 to vector<1280x128xf32>
    %max3A_11 = arith.maximumf %add3A_9, %max3A_10 : vector<1280x128xf32>
    %abs3A = math.absf %add3A_9 : vector<1280x128xf32>
    %neg3A = arith.constant 0.000000e+00 : f32
    %neg3A_12 = vector.broadcast %neg3A : f32 to vector<1280x128xf32>
    %neg3A_13 = arith.subf %neg3A_12, %abs3A : vector<1280x128xf32>
    %exp3A = math.exp %neg3A_13 : vector<1280x128xf32>
    %log1p3A = math.log1p %exp3A : vector<1280x128xf32>
    %add3A_14 = arith.addf %max3A_11, %log1p3A : vector<1280x128xf32>
    %sub3A = arith.constant 0.693147182 : f32
    %sub3A_15 = vector.broadcast %sub3A : f32 to vector<1280x128xf32>
    %sub3A_16 = arith.subf %add3A_14, %sub3A_15 : vector<1280x128xf32>
    %get3A_17 = arith.constant 0 : index
    %get3A_18 = arith.constant 0 : index
    %get3A_19 = vector.load %arg4[%get3A_17, %get3A_18] : memref<128x128xf32, #tpu.memory_space<vmem>>, vector<128x128xf32>
    %dot_general3A_20 = arith.constant dense<0.000000e+00> : vector<1280x128xf32>
    %dot_general3A_21 = tpu.matmul %sub3A_16, %get3A_19, %dot_general3A_20 {dimension_numbers = #tpu.dot_dimension_numbers<[1], [0], [0], [1], [0, 0, 1, 1], [], []>, transpose_lhs_hint = false} : vector<1280x128xf32>, vector<128x128xf32>, vector<1280x128xf32> -> vector<1280x128xf32>
    %get3A_22 = arith.constant 0 : index
    %get3A_23 = arith.constant 0 : index
    %get3A_24 = vector.load %arg5[%get3A_22, %get3A_23] : memref<1x128xf32, #tpu.memory_space<vmem>>, vector<1x128xf32>
    %add3A_25 = vector.broadcast %get3A_24 : vector<1x128xf32> to vector<1280x128xf32>
    %add3A_26 = arith.addf %dot_general3A_21, %add3A_25 : vector<1280x128xf32>
    %max3A_27 = arith.constant 0.000000e+00 : f32
    %max3A_28 = vector.broadcast %max3A_27 : f32 to vector<1280x128xf32>
    %max3A_29 = arith.maximumf %add3A_26, %max3A_28 : vector<1280x128xf32>
    %abs3A_30 = math.absf %add3A_26 : vector<1280x128xf32>
    %neg3A_31 = arith.constant 0.000000e+00 : f32
    %neg3A_32 = vector.broadcast %neg3A_31 : f32 to vector<1280x128xf32>
    %neg3A_33 = arith.subf %neg3A_32, %abs3A_30 : vector<1280x128xf32>
    %exp3A_34 = math.exp %neg3A_33 : vector<1280x128xf32>
    %log1p3A_35 = math.log1p %exp3A_34 : vector<1280x128xf32>
    %add3A_36 = arith.addf %max3A_29, %log1p3A_35 : vector<1280x128xf32>
    %sub3A_37 = arith.constant 0.693147182 : f32
    %sub3A_38 = vector.broadcast %sub3A_37 : f32 to vector<1280x128xf32>
    %sub3A_39 = arith.subf %add3A_36, %sub3A_38 : vector<1280x128xf32>
    %swap3A = arith.constant 0 : index
    %swap3A_40 = arith.constant 0 : index
    %swap3A_41 = vector.load %arg6[%swap3A, %swap3A_40] : memref<1280x128xf32, #tpu.memory_space<vmem>>, vector<1280x128xf32>
    tpu.vector_store %arg6[%swap3A, %swap3A_40], %sub3A_39 {strides = array<i32>} : memref<1280x128xf32, #tpu.memory_space<vmem>>, vector<1280x128xf32>,
    return
  }
  func.func @transform_0(%arg0: i32) -> (i32, i32) {
    %add3A = arith.constant 100 : i32
    %add3A_0 = arith.addi %arg0, %add3A : i32
    %c0_i32 = arith.constant 0 : i32
    %c0_i32_1 = arith.constant 0 : i32
    return %c0_i32, %add3A_0 : i32, i32
  }
  func.func @transform_1(%arg0: i32) -> (i32, i32) {
    %c0_i32 = arith.constant 0 : i32
    %c0_i32_0 = arith.constant 0 : i32
    %c0_i32_1 = arith.constant 0 : i32
    return %c0_i32, %c0_i32_0 : i32, i32
  }
  func.func @transform_2(%arg0: i32) -> (i32, i32) {
    %c0_i32 = arith.constant 0 : i32
    %c0_i32_0 = arith.constant 0 : i32
    %c0_i32_1 = arith.constant 0 : i32
    return %c0_i32, %c0_i32_0 : i32, i32
  }
  func.func @transform_3(%arg0: i32) -> (i32, i32) {
    %c0_i32 = arith.constant 0 : i32
    %c0_i32_0 = arith.constant 0 : i32
    %c0_i32_1 = arith.constant 0 : i32
    return %c0_i32, %c0_i32_0 : i32, i32
  }
  func.func @transform_4(%arg0: i32) -> (i32, i32) {
    %c0_i32 = arith.constant 0 : i32
    %c0_i32_0 = arith.constant 0 : i32
    %c0_i32_1 = arith.constant 0 : i32
    return %c0_i32, %c0_i32_0 : i32, i32
  }
  func.func @transform_5(%arg0: i32) -> (i32, i32) {
    %c0_i32 = arith.constant 0 : i32
    %c0_i32_0 = arith.constant 0 : i32
    return %arg0, %c0_i32 : i32, i32
  }
}

module attributes {stable_mosaic.version = 14 : i64} {
  func.func @_edge_mlp_body(%arg0: i32, %arg1: memref<16x1280xf32, #tpu.memory_space<vmem>>, %arg2: memref<16x128xf32, #tpu.memory_space<vmem>>, %arg3: memref<1x128xf32, #tpu.memory_space<vmem>>, %arg4: memref<128x128xf32, #tpu.memory_space<vmem>>, %arg5: memref<1x128xf32, #tpu.memory_space<vmem>>, %arg6: memref<1280x128xf32, #tpu.memory_space<vmem>>) attributes {dimension_semantics = [#tpu.dimension_semantics<arbitrary>], iteration_bounds = array<i64: 50>, scalar_prefetch = 0 : i64, scratch_operands = 0 : i64, tpu.core_type = #tpu.core_type<tc>, window_params = [{transform_indices = @transform_0, window_bounds = array<i64: 16, 1280>}, {pipeline_mode = #tpu.pipeline_mode<synchronous>, transform_indices = @transform_1, window_bounds = array<i64: 16, 128>}, {pipeline_mode = #tpu.pipeline_mode<synchronous>, transform_indices = @transform_2, window_bounds = array<i64: 1, 128>}, {pipeline_mode = #tpu.pipeline_mode<synchronous>, transform_indices = @transform_3, window_bounds = array<i64: 128, 128>}, {pipeline_mode = #tpu.pipeline_mode<synchronous>, transform_indices = @transform_4, window_bounds = array<i64: 1, 128>}, {transform_indices = @transform_5, window_bounds = array<i64: 1280, 128>}]} {
    %get3A = arith.constant 0 : index
    %get3A_0 = arith.constant 0 : index
    %get3A_1 = vector.load %arg1[%get3A, %get3A_0] : memref<16x1280xf32, #tpu.memory_space<vmem>>, vector<16x1280xf32>
    %get3A_2 = arith.constant 0 : index
    %get3A_3 = arith.constant 0 : index
    %get3A_4 = vector.load %arg2[%get3A_2, %get3A_3] : memref<16x128xf32, #tpu.memory_space<vmem>>, vector<16x128xf32>
    %dot_general3A = arith.constant dense<0.000000e+00> : vector<1280x128xf32>
    %dot_general3A_5 = tpu.matmul %get3A_1, %get3A_4, %dot_general3A {dimension_numbers = #tpu.dot_dimension_numbers<[0], [0], [1], [1], [0, 1, 1, 1], [], []>, transpose_lhs_hint = false} : vector<16x1280xf32>, vector<16x128xf32>, vector<1280x128xf32> -> vector<1280x128xf32>
    %get3A_6 = arith.constant 0 : index
    %get3A_7 = arith.constant 0 : index
    %get3A_8 = vector.load %arg3[%get3A_6, %get3A_7] : memref<1x128xf32, #tpu.memory_space<vmem>>, vector<1x128xf32>
    %add3A = vector.broadcast %get3A_8 : vector<1x128xf32> to vector<1280x128xf32>
    %add3A_9 = arith.addf %dot_general3A_5, %add3A : vector<1280x128xf32>
    %max3A = arith.constant 0.000000e+00 : f32
    %max3A_10 = vector.broadcast %max3A : f32 to vector<1280x128xf32>
    %max3A_11 = arith.maximumf %add3A_9, %max3A_10 : vector<1280x128xf32>
    %abs3A = math.absf %add3A_9 : vector<1280x128xf32>
    %neg3A = arith.constant 0.000000e+00 : f32
    %neg3A_12 = vector.broadcast %neg3A : f32 to vector<1280x128xf32>
    %neg3A_13 = arith.subf %neg3A_12, %abs3A : vector<1280x128xf32>
    %exp3A = math.exp %neg3A_13 : vector<1280x128xf32>
    %log1p3A = math.log1p %exp3A : vector<1280x128xf32>
    %add3A_14 = arith.addf %max3A_11, %log1p3A : vector<1280x128xf32>
    %sub3A = arith.constant 0.693147182 : f32
    %sub3A_15 = vector.broadcast %sub3A : f32 to vector<1280x128xf32>
    %sub3A_16 = arith.subf %add3A_14, %sub3A_15 : vector<1280x128xf32>
    %get3A_17 = arith.constant 0 : index
    %get3A_18 = arith.constant 0 : index
    %get3A_19 = vector.load %arg4[%get3A_17, %get3A_18] : memref<128x128xf32, #tpu.memory_space<vmem>>, vector<128x128xf32>
    %dot_general3A_20 = arith.constant dense<0.000000e+00> : vector<1280x128xf32>
    %dot_general3A_21 = tpu.matmul %sub3A_16, %get3A_19, %dot_general3A_20 {dimension_numbers = #tpu.dot_dimension_numbers<[1], [0], [0], [1], [0, 0, 1, 1], [], []>, transpose_lhs_hint = false} : vector<1280x128xf32>, vector<128x128xf32>, vector<1280x128xf32> -> vector<1280x128xf32>
    %get3A_22 = arith.constant 0 : index
    %get3A_23 = arith.constant 0 : index
    %get3A_24 = vector.load %arg5[%get3A_22, %get3A_23] : memref<1x128xf32, #tpu.memory_space<vmem>>, vector<1x128xf32>
    %add3A_25 = vector.broadcast %get3A_24 : vector<1x128xf32> to vector<1280x128xf32>
    %add3A_26 = arith.addf %dot_general3A_21, %add3A_25 : vector<1280x128xf32>
    %max3A_27 = arith.constant 0.000000e+00 : f32
    %max3A_28 = vector.broadcast %max3A_27 : f32 to vector<1280x128xf32>
    %max3A_29 = arith.maximumf %add3A_26, %max3A_28 : vector<1280x128xf32>
    %abs3A_30 = math.absf %add3A_26 : vector<1280x128xf32>
    %neg3A_31 = arith.constant 0.000000e+00 : f32
    %neg3A_32 = vector.broadcast %neg3A_31 : f32 to vector<1280x128xf32>
    %neg3A_33 = arith.subf %neg3A_32, %abs3A_30 : vector<1280x128xf32>
    %exp3A_34 = math.exp %neg3A_33 : vector<1280x128xf32>
    %log1p3A_35 = math.log1p %exp3A_34 : vector<1280x128xf32>
    %add3A_36 = arith.addf %max3A_29, %log1p3A_35 : vector<1280x128xf32>
    %sub3A_37 = arith.constant 0.693147182 : f32
    %sub3A_38 = vector.broadcast %sub3A_37 : f32 to vector<1280x128xf32>
    %sub3A_39 = arith.subf %add3A_36, %sub3A_38 : vector<1280x128xf32>
    %swap3A = arith.constant 0 : index
    %swap3A_40 = arith.constant 0 : index
    %swap3A_41 = vector.load %arg6[%swap3A, %swap3A_40] : memref<1280x128xf32, #tpu.memory_space<vmem>>, vector<1280x128xf32>
    tpu.vector_store %arg6[%swap3A, %swap3A_40], %sub3A_39 {strides = array<i32>} : memref<1280x128xf32, #tpu.memory_space<vmem>>, vector<1280x128xf32>,
    return
  }
  func.func @transform_0(%arg0: i32) -> (i32, i32) {
    %add3A = arith.constant 50 : i32
    %add3A_0 = arith.addi %arg0, %add3A : i32
    %c0_i32 = arith.constant 0 : i32
    %c0_i32_1 = arith.constant 0 : i32
    return %c0_i32, %add3A_0 : i32, i32
  }
  func.func @transform_1(%arg0: i32) -> (i32, i32) {
    %c0_i32 = arith.constant 0 : i32
    %c0_i32_0 = arith.constant 0 : i32
    %c0_i32_1 = arith.constant 0 : i32
    return %c0_i32, %c0_i32_0 : i32, i32
  }
  func.func @transform_2(%arg0: i32) -> (i32, i32) {
    %c0_i32 = arith.constant 0 : i32
    %c0_i32_0 = arith.constant 0 : i32
    %c0_i32_1 = arith.constant 0 : i32
    return %c0_i32, %c0_i32_0 : i32, i32
  }
  func.func @transform_3(%arg0: i32) -> (i32, i32) {
    %c0_i32 = arith.constant 0 : i32
    %c0_i32_0 = arith.constant 0 : i32
    %c0_i32_1 = arith.constant 0 : i32
    return %c0_i32, %c0_i32_0 : i32, i32
  }
  func.func @transform_4(%arg0: i32) -> (i32, i32) {
    %c0_i32 = arith.constant 0 : i32
    %c0_i32_0 = arith.constant 0 : i32
    %c0_i32_1 = arith.constant 0 : i32
    return %c0_i32, %c0_i32_0 : i32, i32
  }
  func.func @transform_5(%arg0: i32) -> (i32, i32) {
    %c0_i32 = arith.constant 0 : i32
    %c0_i32_0 = arith.constant 0 : i32
    return %arg0, %c0_i32 : i32, i32
  }
}

module attributes {stable_mosaic.version = 14 : i64} {
  func.func @_edge_mlp_body(%arg0: i32, %arg1: memref<16x1280xf32, #tpu.memory_space<vmem>>, %arg2: memref<16x128xf32, #tpu.memory_space<vmem>>, %arg3: memref<1x128xf32, #tpu.memory_space<vmem>>, %arg4: memref<128x128xf32, #tpu.memory_space<vmem>>, %arg5: memref<1x128xf32, #tpu.memory_space<vmem>>, %arg6: memref<1280x128xf32, #tpu.memory_space<vmem>>) attributes {dimension_semantics = [#tpu.dimension_semantics<arbitrary>], iteration_bounds = array<i64: 50>, scalar_prefetch = 0 : i64, scratch_operands = 0 : i64, tpu.core_type = #tpu.core_type<tc>, window_params = [{transform_indices = @transform_0, window_bounds = array<i64: 16, 1280>}, {pipeline_mode = #tpu.pipeline_mode<synchronous>, transform_indices = @transform_1, window_bounds = array<i64: 16, 128>}, {pipeline_mode = #tpu.pipeline_mode<synchronous>, transform_indices = @transform_2, window_bounds = array<i64: 1, 128>}, {pipeline_mode = #tpu.pipeline_mode<synchronous>, transform_indices = @transform_3, window_bounds = array<i64: 128, 128>}, {pipeline_mode = #tpu.pipeline_mode<synchronous>, transform_indices = @transform_4, window_bounds = array<i64: 1, 128>}, {transform_indices = @transform_5, window_bounds = array<i64: 1280, 128>}]} {
    %get3A = arith.constant 0 : index
    %get3A_0 = arith.constant 0 : index
    %get3A_1 = vector.load %arg1[%get3A, %get3A_0] : memref<16x1280xf32, #tpu.memory_space<vmem>>, vector<16x1280xf32>
    %get3A_2 = arith.constant 0 : index
    %get3A_3 = arith.constant 0 : index
    %get3A_4 = vector.load %arg2[%get3A_2, %get3A_3] : memref<16x128xf32, #tpu.memory_space<vmem>>, vector<16x128xf32>
    %dot_general3A = arith.constant dense<0.000000e+00> : vector<1280x128xf32>
    %dot_general3A_5 = tpu.matmul %get3A_1, %get3A_4, %dot_general3A {dimension_numbers = #tpu.dot_dimension_numbers<[0], [0], [1], [1], [0, 1, 1, 1], [], []>, transpose_lhs_hint = false} : vector<16x1280xf32>, vector<16x128xf32>, vector<1280x128xf32> -> vector<1280x128xf32>
    %get3A_6 = arith.constant 0 : index
    %get3A_7 = arith.constant 0 : index
    %get3A_8 = vector.load %arg3[%get3A_6, %get3A_7] : memref<1x128xf32, #tpu.memory_space<vmem>>, vector<1x128xf32>
    %add3A = vector.broadcast %get3A_8 : vector<1x128xf32> to vector<1280x128xf32>
    %add3A_9 = arith.addf %dot_general3A_5, %add3A : vector<1280x128xf32>
    %max3A = arith.constant 0.000000e+00 : f32
    %max3A_10 = vector.broadcast %max3A : f32 to vector<1280x128xf32>
    %max3A_11 = arith.maximumf %add3A_9, %max3A_10 : vector<1280x128xf32>
    %abs3A = math.absf %add3A_9 : vector<1280x128xf32>
    %neg3A = arith.constant 0.000000e+00 : f32
    %neg3A_12 = vector.broadcast %neg3A : f32 to vector<1280x128xf32>
    %neg3A_13 = arith.subf %neg3A_12, %abs3A : vector<1280x128xf32>
    %exp3A = math.exp %neg3A_13 : vector<1280x128xf32>
    %log1p3A = math.log1p %exp3A : vector<1280x128xf32>
    %add3A_14 = arith.addf %max3A_11, %log1p3A : vector<1280x128xf32>
    %sub3A = arith.constant 0.693147182 : f32
    %sub3A_15 = vector.broadcast %sub3A : f32 to vector<1280x128xf32>
    %sub3A_16 = arith.subf %add3A_14, %sub3A_15 : vector<1280x128xf32>
    %get3A_17 = arith.constant 0 : index
    %get3A_18 = arith.constant 0 : index
    %get3A_19 = vector.load %arg4[%get3A_17, %get3A_18] : memref<128x128xf32, #tpu.memory_space<vmem>>, vector<128x128xf32>
    %dot_general3A_20 = arith.constant dense<0.000000e+00> : vector<1280x128xf32>
    %dot_general3A_21 = tpu.matmul %sub3A_16, %get3A_19, %dot_general3A_20 {dimension_numbers = #tpu.dot_dimension_numbers<[1], [0], [0], [1], [0, 0, 1, 1], [], []>, transpose_lhs_hint = false} : vector<1280x128xf32>, vector<128x128xf32>, vector<1280x128xf32> -> vector<1280x128xf32>
    %get3A_22 = arith.constant 0 : index
    %get3A_23 = arith.constant 0 : index
    %get3A_24 = vector.load %arg5[%get3A_22, %get3A_23] : memref<1x128xf32, #tpu.memory_space<vmem>>, vector<1x128xf32>
    %add3A_25 = vector.broadcast %get3A_24 : vector<1x128xf32> to vector<1280x128xf32>
    %add3A_26 = arith.addf %dot_general3A_21, %add3A_25 : vector<1280x128xf32>
    %max3A_27 = arith.constant 0.000000e+00 : f32
    %max3A_28 = vector.broadcast %max3A_27 : f32 to vector<1280x128xf32>
    %max3A_29 = arith.maximumf %add3A_26, %max3A_28 : vector<1280x128xf32>
    %abs3A_30 = math.absf %add3A_26 : vector<1280x128xf32>
    %neg3A_31 = arith.constant 0.000000e+00 : f32
    %neg3A_32 = vector.broadcast %neg3A_31 : f32 to vector<1280x128xf32>
    %neg3A_33 = arith.subf %neg3A_32, %abs3A_30 : vector<1280x128xf32>
    %exp3A_34 = math.exp %neg3A_33 : vector<1280x128xf32>
    %log1p3A_35 = math.log1p %exp3A_34 : vector<1280x128xf32>
    %add3A_36 = arith.addf %max3A_29, %log1p3A_35 : vector<1280x128xf32>
    %sub3A_37 = arith.constant 0.693147182 : f32
    %sub3A_38 = vector.broadcast %sub3A_37 : f32 to vector<1280x128xf32>
    %sub3A_39 = arith.subf %add3A_36, %sub3A_38 : vector<1280x128xf32>
    %swap3A = arith.constant 0 : index
    %swap3A_40 = arith.constant 0 : index
    %swap3A_41 = vector.load %arg6[%swap3A, %swap3A_40] : memref<1280x128xf32, #tpu.memory_space<vmem>>, vector<1280x128xf32>
    tpu.vector_store %arg6[%swap3A, %swap3A_40], %sub3A_39 {strides = array<i32>} : memref<1280x128xf32, #tpu.memory_space<vmem>>, vector<1280x128xf32>,
    return
  }
  func.func @transform_0(%arg0: i32) -> (i32, i32) {
    %add3A = arith.constant 0 : i32
    %add3A_0 = arith.addi %arg0, %add3A : i32
    %c0_i32 = arith.constant 0 : i32
    %c0_i32_1 = arith.constant 0 : i32
    return %c0_i32, %add3A_0 : i32, i32
  }
  func.func @transform_1(%arg0: i32) -> (i32, i32) {
    %c0_i32 = arith.constant 0 : i32
    %c0_i32_0 = arith.constant 0 : i32
    %c0_i32_1 = arith.constant 0 : i32
    return %c0_i32, %c0_i32_0 : i32, i32
  }
  func.func @transform_2(%arg0: i32) -> (i32, i32) {
    %c0_i32 = arith.constant 0 : i32
    %c0_i32_0 = arith.constant 0 : i32
    %c0_i32_1 = arith.constant 0 : i32
    return %c0_i32, %c0_i32_0 : i32, i32
  }
  func.func @transform_3(%arg0: i32) -> (i32, i32) {
    %c0_i32 = arith.constant 0 : i32
    %c0_i32_0 = arith.constant 0 : i32
    %c0_i32_1 = arith.constant 0 : i32
    return %c0_i32, %c0_i32_0 : i32, i32
  }
  func.func @transform_4(%arg0: i32) -> (i32, i32) {
    %c0_i32 = arith.constant 0 : i32
    %c0_i32_0 = arith.constant 0 : i32
    %c0_i32_1 = arith.constant 0 : i32
    return %c0_i32, %c0_i32_0 : i32, i32
  }
  func.func @transform_5(%arg0: i32) -> (i32, i32) {
    %c0_i32 = arith.constant 0 : i32
    %c0_i32_0 = arith.constant 0 : i32
    return %arg0, %c0_i32 : i32, i32
  }
}

module attributes {stable_mosaic.version = 14 : i64} {
  func.func @_out_projN_body(%arg0: i32, %arg1: memref<2000x128xf32, #tpu.memory_space<vmem>>, %arg2: memref<2000x128xf32, #tpu.memory_space<vmem>>, %arg3: memref<2000x128xf32, #tpu.memory_space<vmem>>, %arg4: memref<2000x128xf32, #tpu.memory_space<vmem>>, %arg5: memref<2000x128xf32, #tpu.memory_space<vmem>>, %arg6: memref<2000x128xf32, #tpu.memory_space<vmem>>, %arg7: memref<2000x128xf32, #tpu.memory_space<vmem>>, %arg8: memref<2000x128xf32, #tpu.memory_space<vmem>>, %arg9: memref<2000x128xf32, #tpu.memory_space<vmem>>, %arg10: memref<2000x128xf32, #tpu.memory_space<vmem>>, %arg11: memref<128x128xf32, #tpu.memory_space<vmem>>, %arg12: memref<1x128xf32, #tpu.memory_space<vmem>>, %arg13: memref<128x128xf32, #tpu.memory_space<vmem>>, %arg14: memref<1x128xf32, #tpu.memory_space<vmem>>, %arg15: memref<2000x128xf32, #tpu.memory_space<vmem>>) attributes {dimension_semantics = [#tpu.dimension_semantics<arbitrary>], iteration_bounds = array<i64: 5>, scalar_prefetch = 0 : i64, scratch_operands = 0 : i64, tpu.core_type = #tpu.core_type<tc>, window_params = [{transform_indices = @transform_0, window_bounds = array<i64: 2000, 128>}, {transform_indices = @transform_1, window_bounds = array<i64: 2000, 128>}, {transform_indices = @transform_2, window_bounds = array<i64: 2000, 128>}, {transform_indices = @transform_3, window_bounds = array<i64: 2000, 128>}, {transform_indices = @transform_4, window_bounds = array<i64: 2000, 128>}, {transform_indices = @transform_5, window_bounds = array<i64: 2000, 128>}, {transform_indices = @transform_6, window_bounds = array<i64: 2000, 128>}, {transform_indices = @transform_7, window_bounds = array<i64: 2000, 128>}, {transform_indices = @transform_8, window_bounds = array<i64: 2000, 128>}, {transform_indices = @transform_9, window_bounds = array<i64: 2000, 128>}, {pipeline_mode = #tpu.pipeline_mode<synchronous>, transform_indices = @transform_10, window_bounds = array<i64: 128, 128>}, {pipeline_mode = #tpu.pipeline_mode<synchronous>, transform_indices = @transform_11, window_bounds = array<i64: 1, 128>}, {pipeline_mode = #tpu.pipeline_mode<synchronous>, transform_indices = @transform_12, window_bounds = array<i64: 128, 128>}, {pipeline_mode = #tpu.pipeline_mode<synchronous>, transform_indices = @transform_13, window_bounds = array<i64: 1, 128>}, {transform_indices = @transform_14, window_bounds = array<i64: 2000, 128>}]} {
    %get3A = arith.constant 0 : index
    %get3A_0 = arith.constant 0 : index
    %get3A_1 = vector.load %arg1[%get3A, %get3A_0] : memref<2000x128xf32, #tpu.memory_space<vmem>>, vector<2000x128xf32>
    %get3A_2 = arith.constant 0 : index
    %get3A_3 = arith.constant 0 : index
    %get3A_4 = vector.load %arg2[%get3A_2, %get3A_3] : memref<2000x128xf32, #tpu.memory_space<vmem>>, vector<2000x128xf32>
    %add3A = arith.addf %get3A_1, %get3A_4 : vector<2000x128xf32>
    %get3A_5 = arith.constant 0 : index
    %get3A_6 = arith.constant 0 : index
    %get3A_7 = vector.load %arg3[%get3A_5, %get3A_6] : memref<2000x128xf32, #tpu.memory_space<vmem>>, vector<2000x128xf32>
    %add3A_8 = arith.addf %add3A, %get3A_7 : vector<2000x128xf32>
    %get3A_9 = arith.constant 0 : index
    %get3A_10 = arith.constant 0 : index
    %get3A_11 = vector.load %arg4[%get3A_9, %get3A_10] : memref<2000x128xf32, #tpu.memory_space<vmem>>, vector<2000x128xf32>
    %add3A_12 = arith.addf %add3A_8, %get3A_11 : vector<2000x128xf32>
    %get3A_13 = arith.constant 0 : index
    %get3A_14 = arith.constant 0 : index
    %get3A_15 = vector.load %arg5[%get3A_13, %get3A_14] : memref<2000x128xf32, #tpu.memory_space<vmem>>, vector<2000x128xf32>
    %add3A_16 = arith.addf %add3A_12, %get3A_15 : vector<2000x128xf32>
    %get3A_17 = arith.constant 0 : index
    %get3A_18 = arith.constant 0 : index
    %get3A_19 = vector.load %arg6[%get3A_17, %get3A_18] : memref<2000x128xf32, #tpu.memory_space<vmem>>, vector<2000x128xf32>
    %add3A_20 = arith.addf %add3A_16, %get3A_19 : vector<2000x128xf32>
    %get3A_21 = arith.constant 0 : index
    %get3A_22 = arith.constant 0 : index
    %get3A_23 = vector.load %arg7[%get3A_21, %get3A_22] : memref<2000x128xf32, #tpu.memory_space<vmem>>, vector<2000x128xf32>
    %add3A_24 = arith.addf %add3A_20, %get3A_23 : vector<2000x128xf32>
    %get3A_25 = arith.constant 0 : index
    %get3A_26 = arith.constant 0 : index
    %get3A_27 = vector.load %arg8[%get3A_25, %get3A_26] : memref<2000x128xf32, #tpu.memory_space<vmem>>, vector<2000x128xf32>
    %add3A_28 = arith.addf %add3A_24, %get3A_27 : vector<2000x128xf32>
    %get3A_29 = arith.constant 0 : index
    %get3A_30 = arith.constant 0 : index
    %get3A_31 = vector.load %arg9[%get3A_29, %get3A_30] : memref<2000x128xf32, #tpu.memory_space<vmem>>, vector<2000x128xf32>
    %add3A_32 = arith.addf %add3A_28, %get3A_31 : vector<2000x128xf32>
    %get3A_33 = arith.constant 0 : index
    %get3A_34 = arith.constant 0 : index
    %get3A_35 = vector.load %arg10[%get3A_33, %get3A_34] : memref<2000x128xf32, #tpu.memory_space<vmem>>, vector<2000x128xf32>
    %add3A_36 = arith.addf %add3A_32, %get3A_35 : vector<2000x128xf32>
    %get3A_37 = arith.constant 0 : index
    %get3A_38 = arith.constant 0 : index
    %get3A_39 = vector.load %arg11[%get3A_37, %get3A_38] : memref<128x128xf32, #tpu.memory_space<vmem>>, vector<128x128xf32>
    %dot_general3A = arith.constant dense<0.000000e+00> : vector<2000x128xf32>
    %dot_general3A_40 = tpu.matmul %add3A_36, %get3A_39, %dot_general3A {dimension_numbers = #tpu.dot_dimension_numbers<[1], [0], [0], [1], [0, 0, 1, 1], [], []>, transpose_lhs_hint = false} : vector<2000x128xf32>, vector<128x128xf32>, vector<2000x128xf32> -> vector<2000x128xf32>
    %get3A_41 = arith.constant 0 : index
    %get3A_42 = arith.constant 0 : index
    %get3A_43 = vector.load %arg12[%get3A_41, %get3A_42] : memref<1x128xf32, #tpu.memory_space<vmem>>, vector<1x128xf32>
    %add3A_44 = vector.broadcast %get3A_43 : vector<1x128xf32> to vector<2000x128xf32>
    %add3A_45 = arith.addf %dot_general3A_40, %add3A_44 : vector<2000x128xf32>
    %max3A = arith.constant 0.000000e+00 : f32
    %max3A_46 = vector.broadcast %max3A : f32 to vector<2000x128xf32>
    %max3A_47 = arith.maximumf %add3A_45, %max3A_46 : vector<2000x128xf32>
    %abs3A = math.absf %add3A_45 : vector<2000x128xf32>
    %neg3A = arith.constant 0.000000e+00 : f32
    %neg3A_48 = vector.broadcast %neg3A : f32 to vector<2000x128xf32>
    %neg3A_49 = arith.subf %neg3A_48, %abs3A : vector<2000x128xf32>
    %exp3A = math.exp %neg3A_49 : vector<2000x128xf32>
    %log1p3A = math.log1p %exp3A : vector<2000x128xf32>
    %add3A_50 = arith.addf %max3A_47, %log1p3A : vector<2000x128xf32>
    %sub3A = arith.constant 0.693147182 : f32
    %sub3A_51 = vector.broadcast %sub3A : f32 to vector<2000x128xf32>
    %sub3A_52 = arith.subf %add3A_50, %sub3A_51 : vector<2000x128xf32>
    %get3A_53 = arith.constant 0 : index
    %get3A_54 = arith.constant 0 : index
    %get3A_55 = vector.load %arg13[%get3A_53, %get3A_54] : memref<128x128xf32, #tpu.memory_space<vmem>>, vector<128x128xf32>
    %dot_general3A_56 = arith.constant dense<0.000000e+00> : vector<2000x128xf32>
    %dot_general3A_57 = tpu.matmul %sub3A_52, %get3A_55, %dot_general3A_56 {dimension_numbers = #tpu.dot_dimension_numbers<[1], [0], [0], [1], [0, 0, 1, 1], [], []>, transpose_lhs_hint = false} : vector<2000x128xf32>, vector<128x128xf32>, vector<2000x128xf32> -> vector<2000x128xf32>
    %get3A_58 = arith.constant 0 : index
    %get3A_59 = arith.constant 0 : index
    %get3A_60 = vector.load %arg14[%get3A_58, %get3A_59] : memref<1x128xf32, #tpu.memory_space<vmem>>, vector<1x128xf32>
    %add3A_61 = vector.broadcast %get3A_60 : vector<1x128xf32> to vector<2000x128xf32>
    %add3A_62 = arith.addf %dot_general3A_57, %add3A_61 : vector<2000x128xf32>
    %swap3A = arith.constant 0 : index
    %swap3A_63 = arith.constant 0 : index
    %swap3A_64 = vector.load %arg15[%swap3A, %swap3A_63] : memref<2000x128xf32, #tpu.memory_space<vmem>>, vector<2000x128xf32>
    tpu.vector_store %arg15[%swap3A, %swap3A_63], %add3A_62 {strides = array<i32>} : memref<2000x128xf32, #tpu.memory_space<vmem>>, vector<2000x128xf32>,
    return
  }
  func.func @transform_0(%arg0: i32) -> (i32, i32) {
    %c0_i32 = arith.constant 0 : i32
    %c0_i32_0 = arith.constant 0 : i32
    return %arg0, %c0_i32 : i32, i32
  }
  func.func @transform_1(%arg0: i32) -> (i32, i32) {
    %c0_i32 = arith.constant 0 : i32
    %c0_i32_0 = arith.constant 0 : i32
    return %arg0, %c0_i32 : i32, i32
  }
  func.func @transform_2(%arg0: i32) -> (i32, i32) {
    %c0_i32 = arith.constant 0 : i32
    %c0_i32_0 = arith.constant 0 : i32
    return %arg0, %c0_i32 : i32, i32
  }
  func.func @transform_3(%arg0: i32) -> (i32, i32) {
    %c0_i32 = arith.constant 0 : i32
    %c0_i32_0 = arith.constant 0 : i32
    return %arg0, %c0_i32 : i32, i32
  }
  func.func @transform_4(%arg0: i32) -> (i32, i32) {
    %c0_i32 = arith.constant 0 : i32
    %c0_i32_0 = arith.constant 0 : i32
    return %arg0, %c0_i32 : i32, i32
  }
  func.func @transform_5(%arg0: i32) -> (i32, i32) {
    %c0_i32 = arith.constant 0 : i32
    %c0_i32_0 = arith.constant 0 : i32
    return %arg0, %c0_i32 : i32, i32
  }
  func.func @transform_6(%arg0: i32) -> (i32, i32) {
    %c0_i32 = arith.constant 0 : i32
    %c0_i32_0 = arith.constant 0 : i32
    return %arg0, %c0_i32 : i32, i32
  }
  func.func @transform_7(%arg0: i32) -> (i32, i32) {
    %c0_i32 = arith.constant 0 : i32
    %c0_i32_0 = arith.constant 0 : i32
    return %arg0, %c0_i32 : i32, i32
  }
  func.func @transform_8(%arg0: i32) -> (i32, i32) {
    %c0_i32 = arith.constant 0 : i32
    %c0_i32_0 = arith.constant 0 : i32
    return %arg0, %c0_i32 : i32, i32
  }
  func.func @transform_9(%arg0: i32) -> (i32, i32) {
    %c0_i32 = arith.constant 0 : i32
    %c0_i32_0 = arith.constant 0 : i32
    return %arg0, %c0_i32 : i32, i32
  }
  func.func @transform_10(%arg0: i32) -> (i32, i32) {
    %c0_i32 = arith.constant 0 : i32
    %c0_i32_0 = arith.constant 0 : i32
    %c0_i32_1 = arith.constant 0 : i32
    return %c0_i32, %c0_i32_0 : i32, i32
  }
  func.func @transform_11(%arg0: i32) -> (i32, i32) {
    %c0_i32 = arith.constant 0 : i32
    %c0_i32_0 = arith.constant 0 : i32
    %c0_i32_1 = arith.constant 0 : i32
    return %c0_i32, %c0_i32_0 : i32, i32
  }
  func.func @transform_12(%arg0: i32) -> (i32, i32) {
    %c0_i32 = arith.constant 0 : i32
    %c0_i32_0 = arith.constant 0 : i32
    %c0_i32_1 = arith.constant 0 : i32
    return %c0_i32, %c0_i32_0 : i32, i32
  }
  func.func @transform_13(%arg0: i32) -> (i32, i32) {
    %c0_i32 = arith.constant 0 : i32
    %c0_i32_0 = arith.constant 0 : i32
    %c0_i32_1 = arith.constant 0 : i32
    return %c0_i32, %c0_i32_0 : i32, i32
  }
  func.func @transform_14(%arg0: i32) -> (i32, i32) {
    %c0_i32 = arith.constant 0 : i32
    %c0_i32_0 = arith.constant 0 : i32
    return %arg0, %c0_i32 : i32, i32
  }
}

</mosaic_0001>

<sc_bundles>
// kernel: kernel.14.cloned.1.call-start
scs
__scs_entry_jumppad:
0x0: {  	(pc) =	sbr.rel $0x88, $3  }
0x1: {  	(tag) =	ssettag $0x0;
	lr =	simm.s32 $0x1  }
0x2: {  	[smem:$0x3F94] =	sst lr;
	_ =	strace $0xD0000000  }
0x3: {  	_ = 	snop  }
0x4: {  	_ = 	snop  }
0x5: {  	_ = 	snop  }
0x6: {  	_ = 	snop  }
0x7: {  	_ = 	snop  }
__scs_overlays_trampoline_lowered:
0x8: {  	[smem:$0x3FA3] =	sst s0  }
0x9: {  	[smem:$0x3FA4] =	sst s1  }
0xa: {  	[smem:$0x3FA5] =	sst s2  }
0xb: {  	[smem:$0x3FA6] =	sst s3  }
0xc: {  	[smem:$0x3FA7] =	sst s4  }
0xd: {  	[smem:$0x3FA8] =	sst s5  }
0xe: {  	[smem:$0x3FA9] =	sst s6  }
0xf: {  	[smem:$0x3FAA] =	sst s7  }
0x10: {  	[smem:$0x3FAB] =	sst s8  }
0x11: {  	[smem:$0x3FAC] =	sst s9;
	s0 =	simm.s32 @!p0 $0x0  }
0x12: {  	s1 =	sld [smem:$0x3F92];
	s0 =	simm.s32 @p0 $0x1  }
0x13: {  	[smem:$0x3FAD] =	sst s0;
	s0 =	simm.s32 @!p1 $0x0  }
0x14: {  	s2 =	sld [smem:$0x3F91];
	s0 =	simm.s32 @p1 $0x1  }
0x15: {  	[smem:$0x3FAE] =	sst s0;
	s0 =	simm.s32 @!p2 $0x0  }
0x16: {  	s3 =	sld [smem:$0x3FDB];
	s0 =	simm.s32 @p2 $0x1  }
0x17: {  	s4 =	simm.s32 $0x1BF5;
	[smem:$0x3FB0] =	sst s0  }
0x18: {  	s0 =	sld [smem:$0x3F93];
	_ =	swait.ge [sflag:s4], $0x0  }
0x19: {  	s7 =	sld [smem:$0x3F94]  }
0x1a: {  	s8 =	sadd.s32 $0xFFFFE003, lr  }
0x1b: {  	s9 =	sadd.s32 $0xFFFFFEF7, lr;
	s5 =	simm.s32 $0xFFFFFFFF;
	p2 =	slt.u32 s8, $0xFFFFF086  }
0x1c: {  	p1 =	slt.u32 s9, $0xF7A;
	s5 =	simm.s32 @!p2 $0x0  }
0x1d: {  	s5 =	simm.s32 @p1 $0x1;
	p0 =	seq.s32 s7, s2  }
0x1e: {  	s7 =	smul.u32 @!p0 $0xF7A, s2;
	p2 =	seq.s32 @!p0 s5, $0x0  }
0x1f: {  	s9 =	smul.u32 $0xF7A, s1;
	s8 =	simm.s32 @!p0 $0x1BF5;
	p2 =	por !p2, p0  }
0x20: {  	[sflag:s8] =	ssyncset.s32 @!p0 $0xFFFFF086;
	s6 =	sadd.s32 @!p0 s3, s7;
	s7 =	simm.s32 @!p0 $0x108  }
0x21: {  	s3 =	sadd.s32 s3, s9;
	s6 =	sadd.s32 @!p0 $0x88, s6;
	s7 =	simm.s32 @p2 $0x1082  }
0x22: {  	[simem:s7], [sflag:s8] =	dma.local @!p0 [hbm:s6], $0xF7A  }
0x23: {  	s9 =	sor.u32 $0xD0000000, s2;
	s6 =	simm.s32 $0x108;
	_ =	swait.ge @!p0 [sflag:s8], $0x0  }
0x24: {  	s3 =	sadd.s32 $0x88, s3;
	s6 =	simm.s32 @!p1 $0x1082;
	[sflag:s4] =	ssyncset.s32 $0xFFFFF086  }
0x25: {  	[simem:s6], [sflag:s4] =	dma.local [hbm:s3], $0xF7A  }
0x26: {  	[smem:$0x3F94] =	sst s1;
	(tag) =	ssettag s2;
	_ =	strace s9  }
0x27: {  	s1 =	sld [smem:$0x3FA4]  }
0x28: {  	s2 =	sld [smem:$0x3FA5]  }
0x29: {  	s4 =	sld [smem:$0x3FA7]  }
0x2a: {  	p0 =	seq.s32 s5, $0x0;
	s5 =	sld [smem:$0x3FA8]  }
0x2b: {  	s6 =	sld [smem:$0x3FA9]  }
0x2c: {  	s7 =	sld [smem:$0x3FAA]  }
0x2d: {  	s3 =	simm.s32 $0x108;
	s8 =	sld [smem:$0x3FAB]  }
0x2e: {  	s3 =	simm.s32 @!p0 $0x1082;
	s9 =	sld [smem:$0x3FAC]  }
0x2f: {  	lr =	sadd.s32 s0, s3;
	s0 =	sld [smem:$0x3FA3]  }
0x30: {  	s3 =	sld [smem:$0x3FA6]  }
0x31: {  	[smem:$0x3FAF] =	sst s10  }
0x32: {  	s10 =	sld [smem:$0x3FAD];
	_ =	sdelay $0x3  }
0x33: {  	p0 =	seq.s32 s10, $0x1;
	s10 =	sld [smem:$0x3FAF];
	_ =	sdelay $0x3  }
0x34: {  	[smem:$0x3FAF] =	sst s10  }
0x35: {  	s10 =	sld [smem:$0x3FAE];
	_ =	sdelay $0x3  }
0x36: {  	p1 =	seq.s32 s10, $0x1;
	s10 =	sld [smem:$0x3FAF];
	_ =	sdelay $0x3  }
0x37: {  	[smem:$0x3FAF] =	sst s10  }
0x38: {  	s10 =	sld [smem:$0x3FB0]  }
0x39: {  	_ = 	snop;
	(pc) =	sbr.ind lr, $3  }
0x3a: {  	_ = 	snop  }
0x3b: {  	_ = 	snop  }
0x3c: {  	p2 =	seq.s32 s10, $0x1;
	s10 =	sld [smem:$0x3FAF]  }
0x3d: {  	_ =	shalt  }
0x3e: {  	_ =	shalt  }
0x3f: {  	_ =	shalt  }
0x40: {  	_ =	shalt  }
0x41: {  	_ =	shalt  }
0x42: {  	_ =	shalt  }
0x43: {  	_ =	shalt  }
0x44: {  	_ =	shalt  }
0x45: {  	_ =	shalt  }
0x46: {  	_ =	shalt  }
0x47: {  	_ =	shalt  }
0x48: {  	_ =	shalt  }
0x49: {  	_ =	shalt  }
0x4a: {  	_ =	shalt  }
0x4b: {  	_ =	shalt  }
0x4c: {  	_ =	shalt  }
0x4d: {  	_ =	shalt  }
0x4e: {  	_ =	shalt  }
0x4f: {  	_ =	shalt  }
0x50: {  	_ =	shalt  }
0x51: {  	_ =	shalt  }
0x52: {  	_ =	shalt  }
0x53: {  	_ =	shalt  }
0x54: {  	_ =	shalt  }
0x55: {  	_ =	shalt  }
0x56: {  	_ =	shalt  }
0x57: {  	_ =	shalt  }
0x58: {  	_ =	shalt  }
0x59: {  	_ =	shalt  }
0x5a: {  	_ =	shalt  }
0x5b: {  	_ =	shalt  }
0x5c: {  	_ =	shalt  }
0x5d: {  	_ =	shalt  }
0x5e: {  	_ =	shalt  }
0x5f: {  	_ =	shalt  }
0x60: {  	_ =	shalt  }
0x61: {  	_ =	shalt  }
0x62: {  	_ =	shalt  }
0x63: {  	_ =	shalt  }
0x64: {  	_ =	shalt  }
0x65: {  	_ =	shalt  }
0x66: {  	_ =	shalt  }
0x67: {  	_ =	shalt  }
0x68: {  	_ =	shalt  }
0x69: {  	_ =	shalt  }
0x6a: {  	_ =	shalt  }
0x6b: {  	_ =	shalt  }
0x6c: {  	_ =	shalt  }
0x6d: {  	_ =	shalt  }
0x6e: {  	_ =	shalt  }
0x6f: {  	_ =	shalt  }
0x70: {  	_ =	shalt  }
0x71: {  	_ =	shalt  }
0x72: {  	_ =	shalt  }
0x73: {  	_ =	shalt  }
0x74: {  	_ =	shalt  }
0x75: {  	_ =	shalt  }
0x76: {  	_ =	shalt  }
0x77: {  	_ =	shalt  }
0x78: {  	_ =	shalt  }
0x79: {  	_ =	shalt  }
0x7a: {  	_ =	shalt  }
0x7b: {  	_ =	shalt  }
0x7c: {  	_ =	shalt  }
0x7d: {  	_ =	shalt  }
0x7e: {  	_ =	shalt  }
0x7f: {  	_ =	shalt  }
0x80: {  	_ =	shalt  }
0x81: {  	_ =	shalt  }
0x82: {  	_ =	shalt  }
0x83: {  	_ =	shalt  }
0x84: {  	_ =	shalt  }
0x85: {  	_ =	shalt  }
0x86: {  	_ =	shalt  }
0x87: {  	_ =	shalt  }
.Lfunc_end0:
.L_simem_size_0:
called_computation_lowered:
.L_overlay_start_0:
0x88: {  	s2 =	sld [smem:$0x3FD9]  }
0x89: {  	s3 =	sld [smem:$0x3FFE];
	_ =	sdelay $0x1  }
0x8a: {  	s1 =	srdreg.scid  }
0x8b: {  	s0 =	sand.u32 $0x1, s1  }
0x8c: {  	s17 =	sshll.u32 s0, $0xA;
	s2 =	sadd.s32 s3, s2  }
0x8d: {  	s2 =	sadd.s32 s2, s17  }
0x8e: {  	[smem:$0x3FBB] =	sst s2  }
0x8f: {  	_ = 	snop  }
0x90: {  	s18 =	sld [smem:$0x3FD0];
	(tm) =	ssettm $0x1  }
0x91: {  	s19 =	sld [smem:$0x3FFB];
	_ =	sdelay $0x3  }
0x92: {  	_ =	strace s19  }
0x93: {  	s2 =	sld [smem:$0x3FFC];
	_ =	sdelay $0x3  }
0x94: {  	_ =	strace s2  }
0x95: {  	s2 =	sld [smem:$0x3FFD];
	_ =	sdelay $0x3  }
0x96: {  	_ =	strace s2  }
0x97: {  	_ =	strace $0x8FFFFFFF  }
0x98: {  	s20 =	sld [smem:$0x3FDB];
	_ =	sdelay $0x1  }
0x99: {  	s4 =	simm.s32 $_scs_section_size  }
0x9a: {  	s5 =	simm.s32 $_size__tile_overlayer_lowered;
	s6 =	simm.s32 $_tile_overlayer_lowered  }
0x9b: {  	s7 =	simm.s32 $0x1BFF;
	s21 =	sshll.u32 s6, $0x1;
	s4 =	sadd.s32 s4, s20  }
0x9c: {  	s22 =	simm.s32 $0x0;
	s5 =	sshll.u32 s5, $0x1;
	s6 =	sadd.s32 s21, s4  }
0x9d: {  	[timem:s22], [sflag:s7] =	dma.local [hbm:s6], s5  }
0x9e: {  	_ =	swait.ge [sflag:s7], s5  }
0x9f: {  	s5 =	ssub.s32 $0x0, s5;
	[sflag:s7] =	ssyncset.done $0x0  }
0xa0: {  	[sflag:s7] =	ssyncadd.s32 s5;
	_ =	sdelay $0x1  }
0xa1: {  	s23 =	simm.s32 $0x1B8B  }
0xa2: {  	_ =	swait.ge [sflag:s23], $0x1  }
0xa3: {  	[sflag:s23] =	ssyncset.done $0x0  }
0xa4: {  	[sflag:s23] =	ssyncadd.s32 $0xFFFFFFFF  }
0xa5: {  	s5 =	sld [smem:$0x0]  }
0xa6: {  	s6 =	sand.u32 $0xFFFFFFFE, s1  }
0xa7: {  	p0 =	sne.s32 s1, s6  }
0xa8: {  	s6 =	sshll.u32 @p0 s6, $0xE  }
0xa9: {  	s6 =	sadd.s32 @p0 $0x11B8D, s6;
	s7 =	sshll.u32 @p0 s5, $0x11  }
0xaa: {  	s6 =	sor.u32 @p0 s7, s6  }
0xab: {  	[sflag:s6] =	ssyncadd.remote.s32 @p0 $0x1;
	_ =	sdelay $0x1  }
0xac: {  	s6 =	simm.s32 @p0 $0x1B8D  }
0xad: {  	_ =	swait.eq @p0 [sflag:s6], $0x1  }
0xae: {  	[sflag:s6] =	ssyncadd.s32 @p0 $0xFFFFFFFF  }
0xaf: {  	s7 =	sshll.u32 @!p0 s1, $0xE  }
0xb0: {  	s7 =	sor.u32 @!p0 $0x4000, s7;
	s6 =	simm.s32 @!p0 $0x1B8D  }
0xb1: {  	s5 =	sshll.u32 @!p0 s5, $0x11;
	s7 =	sadd.s32 @!p0 $0x11B8D, s7;
	_ =	swait.eq @!p0 [sflag:s6], $0x1  }
0xb2: {  	s5 =	sor.u32 @!p0 s5, s7;
	[sflag:s6] =	ssyncadd.s32 @!p0 $0xFFFFFFFF  }
0xb3: {  	s25 =	simm.s32 $0x1B8E;
	s24 =	sld [smem:$0x3FFE];
	[sflag:s5] =	ssyncadd.remote.s32 @!p0 $0x1  }
0xb4: {  	s26 =	simm.s32 $execute0_lowered;
	[smem:$0x3FD2] =	sst s25  }
0xb5: {  	s6 =	sshll.u32 s26, $0x1;
	_ =	strace $0x80000052;
	[dreg:$0x1] =	wrdreg $0xFFFFFFFF  }
0xb6: {  	s28 =	simm.s32 $_size_execute0_lowered;
	s4 =	sadd.s32 s4, s6;
	[dreg:$0x0] =	wrdreg $0x0  }
0xb7: {  	s6 =	sshll.u32 s28, $0x1;
	[dreg:$0x2] =	wrdreg s4  }
0xb8: {  	[dreg:$0x3] =	wrdreg s6  }
0xb9: {  	[dreg:$0x4] =	wrdreg $0xC0  }
0xba: {  	_ =	task [dreg:s22], $0x5FFFF  }
0xbb: {  	[dreg:$0x1] =	wrdreg $0xFFFFFFFF  }
0xbc: {  	[dreg:$0x0] =	wrdreg $0x60  }
0xbd: {  	[dreg:$0x2] =	wrdreg s18  }
0xbe: {  	[dreg:$0x3] =	wrdreg s24  }
0xbf: {  	[dreg:$0x4] =	wrdreg $0x6D000  }
0xc0: {  	[dreg:$0x5] =	wrdreg $0x9  }
0xc1: {  	_ =	task.clear_ibuf [dreg:s22], $0x6FFFF;
	_ =	strace $0x90000052  }
0xc2: {  	s29 =	simm.s32 $0x9;
	_ =	strace $0x80000054  }
0xc3: {  	_ =	swait.ge [sflag:s29], $0x1  }
0xc4: {  	[sflag:s29] =	ssyncadd.s32 $0xFFFFFFFF  }
0xc5: {  	_ =	strace $0x90000054  }
0xc6: {  	_ =	sfence  }
0xc7: {  	s30 =	sld [smem:$0x0];
	_ =	sdelay $0x2  }
0xc8: {  	s31 =	sshll.u32 s1, $0xD;
	s1 =	sshrl.u32 s1, $0x2  }
0xc9: {  	s4 =	sand.u32 $0x4000, s31;
	s1 =	sadd.s32 s1, s30  }
0xca: {  	s0 =	sor.u32 s4, s0;
	s1 =	sshll.u32 s1, $0x11  }
0xcb: {  	s0 =	sor.u32 s1, s0  }
0xcc: {  	s0 =	sadd.s32 $0x8F2B, s0  }
0xcd: {  	[sflag:s0] =	ssyncadd.remote.s32 $0x1  }
0xce: {  	_ =	sfence.sel $0xFFFF  }
0xcf: {  	[dreg:$0x0] =	wrdreg $0xFFFFFFFF;
	(pc) =	sbr.abs _section_cstart, $3  }
0xd0: {  	[dreg:$0x1] =	wrdreg $0xFFFFFFFF  }
0xd1: {  	_ =	task.clear_ibuf [dreg:s22], $0x2FFFF;
	_ =	strace $0x9FFFFFFF  }
0xd2: {  	(tm) =	ssettm $0x7FFFFFFF  }
0xd3: {  	_ =	shalt  }
tec
execute0_lowered:
.L_overlay_start_1:
0x0: {  	(tag) =	ssettag $0x1  }
0x1: {  	s0 =	srdreg.scid;
	s1 =	rddreg [dreg:$0x0]  }
0x2: {  	s16 =	stileid.u32;
	s8 =	rddreg [dreg:$0x1]  }
0x3: {  	s3 =	rddreg [dreg:$0x2];
	s5 =	simm.s32 $0x0;
	s28 =	simm.s32 $0x800  }
0x4: {  	s29 =	simm.s32 $0x4500;
	s30 =	simm.s32 $0x1D00;
	s31 =	simm.s32 $0x880  }
0x5: {  	s0 =	sand.u32 $0x1, s0;
	s2 =	sshll.u32 s16, $0x1;
	[smem:$0x7FF] =	sst s5  }
0x6: {  	s10 =	smul.u32 $0x2700, s16;
	s6 =	sadd.s32 $0x560000, s8;
	s7 =	sadd.s32 $0x4200, s8  }
0x7: {  	s17 =	sadd.s32 $0x65A000, s8;
	s15 =	smul.u32 $0x4E000, s16;
	s18 =	sadd.s32 $0x681200, s8  }
0x8: {  	p0 =	seq.s32 s16, $0xF;
	p4 =	sne.s32 s16, $0xF;
	s20 =	sadd.s32 $0x124800, s3  }
0x9: {  	s2 =	sor.u32 s0, s2;
	_ =	strace $0x80000053;
	[dreg:$0x4] =	wrdreg s17  }
0xa: {  	s12 =	ssub.s32 $0x2, s0;
	p2 =	seq.s32 s0, $0x0;
	[dreg:$0x5] =	wrdreg s18  }
0xb: {  	[dreg:$0x6] =	wrdreg s20;
	s20 =	sshrl.u32 @p0 s20, $0x3;
	s4 =	smul.u32 $0x7D0, s2  }
0xc: {  	s13 =	sadd.s32 s10, s8;
	s14 =	sshrl.u32 s12, $0x1;
	s23 =	sshrl.u32 s15, $0x2  }
0xd: {  	s2 =	smul.u32 $0x7D00, s2;
	p1 =	por !p2, !p4;
	p3 =	por !p2, !p0  }
0xe: {  	p2 =	seq.s32 s0, $0x1;
	s17 =	sadd.s32 s17, s10;
	s18 =	sadd.s32 s18, s10  }
0xf: {  	s0 =	sshll.u32 @!p0 s16, $0x6;
	s10 =	simm.s32 $0x4;
	s14 =	ssub.s32 s12, s14  }
0x10: {  	s12 =	sadd.s32 s23, s3;
	s24 =	sadd.s32 $0x111E00, s13;
	p1 =	por !p1, !p1  }
0x11: {  	p3 =	por !p3, !p3;
	p4 =	por !p4, !p2;
	s21 =	sor.u32 @!p0 $0x1C06, s0  }
0x12: {  	s23 =	simm.s32 $0x6;
	s9 =	sshrl.u32 s4, $0x3;
	[dreg:$0x8] =	wrdreg s24  }
0x13: {  	s2 =	sadd.s32 s6, s2;
	p4 =	por !p4, !p4;
	s19 =	smax.u32 s14, $0x1  }
0x14: {  	s22 =	sshrl.u32 @!p0 s12, $0x3;
	s24 =	simm.s32 $0x28;
	s11 =	sadd.s32 s9, s8  }
.Ltmp0:
0x15: {  	s8 =	sadd.s32 $0x136700, s8;
	[dreg:$0xa] =	wrdreg s2;
	(pc) =	sbr.rel .LBB2_1-.Ltmp0, $4  }
0x16: {  	s26 =	sadd.s32 s7, s9;
	p4 =	por !p4, p3;
	s2 =	simm.s32 $0x1  }
0x17: {  	s9 =	simm.s32 $0x5;
	[dreg:$0x7] =	wrdreg s8;
	s25 =	sadd.s32 $0xE000, s11  }
0x18: {  	[dreg:$0xb] =	wrdreg s26;
	s26 =	simm.s32 $0x5900;
	s8 =	simm.s32 $0x2  }
0x19: {  	s11 =	simm.s32 $0x0;
	[dreg:$0x9] =	wrdreg s25;
	s25 =	simm.s32 $0x3  }
.LBB2_9:
0x1a: {  	s11 =	sadd.s32 $0x1, s11  }
0x1b: {  	p5 =	sne.s32 s11, s19  }
.Ltmp1:
0x1c: {  	_ = 	snop;
	(pc) =	sbr.rel @!p5 .LBB2_10-.Ltmp1, $1  }
0x1d: {  	_ =	sdelay $0x3  }
.LBB2_1:
0x1e: {  	s0 =	simm.s32 @p0 $0x1FC6;
	s13 =	rddreg [dreg:$0x7]  }
0x1f: {  	[spmem:s20], [sflag:s0] =	dma.local @p0 [hbm:s13], $0x2800  }
0x20: {  	s0 =	simm.s32 @p0 $0x6  }
0x21: {  	_ =	swait.ge @p0 [sflag:s0], $0x2800  }
0x22: {  	[sflag:s0] =	ssyncset.done @p0 $0x0  }
0x23: {  	[sflag:s0] =	ssyncadd.s32 @p0 $0xFFFFD800;
	s0 =	rddreg [dreg:$0x8]  }
0x24: {  	[spmem:s22], [sflag:s21] =	dma.local @!p0 [hbm:s0], $0x2700  }
0x25: {  	s0 =	simm.s32 @!p0 $0x6  }
0x26: {  	_ =	swait.ge @!p0 [sflag:s0], $0x2700  }
0x27: {  	[sflag:s0] =	ssyncset.done @!p0 $0x0  }
0x28: {  	s16 =	rddreg [dreg:$0x9];
	[sflag:s0] =	ssyncadd.s32 @!p0 $0xFFFFD900  }
0x29: {  	[tilespmem:s5], [sflag:$0x6] =	stream.linear.gather [hbm4b:s16+s5], $0x7D0, $0x38;
	[tilespmem:$0x1A580] =	vst v63  }
0x2a: {  	_ =	swait.ge [sflag:s23], $0x7D0  }
0x2b: {  	[sflag:s23] =	ssyncset.done $0x0  }
0x2c: {  	[sflag:s23] =	ssyncadd.s32 $0xFFFFF830  }
0x2d: {  	s13 =	simm.s32 $0x3100;
	[bflag:$0x0] =	sbarrier.arrive $0xFFFF  }
0x2e: {  	[tilespmem:s13], [sflag:$0x1] =	stream.indirect.gather [hbm4b:s1+s24], $0x80, s5, s24, $0xb8;
	[tilespmem:$0x1A580] =	vst v63  }
0x2f: {  	s15 =	simm.s32 $0x900;
	s14 =	rddreg [dreg:$0xa]  }
0x30: {  	[tilespmem:s15], [sflag:$0x3] =	stream.linear.gather [hbm4b:s14+s5], $0x1400, $0x38;
	[tilespmem:$0x1A580] =	vst v63  }
0x31: {  	s16 =	rddreg [dreg:$0xb];
	s13 =	simm.s32 $0x0  }
0x32: {  	[tilespmem:s28], [sflag:$0x3] =	stream.linear.gather [hbm4b:s16+s5], $0x28, $0x38;
	[tilespmem:$0x1A580] =	vst v63  }
.LBB2_2:
0x33: {  	s14 =	smul.u32 $0x50, s13;
	_ =	sdelay $0x1  }
0x34: {  	s0 =	sadd.s32 $0x28, s14  }
0x35: {  	[tilespmem:s29], [sflag:$0x2] =	stream.indirect.gather [hbm4b:s1+s24], $0x80, s0, s24, $0xb8;
	[tilespmem:$0x1A580] =	vst v63  }
0x36: {  	s0 =	sadd.s32 s4, s0  }
0x37: {  	s15 =	sshll.u32 s0, $0x4  }
0x38: {  	s0 =	sshrl.u32 s0, $0x3;
	s15 =	sadd.s32 s6, s15  }
0x39: {  	[tilespmem:s30], [sflag:$0x4] =	stream.linear.gather [hbm4b:s15+s5], $0x1400, $0x38;
	[tilespmem:$0x1A580] =	vst v63  }
0x3a: {  	s0 =	sadd.s32 s7, s0  }
0x3b: {  	[tilespmem:s31], [sflag:$0x4] =	stream.linear.gather [hbm4b:s0+s5], $0x28, $0x38;
	[tilespmem:$0x1A580] =	vst v63  }
0x3c: {  	_ =	swait.ge [sflag:s2], $0x1400  }
0x3d: {  	[sflag:s2] =	ssyncset.done $0x0  }
0x3e: {  	[sflag:s2] =	ssyncadd.s32 $0xFFFFEC00  }
0x3f: {  	_ =	swait.ge [sflag:s25], $0x1400  }
0x40: {  	[sflag:s25] =	ssyncset.done $0x0  }
0x41: {  	[sflag:s25] =	ssyncadd.s32 $0xFFFFEC00  }
0x42: {  	_ =	swait.ge [sflag:s25], $0x28  }
0x43: {  	p5 =	seq.s32 s13, $0x0;
	[sflag:s25] =	ssyncset.done $0x0  }
0x44: {  	s0 =	simm.s32 @!p5 $0x5;
	[sflag:s25] =	ssyncadd.s32 $0xFFFFFFD8  }
0x45: {  	_ =	swait.ge @!p5 [sflag:s0], $0x1400  }
0x46: {  	[sflag:s0] =	ssyncset.done @!p5 $0x0  }
0x47: {  	s15 =	simm.s32 $0x0;
	[sflag:s0] =	ssyncadd.s32 @!p5 $0xFFFFEC00  }
0x48: {  	v0 =	vld [tilespmem:s15+$0x3170]  }
0x49: {  	v1 =	vld [tilespmem:s15+$0x970]  }
0x4a: {  	v2 =	vld [tilespmem:s15+$0x3100]  }
0x4b: {  	v3 =	vld [tilespmem:s15+$0x900]  }
0x4c: {  	v4 =	vld [tilespmem:s15+$0x3110]  }
0x4d: {  	v5 =	vld [tilespmem:s15+$0x910]  }
0x4e: {  	v6 =	vld [tilespmem:s15+$0x3120]  }
0x4f: {  	v7 =	vld [tilespmem:s15+$0x3130]  }
0x50: {  	v0 =	vmul.f32 v1, v0;
	v1 =	vld [tilespmem:s15+$0x920]  }
0x51: {  	v8 =	vld [tilespmem:s15+$0x930]  }
0x52: {  	v9 =	vld [tilespmem:s15+$0x940];
	v2 =	vmul.f32 v3, v2  }
0x53: {  	[tilespmem:s15+$0x5970] =	vst v0;
	v0 =	vmul.f32 v5, v4;
	v5 =	vld [tilespmem:s15+$0x3140]  }
0x54: {  	v3 =	vld [tilespmem:s15+$0x950];
	[tilespmem:s15+$0x5900] =	vst v2  }
0x55: {  	v2 =	vld [tilespmem:s15+$0x3150];
	[tilespmem:s15+$0x5910] =	vst v0;
	v0 =	vmul.f32 v1, v6  }
0x56: {  	v4 =	vld [tilespmem:s15+$0x960];
	v6 =	vmul.f32 v8, v7  }
0x57: {  	s0 =	simm.s32 $0x80;
	[tilespmem:s15+$0x5920] =	vst v0;
	v0 =	vld [tilespmem:s15+$0x3160]  }
0x58: {  	s16 =	simm.s32 $0x400;
	v5 =	vmul.f32 v9, v5;
	v1 =	vld [tilespmem:s0+$0x3170];
	[tilespmem:s15+$0x5930] =	vst v6  }
.LBB2_3:
0x59: {  	p5 =	sne.s32 s16, $0x4E00;
	v6 =	vld [tilespmem:s0+$0x970]  }
0x5a: {  	v7 =	vld [tilespmem:s0+$0x3100];
	[tilespmem:s15+$0x5940] =	vst v5;
	v2 =	vmul.f32 v3, v2  }
0x5b: {  	v3 =	vld [tilespmem:s0+$0x900]  }
0x5c: {  	v5 =	vld [tilespmem:s0+$0x3110];
	[tilespmem:s15+$0x5950] =	vst v2;
	v0 =	vmul.f32 v4, v0  }
0x5d: {  	v2 =	vld [tilespmem:s0+$0x910]  }
0x5e: {  	v4 =	vld [tilespmem:s0+$0x3120];
	v1 =	vmul.f32 v6, v1;
	[tilespmem:s15+$0x5960] =	vst v0;
	s15 =	smov.u32 s0  }
0x5f: {  	v0 =	vld [tilespmem:s15+$0x920]  }
0x60: {  	v3 =	vmul.f32 v3, v7;
	v6 =	vld [tilespmem:s15+$0x3130];
	[tilespmem:s15+$0x5970] =	vst v1  }
0x61: {  	v1 =	vld [tilespmem:s15+$0x930]  }
0x62: {  	[tilespmem:s15+$0x5900] =	vst v3;
	v2 =	vmul.f32 v2, v5;
	v5 =	vld [tilespmem:s15+$0x3140]  }
0x63: {  	v7 =	vld [tilespmem:s15+$0x940]  }
.Ltmp2:
0x64: {  	[tilespmem:s15+$0x5910] =	vst v2;
	v0 =	vmul.f32 v0, v4;
	v2 =	vld [tilespmem:s15+$0x3150];
	(pc) =	sbr.rel @p5 .LBB2_3-.Ltmp2, $4  }
0x65: {  	v3 =	vld [tilespmem:s15+$0x950]  }
0x66: {  	[tilespmem:s15+$0x5920] =	vst v0;
	v6 =	vmul.f32 v1, v6;
	v0 =	vld [tilespmem:s15+$0x3160]  }
0x67: {  	s0 =	sshra.s32 s16, $0x2;
	v4 =	vld [tilespmem:s15+$0x960]  }
0x68: {  	s16 =	sadd.s32 $0x200, s16;
	v1 =	vld [tilespmem:s0+$0x3170];
	[tilespmem:s15+$0x5930] =	vst v6;
	v5 =	vmul.f32 v7, v5  }
0x69: {  	v6 =	vld [tilespmem:s0+$0x970]  }
0x6a: {  	v7 =	vld [tilespmem:s0+$0x3100];
	[tilespmem:s15+$0x5940] =	vst v5;
	v2 =	vmul.f32 v3, v2  }
0x6b: {  	v3 =	vld [tilespmem:s0+$0x900]  }
0x6c: {  	v5 =	vld [tilespmem:s0+$0x3110];
	[tilespmem:s15+$0x5950] =	vst v2;
	v0 =	vmul.f32 v4, v0  }
0x6d: {  	v2 =	vld [tilespmem:s0+$0x910]  }
0x6e: {  	v4 =	vld [tilespmem:s0+$0x3120];
	[tilespmem:s15+$0x5960] =	vst v0  }
0x6f: {  	v0 =	vmul.f32 v6, v1;
	v1 =	vld [tilespmem:s0+$0x920]  }
0x70: {  	v6 =	vld [tilespmem:s0+$0x3130]  }
0x71: {  	v3 =	vmul.f32 v3, v7;
	[tilespmem:s0+$0x5970] =	vst v0;
	v0 =	vld [tilespmem:s0+$0x930]  }
0x72: {  	v7 =	vld [tilespmem:s0+$0x960]  }
0x73: {  	[tilespmem:s0+$0x5900] =	vst v3;
	v2 =	vmul.f32 v2, v5;
	v3 =	vld [tilespmem:s0+$0x3140]  }
0x74: {  	v5 =	vld [tilespmem:s0+$0x940]  }
0x75: {  	[tilespmem:s0+$0x5910] =	vst v2;
	v1 =	vmul.f32 v1, v4;
	v2 =	vld [tilespmem:s0+$0x3150]  }
0x76: {  	v4 =	vld [tilespmem:s0+$0x950]  }
0x77: {  	[tilespmem:s0+$0x5920] =	vst v1;
	v1 =	vld [tilespmem:s0+$0x3160];
	_ =	sdelay $0x1  }
0x78: {  	v0 =	vmul.f32 v0, v6  }
0x79: {  	v3 =	vmul.f32 v5, v3  }
0x7a: {  	[tilespmem:s0+$0x5930] =	vst v0;
	v0 =	vmul.f32 v4, v2  }
0x7b: {  	[tilespmem:s0+$0x5940] =	vst v3;
	v1 =	vmul.f32 v7, v1  }
0x7c: {  	[tilespmem:s0+$0x5950] =	vst v0  }
0x7d: {  	p5 =	seq.s32 s13, $0x18;
	[tilespmem:s0+$0x5960] =	vst v1  }
0x7e: {  	[spmem:s3] =	stream.indirect.scatter.add.f32 [tilespmem:s26], [sflag:$0x5], $0x80, s28, s24, $0xb8;
	[tilespmem:$0x1A580] =	vst v63  }
0x7f: {  	s15 =	simm.s32 @!p5 $0x3100;
	s0 =	sadd.s32 @!p5 $0x50, s14;
	s14 =	simm.s32 @!p5 $0x28  }
0x80: {  	[tilespmem:s15], [sflag:$0x1] =	stream.indirect.gather @!p5 [hbm4b:s1+s14], $0x80, s0, s14, $0xb8;
	[tilespmem:$0x1A580] =	vst v63  }
0x81: {  	s0 =	sadd.s32 @!p5 s4, s0  }
0x82: {  	s16 =	simm.s32 @!p5 $0x900;
	s14 =	sshll.u32 @!p5 s0, $0x4  }
0x83: {  	s15 =	simm.s32 @!p5 $0x0;
	s0 =	sshrl.u32 @!p5 s0, $0x3;
	s14 =	sadd.s32 @!p5 s6, s14  }
0x84: {  	[tilespmem:s16], [sflag:$0x3] =	stream.linear.gather @!p5 [hbm4b:s14+s15], $0x1400, $0x38;
	[tilespmem:$0x1A580] =	vst v63  }
0x85: {  	s0 =	sadd.s32 @!p5 s7, s0;
	s14 =	simm.s32 @!p5 $0x800  }
0x86: {  	[tilespmem:s14], [sflag:$0x3] =	stream.linear.gather @!p5 [hbm4b:s0+s15], $0x28, $0x38;
	[tilespmem:$0x1A580] =	vst v63  }
0x87: {  	_ =	swait.ge [sflag:s8], $0x1400  }
0x88: {  	[sflag:s8] =	ssyncset.done $0x0  }
0x89: {  	[sflag:s8] =	ssyncadd.s32 $0xFFFFEC00  }
0x8a: {  	_ =	swait.ge [sflag:s10], $0x1400  }
0x8b: {  	[sflag:s10] =	ssyncset.done $0x0  }
0x8c: {  	[sflag:s10] =	ssyncadd.s32 $0xFFFFEC00  }
0x8d: {  	_ =	swait.ge [sflag:s10], $0x28  }
0x8e: {  	[sflag:s10] =	ssyncset.done $0x0  }
0x8f: {  	[sflag:s10] =	ssyncadd.s32 $0xFFFFFFD8  }
0x90: {  	_ =	swait.ge [sflag:s9], $0x1400  }
0x91: {  	[sflag:s9] =	ssyncset.done $0x0  }
0x92: {  	s14 =	simm.s32 $0x0;
	[sflag:s9] =	ssyncadd.s32 $0xFFFFEC00  }
0x93: {  	v0 =	vld [tilespmem:s14+$0x4570]  }
0x94: {  	v1 =	vld [tilespmem:s14+$0x1D70]  }
0x95: {  	v2 =	vld [tilespmem:s14+$0x4500]  }
0x96: {  	v3 =	vld [tilespmem:s14+$0x1D00]  }
0x97: {  	v4 =	vld [tilespmem:s14+$0x4510]  }
0x98: {  	v5 =	vld [tilespmem:s14+$0x1D10]  }
0x99: {  	v6 =	vld [tilespmem:s14+$0x4520]  }
0x9a: {  	v7 =	vld [tilespmem:s14+$0x4530]  }
0x9b: {  	v0 =	vmul.f32 v1, v0;
	v1 =	vld [tilespmem:s14+$0x1D20]  }
0x9c: {  	v8 =	vld [tilespmem:s14+$0x1D30]  }
0x9d: {  	v9 =	vld [tilespmem:s14+$0x1D40];
	v2 =	vmul.f32 v3, v2  }
0x9e: {  	[tilespmem:s14+$0x5970] =	vst v0;
	v0 =	vmul.f32 v5, v4;
	v5 =	vld [tilespmem:s14+$0x4540]  }
0x9f: {  	v3 =	vld [tilespmem:s14+$0x1D50];
	[tilespmem:s14+$0x5900] =	vst v2  }
0xa0: {  	v2 =	vld [tilespmem:s14+$0x4550];
	[tilespmem:s14+$0x5910] =	vst v0;
	v0 =	vmul.f32 v1, v6  }
0xa1: {  	v4 =	vld [tilespmem:s14+$0x1D60];
	v6 =	vmul.f32 v8, v7  }
0xa2: {  	s0 =	simm.s32 $0x80;
	[tilespmem:s14+$0x5920] =	vst v0;
	v0 =	vld [tilespmem:s14+$0x4560]  }
0xa3: {  	s15 =	simm.s32 $0x400;
	v5 =	vmul.f32 v9, v5;
	v1 =	vld [tilespmem:s0+$0x4570];
	[tilespmem:s14+$0x5930] =	vst v6  }
.LBB2_5:
0xa4: {  	p5 =	sne.s32 s15, $0x4E00;
	v6 =	vld [tilespmem:s0+$0x1D70]  }
0xa5: {  	v7 =	vld [tilespmem:s0+$0x4500];
	[tilespmem:s14+$0x5940] =	vst v5;
	v2 =	vmul.f32 v3, v2  }
0xa6: {  	v3 =	vld [tilespmem:s0+$0x1D00]  }
0xa7: {  	v5 =	vld [tilespmem:s0+$0x4510];
	[tilespmem:s14+$0x5950] =	vst v2;
	v0 =	vmul.f32 v4, v0  }
0xa8: {  	v2 =	vld [tilespmem:s0+$0x1D10]  }
0xa9: {  	v4 =	vld [tilespmem:s0+$0x4520];
	v1 =	vmul.f32 v6, v1;
	[tilespmem:s14+$0x5960] =	vst v0;
	s14 =	smov.u32 s0  }
0xaa: {  	v0 =	vld [tilespmem:s14+$0x1D20]  }
0xab: {  	v3 =	vmul.f32 v3, v7;
	v6 =	vld [tilespmem:s14+$0x4530];
	[tilespmem:s14+$0x5970] =	vst v1  }
0xac: {  	v1 =	vld [tilespmem:s14+$0x1D30]  }
0xad: {  	[tilespmem:s14+$0x5900] =	vst v3;
	v2 =	vmul.f32 v2, v5;
	v5 =	vld [tilespmem:s14+$0x4540]  }
0xae: {  	v7 =	vld [tilespmem:s14+$0x1D40]  }
.Ltmp3:
0xaf: {  	[tilespmem:s14+$0x5910] =	vst v2;
	v0 =	vmul.f32 v0, v4;
	v2 =	vld [tilespmem:s14+$0x4550];
	(pc) =	sbr.rel @p5 .LBB2_5-.Ltmp3, $4  }
0xb0: {  	v3 =	vld [tilespmem:s14+$0x1D50]  }
0xb1: {  	[tilespmem:s14+$0x5920] =	vst v0;
	v6 =	vmul.f32 v1, v6;
	v0 =	vld [tilespmem:s14+$0x4560]  }
0xb2: {  	s0 =	sshra.s32 s15, $0x2;
	v4 =	vld [tilespmem:s14+$0x1D60]  }
0xb3: {  	s15 =	sadd.s32 $0x200, s15;
	v1 =	vld [tilespmem:s0+$0x4570];
	[tilespmem:s14+$0x5930] =	vst v6;
	v5 =	vmul.f32 v7, v5  }
0xb4: {  	v6 =	vld [tilespmem:s0+$0x1D70]  }
0xb5: {  	v7 =	vld [tilespmem:s0+$0x4500];
	[tilespmem:s14+$0x5940] =	vst v5;
	v2 =	vmul.f32 v3, v2  }
0xb6: {  	v51 =	vld [tilespmem:s0+$0x1D00]  }
0xb7: {  	v5 =	vld [tilespmem:s0+$0x4510];
	[tilespmem:s14+$0x5950] =	vst v2;
	v0 =	vmul.f32 v4, v0  }
0xb8: {  	v2 =	vld [tilespmem:s0+$0x1D10]  }
0xb9: {  	v52 =	vld [tilespmem:s0+$0x4520];
	[tilespmem:s14+$0x5960] =	vst v0  }
0xba: {  	v54 =	vld [tilespmem:s0+$0x1D20]  }
0xbb: {  	v55 =	vld [tilespmem:s0+$0x4530]  }
0xbc: {  	v56 =	vld [tilespmem:s0+$0x1D30]  }
0xbd: {  	v57 =	vld [tilespmem:s0+$0x4540]  }
0xbe: {  	v58 =	vld [tilespmem:s0+$0x1D40]  }
0xbf: {  	v59 =	vld [tilespmem:s0+$0x4550]  }
0xc0: {  	v53 =	vmul.f32 v6, v1;
	v60 =	vld [tilespmem:s0+$0x1D50]  }
0xc1: {  	v61 =	vld [tilespmem:s0+$0x4560];
	v3 =	vmul.f32 v51, v7  }
0xc2: {  	v62 =	vld [tilespmem:s0+$0x1D60];
	[tilespmem:s0+$0x5970] =	vst v53;
	v2 =	vmul.f32 v2, v5  }
0xc3: {  	[tilespmem:s0+$0x5900] =	vst v3;
	v1 =	vmul.f32 v54, v52  }
0xc4: {  	s13 =	sadd.s32 $0x1, s13;
	[tilespmem:s0+$0x5910] =	vst v2;
	v0 =	vmul.f32 v56, v55  }
0xc5: {  	p5 =	sne.s32 s13, $0x19;
	v3 =	vmul.f32 v58, v57;
	[tilespmem:s0+$0x5920] =	vst v1  }
.Ltmp4:
0xc6: {  	v63 =	vmul.f32 v60, v59;
	[tilespmem:s0+$0x5930] =	vst v0;
	(pc) =	sbr.rel @p5 .LBB2_2-.Ltmp4, $4  }
0xc7: {  	[tilespmem:s0+$0x5940] =	vst v3;
	v1 =	vmul.f32 v62, v61  }
0xc8: {  	[tilespmem:s0+$0x5950] =	vst v63  }
0xc9: {  	[tilespmem:s0+$0x5960] =	vst v1  }
0xca: {  	[spmem:s3] =	stream.indirect.scatter.add.f32 [tilespmem:s26], [sflag:$0x5], $0x80, s31, s24, $0xb8;
	[tilespmem:$0x1A580] =	vst v63  }
0xcb: {  	_ =	swait.ge [sflag:s9], $0x1400;
	s15 =	stileid.u32  }
0xcc: {  	s13 =	sshrl.u32 @p1 s12, $0x3;
	p5 =	por @!p4 $0x1, $0x1;
	[sflag:s9] =	ssyncset.done $0x0  }
0xcd: {  	p6 =	por p2, p2;
	s0 =	sshll.u32 @p1 s15, $0x6;
	[sflag:s9] =	ssyncadd.s32 $0xFFFFEC00  }
0xce: {  	p6 =	por @!p4 p5, p5;
	s0 =	sor.u32 @p1 $0x1C06, s0;
	[bflag:$0x0] =	sbarrier.arrive $0xFFFF  }
0xcf: {  	[hbm:s17], [sflag:s0] =	dma.local @p1 [spmem:s13], $0x2700  }
0xd0: {  	p5 =	por @!p3 !p6, !p0;
	s0 =	simm.s32 @p1 $0x6  }
0xd1: {  	p5 =	por @!p3 !p5, !p5;
	_ =	swait.ge @p1 [sflag:s0], $0x2700  }
0xd2: {  	s13 =	sshll.u32 @!p4 s15, $0x6;
	p5 =	por p3, p5;
	[sflag:s0] =	ssyncset.done @p1 $0x0  }
0xd3: {  	[sflag:s0] =	ssyncadd.s32 @p1 $0xFFFFD900;
	s0 =	sor.u32 @!p4 $0x1C06, s13;
	s13 =	sshrl.u32 @!p4 s12, $0x3  }
0xd4: {  	[hbm:s18], [sflag:s0] =	dma.local @!p4 [spmem:s13], $0x2700  }
.Ltmp5:
0xd5: {  	_ = 	snop;
	(pc) =	sbr.rel @!p5 .LBB2_9-.Ltmp5, $4  }
0xd6: {  	s0 =	simm.s32 @!p4 $0x6  }
0xd7: {  	_ =	swait.ge @!p4 [sflag:s0], $0x2700  }
0xd8: {  	[sflag:s0] =	ssyncset.done @!p4 $0x0  }
0xd9: {  	s14 =	stileid.u32;
	[sflag:s0] =	ssyncadd.s32 @!p4 $0xFFFFD900  }
0xda: {  	s0 =	rddreg [dreg:$0x5]  }
0xdb: {  	s13 =	rddreg [dreg:$0x4]  }
0xdc: {  	s16 =	rddreg [dreg:$0x6];
	s15 =	simm.s32 $0x1FC6;
	s0 =	smov.u32 @p3 s13  }
.Ltmp6:
0xdd: {  	s13 =	sshrl.u32 s16, $0x3;
	s0 =	sadd.s32 $0x24900, s0;
	(pc) =	sbr.rel .LBB2_9-.Ltmp6, $4  }
0xde: {  	[hbm:s0], [sflag:s15] =	dma.local [spmem:s13], $0x2800  }
0xdf: {  	_ =	swait.ge [sflag:s23], $0x2800  }
0xe0: {  	[sflag:s23] =	ssyncset.done $0x0  }
0xe1: {  	[sflag:s23] =	ssyncadd.s32 $0xFFFFD800  }
.LBB2_10:
0xe2: {  	_ =	sfence.sel $0x180000  }
0xe3: {  	[bflag:$0x0] =	sbarrier.arrive $0xFFFF  }
0xe4: {  	_ =	strace $0x90000053  }
0xe5: {  	[bflag:$0x2] =	sbarrier.arrive $0xFFFF  }
0xe6: {  	p0 =	sne.s32 s14, $0x0;
	s0 =	rddreg [dreg:$0x3]  }
0xe7: {  	s0 =	sadd.s32 @!p0 $0x100000, s0  }
0xe8: {  	[sflag:s0] =	ssyncadd.tile.s32 @!p0 $0x1;
	_ =	shalt  }
.Lfunc_end2:
_tile_overlayer_lowered:
.L_overlay_start_2:
0xe9: {  	(tag) =	ssettag $0x2  }
0xea: {  	s0 =	rddreg [dreg:$0x0];
	s2 =	stileid.u32  }
0xeb: {  	s1 =	rddreg [dreg:$0x1];
	p0 =	sne.s32 s2, $0x0  }
0xec: {  	s3 =	rddreg [dreg:$0x2];
	[bflag:$0x3] =	sbarrier.arrive $0xFFFF;
	s2 =	simm.s32 @!p0 $0x1C06  }
0xed: {  	[timem:s3], [sflag:s2] =	dma.local @!p0 [hbm:s0], s1  }
0xee: {  	s0 =	simm.s32 @!p0 $0x6  }
0xef: {  	_ =	swait.ge @!p0 [sflag:s0], s1  }
0xf0: {  	s1 =	ssub.s32 @!p0 $0x0, s1;
	[sflag:s0] =	ssyncset.done @!p0 $0x0  }
0xf1: {  	[sflag:s0] =	ssyncadd.s32 @!p0 s1  }
0xf2: {  	[bflag:$0x3] =	sbarrier.arrive $0xFFFF  }
0xf3: {  	_ =	shalt  }

// kernel: kernel.17.cloned.1.call-start
scs
__scs_entry_jumppad:
0x0: {  	(pc) =	sbr.rel $0x88, $3  }
0x1: {  	(tag) =	ssettag $0x0;
	lr =	simm.s32 $0x1  }
0x2: {  	[smem:$0x3F94] =	sst lr;
	_ =	strace $0xD0000000  }
0x3: {  	_ = 	snop  }
0x4: {  	_ = 	snop  }
0x5: {  	_ = 	snop  }
0x6: {  	_ = 	snop  }
0x7: {  	_ = 	snop  }
__scs_overlays_trampoline_lowered:
0x8: {  	[smem:$0x3FA3] =	sst s0  }
0x9: {  	[smem:$0x3FA4] =	sst s1  }
0xa: {  	[smem:$0x3FA5] =	sst s2  }
0xb: {  	[smem:$0x3FA6] =	sst s3  }
0xc: {  	[smem:$0x3FA7] =	sst s4  }
0xd: {  	[smem:$0x3FA8] =	sst s5  }
0xe: {  	[smem:$0x3FA9] =	sst s6  }
0xf: {  	[smem:$0x3FAA] =	sst s7  }
0x10: {  	[smem:$0x3FAB] =	sst s8  }
0x11: {  	[smem:$0x3FAC] =	sst s9;
	s0 =	simm.s32 @!p0 $0x0  }
0x12: {  	s1 =	sld [smem:$0x3F92];
	s0 =	simm.s32 @p0 $0x1  }
0x13: {  	[smem:$0x3FAD] =	sst s0;
	s0 =	simm.s32 @!p1 $0x0  }
0x14: {  	s2 =	sld [smem:$0x3F91];
	s0 =	simm.s32 @p1 $0x1  }
0x15: {  	[smem:$0x3FAE] =	sst s0;
	s0 =	simm.s32 @!p2 $0x0  }
0x16: {  	s3 =	sld [smem:$0x3FDB];
	s0 =	simm.s32 @p2 $0x1  }
0x17: {  	s4 =	simm.s32 $0x1BF5;
	[smem:$0x3FB0] =	sst s0  }
0x18: {  	s0 =	sld [smem:$0x3F93];
	_ =	swait.ge [sflag:s4], $0x0  }
0x19: {  	s7 =	sld [smem:$0x3F94]  }
0x1a: {  	s8 =	sadd.s32 $0xFFFFE003, lr  }
0x1b: {  	s9 =	sadd.s32 $0xFFFFFEF7, lr;
	s5 =	simm.s32 $0xFFFFFFFF;
	p2 =	slt.u32 s8, $0xFFFFF086  }
0x1c: {  	p1 =	slt.u32 s9, $0xF7A;
	s5 =	simm.s32 @!p2 $0x0  }
0x1d: {  	s5 =	simm.s32 @p1 $0x1;
	p0 =	seq.s32 s7, s2  }
0x1e: {  	s7 =	smul.u32 @!p0 $0xF7A, s2;
	p2 =	seq.s32 @!p0 s5, $0x0  }
0x1f: {  	s9 =	smul.u32 $0xF7A, s1;
	s8 =	simm.s32 @!p0 $0x1BF5;
	p2 =	por !p2, p0  }
0x20: {  	[sflag:s8] =	ssyncset.s32 @!p0 $0xFFFFF086;
	s6 =	sadd.s32 @!p0 s3, s7;
	s7 =	simm.s32 @!p0 $0x108  }
0x21: {  	s3 =	sadd.s32 s3, s9;
	s6 =	sadd.s32 @!p0 $0x88, s6;
	s7 =	simm.s32 @p2 $0x1082  }
0x22: {  	[simem:s7], [sflag:s8] =	dma.local @!p0 [hbm:s6], $0xF7A  }
0x23: {  	s9 =	sor.u32 $0xD0000000, s2;
	s6 =	simm.s32 $0x108;
	_ =	swait.ge @!p0 [sflag:s8], $0x0  }
0x24: {  	s3 =	sadd.s32 $0x88, s3;
	s6 =	simm.s32 @!p1 $0x1082;
	[sflag:s4] =	ssyncset.s32 $0xFFFFF086  }
0x25: {  	[simem:s6], [sflag:s4] =	dma.local [hbm:s3], $0xF7A  }
0x26: {  	[smem:$0x3F94] =	sst s1;
	(tag) =	ssettag s2;
	_ =	strace s9  }
0x27: {  	s1 =	sld [smem:$0x3FA4]  }
0x28: {  	s2 =	sld [smem:$0x3FA5]  }
0x29: {  	s4 =	sld [smem:$0x3FA7]  }
0x2a: {  	p0 =	seq.s32 s5, $0x0;
	s5 =	sld [smem:$0x3FA8]  }
0x2b: {  	s6 =	sld [smem:$0x3FA9]  }
0x2c: {  	s7 =	sld [smem:$0x3FAA]  }
0x2d: {  	s3 =	simm.s32 $0x108;
	s8 =	sld [smem:$0x3FAB]  }
0x2e: {  	s3 =	simm.s32 @!p0 $0x1082;
	s9 =	sld [smem:$0x3FAC]  }
0x2f: {  	lr =	sadd.s32 s0, s3;
	s0 =	sld [smem:$0x3FA3]  }
0x30: {  	s3 =	sld [smem:$0x3FA6]  }
0x31: {  	[smem:$0x3FAF] =	sst s10  }
0x32: {  	s10 =	sld [smem:$0x3FAD];
	_ =	sdelay $0x3  }
0x33: {  	p0 =	seq.s32 s10, $0x1;
	s10 =	sld [smem:$0x3FAF];
	_ =	sdelay $0x3  }
0x34: {  	[smem:$0x3FAF] =	sst s10  }
0x35: {  	s10 =	sld [smem:$0x3FAE];
	_ =	sdelay $0x3  }
0x36: {  	p1 =	seq.s32 s10, $0x1;
	s10 =	sld [smem:$0x3FAF];
	_ =	sdelay $0x3  }
0x37: {  	[smem:$0x3FAF] =	sst s10  }
0x38: {  	s10 =	sld [smem:$0x3FB0]  }
0x39: {  	_ = 	snop;
	(pc) =	sbr.ind lr, $3  }
0x3a: {  	_ = 	snop  }
0x3b: {  	_ = 	snop  }
0x3c: {  	p2 =	seq.s32 s10, $0x1;
	s10 =	sld [smem:$0x3FAF]  }
0x3d: {  	_ =	shalt  }
0x3e: {  	_ =	shalt  }
0x3f: {  	_ =	shalt  }
0x40: {  	_ =	shalt  }
0x41: {  	_ =	shalt  }
0x42: {  	_ =	shalt  }
0x43: {  	_ =	shalt  }
0x44: {  	_ =	shalt  }
0x45: {  	_ =	shalt  }
0x46: {  	_ =	shalt  }
0x47: {  	_ =	shalt  }
0x48: {  	_ =	shalt  }
0x49: {  	_ =	shalt  }
0x4a: {  	_ =	shalt  }
0x4b: {  	_ =	shalt  }
0x4c: {  	_ =	shalt  }
0x4d: {  	_ =	shalt  }
0x4e: {  	_ =	shalt  }
0x4f: {  	_ =	shalt  }
0x50: {  	_ =	shalt  }
0x51: {  	_ =	shalt  }
0x52: {  	_ =	shalt  }
0x53: {  	_ =	shalt  }
0x54: {  	_ =	shalt  }
0x55: {  	_ =	shalt  }
0x56: {  	_ =	shalt  }
0x57: {  	_ =	shalt  }
0x58: {  	_ =	shalt  }
0x59: {  	_ =	shalt  }
0x5a: {  	_ =	shalt  }
0x5b: {  	_ =	shalt  }
0x5c: {  	_ =	shalt  }
0x5d: {  	_ =	shalt  }
0x5e: {  	_ =	shalt  }
0x5f: {  	_ =	shalt  }
0x60: {  	_ =	shalt  }
0x61: {  	_ =	shalt  }
0x62: {  	_ =	shalt  }
0x63: {  	_ =	shalt  }
0x64: {  	_ =	shalt  }
0x65: {  	_ =	shalt  }
0x66: {  	_ =	shalt  }
0x67: {  	_ =	shalt  }
0x68: {  	_ =	shalt  }
0x69: {  	_ =	shalt  }
0x6a: {  	_ =	shalt  }
0x6b: {  	_ =	shalt  }
0x6c: {  	_ =	shalt  }
0x6d: {  	_ =	shalt  }
0x6e: {  	_ =	shalt  }
0x6f: {  	_ =	shalt  }
0x70: {  	_ =	shalt  }
0x71: {  	_ =	shalt  }
0x72: {  	_ =	shalt  }
0x73: {  	_ =	shalt  }
0x74: {  	_ =	shalt  }
0x75: {  	_ =	shalt  }
0x76: {  	_ =	shalt  }
0x77: {  	_ =	shalt  }
0x78: {  	_ =	shalt  }
0x79: {  	_ =	shalt  }
0x7a: {  	_ =	shalt  }
0x7b: {  	_ =	shalt  }
0x7c: {  	_ =	shalt  }
0x7d: {  	_ =	shalt  }
0x7e: {  	_ =	shalt  }
0x7f: {  	_ =	shalt  }
0x80: {  	_ =	shalt  }
0x81: {  	_ =	shalt  }
0x82: {  	_ =	shalt  }
0x83: {  	_ =	shalt  }
0x84: {  	_ =	shalt  }
0x85: {  	_ =	shalt  }
0x86: {  	_ =	shalt  }
0x87: {  	_ =	shalt  }
.Lfunc_end0:
.L_simem_size_0:
called_computation.1_lowered:
.L_overlay_start_0:
0x88: {  	s2 =	sld [smem:$0x3FD9]  }
0x89: {  	s3 =	sld [smem:$0x3FFE];
	_ =	sdelay $0x1  }
0x8a: {  	s1 =	srdreg.scid  }
0x8b: {  	s0 =	sand.u32 $0x1, s1  }
0x8c: {  	s17 =	sshll.u32 s0, $0xA;
	s2 =	sadd.s32 s3, s2  }
0x8d: {  	s2 =	sadd.s32 s2, s17  }
0x8e: {  	[smem:$0x3FBB] =	sst s2  }
0x8f: {  	_ = 	snop  }
0x90: {  	s18 =	sld [smem:$0x3FD0];
	(tm) =	ssettm $0x1  }
0x91: {  	s19 =	sld [smem:$0x3FFB];
	_ =	sdelay $0x3  }
0x92: {  	_ =	strace s19  }
0x93: {  	s2 =	sld [smem:$0x3FFC];
	_ =	sdelay $0x3  }
0x94: {  	_ =	strace s2  }
0x95: {  	s2 =	sld [smem:$0x3FFD];
	_ =	sdelay $0x3  }
0x96: {  	_ =	strace s2  }
0x97: {  	_ =	strace $0x8FFFFFFF  }
0x98: {  	s20 =	sld [smem:$0x3FDB];
	_ =	sdelay $0x1  }
0x99: {  	s4 =	simm.s32 $_scs_section_size  }
0x9a: {  	s5 =	simm.s32 $_size__tile_overlayer_lowered;
	s6 =	simm.s32 $_tile_overlayer_lowered  }
0x9b: {  	s7 =	simm.s32 $0x1BFF;
	s21 =	sshll.u32 s6, $0x1;
	s4 =	sadd.s32 s4, s20  }
0x9c: {  	s22 =	simm.s32 $0x0;
	s5 =	sshll.u32 s5, $0x1;
	s6 =	sadd.s32 s21, s4  }
0x9d: {  	[timem:s22], [sflag:s7] =	dma.local [hbm:s6], s5  }
0x9e: {  	_ =	swait.ge [sflag:s7], s5  }
0x9f: {  	s5 =	ssub.s32 $0x0, s5;
	[sflag:s7] =	ssyncset.done $0x0  }
0xa0: {  	[sflag:s7] =	ssyncadd.s32 s5;
	_ =	sdelay $0x1  }
0xa1: {  	s23 =	simm.s32 $0x1B8B  }
0xa2: {  	_ =	swait.ge [sflag:s23], $0x1  }
0xa3: {  	[sflag:s23] =	ssyncset.done $0x0  }
0xa4: {  	[sflag:s23] =	ssyncadd.s32 $0xFFFFFFFF  }
0xa5: {  	s5 =	sld [smem:$0x0]  }
0xa6: {  	s6 =	sand.u32 $0xFFFFFFFE, s1  }
0xa7: {  	p0 =	sne.s32 s1, s6  }
0xa8: {  	s6 =	sshll.u32 @p0 s6, $0xE  }
0xa9: {  	s6 =	sadd.s32 @p0 $0x11B8D, s6;
	s7 =	sshll.u32 @p0 s5, $0x11  }
0xaa: {  	s6 =	sor.u32 @p0 s7, s6  }
0xab: {  	[sflag:s6] =	ssyncadd.remote.s32 @p0 $0x1;
	_ =	sdelay $0x1  }
0xac: {  	s6 =	simm.s32 @p0 $0x1B8D  }
0xad: {  	_ =	swait.eq @p0 [sflag:s6], $0x1  }
0xae: {  	[sflag:s6] =	ssyncadd.s32 @p0 $0xFFFFFFFF  }
0xaf: {  	s7 =	sshll.u32 @!p0 s1, $0xE  }
0xb0: {  	s7 =	sor.u32 @!p0 $0x4000, s7;
	s6 =	simm.s32 @!p0 $0x1B8D  }
0xb1: {  	s5 =	sshll.u32 @!p0 s5, $0x11;
	s7 =	sadd.s32 @!p0 $0x11B8D, s7;
	_ =	swait.eq @!p0 [sflag:s6], $0x1  }
0xb2: {  	s5 =	sor.u32 @!p0 s5, s7;
	[sflag:s6] =	ssyncadd.s32 @!p0 $0xFFFFFFFF  }
0xb3: {  	s25 =	simm.s32 $0x1B8E;
	s24 =	sld [smem:$0x3FFE];
	[sflag:s5] =	ssyncadd.remote.s32 @!p0 $0x1  }
0xb4: {  	s26 =	simm.s32 $execute0_lowered;
	[smem:$0x3FD2] =	sst s25  }
0xb5: {  	s6 =	sshll.u32 s26, $0x1;
	_ =	strace $0x8000004F;
	[dreg:$0x1] =	wrdreg $0xFFFFFFFF  }
0xb6: {  	s28 =	simm.s32 $_size_execute0_lowered;
	s4 =	sadd.s32 s4, s6;
	[dreg:$0x0] =	wrdreg $0x0  }
0xb7: {  	s6 =	sshll.u32 s28, $0x1;
	[dreg:$0x2] =	wrdreg s4  }
0xb8: {  	[dreg:$0x3] =	wrdreg s6  }
0xb9: {  	[dreg:$0x4] =	wrdreg $0xC0  }
0xba: {  	_ =	task [dreg:s22], $0x5FFFF  }
0xbb: {  	[dreg:$0x1] =	wrdreg $0xFFFFFFFF  }
0xbc: {  	[dreg:$0x0] =	wrdreg $0x60  }
0xbd: {  	[dreg:$0x2] =	wrdreg s18  }
0xbe: {  	[dreg:$0x3] =	wrdreg s24  }
0xbf: {  	[dreg:$0x4] =	wrdreg $0x6D000  }
0xc0: {  	[dreg:$0x5] =	wrdreg $0xA  }
0xc1: {  	_ =	task.clear_ibuf [dreg:s22], $0x6FFFF;
	_ =	strace $0x9000004F  }
0xc2: {  	s29 =	simm.s32 $0xA;
	_ =	strace $0x80000051  }
0xc3: {  	_ =	swait.ge [sflag:s29], $0x1  }
0xc4: {  	[sflag:s29] =	ssyncadd.s32 $0xFFFFFFFF  }
0xc5: {  	_ =	strace $0x90000051  }
0xc6: {  	_ =	sfence  }
0xc7: {  	s30 =	sld [smem:$0x0];
	_ =	sdelay $0x2  }
0xc8: {  	s31 =	sshll.u32 s1, $0xD;
	s1 =	sshrl.u32 s1, $0x2  }
0xc9: {  	s4 =	sand.u32 $0x4000, s31;
	s1 =	sadd.s32 s1, s30  }
0xca: {  	s0 =	sor.u32 s4, s0;
	s1 =	sshll.u32 s1, $0x11  }
0xcb: {  	s0 =	sor.u32 s1, s0  }
0xcc: {  	s0 =	sadd.s32 $0x8F2B, s0  }
0xcd: {  	[sflag:s0] =	ssyncadd.remote.s32 $0x1  }
0xce: {  	_ =	sfence.sel $0xFFFF  }
0xcf: {  	[dreg:$0x0] =	wrdreg $0xFFFFFFFF;
	(pc) =	sbr.abs _section_cstart, $3  }
0xd0: {  	[dreg:$0x1] =	wrdreg $0xFFFFFFFF  }
0xd1: {  	_ =	task.clear_ibuf [dreg:s22], $0x2FFFF;
	_ =	strace $0x9FFFFFFF  }
0xd2: {  	(tm) =	ssettm $0x7FFFFFFF  }
0xd3: {  	_ =	shalt  }
tec
execute0_lowered:
.L_overlay_start_1:
0x0: {  	(tag) =	ssettag $0x1  }
0x1: {  	s2 =	rddreg [dreg:$0x0]  }
0x2: {  	s0 =	srdreg.scid;
	s9 =	rddreg [dreg:$0x1]  }
0x3: {  	s17 =	stileid.u32;
	s4 =	rddreg [dreg:$0x2];
	s5 =	simm.s32 $0x0  }
0x4: {  	s29 =	simm.s32 $0x800;
	s30 =	simm.s32 $0x4500;
	s31 =	simm.s32 $0x1D00  }
0x5: {  	s28 =	simm.s32 $0x3;
	s0 =	sand.u32 $0x1, s0;
	s1 =	sshll.u32 s17, $0x1  }
0x6: {  	[smem:$0x7FF] =	sst s5;
	s11 =	smul.u32 $0x2700, s17;
	s7 =	sadd.s32 $0x417C00, s9  }
0x7: {  	s8 =	sadd.s32 $0x4200, s9;
	s18 =	sadd.s32 $0x511C00, s9;
	s16 =	smul.u32 $0x4E000, s17  }
0x8: {  	s19 =	sadd.s32 $0x538E00, s9;
	p0 =	seq.s32 s17, $0xF;
	p4 =	sne.s32 s17, $0xF  }
0x9: {  	s21 =	sadd.s32 $0x124800, s4;
	_ =	strace $0x80000050;
	[dreg:$0x4] =	wrdreg s18  }
0xa: {  	s1 =	sor.u32 s0, s1;
	s13 =	ssub.s32 $0x2, s0;
	[dreg:$0x5] =	wrdreg s19  }
0xb: {  	p2 =	seq.s32 s0, $0x0;
	[dreg:$0x6] =	wrdreg s21;
	s21 =	sshrl.u32 @p0 s21, $0x3  }
0xc: {  	s3 =	smul.u32 $0x7D0, s1;
	s14 =	sadd.s32 s11, s9;
	s15 =	sshrl.u32 s13, $0x1  }
0xd: {  	s22 =	sshrl.u32 s16, $0x2;
	s1 =	smul.u32 $0x7D00, s1;
	p1 =	por !p2, !p4  }
0xe: {  	p3 =	por !p2, !p0;
	p2 =	seq.s32 s0, $0x1;
	s26 =	sadd.s32 s18, s11  }
0xf: {  	s19 =	sadd.s32 s19, s11;
	s0 =	sshll.u32 @!p0 s17, $0x6;
	s11 =	simm.s32 $0x2  }
0x10: {  	s15 =	ssub.s32 s13, s15;
	s13 =	sadd.s32 s22, s4;
	s23 =	sadd.s32 $0x111E00, s14  }
0x11: {  	p1 =	por !p1, !p1;
	[dreg:$0xc] =	wrdreg s26;
	p3 =	por !p3, !p3  }
0x12: {  	p4 =	por !p4, !p2;
	s22 =	sor.u32 @!p0 $0x1C06, s0;
	s26 =	simm.s32 $0x1  }
0x13: {  	s14 =	simm.s32 $0x0;
	s6 =	sadd.s32 $0xFA00, s3;
	[dreg:$0x8] =	wrdreg s23  }
0x14: {  	s1 =	sadd.s32 s7, s1;
	p4 =	por !p4, !p4;
	s20 =	smax.u32 s15, $0x1  }
0x15: {  	s23 =	sshrl.u32 @!p0 s13, $0x3;
	s10 =	sshrl.u32 s6, $0x3;
	[dreg:$0xa] =	wrdreg s1  }
.Ltmp0:
0x16: {  	p4 =	por !p4, p3;
	s1 =	simm.s32 $0x880;
	(pc) =	sbr.rel .LBB2_1-.Ltmp0, $4  }
0x17: {  	s12 =	sadd.s32 s10, s9;
	s9 =	sadd.s32 $0x136700, s9;
	s25 =	sadd.s32 s8, s10  }
0x18: {  	s10 =	simm.s32 $0x4;
	[dreg:$0x7] =	wrdreg s9;
	s24 =	sadd.s32 $0xE000, s12  }
0x19: {  	[dreg:$0xb] =	wrdreg s25;
	s25 =	simm.s32 $0x28;
	s9 =	simm.s32 $0x5900  }
0x1a: {  	s12 =	simm.s32 $0x5;
	[dreg:$0x9] =	wrdreg s24;
	s24 =	simm.s32 $0x6  }
.LBB2_9:
0x1b: {  	s14 =	sadd.s32 $0x1, s14  }
0x1c: {  	p5 =	sne.s32 s14, s20  }
.Ltmp1:
0x1d: {  	_ = 	snop;
	(pc) =	sbr.rel @!p5 .LBB2_10-.Ltmp1, $1  }
0x1e: {  	_ =	sdelay $0x3  }
.LBB2_1:
0x1f: {  	s0 =	simm.s32 @p0 $0x1FC6;
	s15 =	rddreg [dreg:$0x7]  }
0x20: {  	[spmem:s21], [sflag:s0] =	dma.local @p0 [hbm:s15], $0x2800  }
0x21: {  	s0 =	simm.s32 @p0 $0x6  }
0x22: {  	_ =	swait.ge @p0 [sflag:s0], $0x2800  }
0x23: {  	[sflag:s0] =	ssyncset.done @p0 $0x0  }
0x24: {  	[sflag:s0] =	ssyncadd.s32 @p0 $0xFFFFD800;
	s0 =	rddreg [dreg:$0x8]  }
0x25: {  	[spmem:s23], [sflag:s22] =	dma.local @!p0 [hbm:s0], $0x2700  }
0x26: {  	s0 =	simm.s32 @!p0 $0x6  }
0x27: {  	_ =	swait.ge @!p0 [sflag:s0], $0x2700  }
0x28: {  	[sflag:s0] =	ssyncset.done @!p0 $0x0  }
0x29: {  	s18 =	rddreg [dreg:$0x9];
	[sflag:s0] =	ssyncadd.s32 @!p0 $0xFFFFD900  }
0x2a: {  	[tilespmem:s5], [sflag:$0x6] =	stream.linear.gather [hbm4b:s18+s5], $0x7D0, $0x38;
	[tilespmem:$0x1A580] =	vst v63  }
0x2b: {  	_ =	swait.ge [sflag:s24], $0x7D0  }
0x2c: {  	[sflag:s24] =	ssyncset.done $0x0  }
0x2d: {  	[sflag:s24] =	ssyncadd.s32 $0xFFFFF830  }
0x2e: {  	s15 =	simm.s32 $0x3100;
	[bflag:$0x0] =	sbarrier.arrive $0xFFFF  }
0x2f: {  	[tilespmem:s15], [sflag:$0x1] =	stream.indirect.gather [hbm4b:s2+s25], $0x80, s5, s25, $0xb8;
	[tilespmem:$0x1A580] =	vst v63  }
0x30: {  	s17 =	simm.s32 $0x900;
	s16 =	rddreg [dreg:$0xa]  }
0x31: {  	[tilespmem:s17], [sflag:$0x3] =	stream.linear.gather [hbm4b:s16+s5], $0x1400, $0x38;
	[tilespmem:$0x1A580] =	vst v63  }
0x32: {  	s18 =	rddreg [dreg:$0xb];
	s15 =	simm.s32 $0x0  }
0x33: {  	[tilespmem:s29], [sflag:$0x3] =	stream.linear.gather [hbm4b:s18+s5], $0x28, $0x38;
	[tilespmem:$0x1A580] =	vst v63  }
.LBB2_2:
0x34: {  	s0 =	smul.u32 $0x50, s15;
	_ =	sdelay $0x1  }
0x35: {  	s16 =	sadd.s32 $0x28, s0  }
0x36: {  	[tilespmem:s30], [sflag:$0x2] =	stream.indirect.gather [hbm4b:s2+s25], $0x80, s16, s25, $0xb8;
	[tilespmem:$0x1A580] =	vst v63  }
0x37: {  	s17 =	sadd.s32 s3, s16  }
0x38: {  	s16 =	sadd.s32 s6, s16;
	s17 =	sshll.u32 s17, $0x4  }
0x39: {  	s16 =	sshrl.u32 s16, $0x3;
	s17 =	sadd.s32 s7, s17  }
0x3a: {  	[tilespmem:s31], [sflag:$0x4] =	stream.linear.gather [hbm4b:s17+s5], $0x1400, $0x38;
	[tilespmem:$0x1A580] =	vst v63  }
0x3b: {  	s16 =	sadd.s32 s8, s16  }
0x3c: {  	[tilespmem:s1], [sflag:$0x4] =	stream.linear.gather [hbm4b:s16+s5], $0x28, $0x38;
	[tilespmem:$0x1A580] =	vst v63  }
0x3d: {  	_ =	swait.ge [sflag:s26], $0x1400  }
0x3e: {  	[sflag:s26] =	ssyncset.done $0x0  }
0x3f: {  	[sflag:s26] =	ssyncadd.s32 $0xFFFFEC00  }
0x40: {  	_ =	swait.ge [sflag:s28], $0x1400  }
0x41: {  	[sflag:s28] =	ssyncset.done $0x0  }
0x42: {  	[sflag:s28] =	ssyncadd.s32 $0xFFFFEC00  }
0x43: {  	_ =	swait.ge [sflag:s28], $0x28  }
0x44: {  	p5 =	seq.s32 s15, $0x0;
	[sflag:s28] =	ssyncset.done $0x0  }
0x45: {  	s16 =	simm.s32 @!p5 $0x5;
	[sflag:s28] =	ssyncadd.s32 $0xFFFFFFD8  }
0x46: {  	_ =	swait.ge @!p5 [sflag:s16], $0x1400  }
0x47: {  	[sflag:s16] =	ssyncset.done @!p5 $0x0  }
0x48: {  	[sflag:s16] =	ssyncadd.s32 @!p5 $0xFFFFEC00;
	s16 =	simm.s32 $0x0  }
0x49: {  	v0 =	vld [tilespmem:s16+$0x3170]  }
0x4a: {  	v1 =	vld [tilespmem:s16+$0x970]  }
0x4b: {  	v2 =	vld [tilespmem:s16+$0x3100]  }
0x4c: {  	v3 =	vld [tilespmem:s16+$0x900]  }
0x4d: {  	v4 =	vld [tilespmem:s16+$0x3110]  }
0x4e: {  	v5 =	vld [tilespmem:s16+$0x910]  }
0x4f: {  	v6 =	vld [tilespmem:s16+$0x3120]  }
0x50: {  	v7 =	vld [tilespmem:s16+$0x3130]  }
0x51: {  	v0 =	vmul.f32 v1, v0;
	v1 =	vld [tilespmem:s16+$0x920]  }
0x52: {  	v8 =	vld [tilespmem:s16+$0x930]  }
0x53: {  	v9 =	vld [tilespmem:s16+$0x940];
	v2 =	vmul.f32 v3, v2  }
0x54: {  	[tilespmem:s16+$0x5970] =	vst v0;
	v0 =	vmul.f32 v5, v4;
	v5 =	vld [tilespmem:s16+$0x3140]  }
0x55: {  	v3 =	vld [tilespmem:s16+$0x950];
	[tilespmem:s16+$0x5900] =	vst v2  }
0x56: {  	v2 =	vld [tilespmem:s16+$0x3150];
	[tilespmem:s16+$0x5910] =	vst v0;
	v0 =	vmul.f32 v1, v6  }
0x57: {  	v4 =	vld [tilespmem:s16+$0x960];
	v6 =	vmul.f32 v8, v7  }
0x58: {  	s17 =	simm.s32 $0x80;
	[tilespmem:s16+$0x5920] =	vst v0;
	v0 =	vld [tilespmem:s16+$0x3160]  }
0x59: {  	s18 =	simm.s32 $0x400;
	v5 =	vmul.f32 v9, v5;
	v1 =	vld [tilespmem:s17+$0x3170];
	[tilespmem:s16+$0x5930] =	vst v6  }
.LBB2_3:
0x5a: {  	p5 =	sne.s32 s18, $0x4E00;
	v6 =	vld [tilespmem:s17+$0x970]  }
0x5b: {  	v7 =	vld [tilespmem:s17+$0x3100];
	[tilespmem:s16+$0x5940] =	vst v5;
	v2 =	vmul.f32 v3, v2  }
0x5c: {  	v3 =	vld [tilespmem:s17+$0x900]  }
0x5d: {  	v5 =	vld [tilespmem:s17+$0x3110];
	[tilespmem:s16+$0x5950] =	vst v2;
	v0 =	vmul.f32 v4, v0  }
0x5e: {  	v2 =	vld [tilespmem:s17+$0x910]  }
0x5f: {  	v4 =	vld [tilespmem:s17+$0x3120];
	v1 =	vmul.f32 v6, v1;
	[tilespmem:s16+$0x5960] =	vst v0;
	s16 =	smov.u32 s17  }
0x60: {  	v0 =	vld [tilespmem:s16+$0x920]  }
0x61: {  	v3 =	vmul.f32 v3, v7;
	v6 =	vld [tilespmem:s16+$0x3130];
	[tilespmem:s16+$0x5970] =	vst v1  }
0x62: {  	v1 =	vld [tilespmem:s16+$0x930]  }
0x63: {  	[tilespmem:s16+$0x5900] =	vst v3;
	v2 =	vmul.f32 v2, v5;
	v5 =	vld [tilespmem:s16+$0x3140]  }
0x64: {  	v7 =	vld [tilespmem:s16+$0x940]  }
.Ltmp2:
0x65: {  	[tilespmem:s16+$0x5910] =	vst v2;
	v0 =	vmul.f32 v0, v4;
	v2 =	vld [tilespmem:s16+$0x3150];
	(pc) =	sbr.rel @p5 .LBB2_3-.Ltmp2, $4  }
0x66: {  	v3 =	vld [tilespmem:s16+$0x950]  }
0x67: {  	[tilespmem:s16+$0x5920] =	vst v0;
	v6 =	vmul.f32 v1, v6;
	v0 =	vld [tilespmem:s16+$0x3160]  }
0x68: {  	s17 =	sshra.s32 s18, $0x2;
	v4 =	vld [tilespmem:s16+$0x960]  }
0x69: {  	s18 =	sadd.s32 $0x200, s18;
	v1 =	vld [tilespmem:s17+$0x3170];
	[tilespmem:s16+$0x5930] =	vst v6;
	v5 =	vmul.f32 v7, v5  }
0x6a: {  	v6 =	vld [tilespmem:s17+$0x970]  }
0x6b: {  	v7 =	vld [tilespmem:s17+$0x3100];
	[tilespmem:s16+$0x5940] =	vst v5;
	v2 =	vmul.f32 v3, v2  }
0x6c: {  	v3 =	vld [tilespmem:s17+$0x900]  }
0x6d: {  	v5 =	vld [tilespmem:s17+$0x3110];
	[tilespmem:s16+$0x5950] =	vst v2;
	v0 =	vmul.f32 v4, v0  }
0x6e: {  	v2 =	vld [tilespmem:s17+$0x910]  }
0x6f: {  	v4 =	vld [tilespmem:s17+$0x3120];
	[tilespmem:s16+$0x5960] =	vst v0  }
0x70: {  	v0 =	vmul.f32 v6, v1;
	v1 =	vld [tilespmem:s17+$0x920]  }
0x71: {  	v6 =	vld [tilespmem:s17+$0x3130]  }
0x72: {  	v3 =	vmul.f32 v3, v7;
	[tilespmem:s17+$0x5970] =	vst v0;
	v0 =	vld [tilespmem:s17+$0x930]  }
0x73: {  	v7 =	vld [tilespmem:s17+$0x960]  }
0x74: {  	[tilespmem:s17+$0x5900] =	vst v3;
	v2 =	vmul.f32 v2, v5;
	v3 =	vld [tilespmem:s17+$0x3140]  }
0x75: {  	v5 =	vld [tilespmem:s17+$0x940]  }
0x76: {  	[tilespmem:s17+$0x5910] =	vst v2;
	v1 =	vmul.f32 v1, v4;
	v2 =	vld [tilespmem:s17+$0x3150]  }
0x77: {  	v4 =	vld [tilespmem:s17+$0x950]  }
0x78: {  	[tilespmem:s17+$0x5920] =	vst v1;
	v1 =	vld [tilespmem:s17+$0x3160];
	_ =	sdelay $0x1  }
0x79: {  	v0 =	vmul.f32 v0, v6  }
0x7a: {  	v3 =	vmul.f32 v5, v3  }
0x7b: {  	[tilespmem:s17+$0x5930] =	vst v0;
	v0 =	vmul.f32 v4, v2  }
0x7c: {  	[tilespmem:s17+$0x5940] =	vst v3;
	v1 =	vmul.f32 v7, v1  }
0x7d: {  	[tilespmem:s17+$0x5950] =	vst v0  }
0x7e: {  	p5 =	seq.s32 s15, $0x18;
	[tilespmem:s17+$0x5960] =	vst v1  }
0x7f: {  	[spmem:s4] =	stream.indirect.scatter.add.f32 [tilespmem:s9], [sflag:$0x5], $0x80, s29, s25, $0xb8;
	[tilespmem:$0x1A580] =	vst v63  }
0x80: {  	s0 =	sadd.s32 @!p5 $0x50, s0;
	s16 =	simm.s32 @!p5 $0x28;
	s17 =	simm.s32 @!p5 $0x3100  }
0x81: {  	[tilespmem:s17], [sflag:$0x1] =	stream.indirect.gather @!p5 [hbm4b:s2+s16], $0x80, s0, s16, $0xb8;
	[tilespmem:$0x1A580] =	vst v63  }
0x82: {  	s16 =	sadd.s32 @!p5 s3, s0  }
0x83: {  	s18 =	simm.s32 @!p5 $0x900;
	s0 =	sadd.s32 @!p5 s6, s0;
	s16 =	sshll.u32 @!p5 s16, $0x4  }
0x84: {  	s17 =	simm.s32 @!p5 $0x0;
	s0 =	sshrl.u32 @!p5 s0, $0x3;
	s16 =	sadd.s32 @!p5 s7, s16  }
0x85: {  	[tilespmem:s18], [sflag:$0x3] =	stream.linear.gather @!p5 [hbm4b:s16+s17], $0x1400, $0x38;
	[tilespmem:$0x1A580] =	vst v63  }
0x86: {  	s0 =	sadd.s32 @!p5 s8, s0;
	s16 =	simm.s32 @!p5 $0x800  }
0x87: {  	[tilespmem:s16], [sflag:$0x3] =	stream.linear.gather @!p5 [hbm4b:s0+s17], $0x28, $0x38;
	[tilespmem:$0x1A580] =	vst v63  }
0x88: {  	_ =	swait.ge [sflag:s11], $0x1400  }
0x89: {  	[sflag:s11] =	ssyncset.done $0x0  }
0x8a: {  	[sflag:s11] =	ssyncadd.s32 $0xFFFFEC00  }
0x8b: {  	_ =	swait.ge [sflag:s10], $0x1400  }
0x8c: {  	[sflag:s10] =	ssyncset.done $0x0  }
0x8d: {  	[sflag:s10] =	ssyncadd.s32 $0xFFFFEC00  }
0x8e: {  	_ =	swait.ge [sflag:s10], $0x28  }
0x8f: {  	[sflag:s10] =	ssyncset.done $0x0  }
0x90: {  	[sflag:s10] =	ssyncadd.s32 $0xFFFFFFD8  }
0x91: {  	_ =	swait.ge [sflag:s12], $0x1400  }
0x92: {  	[sflag:s12] =	ssyncset.done $0x0  }
0x93: {  	s0 =	simm.s32 $0x0;
	[sflag:s12] =	ssyncadd.s32 $0xFFFFEC00  }
0x94: {  	v0 =	vld [tilespmem:s0+$0x4570]  }
0x95: {  	v1 =	vld [tilespmem:s0+$0x1D70]  }
0x96: {  	v2 =	vld [tilespmem:s0+$0x4500]  }
0x97: {  	v3 =	vld [tilespmem:s0+$0x1D00]  }
0x98: {  	v4 =	vld [tilespmem:s0+$0x4510]  }
0x99: {  	v5 =	vld [tilespmem:s0+$0x1D10]  }
0x9a: {  	v6 =	vld [tilespmem:s0+$0x4520]  }
0x9b: {  	v7 =	vld [tilespmem:s0+$0x4530]  }
0x9c: {  	v0 =	vmul.f32 v1, v0;
	v1 =	vld [tilespmem:s0+$0x1D20]  }
0x9d: {  	v8 =	vld [tilespmem:s0+$0x1D30]  }
0x9e: {  	v9 =	vld [tilespmem:s0+$0x1D40];
	v2 =	vmul.f32 v3, v2  }
0x9f: {  	[tilespmem:s0+$0x5970] =	vst v0;
	v0 =	vmul.f32 v5, v4;
	v5 =	vld [tilespmem:s0+$0x4540]  }
0xa0: {  	v3 =	vld [tilespmem:s0+$0x1D50];
	[tilespmem:s0+$0x5900] =	vst v2  }
0xa1: {  	v2 =	vld [tilespmem:s0+$0x4550];
	[tilespmem:s0+$0x5910] =	vst v0;
	v0 =	vmul.f32 v1, v6  }
0xa2: {  	v4 =	vld [tilespmem:s0+$0x1D60];
	v6 =	vmul.f32 v8, v7  }
0xa3: {  	s16 =	simm.s32 $0x80;
	[tilespmem:s0+$0x5920] =	vst v0;
	v0 =	vld [tilespmem:s0+$0x4560]  }
0xa4: {  	s17 =	simm.s32 $0x400;
	v5 =	vmul.f32 v9, v5;
	v1 =	vld [tilespmem:s16+$0x4570];
	[tilespmem:s0+$0x5930] =	vst v6  }
.LBB2_5:
0xa5: {  	p5 =	sne.s32 s17, $0x4E00;
	v6 =	vld [tilespmem:s16+$0x1D70]  }
0xa6: {  	v7 =	vld [tilespmem:s16+$0x4500];
	[tilespmem:s0+$0x5940] =	vst v5;
	v2 =	vmul.f32 v3, v2  }
0xa7: {  	v3 =	vld [tilespmem:s16+$0x1D00]  }
0xa8: {  	v5 =	vld [tilespmem:s16+$0x4510];
	[tilespmem:s0+$0x5950] =	vst v2;
	v0 =	vmul.f32 v4, v0  }
0xa9: {  	v2 =	vld [tilespmem:s16+$0x1D10]  }
0xaa: {  	v4 =	vld [tilespmem:s16+$0x4520];
	v1 =	vmul.f32 v6, v1;
	[tilespmem:s0+$0x5960] =	vst v0;
	s0 =	smov.u32 s16  }
0xab: {  	v0 =	vld [tilespmem:s0+$0x1D20]  }
0xac: {  	v3 =	vmul.f32 v3, v7;
	v6 =	vld [tilespmem:s0+$0x4530];
	[tilespmem:s0+$0x5970] =	vst v1  }
0xad: {  	v1 =	vld [tilespmem:s0+$0x1D30]  }
0xae: {  	[tilespmem:s0+$0x5900] =	vst v3;
	v2 =	vmul.f32 v2, v5;
	v5 =	vld [tilespmem:s0+$0x4540]  }
0xaf: {  	v7 =	vld [tilespmem:s0+$0x1D40]  }
.Ltmp3:
0xb0: {  	[tilespmem:s0+$0x5910] =	vst v2;
	v0 =	vmul.f32 v0, v4;
	v2 =	vld [tilespmem:s0+$0x4550];
	(pc) =	sbr.rel @p5 .LBB2_5-.Ltmp3, $4  }
0xb1: {  	v3 =	vld [tilespmem:s0+$0x1D50]  }
0xb2: {  	[tilespmem:s0+$0x5920] =	vst v0;
	v6 =	vmul.f32 v1, v6;
	v0 =	vld [tilespmem:s0+$0x4560]  }
0xb3: {  	s16 =	sshra.s32 s17, $0x2;
	v4 =	vld [tilespmem:s0+$0x1D60]  }
0xb4: {  	s17 =	sadd.s32 $0x200, s17;
	v1 =	vld [tilespmem:s16+$0x4570];
	[tilespmem:s0+$0x5930] =	vst v6;
	v5 =	vmul.f32 v7, v5  }
0xb5: {  	v6 =	vld [tilespmem:s16+$0x1D70]  }
0xb6: {  	v7 =	vld [tilespmem:s16+$0x4500];
	[tilespmem:s0+$0x5940] =	vst v5;
	v2 =	vmul.f32 v3, v2  }
0xb7: {  	v51 =	vld [tilespmem:s16+$0x1D00]  }
0xb8: {  	v5 =	vld [tilespmem:s16+$0x4510];
	[tilespmem:s0+$0x5950] =	vst v2;
	v0 =	vmul.f32 v4, v0  }
0xb9: {  	v2 =	vld [tilespmem:s16+$0x1D10]  }
0xba: {  	v52 =	vld [tilespmem:s16+$0x4520];
	[tilespmem:s0+$0x5960] =	vst v0  }
0xbb: {  	v54 =	vld [tilespmem:s16+$0x1D20]  }
0xbc: {  	v55 =	vld [tilespmem:s16+$0x4530]  }
0xbd: {  	v56 =	vld [tilespmem:s16+$0x1D30]  }
0xbe: {  	v57 =	vld [tilespmem:s16+$0x4540]  }
0xbf: {  	v58 =	vld [tilespmem:s16+$0x1D40]  }
0xc0: {  	v59 =	vld [tilespmem:s16+$0x4550]  }
0xc1: {  	v53 =	vmul.f32 v6, v1;
	v60 =	vld [tilespmem:s16+$0x1D50]  }
0xc2: {  	v61 =	vld [tilespmem:s16+$0x4560];
	v3 =	vmul.f32 v51, v7  }
0xc3: {  	v62 =	vld [tilespmem:s16+$0x1D60];
	[tilespmem:s16+$0x5970] =	vst v53;
	v2 =	vmul.f32 v2, v5  }
0xc4: {  	[tilespmem:s16+$0x5900] =	vst v3;
	v1 =	vmul.f32 v54, v52  }
0xc5: {  	s15 =	sadd.s32 $0x1, s15;
	[tilespmem:s16+$0x5910] =	vst v2;
	v0 =	vmul.f32 v56, v55  }
0xc6: {  	p5 =	sne.s32 s15, $0x19;
	v3 =	vmul.f32 v58, v57;
	[tilespmem:s16+$0x5920] =	vst v1  }
.Ltmp4:
0xc7: {  	v63 =	vmul.f32 v60, v59;
	[tilespmem:s16+$0x5930] =	vst v0;
	(pc) =	sbr.rel @p5 .LBB2_2-.Ltmp4, $4  }
0xc8: {  	[tilespmem:s16+$0x5940] =	vst v3;
	v1 =	vmul.f32 v62, v61  }
0xc9: {  	[tilespmem:s16+$0x5950] =	vst v63  }
0xca: {  	[tilespmem:s16+$0x5960] =	vst v1  }
0xcb: {  	[spmem:s4] =	stream.indirect.scatter.add.f32 [tilespmem:s9], [sflag:$0x5], $0x80, s1, s25, $0xb8;
	[tilespmem:$0x1A580] =	vst v63  }
0xcc: {  	_ =	swait.ge [sflag:s12], $0x1400  }
0xcd: {  	s17 =	stileid.u32;
	[sflag:s12] =	ssyncset.done $0x0  }
0xce: {  	s15 =	sshrl.u32 @p1 s13, $0x3;
	p5 =	por @!p4 $0x1, $0x1;
	[sflag:s12] =	ssyncadd.s32 $0xFFFFEC00  }
0xcf: {  	p6 =	por p2, p2;
	s0 =	sshll.u32 @p1 s17, $0x6;
	[bflag:$0x0] =	sbarrier.arrive $0xFFFF  }
0xd0: {  	p6 =	por @!p4 p5, p5;
	s0 =	sor.u32 @p1 $0x1C06, s0;
	s16 =	rddreg [dreg:$0xc]  }
0xd1: {  	[hbm:s16], [sflag:s0] =	dma.local @p1 [spmem:s15], $0x2700  }
0xd2: {  	p5 =	por @!p3 !p6, !p0;
	s0 =	simm.s32 @p1 $0x6  }
0xd3: {  	p5 =	por @!p3 !p5, !p5;
	_ =	swait.ge @p1 [sflag:s0], $0x2700  }
0xd4: {  	p5 =	por p3, p5;
	s15 =	sshll.u32 @!p4 s17, $0x6;
	[sflag:s0] =	ssyncset.done @p1 $0x0  }
0xd5: {  	[sflag:s0] =	ssyncadd.s32 @p1 $0xFFFFD900;
	s0 =	sor.u32 @!p4 $0x1C06, s15;
	s15 =	sshrl.u32 @!p4 s13, $0x3  }
0xd6: {  	[hbm:s19], [sflag:s0] =	dma.local @!p4 [spmem:s15], $0x2700  }
.Ltmp5:
0xd7: {  	_ = 	snop;
	(pc) =	sbr.rel @!p5 .LBB2_9-.Ltmp5, $4  }
0xd8: {  	s0 =	simm.s32 @!p4 $0x6  }
0xd9: {  	_ =	swait.ge @!p4 [sflag:s0], $0x2700  }
0xda: {  	[sflag:s0] =	ssyncset.done @!p4 $0x0  }
0xdb: {  	s16 =	stileid.u32;
	[sflag:s0] =	ssyncadd.s32 @!p4 $0xFFFFD900  }
0xdc: {  	s0 =	rddreg [dreg:$0x5]  }
0xdd: {  	s15 =	rddreg [dreg:$0x4]  }
0xde: {  	s18 =	rddreg [dreg:$0x6];
	s17 =	simm.s32 $0x1FC6;
	s0 =	smov.u32 @p3 s15  }
.Ltmp6:
0xdf: {  	s15 =	sshrl.u32 s18, $0x3;
	s0 =	sadd.s32 $0x24900, s0;
	(pc) =	sbr.rel .LBB2_9-.Ltmp6, $4  }
0xe0: {  	[hbm:s0], [sflag:s17] =	dma.local [spmem:s15], $0x2800  }
0xe1: {  	_ =	swait.ge [sflag:s24], $0x2800  }
0xe2: {  	[sflag:s24] =	ssyncset.done $0x0  }
0xe3: {  	[sflag:s24] =	ssyncadd.s32 $0xFFFFD800  }
.LBB2_10:
0xe4: {  	_ =	sfence.sel $0x180000  }
0xe5: {  	[bflag:$0x0] =	sbarrier.arrive $0xFFFF  }
0xe6: {  	_ =	strace $0x90000050  }
0xe7: {  	[bflag:$0x2] =	sbarrier.arrive $0xFFFF  }
0xe8: {  	p0 =	sne.s32 s16, $0x0;
	s0 =	rddreg [dreg:$0x3]  }
0xe9: {  	s0 =	sadd.s32 @!p0 $0x100000, s0  }
0xea: {  	[sflag:s0] =	ssyncadd.tile.s32 @!p0 $0x1;
	_ =	shalt  }
.Lfunc_end2:
_tile_overlayer_lowered:
.L_overlay_start_2:
0xeb: {  	(tag) =	ssettag $0x2  }
0xec: {  	s0 =	rddreg [dreg:$0x0];
	s2 =	stileid.u32  }
0xed: {  	s1 =	rddreg [dreg:$0x1];
	p0 =	sne.s32 s2, $0x0  }
0xee: {  	s3 =	rddreg [dreg:$0x2];
	[bflag:$0x3] =	sbarrier.arrive $0xFFFF;
	s2 =	simm.s32 @!p0 $0x1C06  }
0xef: {  	[timem:s3], [sflag:s2] =	dma.local @!p0 [hbm:s0], s1  }
0xf0: {  	s0 =	simm.s32 @!p0 $0x6  }
0xf1: {  	_ =	swait.ge @!p0 [sflag:s0], s1  }
0xf2: {  	s1 =	ssub.s32 @!p0 $0x0, s1;
	[sflag:s0] =	ssyncset.done @!p0 $0x0  }
0xf3: {  	[sflag:s0] =	ssyncadd.s32 @!p0 s1  }
0xf4: {  	[bflag:$0x3] =	sbarrier.arrive $0xFFFF  }
0xf5: {  	_ =	shalt  }

// kernel: kernel.20.cloned.1.call-start
scs
__scs_entry_jumppad:
0x0: {  	(pc) =	sbr.rel $0x88, $3  }
0x1: {  	(tag) =	ssettag $0x0;
	lr =	simm.s32 $0x1  }
0x2: {  	[smem:$0x3F94] =	sst lr;
	_ =	strace $0xD0000000  }
0x3: {  	_ = 	snop  }
0x4: {  	_ = 	snop  }
0x5: {  	_ = 	snop  }
0x6: {  	_ = 	snop  }
0x7: {  	_ = 	snop  }
__scs_overlays_trampoline_lowered:
0x8: {  	[smem:$0x3FA3] =	sst s0  }
0x9: {  	[smem:$0x3FA4] =	sst s1  }
0xa: {  	[smem:$0x3FA5] =	sst s2  }
0xb: {  	[smem:$0x3FA6] =	sst s3  }
0xc: {  	[smem:$0x3FA7] =	sst s4  }
0xd: {  	[smem:$0x3FA8] =	sst s5  }
0xe: {  	[smem:$0x3FA9] =	sst s6  }
0xf: {  	[smem:$0x3FAA] =	sst s7  }
0x10: {  	[smem:$0x3FAB] =	sst s8  }
0x11: {  	[smem:$0x3FAC] =	sst s9;
	s0 =	simm.s32 @!p0 $0x0  }
0x12: {  	s1 =	sld [smem:$0x3F92];
	s0 =	simm.s32 @p0 $0x1  }
0x13: {  	[smem:$0x3FAD] =	sst s0;
	s0 =	simm.s32 @!p1 $0x0  }
0x14: {  	s2 =	sld [smem:$0x3F91];
	s0 =	simm.s32 @p1 $0x1  }
0x15: {  	[smem:$0x3FAE] =	sst s0;
	s0 =	simm.s32 @!p2 $0x0  }
0x16: {  	s3 =	sld [smem:$0x3FDB];
	s0 =	simm.s32 @p2 $0x1  }
0x17: {  	s4 =	simm.s32 $0x1BF5;
	[smem:$0x3FB0] =	sst s0  }
0x18: {  	s0 =	sld [smem:$0x3F93];
	_ =	swait.ge [sflag:s4], $0x0  }
0x19: {  	s7 =	sld [smem:$0x3F94]  }
0x1a: {  	s8 =	sadd.s32 $0xFFFFE003, lr  }
0x1b: {  	s9 =	sadd.s32 $0xFFFFFEF7, lr;
	s5 =	simm.s32 $0xFFFFFFFF;
	p2 =	slt.u32 s8, $0xFFFFF086  }
0x1c: {  	p1 =	slt.u32 s9, $0xF7A;
	s5 =	simm.s32 @!p2 $0x0  }
0x1d: {  	s5 =	simm.s32 @p1 $0x1;
	p0 =	seq.s32 s7, s2  }
0x1e: {  	s7 =	smul.u32 @!p0 $0xF7A, s2;
	p2 =	seq.s32 @!p0 s5, $0x0  }
0x1f: {  	s9 =	smul.u32 $0xF7A, s1;
	s8 =	simm.s32 @!p0 $0x1BF5;
	p2 =	por !p2, p0  }
0x20: {  	[sflag:s8] =	ssyncset.s32 @!p0 $0xFFFFF086;
	s6 =	sadd.s32 @!p0 s3, s7;
	s7 =	simm.s32 @!p0 $0x108  }
0x21: {  	s3 =	sadd.s32 s3, s9;
	s6 =	sadd.s32 @!p0 $0x88, s6;
	s7 =	simm.s32 @p2 $0x1082  }
0x22: {  	[simem:s7], [sflag:s8] =	dma.local @!p0 [hbm:s6], $0xF7A  }
0x23: {  	s9 =	sor.u32 $0xD0000000, s2;
	s6 =	simm.s32 $0x108;
	_ =	swait.ge @!p0 [sflag:s8], $0x0  }
0x24: {  	s3 =	sadd.s32 $0x88, s3;
	s6 =	simm.s32 @!p1 $0x1082;
	[sflag:s4] =	ssyncset.s32 $0xFFFFF086  }
0x25: {  	[simem:s6], [sflag:s4] =	dma.local [hbm:s3], $0xF7A  }
0x26: {  	[smem:$0x3F94] =	sst s1;
	(tag) =	ssettag s2;
	_ =	strace s9  }
0x27: {  	s1 =	sld [smem:$0x3FA4]  }
0x28: {  	s2 =	sld [smem:$0x3FA5]  }
0x29: {  	s4 =	sld [smem:$0x3FA7]  }
0x2a: {  	p0 =	seq.s32 s5, $0x0;
	s5 =	sld [smem:$0x3FA8]  }
0x2b: {  	s6 =	sld [smem:$0x3FA9]  }
0x2c: {  	s7 =	sld [smem:$0x3FAA]  }
0x2d: {  	s3 =	simm.s32 $0x108;
	s8 =	sld [smem:$0x3FAB]  }
0x2e: {  	s3 =	simm.s32 @!p0 $0x1082;
	s9 =	sld [smem:$0x3FAC]  }
0x2f: {  	lr =	sadd.s32 s0, s3;
	s0 =	sld [smem:$0x3FA3]  }
0x30: {  	s3 =	sld [smem:$0x3FA6]  }
0x31: {  	[smem:$0x3FAF] =	sst s10  }
0x32: {  	s10 =	sld [smem:$0x3FAD];
	_ =	sdelay $0x3  }
0x33: {  	p0 =	seq.s32 s10, $0x1;
	s10 =	sld [smem:$0x3FAF];
	_ =	sdelay $0x3  }
0x34: {  	[smem:$0x3FAF] =	sst s10  }
0x35: {  	s10 =	sld [smem:$0x3FAE];
	_ =	sdelay $0x3  }
0x36: {  	p1 =	seq.s32 s10, $0x1;
	s10 =	sld [smem:$0x3FAF];
	_ =	sdelay $0x3  }
0x37: {  	[smem:$0x3FAF] =	sst s10  }
0x38: {  	s10 =	sld [smem:$0x3FB0]  }
0x39: {  	_ = 	snop;
	(pc) =	sbr.ind lr, $3  }
0x3a: {  	_ = 	snop  }
0x3b: {  	_ = 	snop  }
0x3c: {  	p2 =	seq.s32 s10, $0x1;
	s10 =	sld [smem:$0x3FAF]  }
0x3d: {  	_ =	shalt  }
0x3e: {  	_ =	shalt  }
0x3f: {  	_ =	shalt  }
0x40: {  	_ =	shalt  }
0x41: {  	_ =	shalt  }
0x42: {  	_ =	shalt  }
0x43: {  	_ =	shalt  }
0x44: {  	_ =	shalt  }
0x45: {  	_ =	shalt  }
0x46: {  	_ =	shalt  }
0x47: {  	_ =	shalt  }
0x48: {  	_ =	shalt  }
0x49: {  	_ =	shalt  }
0x4a: {  	_ =	shalt  }
0x4b: {  	_ =	shalt  }
0x4c: {  	_ =	shalt  }
0x4d: {  	_ =	shalt  }
0x4e: {  	_ =	shalt  }
0x4f: {  	_ =	shalt  }
0x50: {  	_ =	shalt  }
0x51: {  	_ =	shalt  }
0x52: {  	_ =	shalt  }
0x53: {  	_ =	shalt  }
0x54: {  	_ =	shalt  }
0x55: {  	_ =	shalt  }
0x56: {  	_ =	shalt  }
0x57: {  	_ =	shalt  }
0x58: {  	_ =	shalt  }
0x59: {  	_ =	shalt  }
0x5a: {  	_ =	shalt  }
0x5b: {  	_ =	shalt  }
0x5c: {  	_ =	shalt  }
0x5d: {  	_ =	shalt  }
0x5e: {  	_ =	shalt  }
0x5f: {  	_ =	shalt  }
0x60: {  	_ =	shalt  }
0x61: {  	_ =	shalt  }
0x62: {  	_ =	shalt  }
0x63: {  	_ =	shalt  }
0x64: {  	_ =	shalt  }
0x65: {  	_ =	shalt  }
0x66: {  	_ =	shalt  }
0x67: {  	_ =	shalt  }
0x68: {  	_ =	shalt  }
0x69: {  	_ =	shalt  }
0x6a: {  	_ =	shalt  }
0x6b: {  	_ =	shalt  }
0x6c: {  	_ =	shalt  }
0x6d: {  	_ =	shalt  }
0x6e: {  	_ =	shalt  }
0x6f: {  	_ =	shalt  }
0x70: {  	_ =	shalt  }
0x71: {  	_ =	shalt  }
0x72: {  	_ =	shalt  }
0x73: {  	_ =	shalt  }
0x74: {  	_ =	shalt  }
0x75: {  	_ =	shalt  }
0x76: {  	_ =	shalt  }
0x77: {  	_ =	shalt  }
0x78: {  	_ =	shalt  }
0x79: {  	_ =	shalt  }
0x7a: {  	_ =	shalt  }
0x7b: {  	_ =	shalt  }
0x7c: {  	_ =	shalt  }
0x7d: {  	_ =	shalt  }
0x7e: {  	_ =	shalt  }
0x7f: {  	_ =	shalt  }
0x80: {  	_ =	shalt  }
0x81: {  	_ =	shalt  }
0x82: {  	_ =	shalt  }
0x83: {  	_ =	shalt  }
0x84: {  	_ =	shalt  }
0x85: {  	_ =	shalt  }
0x86: {  	_ =	shalt  }
0x87: {  	_ =	shalt  }
.Lfunc_end0:
.L_simem_size_0:
called_computation.2_lowered:
.L_overlay_start_0:
0x88: {  	s2 =	sld [smem:$0x3FD9]  }
0x89: {  	s3 =	sld [smem:$0x3FFE];
	_ =	sdelay $0x1  }
0x8a: {  	s1 =	srdreg.scid  }
0x8b: {  	s0 =	sand.u32 $0x1, s1  }
0x8c: {  	s17 =	sshll.u32 s0, $0xA;
	s2 =	sadd.s32 s3, s2  }
0x8d: {  	s2 =	sadd.s32 s2, s17  }
0x8e: {  	[smem:$0x3FBB] =	sst s2  }
0x8f: {  	_ = 	snop  }
0x90: {  	s18 =	sld [smem:$0x3FD0];
	(tm) =	ssettm $0x1  }
0x91: {  	s19 =	sld [smem:$0x3FFB];
	_ =	sdelay $0x3  }
0x92: {  	_ =	strace s19  }
0x93: {  	s2 =	sld [smem:$0x3FFC];
	_ =	sdelay $0x3  }
0x94: {  	_ =	strace s2  }
0x95: {  	s2 =	sld [smem:$0x3FFD];
	_ =	sdelay $0x3  }
0x96: {  	_ =	strace s2  }
0x97: {  	_ =	strace $0x8FFFFFFF  }
0x98: {  	s20 =	sld [smem:$0x3FDB];
	_ =	sdelay $0x1  }
0x99: {  	s4 =	simm.s32 $_scs_section_size  }
0x9a: {  	s5 =	simm.s32 $_size__tile_overlayer_lowered;
	s6 =	simm.s32 $_tile_overlayer_lowered  }
0x9b: {  	s7 =	simm.s32 $0x1BFF;
	s21 =	sshll.u32 s6, $0x1;
	s4 =	sadd.s32 s4, s20  }
0x9c: {  	s22 =	simm.s32 $0x0;
	s5 =	sshll.u32 s5, $0x1;
	s6 =	sadd.s32 s21, s4  }
0x9d: {  	[timem:s22], [sflag:s7] =	dma.local [hbm:s6], s5  }
0x9e: {  	_ =	swait.ge [sflag:s7], s5  }
0x9f: {  	s5 =	ssub.s32 $0x0, s5;
	[sflag:s7] =	ssyncset.done $0x0  }
0xa0: {  	[sflag:s7] =	ssyncadd.s32 s5;
	_ =	sdelay $0x1  }
0xa1: {  	s23 =	simm.s32 $0x1B8B  }
0xa2: {  	_ =	swait.ge [sflag:s23], $0x1  }
0xa3: {  	[sflag:s23] =	ssyncset.done $0x0  }
0xa4: {  	[sflag:s23] =	ssyncadd.s32 $0xFFFFFFFF  }
0xa5: {  	s5 =	sld [smem:$0x0]  }
0xa6: {  	s6 =	sand.u32 $0xFFFFFFFE, s1  }
0xa7: {  	p0 =	sne.s32 s1, s6  }
0xa8: {  	s6 =	sshll.u32 @p0 s6, $0xE  }
0xa9: {  	s6 =	sadd.s32 @p0 $0x11B8D, s6;
	s7 =	sshll.u32 @p0 s5, $0x11  }
0xaa: {  	s6 =	sor.u32 @p0 s7, s6  }
0xab: {  	[sflag:s6] =	ssyncadd.remote.s32 @p0 $0x1;
	_ =	sdelay $0x1  }
0xac: {  	s6 =	simm.s32 @p0 $0x1B8D  }
0xad: {  	_ =	swait.eq @p0 [sflag:s6], $0x1  }
0xae: {  	[sflag:s6] =	ssyncadd.s32 @p0 $0xFFFFFFFF  }
0xaf: {  	s7 =	sshll.u32 @!p0 s1, $0xE  }
0xb0: {  	s7 =	sor.u32 @!p0 $0x4000, s7;
	s6 =	simm.s32 @!p0 $0x1B8D  }
0xb1: {  	s5 =	sshll.u32 @!p0 s5, $0x11;
	s7 =	sadd.s32 @!p0 $0x11B8D, s7;
	_ =	swait.eq @!p0 [sflag:s6], $0x1  }
0xb2: {  	s5 =	sor.u32 @!p0 s5, s7;
	[sflag:s6] =	ssyncadd.s32 @!p0 $0xFFFFFFFF  }
0xb3: {  	s25 =	simm.s32 $0x1B8E;
	s24 =	sld [smem:$0x3FFE];
	[sflag:s5] =	ssyncadd.remote.s32 @!p0 $0x1  }
0xb4: {  	s26 =	simm.s32 $execute0_lowered;
	[smem:$0x3FD2] =	sst s25  }
0xb5: {  	s6 =	sshll.u32 s26, $0x1;
	_ =	strace $0x8000004C;
	[dreg:$0x1] =	wrdreg $0xFFFFFFFF  }
0xb6: {  	s28 =	simm.s32 $_size_execute0_lowered;
	s4 =	sadd.s32 s4, s6;
	[dreg:$0x0] =	wrdreg $0x0  }
0xb7: {  	s6 =	sshll.u32 s28, $0x1;
	[dreg:$0x2] =	wrdreg s4  }
0xb8: {  	[dreg:$0x3] =	wrdreg s6  }
0xb9: {  	[dreg:$0x4] =	wrdreg $0xC0  }
0xba: {  	_ =	task [dreg:s22], $0x5FFFF  }
0xbb: {  	[dreg:$0x1] =	wrdreg $0xFFFFFFFF  }
0xbc: {  	[dreg:$0x0] =	wrdreg $0x60  }
0xbd: {  	[dreg:$0x2] =	wrdreg s18  }
0xbe: {  	[dreg:$0x3] =	wrdreg s24  }
0xbf: {  	[dreg:$0x4] =	wrdreg $0x6D000  }
0xc0: {  	[dreg:$0x5] =	wrdreg $0xB  }
0xc1: {  	_ =	task.clear_ibuf [dreg:s22], $0x6FFFF;
	_ =	strace $0x9000004C  }
0xc2: {  	s29 =	simm.s32 $0xB;
	_ =	strace $0x8000004E  }
0xc3: {  	_ =	swait.ge [sflag:s29], $0x1  }
0xc4: {  	[sflag:s29] =	ssyncadd.s32 $0xFFFFFFFF  }
0xc5: {  	_ =	strace $0x9000004E  }
0xc6: {  	_ =	sfence  }
0xc7: {  	s30 =	sld [smem:$0x0];
	_ =	sdelay $0x2  }
0xc8: {  	s31 =	sshll.u32 s1, $0xD;
	s1 =	sshrl.u32 s1, $0x2  }
0xc9: {  	s4 =	sand.u32 $0x4000, s31;
	s1 =	sadd.s32 s1, s30  }
0xca: {  	s0 =	sor.u32 s4, s0;
	s1 =	sshll.u32 s1, $0x11  }
0xcb: {  	s0 =	sor.u32 s1, s0  }
0xcc: {  	s0 =	sadd.s32 $0x8F2B, s0  }
0xcd: {  	[sflag:s0] =	ssyncadd.remote.s32 $0x1  }
0xce: {  	_ =	sfence.sel $0xFFFF  }
0xcf: {  	[dreg:$0x0] =	wrdreg $0xFFFFFFFF;
	(pc) =	sbr.abs _section_cstart, $3  }
0xd0: {  	[dreg:$0x1] =	wrdreg $0xFFFFFFFF  }
0xd1: {  	_ =	task.clear_ibuf [dreg:s22], $0x2FFFF;
	_ =	strace $0x9FFFFFFF  }
0xd2: {  	(tm) =	ssettm $0x7FFFFFFF  }
0xd3: {  	_ =	shalt  }
tec
execute0_lowered:
.L_overlay_start_1:
0x0: {  	(tag) =	ssettag $0x1  }
0x1: {  	s2 =	rddreg [dreg:$0x0]  }
0x2: {  	s0 =	srdreg.scid;
	s9 =	rddreg [dreg:$0x1]  }
0x3: {  	s17 =	stileid.u32;
	s4 =	rddreg [dreg:$0x2];
	s5 =	simm.s32 $0x0  }
0x4: {  	s29 =	simm.s32 $0x800;
	s30 =	simm.s32 $0x4500;
	s31 =	simm.s32 $0x1D00  }
0x5: {  	s28 =	simm.s32 $0x3;
	s0 =	sand.u32 $0x1, s0;
	s1 =	sshll.u32 s17, $0x1  }
0x6: {  	[smem:$0x7FF] =	sst s5;
	s11 =	smul.u32 $0x2700, s17;
	s7 =	sadd.s32 $0x2CF800, s9  }
0x7: {  	s8 =	sadd.s32 $0x4200, s9;
	s18 =	sadd.s32 $0x3C9800, s9;
	s16 =	smul.u32 $0x4E000, s17  }
0x8: {  	s19 =	sadd.s32 $0x3F0A00, s9;
	p0 =	seq.s32 s17, $0xF;
	p4 =	sne.s32 s17, $0xF  }
0x9: {  	s21 =	sadd.s32 $0x124800, s4;
	_ =	strace $0x8000004D;
	[dreg:$0x4] =	wrdreg s18  }
0xa: {  	s1 =	sor.u32 s0, s1;
	s13 =	ssub.s32 $0x2, s0;
	[dreg:$0x5] =	wrdreg s19  }
0xb: {  	p2 =	seq.s32 s0, $0x0;
	[dreg:$0x6] =	wrdreg s21;
	s21 =	sshrl.u32 @p0 s21, $0x3  }
0xc: {  	s3 =	smul.u32 $0x7D0, s1;
	s14 =	sadd.s32 s11, s9;
	s15 =	sshrl.u32 s13, $0x1  }
0xd: {  	s22 =	sshrl.u32 s16, $0x2;
	s1 =	smul.u32 $0x7D00, s1;
	p1 =	por !p2, !p4  }
0xe: {  	p3 =	por !p2, !p0;
	p2 =	seq.s32 s0, $0x1;
	s26 =	sadd.s32 s18, s11  }
0xf: {  	s19 =	sadd.s32 s19, s11;
	s0 =	sshll.u32 @!p0 s17, $0x6;
	s11 =	simm.s32 $0x2  }
0x10: {  	s15 =	ssub.s32 s13, s15;
	s13 =	sadd.s32 s22, s4;
	s23 =	sadd.s32 $0x111E00, s14  }
0x11: {  	p1 =	por !p1, !p1;
	[dreg:$0xc] =	wrdreg s26;
	p3 =	por !p3, !p3  }
0x12: {  	p4 =	por !p4, !p2;
	s22 =	sor.u32 @!p0 $0x1C06, s0;
	s26 =	simm.s32 $0x1  }
0x13: {  	s14 =	simm.s32 $0x0;
	s6 =	sadd.s32 $0x1F400, s3;
	[dreg:$0x8] =	wrdreg s23  }
0x14: {  	s1 =	sadd.s32 s7, s1;
	p4 =	por !p4, !p4;
	s20 =	smax.u32 s15, $0x1  }
0x15: {  	s23 =	sshrl.u32 @!p0 s13, $0x3;
	s10 =	sshrl.u32 s6, $0x3;
	[dreg:$0xa] =	wrdreg s1  }
.Ltmp0:
0x16: {  	p4 =	por !p4, p3;
	s1 =	simm.s32 $0x880;
	(pc) =	sbr.rel .LBB2_1-.Ltmp0, $4  }
0x17: {  	s12 =	sadd.s32 s10, s9;
	s9 =	sadd.s32 $0x136700, s9;
	s25 =	sadd.s32 s8, s10  }
0x18: {  	s10 =	simm.s32 $0x4;
	[dreg:$0x7] =	wrdreg s9;
	s24 =	sadd.s32 $0xE000, s12  }
0x19: {  	[dreg:$0xb] =	wrdreg s25;
	s25 =	simm.s32 $0x28;
	s9 =	simm.s32 $0x5900  }
0x1a: {  	s12 =	simm.s32 $0x5;
	[dreg:$0x9] =	wrdreg s24;
	s24 =	simm.s32 $0x6  }
.LBB2_9:
0x1b: {  	s14 =	sadd.s32 $0x1, s14  }
0x1c: {  	p5 =	sne.s32 s14, s20  }
.Ltmp1:
0x1d: {  	_ = 	snop;
	(pc) =	sbr.rel @!p5 .LBB2_10-.Ltmp1, $1  }
0x1e: {  	_ =	sdelay $0x3  }
.LBB2_1:
0x1f: {  	s0 =	simm.s32 @p0 $0x1FC6;
	s15 =	rddreg [dreg:$0x7]  }
0x20: {  	[spmem:s21], [sflag:s0] =	dma.local @p0 [hbm:s15], $0x2800  }
0x21: {  	s0 =	simm.s32 @p0 $0x6  }
0x22: {  	_ =	swait.ge @p0 [sflag:s0], $0x2800  }
0x23: {  	[sflag:s0] =	ssyncset.done @p0 $0x0  }
0x24: {  	[sflag:s0] =	ssyncadd.s32 @p0 $0xFFFFD800;
	s0 =	rddreg [dreg:$0x8]  }
0x25: {  	[spmem:s23], [sflag:s22] =	dma.local @!p0 [hbm:s0], $0x2700  }
0x26: {  	s0 =	simm.s32 @!p0 $0x6  }
0x27: {  	_ =	swait.ge @!p0 [sflag:s0], $0x2700  }
0x28: {  	[sflag:s0] =	ssyncset.done @!p0 $0x0  }
0x29: {  	s18 =	rddreg [dreg:$0x9];
	[sflag:s0] =	ssyncadd.s32 @!p0 $0xFFFFD900  }
0x2a: {  	[tilespmem:s5], [sflag:$0x6] =	stream.linear.gather [hbm4b:s18+s5], $0x7D0, $0x38;
	[tilespmem:$0x1A580] =	vst v63  }
0x2b: {  	_ =	swait.ge [sflag:s24], $0x7D0  }
0x2c: {  	[sflag:s24] =	ssyncset.done $0x0  }
0x2d: {  	[sflag:s24] =	ssyncadd.s32 $0xFFFFF830  }
0x2e: {  	s15 =	simm.s32 $0x3100;
	[bflag:$0x0] =	sbarrier.arrive $0xFFFF  }
0x2f: {  	[tilespmem:s15], [sflag:$0x1] =	stream.indirect.gather [hbm4b:s2+s25], $0x80, s5, s25, $0xb8;
	[tilespmem:$0x1A580] =	vst v63  }
0x30: {  	s17 =	simm.s32 $0x900;
	s16 =	rddreg [dreg:$0xa]  }
0x31: {  	[tilespmem:s17], [sflag:$0x3] =	stream.linear.gather [hbm4b:s16+s5], $0x1400, $0x38;
	[tilespmem:$0x1A580] =	vst v63  }
0x32: {  	s18 =	rddreg [dreg:$0xb];
	s15 =	simm.s32 $0x0  }
0x33: {  	[tilespmem:s29], [sflag:$0x3] =	stream.linear.gather [hbm4b:s18+s5], $0x28, $0x38;
	[tilespmem:$0x1A580] =	vst v63  }
.LBB2_2:
0x34: {  	s0 =	smul.u32 $0x50, s15;
	_ =	sdelay $0x1  }
0x35: {  	s16 =	sadd.s32 $0x28, s0  }
0x36: {  	[tilespmem:s30], [sflag:$0x2] =	stream.indirect.gather [hbm4b:s2+s25], $0x80, s16, s25, $0xb8;
	[tilespmem:$0x1A580] =	vst v63  }
0x37: {  	s17 =	sadd.s32 s3, s16  }
0x38: {  	s16 =	sadd.s32 s6, s16;
	s17 =	sshll.u32 s17, $0x4  }
0x39: {  	s16 =	sshrl.u32 s16, $0x3;
	s17 =	sadd.s32 s7, s17  }
0x3a: {  	[tilespmem:s31], [sflag:$0x4] =	stream.linear.gather [hbm4b:s17+s5], $0x1400, $0x38;
	[tilespmem:$0x1A580] =	vst v63  }
0x3b: {  	s16 =	sadd.s32 s8, s16  }
0x3c: {  	[tilespmem:s1], [sflag:$0x4] =	stream.linear.gather [hbm4b:s16+s5], $0x28, $0x38;
	[tilespmem:$0x1A580] =	vst v63  }
0x3d: {  	_ =	swait.ge [sflag:s26], $0x1400  }
0x3e: {  	[sflag:s26] =	ssyncset.done $0x0  }
0x3f: {  	[sflag:s26] =	ssyncadd.s32 $0xFFFFEC00  }
0x40: {  	_ =	swait.ge [sflag:s28], $0x1400  }
0x41: {  	[sflag:s28] =	ssyncset.done $0x0  }
0x42: {  	[sflag:s28] =	ssyncadd.s32 $0xFFFFEC00  }
0x43: {  	_ =	swait.ge [sflag:s28], $0x28  }
0x44: {  	p5 =	seq.s32 s15, $0x0;
	[sflag:s28] =	ssyncset.done $0x0  }
0x45: {  	s16 =	simm.s32 @!p5 $0x5;
	[sflag:s28] =	ssyncadd.s32 $0xFFFFFFD8  }
0x46: {  	_ =	swait.ge @!p5 [sflag:s16], $0x1400  }
0x47: {  	[sflag:s16] =	ssyncset.done @!p5 $0x0  }
0x48: {  	[sflag:s16] =	ssyncadd.s32 @!p5 $0xFFFFEC00;
	s16 =	simm.s32 $0x0  }
0x49: {  	v0 =	vld [tilespmem:s16+$0x3170]  }
0x4a: {  	v1 =	vld [tilespmem:s16+$0x970]  }
0x4b: {  	v2 =	vld [tilespmem:s16+$0x3100]  }
0x4c: {  	v3 =	vld [tilespmem:s16+$0x900]  }
0x4d: {  	v4 =	vld [tilespmem:s16+$0x3110]  }
0x4e: {  	v5 =	vld [tilespmem:s16+$0x910]  }
0x4f: {  	v6 =	vld [tilespmem:s16+$0x3120]  }
0x50: {  	v7 =	vld [tilespmem:s16+$0x3130]  }
0x51: {  	v0 =	vmul.f32 v1, v0;
	v1 =	vld [tilespmem:s16+$0x920]  }
0x52: {  	v8 =	vld [tilespmem:s16+$0x930]  }
0x53: {  	v9 =	vld [tilespmem:s16+$0x940];
	v2 =	vmul.f32 v3, v2  }
0x54: {  	[tilespmem:s16+$0x5970] =	vst v0;
	v0 =	vmul.f32 v5, v4;
	v5 =	vld [tilespmem:s16+$0x3140]  }
0x55: {  	v3 =	vld [tilespmem:s16+$0x950];
	[tilespmem:s16+$0x5900] =	vst v2  }
0x56: {  	v2 =	vld [tilespmem:s16+$0x3150];
	[tilespmem:s16+$0x5910] =	vst v0;
	v0 =	vmul.f32 v1, v6  }
0x57: {  	v4 =	vld [tilespmem:s16+$0x960];
	v6 =	vmul.f32 v8, v7  }
0x58: {  	s17 =	simm.s32 $0x80;
	[tilespmem:s16+$0x5920] =	vst v0;
	v0 =	vld [tilespmem:s16+$0x3160]  }
0x59: {  	s18 =	simm.s32 $0x400;
	v5 =	vmul.f32 v9, v5;
	v1 =	vld [tilespmem:s17+$0x3170];
	[tilespmem:s16+$0x5930] =	vst v6  }
.LBB2_3:
0x5a: {  	p5 =	sne.s32 s18, $0x4E00;
	v6 =	vld [tilespmem:s17+$0x970]  }
0x5b: {  	v7 =	vld [tilespmem:s17+$0x3100];
	[tilespmem:s16+$0x5940] =	vst v5;
	v2 =	vmul.f32 v3, v2  }
0x5c: {  	v3 =	vld [tilespmem:s17+$0x900]  }
0x5d: {  	v5 =	vld [tilespmem:s17+$0x3110];
	[tilespmem:s16+$0x5950] =	vst v2;
	v0 =	vmul.f32 v4, v0  }
0x5e: {  	v2 =	vld [tilespmem:s17+$0x910]  }
0x5f: {  	v4 =	vld [tilespmem:s17+$0x3120];
	v1 =	vmul.f32 v6, v1;
	[tilespmem:s16+$0x5960] =	vst v0;
	s16 =	smov.u32 s17  }
0x60: {  	v0 =	vld [tilespmem:s16+$0x920]  }
0x61: {  	v3 =	vmul.f32 v3, v7;
	v6 =	vld [tilespmem:s16+$0x3130];
	[tilespmem:s16+$0x5970] =	vst v1  }
0x62: {  	v1 =	vld [tilespmem:s16+$0x930]  }
0x63: {  	[tilespmem:s16+$0x5900] =	vst v3;
	v2 =	vmul.f32 v2, v5;
	v5 =	vld [tilespmem:s16+$0x3140]  }
0x64: {  	v7 =	vld [tilespmem:s16+$0x940]  }
.Ltmp2:
0x65: {  	[tilespmem:s16+$0x5910] =	vst v2;
	v0 =	vmul.f32 v0, v4;
	v2 =	vld [tilespmem:s16+$0x3150];
	(pc) =	sbr.rel @p5 .LBB2_3-.Ltmp2, $4  }
0x66: {  	v3 =	vld [tilespmem:s16+$0x950]  }
0x67: {  	[tilespmem:s16+$0x5920] =	vst v0;
	v6 =	vmul.f32 v1, v6;
	v0 =	vld [tilespmem:s16+$0x3160]  }
0x68: {  	s17 =	sshra.s32 s18, $0x2;
	v4 =	vld [tilespmem:s16+$0x960]  }
0x69: {  	s18 =	sadd.s32 $0x200, s18;
	v1 =	vld [tilespmem:s17+$0x3170];
	[tilespmem:s16+$0x5930] =	vst v6;
	v5 =	vmul.f32 v7, v5  }
0x6a: {  	v6 =	vld [tilespmem:s17+$0x970]  }
0x6b: {  	v7 =	vld [tilespmem:s17+$0x3100];
	[tilespmem:s16+$0x5940] =	vst v5;
	v2 =	vmul.f32 v3, v2  }
0x6c: {  	v3 =	vld [tilespmem:s17+$0x900]  }
0x6d: {  	v5 =	vld [tilespmem:s17+$0x3110];
	[tilespmem:s16+$0x5950] =	vst v2;
	v0 =	vmul.f32 v4, v0  }
0x6e: {  	v2 =	vld [tilespmem:s17+$0x910]  }
0x6f: {  	v4 =	vld [tilespmem:s17+$0x3120];
	[tilespmem:s16+$0x5960] =	vst v0  }
0x70: {  	v0 =	vmul.f32 v6, v1;
	v1 =	vld [tilespmem:s17+$0x920]  }
0x71: {  	v6 =	vld [tilespmem:s17+$0x3130]  }
0x72: {  	v3 =	vmul.f32 v3, v7;
	[tilespmem:s17+$0x5970] =	vst v0;
	v0 =	vld [tilespmem:s17+$0x930]  }
0x73: {  	v7 =	vld [tilespmem:s17+$0x960]  }
0x74: {  	[tilespmem:s17+$0x5900] =	vst v3;
	v2 =	vmul.f32 v2, v5;
	v3 =	vld [tilespmem:s17+$0x3140]  }
0x75: {  	v5 =	vld [tilespmem:s17+$0x940]  }
0x76: {  	[tilespmem:s17+$0x5910] =	vst v2;
	v1 =	vmul.f32 v1, v4;
	v2 =	vld [tilespmem:s17+$0x3150]  }
0x77: {  	v4 =	vld [tilespmem:s17+$0x950]  }
0x78: {  	[tilespmem:s17+$0x5920] =	vst v1;
	v1 =	vld [tilespmem:s17+$0x3160];
	_ =	sdelay $0x1  }
0x79: {  	v0 =	vmul.f32 v0, v6  }
0x7a: {  	v3 =	vmul.f32 v5, v3  }
0x7b: {  	[tilespmem:s17+$0x5930] =	vst v0;
	v0 =	vmul.f32 v4, v2  }
0x7c: {  	[tilespmem:s17+$0x5940] =	vst v3;
	v1 =	vmul.f32 v7, v1  }
0x7d: {  	[tilespmem:s17+$0x5950] =	vst v0  }
0x7e: {  	p5 =	seq.s32 s15, $0x18;
	[tilespmem:s17+$0x5960] =	vst v1  }
0x7f: {  	[spmem:s4] =	stream.indirect.scatter.add.f32 [tilespmem:s9], [sflag:$0x5], $0x80, s29, s25, $0xb8;
	[tilespmem:$0x1A580] =	vst v63  }
0x80: {  	s0 =	sadd.s32 @!p5 $0x50, s0;
	s16 =	simm.s32 @!p5 $0x28;
	s17 =	simm.s32 @!p5 $0x3100  }
0x81: {  	[tilespmem:s17], [sflag:$0x1] =	stream.indirect.gather @!p5 [hbm4b:s2+s16], $0x80, s0, s16, $0xb8;
	[tilespmem:$0x1A580] =	vst v63  }
0x82: {  	s16 =	sadd.s32 @!p5 s3, s0  }
0x83: {  	s18 =	simm.s32 @!p5 $0x900;
	s0 =	sadd.s32 @!p5 s6, s0;
	s16 =	sshll.u32 @!p5 s16, $0x4  }
0x84: {  	s17 =	simm.s32 @!p5 $0x0;
	s0 =	sshrl.u32 @!p5 s0, $0x3;
	s16 =	sadd.s32 @!p5 s7, s16  }
0x85: {  	[tilespmem:s18], [sflag:$0x3] =	stream.linear.gather @!p5 [hbm4b:s16+s17], $0x1400, $0x38;
	[tilespmem:$0x1A580] =	vst v63  }
0x86: {  	s0 =	sadd.s32 @!p5 s8, s0;
	s16 =	simm.s32 @!p5 $0x800  }
0x87: {  	[tilespmem:s16], [sflag:$0x3] =	stream.linear.gather @!p5 [hbm4b:s0+s17], $0x28, $0x38;
	[tilespmem:$0x1A580] =	vst v63  }
0x88: {  	_ =	swait.ge [sflag:s11], $0x1400  }
0x89: {  	[sflag:s11] =	ssyncset.done $0x0  }
0x8a: {  	[sflag:s11] =	ssyncadd.s32 $0xFFFFEC00  }
0x8b: {  	_ =	swait.ge [sflag:s10], $0x1400  }
0x8c: {  	[sflag:s10] =	ssyncset.done $0x0  }
0x8d: {  	[sflag:s10] =	ssyncadd.s32 $0xFFFFEC00  }
0x8e: {  	_ =	swait.ge [sflag:s10], $0x28  }
0x8f: {  	[sflag:s10] =	ssyncset.done $0x0  }
0x90: {  	[sflag:s10] =	ssyncadd.s32 $0xFFFFFFD8  }
0x91: {  	_ =	swait.ge [sflag:s12], $0x1400  }
0x92: {  	[sflag:s12] =	ssyncset.done $0x0  }
0x93: {  	s0 =	simm.s32 $0x0;
	[sflag:s12] =	ssyncadd.s32 $0xFFFFEC00  }
0x94: {  	v0 =	vld [tilespmem:s0+$0x4570]  }
0x95: {  	v1 =	vld [tilespmem:s0+$0x1D70]  }
0x96: {  	v2 =	vld [tilespmem:s0+$0x4500]  }
0x97: {  	v3 =	vld [tilespmem:s0+$0x1D00]  }
0x98: {  	v4 =	vld [tilespmem:s0+$0x4510]  }
0x99: {  	v5 =	vld [tilespmem:s0+$0x1D10]  }
0x9a: {  	v6 =	vld [tilespmem:s0+$0x4520]  }
0x9b: {  	v7 =	vld [tilespmem:s0+$0x4530]  }
0x9c: {  	v0 =	vmul.f32 v1, v0;
	v1 =	vld [tilespmem:s0+$0x1D20]  }
0x9d: {  	v8 =	vld [tilespmem:s0+$0x1D30]  }
0x9e: {  	v9 =	vld [tilespmem:s0+$0x1D40];
	v2 =	vmul.f32 v3, v2  }
0x9f: {  	[tilespmem:s0+$0x5970] =	vst v0;
	v0 =	vmul.f32 v5, v4;
	v5 =	vld [tilespmem:s0+$0x4540]  }
0xa0: {  	v3 =	vld [tilespmem:s0+$0x1D50];
	[tilespmem:s0+$0x5900] =	vst v2  }
0xa1: {  	v2 =	vld [tilespmem:s0+$0x4550];
	[tilespmem:s0+$0x5910] =	vst v0;
	v0 =	vmul.f32 v1, v6  }
0xa2: {  	v4 =	vld [tilespmem:s0+$0x1D60];
	v6 =	vmul.f32 v8, v7  }
0xa3: {  	s16 =	simm.s32 $0x80;
	[tilespmem:s0+$0x5920] =	vst v0;
	v0 =	vld [tilespmem:s0+$0x4560]  }
0xa4: {  	s17 =	simm.s32 $0x400;
	v5 =	vmul.f32 v9, v5;
	v1 =	vld [tilespmem:s16+$0x4570];
	[tilespmem:s0+$0x5930] =	vst v6  }
.LBB2_5:
0xa5: {  	p5 =	sne.s32 s17, $0x4E00;
	v6 =	vld [tilespmem:s16+$0x1D70]  }
0xa6: {  	v7 =	vld [tilespmem:s16+$0x4500];
	[tilespmem:s0+$0x5940] =	vst v5;
	v2 =	vmul.f32 v3, v2  }
0xa7: {  	v3 =	vld [tilespmem:s16+$0x1D00]  }
0xa8: {  	v5 =	vld [tilespmem:s16+$0x4510];
	[tilespmem:s0+$0x5950] =	vst v2;
	v0 =	vmul.f32 v4, v0  }
0xa9: {  	v2 =	vld [tilespmem:s16+$0x1D10]  }
0xaa: {  	v4 =	vld [tilespmem:s16+$0x4520];
	v1 =	vmul.f32 v6, v1;
	[tilespmem:s0+$0x5960] =	vst v0;
	s0 =	smov.u32 s16  }
0xab: {  	v0 =	vld [tilespmem:s0+$0x1D20]  }
0xac: {  	v3 =	vmul.f32 v3, v7;
	v6 =	vld [tilespmem:s0+$0x4530];
	[tilespmem:s0+$0x5970] =	vst v1  }
0xad: {  	v1 =	vld [tilespmem:s0+$0x1D30]  }
0xae: {  	[tilespmem:s0+$0x5900] =	vst v3;
	v2 =	vmul.f32 v2, v5;
	v5 =	vld [tilespmem:s0+$0x4540]  }
0xaf: {  	v7 =	vld [tilespmem:s0+$0x1D40]  }
.Ltmp3:
0xb0: {  	[tilespmem:s0+$0x5910] =	vst v2;
	v0 =	vmul.f32 v0, v4;
	v2 =	vld [tilespmem:s0+$0x4550];
	(pc) =	sbr.rel @p5 .LBB2_5-.Ltmp3, $4  }
0xb1: {  	v3 =	vld [tilespmem:s0+$0x1D50]  }
0xb2: {  	[tilespmem:s0+$0x5920] =	vst v0;
	v6 =	vmul.f32 v1, v6;
	v0 =	vld [tilespmem:s0+$0x4560]  }
0xb3: {  	s16 =	sshra.s32 s17, $0x2;
	v4 =	vld [tilespmem:s0+$0x1D60]  }
0xb4: {  	s17 =	sadd.s32 $0x200, s17;
	v1 =	vld [tilespmem:s16+$0x4570];
	[tilespmem:s0+$0x5930] =	vst v6;
	v5 =	vmul.f32 v7, v5  }
0xb5: {  	v6 =	vld [tilespmem:s16+$0x1D70]  }
0xb6: {  	v7 =	vld [tilespmem:s16+$0x4500];
	[tilespmem:s0+$0x5940] =	vst v5;
	v2 =	vmul.f32 v3, v2  }
0xb7: {  	v51 =	vld [tilespmem:s16+$0x1D00]  }
0xb8: {  	v5 =	vld [tilespmem:s16+$0x4510];
	[tilespmem:s0+$0x5950] =	vst v2;
	v0 =	vmul.f32 v4, v0  }
0xb9: {  	v2 =	vld [tilespmem:s16+$0x1D10]  }
0xba: {  	v52 =	vld [tilespmem:s16+$0x4520];
	[tilespmem:s0+$0x5960] =	vst v0  }
0xbb: {  	v54 =	vld [tilespmem:s16+$0x1D20]  }
0xbc: {  	v55 =	vld [tilespmem:s16+$0x4530]  }
0xbd: {  	v56 =	vld [tilespmem:s16+$0x1D30]  }
0xbe: {  	v57 =	vld [tilespmem:s16+$0x4540]  }
0xbf: {  	v58 =	vld [tilespmem:s16+$0x1D40]  }
0xc0: {  	v59 =	vld [tilespmem:s16+$0x4550]  }
0xc1: {  	v53 =	vmul.f32 v6, v1;
	v60 =	vld [tilespmem:s16+$0x1D50]  }
0xc2: {  	v61 =	vld [tilespmem:s16+$0x4560];
	v3 =	vmul.f32 v51, v7  }
0xc3: {  	v62 =	vld [tilespmem:s16+$0x1D60];
	[tilespmem:s16+$0x5970] =	vst v53;
	v2 =	vmul.f32 v2, v5  }
0xc4: {  	[tilespmem:s16+$0x5900] =	vst v3;
	v1 =	vmul.f32 v54, v52  }
0xc5: {  	s15 =	sadd.s32 $0x1, s15;
	[tilespmem:s16+$0x5910] =	vst v2;
	v0 =	vmul.f32 v56, v55  }
0xc6: {  	p5 =	sne.s32 s15, $0x19;
	v3 =	vmul.f32 v58, v57;
	[tilespmem:s16+$0x5920] =	vst v1  }
.Ltmp4:
0xc7: {  	v63 =	vmul.f32 v60, v59;
	[tilespmem:s16+$0x5930] =	vst v0;
	(pc) =	sbr.rel @p5 .LBB2_2-.Ltmp4, $4  }
0xc8: {  	[tilespmem:s16+$0x5940] =	vst v3;
	v1 =	vmul.f32 v62, v61  }
0xc9: {  	[tilespmem:s16+$0x5950] =	vst v63  }
0xca: {  	[tilespmem:s16+$0x5960] =	vst v1  }
0xcb: {  	[spmem:s4] =	stream.indirect.scatter.add.f32 [tilespmem:s9], [sflag:$0x5], $0x80, s1, s25, $0xb8;
	[tilespmem:$0x1A580] =	vst v63  }
0xcc: {  	_ =	swait.ge [sflag:s12], $0x1400  }
0xcd: {  	s17 =	stileid.u32;
	[sflag:s12] =	ssyncset.done $0x0  }
0xce: {  	s15 =	sshrl.u32 @p1 s13, $0x3;
	p5 =	por @!p4 $0x1, $0x1;
	[sflag:s12] =	ssyncadd.s32 $0xFFFFEC00  }
0xcf: {  	p6 =	por p2, p2;
	s0 =	sshll.u32 @p1 s17, $0x6;
	[bflag:$0x0] =	sbarrier.arrive $0xFFFF  }
0xd0: {  	p6 =	por @!p4 p5, p5;
	s0 =	sor.u32 @p1 $0x1C06, s0;
	s16 =	rddreg [dreg:$0xc]  }
0xd1: {  	[hbm:s16], [sflag:s0] =	dma.local @p1 [spmem:s15], $0x2700  }
0xd2: {  	p5 =	por @!p3 !p6, !p0;
	s0 =	simm.s32 @p1 $0x6  }
0xd3: {  	p5 =	por @!p3 !p5, !p5;
	_ =	swait.ge @p1 [sflag:s0], $0x2700  }
0xd4: {  	p5 =	por p3, p5;
	s15 =	sshll.u32 @!p4 s17, $0x6;
	[sflag:s0] =	ssyncset.done @p1 $0x0  }
0xd5: {  	[sflag:s0] =	ssyncadd.s32 @p1 $0xFFFFD900;
	s0 =	sor.u32 @!p4 $0x1C06, s15;
	s15 =	sshrl.u32 @!p4 s13, $0x3  }
0xd6: {  	[hbm:s19], [sflag:s0] =	dma.local @!p4 [spmem:s15], $0x2700  }
.Ltmp5:
0xd7: {  	_ = 	snop;
	(pc) =	sbr.rel @!p5 .LBB2_9-.Ltmp5, $4  }
0xd8: {  	s0 =	simm.s32 @!p4 $0x6  }
0xd9: {  	_ =	swait.ge @!p4 [sflag:s0], $0x2700  }
0xda: {  	[sflag:s0] =	ssyncset.done @!p4 $0x0  }
0xdb: {  	s16 =	stileid.u32;
	[sflag:s0] =	ssyncadd.s32 @!p4 $0xFFFFD900  }
0xdc: {  	s0 =	rddreg [dreg:$0x5]  }
0xdd: {  	s15 =	rddreg [dreg:$0x4]  }
0xde: {  	s18 =	rddreg [dreg:$0x6];
	s17 =	simm.s32 $0x1FC6;
	s0 =	smov.u32 @p3 s15  }
.Ltmp6:
0xdf: {  	s15 =	sshrl.u32 s18, $0x3;
	s0 =	sadd.s32 $0x24900, s0;
	(pc) =	sbr.rel .LBB2_9-.Ltmp6, $4  }
0xe0: {  	[hbm:s0], [sflag:s17] =	dma.local [spmem:s15], $0x2800  }
0xe1: {  	_ =	swait.ge [sflag:s24], $0x2800  }
0xe2: {  	[sflag:s24] =	ssyncset.done $0x0  }
0xe3: {  	[sflag:s24] =	ssyncadd.s32 $0xFFFFD800  }
.LBB2_10:
0xe4: {  	_ =	sfence.sel $0x180000  }
0xe5: {  	[bflag:$0x0] =	sbarrier.arrive $0xFFFF  }
0xe6: {  	_ =	strace $0x9000004D  }
0xe7: {  	[bflag:$0x2] =	sbarrier.arrive $0xFFFF  }
0xe8: {  	p0 =	sne.s32 s16, $0x0;
	s0 =	rddreg [dreg:$0x3]  }
0xe9: {  	s0 =	sadd.s32 @!p0 $0x100000, s0  }
0xea: {  	[sflag:s0] =	ssyncadd.tile.s32 @!p0 $0x1;
	_ =	shalt  }
.Lfunc_end2:
_tile_overlayer_lowered:
.L_overlay_start_2:
0xeb: {  	(tag) =	ssettag $0x2  }
0xec: {  	s0 =	rddreg [dreg:$0x0];
	s2 =	stileid.u32  }
0xed: {  	s1 =	rddreg [dreg:$0x1];
	p0 =	sne.s32 s2, $0x0  }
0xee: {  	s3 =	rddreg [dreg:$0x2];
	[bflag:$0x3] =	sbarrier.arrive $0xFFFF;
	s2 =	simm.s32 @!p0 $0x1C06  }
0xef: {  	[timem:s3], [sflag:s2] =	dma.local @!p0 [hbm:s0], s1  }
0xf0: {  	s0 =	simm.s32 @!p0 $0x6  }
0xf1: {  	_ =	swait.ge @!p0 [sflag:s0], s1  }
0xf2: {  	s1 =	ssub.s32 @!p0 $0x0, s1;
	[sflag:s0] =	ssyncset.done @!p0 $0x0  }
0xf3: {  	[sflag:s0] =	ssyncadd.s32 @!p0 s1  }
0xf4: {  	[bflag:$0x3] =	sbarrier.arrive $0xFFFF  }
0xf5: {  	_ =	shalt  }

// kernel: kernel.23.cloned.1.call-start
scs
__scs_entry_jumppad:
0x0: {  	(pc) =	sbr.rel $0x88, $3  }
0x1: {  	(tag) =	ssettag $0x0;
	lr =	simm.s32 $0x1  }
0x2: {  	[smem:$0x3F94] =	sst lr;
	_ =	strace $0xD0000000  }
0x3: {  	_ = 	snop  }
0x4: {  	_ = 	snop  }
0x5: {  	_ = 	snop  }
0x6: {  	_ = 	snop  }
0x7: {  	_ = 	snop  }
__scs_overlays_trampoline_lowered:
0x8: {  	[smem:$0x3FA3] =	sst s0  }
0x9: {  	[smem:$0x3FA4] =	sst s1  }
0xa: {  	[smem:$0x3FA5] =	sst s2  }
0xb: {  	[smem:$0x3FA6] =	sst s3  }
0xc: {  	[smem:$0x3FA7] =	sst s4  }
0xd: {  	[smem:$0x3FA8] =	sst s5  }
0xe: {  	[smem:$0x3FA9] =	sst s6  }
0xf: {  	[smem:$0x3FAA] =	sst s7  }
0x10: {  	[smem:$0x3FAB] =	sst s8  }
0x11: {  	[smem:$0x3FAC] =	sst s9;
	s0 =	simm.s32 @!p0 $0x0  }
0x12: {  	s1 =	sld [smem:$0x3F92];
	s0 =	simm.s32 @p0 $0x1  }
0x13: {  	[smem:$0x3FAD] =	sst s0;
	s0 =	simm.s32 @!p1 $0x0  }
0x14: {  	s2 =	sld [smem:$0x3F91];
	s0 =	simm.s32 @p1 $0x1  }
0x15: {  	[smem:$0x3FAE] =	sst s0;
	s0 =	simm.s32 @!p2 $0x0  }
0x16: {  	s3 =	sld [smem:$0x3FDB];
	s0 =	simm.s32 @p2 $0x1  }
0x17: {  	s4 =	simm.s32 $0x1BF5;
	[smem:$0x3FB0] =	sst s0  }
0x18: {  	s0 =	sld [smem:$0x3F93];
	_ =	swait.ge [sflag:s4], $0x0  }
0x19: {  	s7 =	sld [smem:$0x3F94]  }
0x1a: {  	s8 =	sadd.s32 $0xFFFFE003, lr  }
0x1b: {  	s9 =	sadd.s32 $0xFFFFFEF7, lr;
	s5 =	simm.s32 $0xFFFFFFFF;
	p2 =	slt.u32 s8, $0xFFFFF086  }
0x1c: {  	p1 =	slt.u32 s9, $0xF7A;
	s5 =	simm.s32 @!p2 $0x0  }
0x1d: {  	s5 =	simm.s32 @p1 $0x1;
	p0 =	seq.s32 s7, s2  }
0x1e: {  	s7 =	smul.u32 @!p0 $0xF7A, s2;
	p2 =	seq.s32 @!p0 s5, $0x0  }
0x1f: {  	s9 =	smul.u32 $0xF7A, s1;
	s8 =	simm.s32 @!p0 $0x1BF5;
	p2 =	por !p2, p0  }
0x20: {  	[sflag:s8] =	ssyncset.s32 @!p0 $0xFFFFF086;
	s6 =	sadd.s32 @!p0 s3, s7;
	s7 =	simm.s32 @!p0 $0x108  }
0x21: {  	s3 =	sadd.s32 s3, s9;
	s6 =	sadd.s32 @!p0 $0x88, s6;
	s7 =	simm.s32 @p2 $0x1082  }
0x22: {  	[simem:s7], [sflag:s8] =	dma.local @!p0 [hbm:s6], $0xF7A  }
0x23: {  	s9 =	sor.u32 $0xD0000000, s2;
	s6 =	simm.s32 $0x108;
	_ =	swait.ge @!p0 [sflag:s8], $0x0  }
0x24: {  	s3 =	sadd.s32 $0x88, s3;
	s6 =	simm.s32 @!p1 $0x1082;
	[sflag:s4] =	ssyncset.s32 $0xFFFFF086  }
0x25: {  	[simem:s6], [sflag:s4] =	dma.local [hbm:s3], $0xF7A  }
0x26: {  	[smem:$0x3F94] =	sst s1;
	(tag) =	ssettag s2;
	_ =	strace s9  }
0x27: {  	s1 =	sld [smem:$0x3FA4]  }
0x28: {  	s2 =	sld [smem:$0x3FA5]  }
0x29: {  	s4 =	sld [smem:$0x3FA7]  }
0x2a: {  	p0 =	seq.s32 s5, $0x0;
	s5 =	sld [smem:$0x3FA8]  }
0x2b: {  	s6 =	sld [smem:$0x3FA9]  }
0x2c: {  	s7 =	sld [smem:$0x3FAA]  }
0x2d: {  	s3 =	simm.s32 $0x108;
	s8 =	sld [smem:$0x3FAB]  }
0x2e: {  	s3 =	simm.s32 @!p0 $0x1082;
	s9 =	sld [smem:$0x3FAC]  }
0x2f: {  	lr =	sadd.s32 s0, s3;
	s0 =	sld [smem:$0x3FA3]  }
0x30: {  	s3 =	sld [smem:$0x3FA6]  }
0x31: {  	[smem:$0x3FAF] =	sst s10  }
0x32: {  	s10 =	sld [smem:$0x3FAD];
	_ =	sdelay $0x3  }
0x33: {  	p0 =	seq.s32 s10, $0x1;
	s10 =	sld [smem:$0x3FAF];
	_ =	sdelay $0x3  }
0x34: {  	[smem:$0x3FAF] =	sst s10  }
0x35: {  	s10 =	sld [smem:$0x3FAE];
	_ =	sdelay $0x3  }
0x36: {  	p1 =	seq.s32 s10, $0x1;
	s10 =	sld [smem:$0x3FAF];
	_ =	sdelay $0x3  }
0x37: {  	[smem:$0x3FAF] =	sst s10  }
0x38: {  	s10 =	sld [smem:$0x3FB0]  }
0x39: {  	_ = 	snop;
	(pc) =	sbr.ind lr, $3  }
0x3a: {  	_ = 	snop  }
0x3b: {  	_ = 	snop  }
0x3c: {  	p2 =	seq.s32 s10, $0x1;
	s10 =	sld [smem:$0x3FAF]  }
0x3d: {  	_ =	shalt  }
0x3e: {  	_ =	shalt  }
0x3f: {  	_ =	shalt  }
0x40: {  	_ =	shalt  }
0x41: {  	_ =	shalt  }
0x42: {  	_ =	shalt  }
0x43: {  	_ =	shalt  }
0x44: {  	_ =	shalt  }
0x45: {  	_ =	shalt  }
0x46: {  	_ =	shalt  }
0x47: {  	_ =	shalt  }
0x48: {  	_ =	shalt  }
0x49: {  	_ =	shalt  }
0x4a: {  	_ =	shalt  }
0x4b: {  	_ =	shalt  }
0x4c: {  	_ =	shalt  }
0x4d: {  	_ =	shalt  }
0x4e: {  	_ =	shalt  }
0x4f: {  	_ =	shalt  }
0x50: {  	_ =	shalt  }
0x51: {  	_ =	shalt  }
0x52: {  	_ =	shalt  }
0x53: {  	_ =	shalt  }
0x54: {  	_ =	shalt  }
0x55: {  	_ =	shalt  }
0x56: {  	_ =	shalt  }
0x57: {  	_ =	shalt  }
0x58: {  	_ =	shalt  }
0x59: {  	_ =	shalt  }
0x5a: {  	_ =	shalt  }
0x5b: {  	_ =	shalt  }
0x5c: {  	_ =	shalt  }
0x5d: {  	_ =	shalt  }
0x5e: {  	_ =	shalt  }
0x5f: {  	_ =	shalt  }
0x60: {  	_ =	shalt  }
0x61: {  	_ =	shalt  }
0x62: {  	_ =	shalt  }
0x63: {  	_ =	shalt  }
0x64: {  	_ =	shalt  }
0x65: {  	_ =	shalt  }
0x66: {  	_ =	shalt  }
0x67: {  	_ =	shalt  }
0x68: {  	_ =	shalt  }
0x69: {  	_ =	shalt  }
0x6a: {  	_ =	shalt  }
0x6b: {  	_ =	shalt  }
0x6c: {  	_ =	shalt  }
0x6d: {  	_ =	shalt  }
0x6e: {  	_ =	shalt  }
0x6f: {  	_ =	shalt  }
0x70: {  	_ =	shalt  }
0x71: {  	_ =	shalt  }
0x72: {  	_ =	shalt  }
0x73: {  	_ =	shalt  }
0x74: {  	_ =	shalt  }
0x75: {  	_ =	shalt  }
0x76: {  	_ =	shalt  }
0x77: {  	_ =	shalt  }
0x78: {  	_ =	shalt  }
0x79: {  	_ =	shalt  }
0x7a: {  	_ =	shalt  }
0x7b: {  	_ =	shalt  }
0x7c: {  	_ =	shalt  }
0x7d: {  	_ =	shalt  }
0x7e: {  	_ =	shalt  }
0x7f: {  	_ =	shalt  }
0x80: {  	_ =	shalt  }
0x81: {  	_ =	shalt  }
0x82: {  	_ =	shalt  }
0x83: {  	_ =	shalt  }
0x84: {  	_ =	shalt  }
0x85: {  	_ =	shalt  }
0x86: {  	_ =	shalt  }
0x87: {  	_ =	shalt  }
.Lfunc_end0:
.L_simem_size_0:
called_computation.3_lowered:
.L_overlay_start_0:
0x88: {  	s2 =	sld [smem:$0x3FD9]  }
0x89: {  	s3 =	sld [smem:$0x3FFE];
	_ =	sdelay $0x1  }
0x8a: {  	s1 =	srdreg.scid  }
0x8b: {  	s0 =	sand.u32 $0x1, s1  }
0x8c: {  	s17 =	sshll.u32 s0, $0xA;
	s2 =	sadd.s32 s3, s2  }
0x8d: {  	s2 =	sadd.s32 s2, s17  }
0x8e: {  	[smem:$0x3FBB] =	sst s2  }
0x8f: {  	_ = 	snop  }
0x90: {  	s18 =	sld [smem:$0x3FD0];
	(tm) =	ssettm $0x1  }
0x91: {  	s19 =	sld [smem:$0x3FFB];
	_ =	sdelay $0x3  }
0x92: {  	_ =	strace s19  }
0x93: {  	s2 =	sld [smem:$0x3FFC];
	_ =	sdelay $0x3  }
0x94: {  	_ =	strace s2  }
0x95: {  	s2 =	sld [smem:$0x3FFD];
	_ =	sdelay $0x3  }
0x96: {  	_ =	strace s2  }
0x97: {  	_ =	strace $0x8FFFFFFF  }
0x98: {  	s20 =	sld [smem:$0x3FDB];
	_ =	sdelay $0x1  }
0x99: {  	s4 =	simm.s32 $_scs_section_size  }
0x9a: {  	s5 =	simm.s32 $_size__tile_overlayer_lowered;
	s6 =	simm.s32 $_tile_overlayer_lowered  }
0x9b: {  	s7 =	simm.s32 $0x1BFF;
	s21 =	sshll.u32 s6, $0x1;
	s4 =	sadd.s32 s4, s20  }
0x9c: {  	s22 =	simm.s32 $0x0;
	s5 =	sshll.u32 s5, $0x1;
	s6 =	sadd.s32 s21, s4  }
0x9d: {  	[timem:s22], [sflag:s7] =	dma.local [hbm:s6], s5  }
0x9e: {  	_ =	swait.ge [sflag:s7], s5  }
0x9f: {  	s5 =	ssub.s32 $0x0, s5;
	[sflag:s7] =	ssyncset.done $0x0  }
0xa0: {  	[sflag:s7] =	ssyncadd.s32 s5;
	_ =	sdelay $0x1  }
0xa1: {  	s23 =	simm.s32 $0x1B8B  }
0xa2: {  	_ =	swait.ge [sflag:s23], $0x1  }
0xa3: {  	[sflag:s23] =	ssyncset.done $0x0  }
0xa4: {  	[sflag:s23] =	ssyncadd.s32 $0xFFFFFFFF  }
0xa5: {  	s5 =	sld [smem:$0x0]  }
0xa6: {  	s6 =	sand.u32 $0xFFFFFFFE, s1  }
0xa7: {  	p0 =	sne.s32 s1, s6  }
0xa8: {  	s6 =	sshll.u32 @p0 s6, $0xE  }
0xa9: {  	s6 =	sadd.s32 @p0 $0x11B8D, s6;
	s7 =	sshll.u32 @p0 s5, $0x11  }
0xaa: {  	s6 =	sor.u32 @p0 s7, s6  }
0xab: {  	[sflag:s6] =	ssyncadd.remote.s32 @p0 $0x1;
	_ =	sdelay $0x1  }
0xac: {  	s6 =	simm.s32 @p0 $0x1B8D  }
0xad: {  	_ =	swait.eq @p0 [sflag:s6], $0x1  }
0xae: {  	[sflag:s6] =	ssyncadd.s32 @p0 $0xFFFFFFFF  }
0xaf: {  	s7 =	sshll.u32 @!p0 s1, $0xE  }
0xb0: {  	s7 =	sor.u32 @!p0 $0x4000, s7;
	s6 =	simm.s32 @!p0 $0x1B8D  }
0xb1: {  	s5 =	sshll.u32 @!p0 s5, $0x11;
	s7 =	sadd.s32 @!p0 $0x11B8D, s7;
	_ =	swait.eq @!p0 [sflag:s6], $0x1  }
0xb2: {  	s5 =	sor.u32 @!p0 s5, s7;
	[sflag:s6] =	ssyncadd.s32 @!p0 $0xFFFFFFFF  }
0xb3: {  	s25 =	simm.s32 $0x1B8E;
	s24 =	sld [smem:$0x3FFE];
	[sflag:s5] =	ssyncadd.remote.s32 @!p0 $0x1  }
0xb4: {  	s26 =	simm.s32 $execute0_lowered;
	[smem:$0x3FD2] =	sst s25  }
0xb5: {  	s6 =	sshll.u32 s26, $0x1;
	_ =	strace $0x80000049;
	[dreg:$0x1] =	wrdreg $0xFFFFFFFF  }
0xb6: {  	s28 =	simm.s32 $_size_execute0_lowered;
	s4 =	sadd.s32 s4, s6;
	[dreg:$0x0] =	wrdreg $0x0  }
0xb7: {  	s6 =	sshll.u32 s28, $0x1;
	[dreg:$0x2] =	wrdreg s4  }
0xb8: {  	[dreg:$0x3] =	wrdreg s6  }
0xb9: {  	[dreg:$0x4] =	wrdreg $0xC0  }
0xba: {  	_ =	task [dreg:s22], $0x5FFFF  }
0xbb: {  	[dreg:$0x1] =	wrdreg $0xFFFFFFFF  }
0xbc: {  	[dreg:$0x0] =	wrdreg $0x60  }
0xbd: {  	[dreg:$0x2] =	wrdreg s18  }
0xbe: {  	[dreg:$0x3] =	wrdreg s24  }
0xbf: {  	[dreg:$0x4] =	wrdreg $0x6D000  }
0xc0: {  	[dreg:$0x5] =	wrdreg $0xC  }
0xc1: {  	_ =	task.clear_ibuf [dreg:s22], $0x6FFFF;
	_ =	strace $0x90000049  }
0xc2: {  	s29 =	simm.s32 $0xC;
	_ =	strace $0x8000004B  }
0xc3: {  	_ =	swait.ge [sflag:s29], $0x1  }
0xc4: {  	[sflag:s29] =	ssyncadd.s32 $0xFFFFFFFF  }
0xc5: {  	_ =	strace $0x9000004B  }
0xc6: {  	_ =	sfence  }
0xc7: {  	s30 =	sld [smem:$0x0];
	_ =	sdelay $0x2  }
0xc8: {  	s31 =	sshll.u32 s1, $0xD;
	s1 =	sshrl.u32 s1, $0x2  }
0xc9: {  	s4 =	sand.u32 $0x4000, s31;
	s1 =	sadd.s32 s1, s30  }
0xca: {  	s0 =	sor.u32 s4, s0;
	s1 =	sshll.u32 s1, $0x11  }
0xcb: {  	s0 =	sor.u32 s1, s0  }
0xcc: {  	s0 =	sadd.s32 $0x8F2B, s0  }
0xcd: {  	[sflag:s0] =	ssyncadd.remote.s32 $0x1  }
0xce: {  	_ =	sfence.sel $0xFFFF  }
0xcf: {  	[dreg:$0x0] =	wrdreg $0xFFFFFFFF;
	(pc) =	sbr.abs _section_cstart, $3  }
0xd0: {  	[dreg:$0x1] =	wrdreg $0xFFFFFFFF  }
0xd1: {  	_ =	task.clear_ibuf [dreg:s22], $0x2FFFF;
	_ =	strace $0x9FFFFFFF  }
0xd2: {  	(tm) =	ssettm $0x7FFFFFFF  }
0xd3: {  	_ =	shalt  }
tec
execute0_lowered:
.L_overlay_start_1:
0x0: {  	(tag) =	ssettag $0x1  }
0x1: {  	s2 =	rddreg [dreg:$0x0]  }
0x2: {  	s0 =	srdreg.scid;
	s9 =	rddreg [dreg:$0x1]  }
0x3: {  	s17 =	stileid.u32;
	s4 =	rddreg [dreg:$0x2];
	s5 =	simm.s32 $0x0  }
0x4: {  	s29 =	simm.s32 $0x800;
	s30 =	simm.s32 $0x4500;
	s31 =	simm.s32 $0x1D00  }
0x5: {  	s28 =	simm.s32 $0x3;
	s0 =	sand.u32 $0x1, s0;
	s1 =	sshll.u32 s17, $0x1  }
0x6: {  	[smem:$0x7FF] =	sst s5;
	s11 =	smul.u32 $0x2700, s17;
	s7 =	sadd.s32 $0x187400, s9  }
0x7: {  	s8 =	sadd.s32 $0x4200, s9;
	s18 =	sadd.s32 $0x281400, s9;
	s16 =	smul.u32 $0x4E000, s17  }
0x8: {  	s19 =	sadd.s32 $0x2A8600, s9;
	p0 =	seq.s32 s17, $0xF;
	p4 =	sne.s32 s17, $0xF  }
0x9: {  	s21 =	sadd.s32 $0x124800, s4;
	_ =	strace $0x8000004A;
	[dreg:$0x4] =	wrdreg s18  }
0xa: {  	s1 =	sor.u32 s0, s1;
	s13 =	ssub.s32 $0x2, s0;
	[dreg:$0x5] =	wrdreg s19  }
0xb: {  	p2 =	seq.s32 s0, $0x0;
	[dreg:$0x6] =	wrdreg s21;
	s21 =	sshrl.u32 @p0 s21, $0x3  }
0xc: {  	s3 =	smul.u32 $0x7D0, s1;
	s14 =	sadd.s32 s11, s9;
	s15 =	sshrl.u32 s13, $0x1  }
0xd: {  	s22 =	sshrl.u32 s16, $0x2;
	s1 =	smul.u32 $0x7D00, s1;
	p1 =	por !p2, !p4  }
0xe: {  	p3 =	por !p2, !p0;
	p2 =	seq.s32 s0, $0x1;
	s26 =	sadd.s32 s18, s11  }
0xf: {  	s19 =	sadd.s32 s19, s11;
	s0 =	sshll.u32 @!p0 s17, $0x6;
	s11 =	simm.s32 $0x2  }
0x10: {  	s15 =	ssub.s32 s13, s15;
	s13 =	sadd.s32 s22, s4;
	s23 =	sadd.s32 $0x111E00, s14  }
0x11: {  	p1 =	por !p1, !p1;
	[dreg:$0xc] =	wrdreg s26;
	p3 =	por !p3, !p3  }
0x12: {  	p4 =	por !p4, !p2;
	s22 =	sor.u32 @!p0 $0x1C06, s0;
	s26 =	simm.s32 $0x1  }
0x13: {  	s14 =	simm.s32 $0x0;
	s6 =	sadd.s32 $0x2EE00, s3;
	[dreg:$0x8] =	wrdreg s23  }
0x14: {  	s1 =	sadd.s32 s7, s1;
	p4 =	por !p4, !p4;
	s20 =	smax.u32 s15, $0x1  }
0x15: {  	s23 =	sshrl.u32 @!p0 s13, $0x3;
	s10 =	sshrl.u32 s6, $0x3;
	[dreg:$0xa] =	wrdreg s1  }
.Ltmp0:
0x16: {  	p4 =	por !p4, p3;
	s1 =	simm.s32 $0x880;
	(pc) =	sbr.rel .LBB2_1-.Ltmp0, $4  }
0x17: {  	s12 =	sadd.s32 s10, s9;
	s9 =	sadd.s32 $0x136700, s9;
	s25 =	sadd.s32 s8, s10  }
0x18: {  	s10 =	simm.s32 $0x4;
	[dreg:$0x7] =	wrdreg s9;
	s24 =	sadd.s32 $0xE000, s12  }
0x19: {  	[dreg:$0xb] =	wrdreg s25;
	s25 =	simm.s32 $0x28;
	s9 =	simm.s32 $0x5900  }
0x1a: {  	s12 =	simm.s32 $0x5;
	[dreg:$0x9] =	wrdreg s24;
	s24 =	simm.s32 $0x6  }
.LBB2_9:
0x1b: {  	s14 =	sadd.s32 $0x1, s14  }
0x1c: {  	p5 =	sne.s32 s14, s20  }
.Ltmp1:
0x1d: {  	_ = 	snop;
	(pc) =	sbr.rel @!p5 .LBB2_10-.Ltmp1, $1  }
0x1e: {  	_ =	sdelay $0x3  }
.LBB2_1:
0x1f: {  	s0 =	simm.s32 @p0 $0x1FC6;
	s15 =	rddreg [dreg:$0x7]  }
0x20: {  	[spmem:s21], [sflag:s0] =	dma.local @p0 [hbm:s15], $0x2800  }
0x21: {  	s0 =	simm.s32 @p0 $0x6  }
0x22: {  	_ =	swait.ge @p0 [sflag:s0], $0x2800  }
0x23: {  	[sflag:s0] =	ssyncset.done @p0 $0x0  }
0x24: {  	[sflag:s0] =	ssyncadd.s32 @p0 $0xFFFFD800;
	s0 =	rddreg [dreg:$0x8]  }
0x25: {  	[spmem:s23], [sflag:s22] =	dma.local @!p0 [hbm:s0], $0x2700  }
0x26: {  	s0 =	simm.s32 @!p0 $0x6  }
0x27: {  	_ =	swait.ge @!p0 [sflag:s0], $0x2700  }
0x28: {  	[sflag:s0] =	ssyncset.done @!p0 $0x0  }
0x29: {  	s18 =	rddreg [dreg:$0x9];
	[sflag:s0] =	ssyncadd.s32 @!p0 $0xFFFFD900  }
0x2a: {  	[tilespmem:s5], [sflag:$0x6] =	stream.linear.gather [hbm4b:s18+s5], $0x7D0, $0x38;
	[tilespmem:$0x1A580] =	vst v63  }
0x2b: {  	_ =	swait.ge [sflag:s24], $0x7D0  }
0x2c: {  	[sflag:s24] =	ssyncset.done $0x0  }
0x2d: {  	[sflag:s24] =	ssyncadd.s32 $0xFFFFF830  }
0x2e: {  	s15 =	simm.s32 $0x3100;
	[bflag:$0x0] =	sbarrier.arrive $0xFFFF  }
0x2f: {  	[tilespmem:s15], [sflag:$0x1] =	stream.indirect.gather [hbm4b:s2+s25], $0x80, s5, s25, $0xb8;
	[tilespmem:$0x1A580] =	vst v63  }
0x30: {  	s17 =	simm.s32 $0x900;
	s16 =	rddreg [dreg:$0xa]  }
0x31: {  	[tilespmem:s17], [sflag:$0x3] =	stream.linear.gather [hbm4b:s16+s5], $0x1400, $0x38;
	[tilespmem:$0x1A580] =	vst v63  }
0x32: {  	s18 =	rddreg [dreg:$0xb];
	s15 =	simm.s32 $0x0  }
0x33: {  	[tilespmem:s29], [sflag:$0x3] =	stream.linear.gather [hbm4b:s18+s5], $0x28, $0x38;
	[tilespmem:$0x1A580] =	vst v63  }
.LBB2_2:
0x34: {  	s0 =	smul.u32 $0x50, s15;
	_ =	sdelay $0x1  }
0x35: {  	s16 =	sadd.s32 $0x28, s0  }
0x36: {  	[tilespmem:s30], [sflag:$0x2] =	stream.indirect.gather [hbm4b:s2+s25], $0x80, s16, s25, $0xb8;
	[tilespmem:$0x1A580] =	vst v63  }
0x37: {  	s17 =	sadd.s32 s3, s16  }
0x38: {  	s16 =	sadd.s32 s6, s16;
	s17 =	sshll.u32 s17, $0x4  }
0x39: {  	s16 =	sshrl.u32 s16, $0x3;
	s17 =	sadd.s32 s7, s17  }
0x3a: {  	[tilespmem:s31], [sflag:$0x4] =	stream.linear.gather [hbm4b:s17+s5], $0x1400, $0x38;
	[tilespmem:$0x1A580] =	vst v63  }
0x3b: {  	s16 =	sadd.s32 s8, s16  }
0x3c: {  	[tilespmem:s1], [sflag:$0x4] =	stream.linear.gather [hbm4b:s16+s5], $0x28, $0x38;
	[tilespmem:$0x1A580] =	vst v63  }
0x3d: {  	_ =	swait.ge [sflag:s26], $0x1400  }
0x3e: {  	[sflag:s26] =	ssyncset.done $0x0  }
0x3f: {  	[sflag:s26] =	ssyncadd.s32 $0xFFFFEC00  }
0x40: {  	_ =	swait.ge [sflag:s28], $0x1400  }
0x41: {  	[sflag:s28] =	ssyncset.done $0x0  }
0x42: {  	[sflag:s28] =	ssyncadd.s32 $0xFFFFEC00  }
0x43: {  	_ =	swait.ge [sflag:s28], $0x28  }
0x44: {  	p5 =	seq.s32 s15, $0x0;
	[sflag:s28] =	ssyncset.done $0x0  }
0x45: {  	s16 =	simm.s32 @!p5 $0x5;
	[sflag:s28] =	ssyncadd.s32 $0xFFFFFFD8  }
0x46: {  	_ =	swait.ge @!p5 [sflag:s16], $0x1400  }
0x47: {  	[sflag:s16] =	ssyncset.done @!p5 $0x0  }
0x48: {  	[sflag:s16] =	ssyncadd.s32 @!p5 $0xFFFFEC00;
	s16 =	simm.s32 $0x0  }
0x49: {  	v0 =	vld [tilespmem:s16+$0x3170]  }
0x4a: {  	v1 =	vld [tilespmem:s16+$0x970]  }
0x4b: {  	v2 =	vld [tilespmem:s16+$0x3100]  }
0x4c: {  	v3 =	vld [tilespmem:s16+$0x900]  }
0x4d: {  	v4 =	vld [tilespmem:s16+$0x3110]  }
0x4e: {  	v5 =	vld [tilespmem:s16+$0x910]  }
0x4f: {  	v6 =	vld [tilespmem:s16+$0x3120]  }
0x50: {  	v7 =	vld [tilespmem:s16+$0x3130]  }
0x51: {  	v0 =	vmul.f32 v1, v0;
	v1 =	vld [tilespmem:s16+$0x920]  }
0x52: {  	v8 =	vld [tilespmem:s16+$0x930]  }
0x53: {  	v9 =	vld [tilespmem:s16+$0x940];
	v2 =	vmul.f32 v3, v2  }
0x54: {  	[tilespmem:s16+$0x5970] =	vst v0;
	v0 =	vmul.f32 v5, v4;
	v5 =	vld [tilespmem:s16+$0x3140]  }
0x55: {  	v3 =	vld [tilespmem:s16+$0x950];
	[tilespmem:s16+$0x5900] =	vst v2  }
0x56: {  	v2 =	vld [tilespmem:s16+$0x3150];
	[tilespmem:s16+$0x5910] =	vst v0;
	v0 =	vmul.f32 v1, v6  }
0x57: {  	v4 =	vld [tilespmem:s16+$0x960];
	v6 =	vmul.f32 v8, v7  }
0x58: {  	s17 =	simm.s32 $0x80;
	[tilespmem:s16+$0x5920] =	vst v0;
	v0 =	vld [tilespmem:s16+$0x3160]  }
0x59: {  	s18 =	simm.s32 $0x400;
	v5 =	vmul.f32 v9, v5;
	v1 =	vld [tilespmem:s17+$0x3170];
	[tilespmem:s16+$0x5930] =	vst v6  }
.LBB2_3:
0x5a: {  	p5 =	sne.s32 s18, $0x4E00;
	v6 =	vld [tilespmem:s17+$0x970]  }
0x5b: {  	v7 =	vld [tilespmem:s17+$0x3100];
	[tilespmem:s16+$0x5940] =	vst v5;
	v2 =	vmul.f32 v3, v2  }
0x5c: {  	v3 =	vld [tilespmem:s17+$0x900]  }
0x5d: {  	v5 =	vld [tilespmem:s17+$0x3110];
	[tilespmem:s16+$0x5950] =	vst v2;
	v0 =	vmul.f32 v4, v0  }
0x5e: {  	v2 =	vld [tilespmem:s17+$0x910]  }
0x5f: {  	v4 =	vld [tilespmem:s17+$0x3120];
	v1 =	vmul.f32 v6, v1;
	[tilespmem:s16+$0x5960] =	vst v0;
	s16 =	smov.u32 s17  }
0x60: {  	v0 =	vld [tilespmem:s16+$0x920]  }
0x61: {  	v3 =	vmul.f32 v3, v7;
	v6 =	vld [tilespmem:s16+$0x3130];
	[tilespmem:s16+$0x5970] =	vst v1  }
0x62: {  	v1 =	vld [tilespmem:s16+$0x930]  }
0x63: {  	[tilespmem:s16+$0x5900] =	vst v3;
	v2 =	vmul.f32 v2, v5;
	v5 =	vld [tilespmem:s16+$0x3140]  }
0x64: {  	v7 =	vld [tilespmem:s16+$0x940]  }
.Ltmp2:
0x65: {  	[tilespmem:s16+$0x5910] =	vst v2;
	v0 =	vmul.f32 v0, v4;
	v2 =	vld [tilespmem:s16+$0x3150];
	(pc) =	sbr.rel @p5 .LBB2_3-.Ltmp2, $4  }
0x66: {  	v3 =	vld [tilespmem:s16+$0x950]  }
0x67: {  	[tilespmem:s16+$0x5920] =	vst v0;
	v6 =	vmul.f32 v1, v6;
	v0 =	vld [tilespmem:s16+$0x3160]  }
0x68: {  	s17 =	sshra.s32 s18, $0x2;
	v4 =	vld [tilespmem:s16+$0x960]  }
0x69: {  	s18 =	sadd.s32 $0x200, s18;
	v1 =	vld [tilespmem:s17+$0x3170];
	[tilespmem:s16+$0x5930] =	vst v6;
	v5 =	vmul.f32 v7, v5  }
0x6a: {  	v6 =	vld [tilespmem:s17+$0x970]  }
0x6b: {  	v7 =	vld [tilespmem:s17+$0x3100];
	[tilespmem:s16+$0x5940] =	vst v5;
	v2 =	vmul.f32 v3, v2  }
0x6c: {  	v3 =	vld [tilespmem:s17+$0x900]  }
0x6d: {  	v5 =	vld [tilespmem:s17+$0x3110];
	[tilespmem:s16+$0x5950] =	vst v2;
	v0 =	vmul.f32 v4, v0  }
0x6e: {  	v2 =	vld [tilespmem:s17+$0x910]  }
0x6f: {  	v4 =	vld [tilespmem:s17+$0x3120];
	[tilespmem:s16+$0x5960] =	vst v0  }
0x70: {  	v0 =	vmul.f32 v6, v1;
	v1 =	vld [tilespmem:s17+$0x920]  }
0x71: {  	v6 =	vld [tilespmem:s17+$0x3130]  }
0x72: {  	v3 =	vmul.f32 v3, v7;
	[tilespmem:s17+$0x5970] =	vst v0;
	v0 =	vld [tilespmem:s17+$0x930]  }
0x73: {  	v7 =	vld [tilespmem:s17+$0x960]  }
0x74: {  	[tilespmem:s17+$0x5900] =	vst v3;
	v2 =	vmul.f32 v2, v5;
	v3 =	vld [tilespmem:s17+$0x3140]  }
0x75: {  	v5 =	vld [tilespmem:s17+$0x940]  }
0x76: {  	[tilespmem:s17+$0x5910] =	vst v2;
	v1 =	vmul.f32 v1, v4;
	v2 =	vld [tilespmem:s17+$0x3150]  }
0x77: {  	v4 =	vld [tilespmem:s17+$0x950]  }
0x78: {  	[tilespmem:s17+$0x5920] =	vst v1;
	v1 =	vld [tilespmem:s17+$0x3160];
	_ =	sdelay $0x1  }
0x79: {  	v0 =	vmul.f32 v0, v6  }
0x7a: {  	v3 =	vmul.f32 v5, v3  }
0x7b: {  	[tilespmem:s17+$0x5930] =	vst v0;
	v0 =	vmul.f32 v4, v2  }
0x7c: {  	[tilespmem:s17+$0x5940] =	vst v3;
	v1 =	vmul.f32 v7, v1  }
0x7d: {  	[tilespmem:s17+$0x5950] =	vst v0  }
0x7e: {  	p5 =	seq.s32 s15, $0x18;
	[tilespmem:s17+$0x5960] =	vst v1  }
0x7f: {  	[spmem:s4] =	stream.indirect.scatter.add.f32 [tilespmem:s9], [sflag:$0x5], $0x80, s29, s25, $0xb8;
	[tilespmem:$0x1A580] =	vst v63  }
0x80: {  	s0 =	sadd.s32 @!p5 $0x50, s0;
	s16 =	simm.s32 @!p5 $0x28;
	s17 =	simm.s32 @!p5 $0x3100  }
0x81: {  	[tilespmem:s17], [sflag:$0x1] =	stream.indirect.gather @!p5 [hbm4b:s2+s16], $0x80, s0, s16, $0xb8;
	[tilespmem:$0x1A580] =	vst v63  }
0x82: {  	s16 =	sadd.s32 @!p5 s3, s0  }
0x83: {  	s18 =	simm.s32 @!p5 $0x900;
	s0 =	sadd.s32 @!p5 s6, s0;
	s16 =	sshll.u32 @!p5 s16, $0x4  }
0x84: {  	s17 =	simm.s32 @!p5 $0x0;
	s0 =	sshrl.u32 @!p5 s0, $0x3;
	s16 =	sadd.s32 @!p5 s7, s16  }
0x85: {  	[tilespmem:s18], [sflag:$0x3] =	stream.linear.gather @!p5 [hbm4b:s16+s17], $0x1400, $0x38;
	[tilespmem:$0x1A580] =	vst v63  }
0x86: {  	s0 =	sadd.s32 @!p5 s8, s0;
	s16 =	simm.s32 @!p5 $0x800  }
0x87: {  	[tilespmem:s16], [sflag:$0x3] =	stream.linear.gather @!p5 [hbm4b:s0+s17], $0x28, $0x38;
	[tilespmem:$0x1A580] =	vst v63  }
0x88: {  	_ =	swait.ge [sflag:s11], $0x1400  }
0x89: {  	[sflag:s11] =	ssyncset.done $0x0  }
0x8a: {  	[sflag:s11] =	ssyncadd.s32 $0xFFFFEC00  }
0x8b: {  	_ =	swait.ge [sflag:s10], $0x1400  }
0x8c: {  	[sflag:s10] =	ssyncset.done $0x0  }
0x8d: {  	[sflag:s10] =	ssyncadd.s32 $0xFFFFEC00  }
0x8e: {  	_ =	swait.ge [sflag:s10], $0x28  }
0x8f: {  	[sflag:s10] =	ssyncset.done $0x0  }
0x90: {  	[sflag:s10] =	ssyncadd.s32 $0xFFFFFFD8  }
0x91: {  	_ =	swait.ge [sflag:s12], $0x1400  }
0x92: {  	[sflag:s12] =	ssyncset.done $0x0  }
0x93: {  	s0 =	simm.s32 $0x0;
	[sflag:s12] =	ssyncadd.s32 $0xFFFFEC00  }
0x94: {  	v0 =	vld [tilespmem:s0+$0x4570]  }
0x95: {  	v1 =	vld [tilespmem:s0+$0x1D70]  }
0x96: {  	v2 =	vld [tilespmem:s0+$0x4500]  }
0x97: {  	v3 =	vld [tilespmem:s0+$0x1D00]  }
0x98: {  	v4 =	vld [tilespmem:s0+$0x4510]  }
0x99: {  	v5 =	vld [tilespmem:s0+$0x1D10]  }
0x9a: {  	v6 =	vld [tilespmem:s0+$0x4520]  }
0x9b: {  	v7 =	vld [tilespmem:s0+$0x4530]  }
0x9c: {  	v0 =	vmul.f32 v1, v0;
	v1 =	vld [tilespmem:s0+$0x1D20]  }
0x9d: {  	v8 =	vld [tilespmem:s0+$0x1D30]  }
0x9e: {  	v9 =	vld [tilespmem:s0+$0x1D40];
	v2 =	vmul.f32 v3, v2  }
0x9f: {  	[tilespmem:s0+$0x5970] =	vst v0;
	v0 =	vmul.f32 v5, v4;
	v5 =	vld [tilespmem:s0+$0x4540]  }
0xa0: {  	v3 =	vld [tilespmem:s0+$0x1D50];
	[tilespmem:s0+$0x5900] =	vst v2  }
0xa1: {  	v2 =	vld [tilespmem:s0+$0x4550];
	[tilespmem:s0+$0x5910] =	vst v0;
	v0 =	vmul.f32 v1, v6  }
0xa2: {  	v4 =	vld [tilespmem:s0+$0x1D60];
	v6 =	vmul.f32 v8, v7  }
0xa3: {  	s16 =	simm.s32 $0x80;
	[tilespmem:s0+$0x5920] =	vst v0;
	v0 =	vld [tilespmem:s0+$0x4560]  }
0xa4: {  	s17 =	simm.s32 $0x400;
	v5 =	vmul.f32 v9, v5;
	v1 =	vld [tilespmem:s16+$0x4570];
	[tilespmem:s0+$0x5930] =	vst v6  }
.LBB2_5:
0xa5: {  	p5 =	sne.s32 s17, $0x4E00;
	v6 =	vld [tilespmem:s16+$0x1D70]  }
0xa6: {  	v7 =	vld [tilespmem:s16+$0x4500];
	[tilespmem:s0+$0x5940] =	vst v5;
	v2 =	vmul.f32 v3, v2  }
0xa7: {  	v3 =	vld [tilespmem:s16+$0x1D00]  }
0xa8: {  	v5 =	vld [tilespmem:s16+$0x4510];
	[tilespmem:s0+$0x5950] =	vst v2;
	v0 =	vmul.f32 v4, v0  }
0xa9: {  	v2 =	vld [tilespmem:s16+$0x1D10]  }
0xaa: {  	v4 =	vld [tilespmem:s16+$0x4520];
	v1 =	vmul.f32 v6, v1;
	[tilespmem:s0+$0x5960] =	vst v0;
	s0 =	smov.u32 s16  }
0xab: {  	v0 =	vld [tilespmem:s0+$0x1D20]  }
0xac: {  	v3 =	vmul.f32 v3, v7;
	v6 =	vld [tilespmem:s0+$0x4530];
	[tilespmem:s0+$0x5970] =	vst v1  }
0xad: {  	v1 =	vld [tilespmem:s0+$0x1D30]  }
0xae: {  	[tilespmem:s0+$0x5900] =	vst v3;
	v2 =	vmul.f32 v2, v5;
	v5 =	vld [tilespmem:s0+$0x4540]  }
0xaf: {  	v7 =	vld [tilespmem:s0+$0x1D40]  }
.Ltmp3:
0xb0: {  	[tilespmem:s0+$0x5910] =	vst v2;
	v0 =	vmul.f32 v0, v4;
	v2 =	vld [tilespmem:s0+$0x4550];
	(pc) =	sbr.rel @p5 .LBB2_5-.Ltmp3, $4  }
0xb1: {  	v3 =	vld [tilespmem:s0+$0x1D50]  }
0xb2: {  	[tilespmem:s0+$0x5920] =	vst v0;
	v6 =	vmul.f32 v1, v6;
	v0 =	vld [tilespmem:s0+$0x4560]  }
0xb3: {  	s16 =	sshra.s32 s17, $0x2;
	v4 =	vld [tilespmem:s0+$0x1D60]  }
0xb4: {  	s17 =	sadd.s32 $0x200, s17;
	v1 =	vld [tilespmem:s16+$0x4570];
	[tilespmem:s0+$0x5930] =	vst v6;
	v5 =	vmul.f32 v7, v5  }
0xb5: {  	v6 =	vld [tilespmem:s16+$0x1D70]  }
0xb6: {  	v7 =	vld [tilespmem:s16+$0x4500];
	[tilespmem:s0+$0x5940] =	vst v5;
	v2 =	vmul.f32 v3, v2  }
0xb7: {  	v51 =	vld [tilespmem:s16+$0x1D00]  }
0xb8: {  	v5 =	vld [tilespmem:s16+$0x4510];
	[tilespmem:s0+$0x5950] =	vst v2;
	v0 =	vmul.f32 v4, v0  }
0xb9: {  	v2 =	vld [tilespmem:s16+$0x1D10]  }
0xba: {  	v52 =	vld [tilespmem:s16+$0x4520];
	[tilespmem:s0+$0x5960] =	vst v0  }
0xbb: {  	v54 =	vld [tilespmem:s16+$0x1D20]  }
0xbc: {  	v55 =	vld [tilespmem:s16+$0x4530]  }
0xbd: {  	v56 =	vld [tilespmem:s16+$0x1D30]  }
0xbe: {  	v57 =	vld [tilespmem:s16+$0x4540]  }
0xbf: {  	v58 =	vld [tilespmem:s16+$0x1D40]  }
0xc0: {  	v59 =	vld [tilespmem:s16+$0x4550]  }
0xc1: {  	v53 =	vmul.f32 v6, v1;
	v60 =	vld [tilespmem:s16+$0x1D50]  }
0xc2: {  	v61 =	vld [tilespmem:s16+$0x4560];
	v3 =	vmul.f32 v51, v7  }
0xc3: {  	v62 =	vld [tilespmem:s16+$0x1D60];
	[tilespmem:s16+$0x5970] =	vst v53;
	v2 =	vmul.f32 v2, v5  }
0xc4: {  	[tilespmem:s16+$0x5900] =	vst v3;
	v1 =	vmul.f32 v54, v52  }
0xc5: {  	s15 =	sadd.s32 $0x1, s15;
	[tilespmem:s16+$0x5910] =	vst v2;
	v0 =	vmul.f32 v56, v55  }
0xc6: {  	p5 =	sne.s32 s15, $0x19;
	v3 =	vmul.f32 v58, v57;
	[tilespmem:s16+$0x5920] =	vst v1  }
.Ltmp4:
0xc7: {  	v63 =	vmul.f32 v60, v59;
	[tilespmem:s16+$0x5930] =	vst v0;
	(pc) =	sbr.rel @p5 .LBB2_2-.Ltmp4, $4  }
0xc8: {  	[tilespmem:s16+$0x5940] =	vst v3;
	v1 =	vmul.f32 v62, v61  }
0xc9: {  	[tilespmem:s16+$0x5950] =	vst v63  }
0xca: {  	[tilespmem:s16+$0x5960] =	vst v1  }
0xcb: {  	[spmem:s4] =	stream.indirect.scatter.add.f32 [tilespmem:s9], [sflag:$0x5], $0x80, s1, s25, $0xb8;
	[tilespmem:$0x1A580] =	vst v63  }
0xcc: {  	_ =	swait.ge [sflag:s12], $0x1400  }
0xcd: {  	s17 =	stileid.u32;
	[sflag:s12] =	ssyncset.done $0x0  }
0xce: {  	s15 =	sshrl.u32 @p1 s13, $0x3;
	p5 =	por @!p4 $0x1, $0x1;
	[sflag:s12] =	ssyncadd.s32 $0xFFFFEC00  }
0xcf: {  	p6 =	por p2, p2;
	s0 =	sshll.u32 @p1 s17, $0x6;
	[bflag:$0x0] =	sbarrier.arrive $0xFFFF  }
0xd0: {  	p6 =	por @!p4 p5, p5;
	s0 =	sor.u32 @p1 $0x1C06, s0;
	s16 =	rddreg [dreg:$0xc]  }
0xd1: {  	[hbm:s16], [sflag:s0] =	dma.local @p1 [spmem:s15], $0x2700  }
0xd2: {  	p5 =	por @!p3 !p6, !p0;
	s0 =	simm.s32 @p1 $0x6  }
0xd3: {  	p5 =	por @!p3 !p5, !p5;
	_ =	swait.ge @p1 [sflag:s0], $0x2700  }
0xd4: {  	p5 =	por p3, p5;
	s15 =	sshll.u32 @!p4 s17, $0x6;
	[sflag:s0] =	ssyncset.done @p1 $0x0  }
0xd5: {  	[sflag:s0] =	ssyncadd.s32 @p1 $0xFFFFD900;
	s0 =	sor.u32 @!p4 $0x1C06, s15;
	s15 =	sshrl.u32 @!p4 s13, $0x3  }
0xd6: {  	[hbm:s19], [sflag:s0] =	dma.local @!p4 [spmem:s15], $0x2700  }
.Ltmp5:
0xd7: {  	_ = 	snop;
	(pc) =	sbr.rel @!p5 .LBB2_9-.Ltmp5, $4  }
0xd8: {  	s0 =	simm.s32 @!p4 $0x6  }
0xd9: {  	_ =	swait.ge @!p4 [sflag:s0], $0x2700  }
0xda: {  	[sflag:s0] =	ssyncset.done @!p4 $0x0  }
0xdb: {  	s16 =	stileid.u32;
	[sflag:s0] =	ssyncadd.s32 @!p4 $0xFFFFD900  }
0xdc: {  	s0 =	rddreg [dreg:$0x5]  }
0xdd: {  	s15 =	rddreg [dreg:$0x4]  }
0xde: {  	s18 =	rddreg [dreg:$0x6];
	s17 =	simm.s32 $0x1FC6;
	s0 =	smov.u32 @p3 s15  }
.Ltmp6:
0xdf: {  	s15 =	sshrl.u32 s18, $0x3;
	s0 =	sadd.s32 $0x24900, s0;
	(pc) =	sbr.rel .LBB2_9-.Ltmp6, $4  }
0xe0: {  	[hbm:s0], [sflag:s17] =	dma.local [spmem:s15], $0x2800  }
0xe1: {  	_ =	swait.ge [sflag:s24], $0x2800  }
0xe2: {  	[sflag:s24] =	ssyncset.done $0x0  }
0xe3: {  	[sflag:s24] =	ssyncadd.s32 $0xFFFFD800  }
.LBB2_10:
0xe4: {  	_ =	sfence.sel $0x180000  }
0xe5: {  	[bflag:$0x0] =	sbarrier.arrive $0xFFFF  }
0xe6: {  	_ =	strace $0x9000004A  }
0xe7: {  	[bflag:$0x2] =	sbarrier.arrive $0xFFFF  }
0xe8: {  	p0 =	sne.s32 s16, $0x0;
	s0 =	rddreg [dreg:$0x3]  }
0xe9: {  	s0 =	sadd.s32 @!p0 $0x100000, s0  }
0xea: {  	[sflag:s0] =	ssyncadd.tile.s32 @!p0 $0x1;
	_ =	shalt  }
.Lfunc_end2:
_tile_overlayer_lowered:
.L_overlay_start_2:
0xeb: {  	(tag) =	ssettag $0x2  }
0xec: {  	s0 =	rddreg [dreg:$0x0];
	s2 =	stileid.u32  }
0xed: {  	s1 =	rddreg [dreg:$0x1];
	p0 =	sne.s32 s2, $0x0  }
0xee: {  	s3 =	rddreg [dreg:$0x2];
	[bflag:$0x3] =	sbarrier.arrive $0xFFFF;
	s2 =	simm.s32 @!p0 $0x1C06  }
0xef: {  	[timem:s3], [sflag:s2] =	dma.local @!p0 [hbm:s0], s1  }
0xf0: {  	s0 =	simm.s32 @!p0 $0x6  }
0xf1: {  	_ =	swait.ge @!p0 [sflag:s0], s1  }
0xf2: {  	s1 =	ssub.s32 @!p0 $0x0, s1;
	[sflag:s0] =	ssyncset.done @!p0 $0x0  }
0xf3: {  	[sflag:s0] =	ssyncadd.s32 @!p0 s1  }
0xf4: {  	[bflag:$0x3] =	sbarrier.arrive $0xFFFF  }
0xf5: {  	_ =	shalt  }

// kernel: kernel.26.cloned.1.call-start
scs
__scs_entry_jumppad:
0x0: {  	(pc) =	sbr.rel $0x88, $3  }
0x1: {  	(tag) =	ssettag $0x0;
	lr =	simm.s32 $0x1  }
0x2: {  	[smem:$0x3F94] =	sst lr;
	_ =	strace $0xD0000000  }
0x3: {  	_ = 	snop  }
0x4: {  	_ = 	snop  }
0x5: {  	_ = 	snop  }
0x6: {  	_ = 	snop  }
0x7: {  	_ = 	snop  }
__scs_overlays_trampoline_lowered:
0x8: {  	[smem:$0x3FA3] =	sst s0  }
0x9: {  	[smem:$0x3FA4] =	sst s1  }
0xa: {  	[smem:$0x3FA5] =	sst s2  }
0xb: {  	[smem:$0x3FA6] =	sst s3  }
0xc: {  	[smem:$0x3FA7] =	sst s4  }
0xd: {  	[smem:$0x3FA8] =	sst s5  }
0xe: {  	[smem:$0x3FA9] =	sst s6  }
0xf: {  	[smem:$0x3FAA] =	sst s7  }
0x10: {  	[smem:$0x3FAB] =	sst s8  }
0x11: {  	[smem:$0x3FAC] =	sst s9;
	s0 =	simm.s32 @!p0 $0x0  }
0x12: {  	s1 =	sld [smem:$0x3F92];
	s0 =	simm.s32 @p0 $0x1  }
0x13: {  	[smem:$0x3FAD] =	sst s0;
	s0 =	simm.s32 @!p1 $0x0  }
0x14: {  	s2 =	sld [smem:$0x3F91];
	s0 =	simm.s32 @p1 $0x1  }
0x15: {  	[smem:$0x3FAE] =	sst s0;
	s0 =	simm.s32 @!p2 $0x0  }
0x16: {  	s3 =	sld [smem:$0x3FDB];
	s0 =	simm.s32 @p2 $0x1  }
0x17: {  	s4 =	simm.s32 $0x1BF5;
	[smem:$0x3FB0] =	sst s0  }
0x18: {  	s0 =	sld [smem:$0x3F93];
	_ =	swait.ge [sflag:s4], $0x0  }
0x19: {  	s7 =	sld [smem:$0x3F94]  }
0x1a: {  	s8 =	sadd.s32 $0xFFFFE003, lr  }
0x1b: {  	s9 =	sadd.s32 $0xFFFFFEF7, lr;
	s5 =	simm.s32 $0xFFFFFFFF;
	p2 =	slt.u32 s8, $0xFFFFF086  }
0x1c: {  	p1 =	slt.u32 s9, $0xF7A;
	s5 =	simm.s32 @!p2 $0x0  }
0x1d: {  	s5 =	simm.s32 @p1 $0x1;
	p0 =	seq.s32 s7, s2  }
0x1e: {  	s7 =	smul.u32 @!p0 $0xF7A, s2;
	p2 =	seq.s32 @!p0 s5, $0x0  }
0x1f: {  	s9 =	smul.u32 $0xF7A, s1;
	s8 =	simm.s32 @!p0 $0x1BF5;
	p2 =	por !p2, p0  }
0x20: {  	[sflag:s8] =	ssyncset.s32 @!p0 $0xFFFFF086;
	s6 =	sadd.s32 @!p0 s3, s7;
	s7 =	simm.s32 @!p0 $0x108  }
0x21: {  	s3 =	sadd.s32 s3, s9;
	s6 =	sadd.s32 @!p0 $0x88, s6;
	s7 =	simm.s32 @p2 $0x1082  }
0x22: {  	[simem:s7], [sflag:s8] =	dma.local @!p0 [hbm:s6], $0xF7A  }
0x23: {  	s9 =	sor.u32 $0xD0000000, s2;
	s6 =	simm.s32 $0x108;
	_ =	swait.ge @!p0 [sflag:s8], $0x0  }
0x24: {  	s3 =	sadd.s32 $0x88, s3;
	s6 =	simm.s32 @!p1 $0x1082;
	[sflag:s4] =	ssyncset.s32 $0xFFFFF086  }
0x25: {  	[simem:s6], [sflag:s4] =	dma.local [hbm:s3], $0xF7A  }
0x26: {  	[smem:$0x3F94] =	sst s1;
	(tag) =	ssettag s2;
	_ =	strace s9  }
0x27: {  	s1 =	sld [smem:$0x3FA4]  }
0x28: {  	s2 =	sld [smem:$0x3FA5]  }
0x29: {  	s4 =	sld [smem:$0x3FA7]  }
0x2a: {  	p0 =	seq.s32 s5, $0x0;
	s5 =	sld [smem:$0x3FA8]  }
0x2b: {  	s6 =	sld [smem:$0x3FA9]  }
0x2c: {  	s7 =	sld [smem:$0x3FAA]  }
0x2d: {  	s3 =	simm.s32 $0x108;
	s8 =	sld [smem:$0x3FAB]  }
0x2e: {  	s3 =	simm.s32 @!p0 $0x1082;
	s9 =	sld [smem:$0x3FAC]  }
0x2f: {  	lr =	sadd.s32 s0, s3;
	s0 =	sld [smem:$0x3FA3]  }
0x30: {  	s3 =	sld [smem:$0x3FA6]  }
0x31: {  	[smem:$0x3FAF] =	sst s10  }
0x32: {  	s10 =	sld [smem:$0x3FAD];
	_ =	sdelay $0x3  }
0x33: {  	p0 =	seq.s32 s10, $0x1;
	s10 =	sld [smem:$0x3FAF];
	_ =	sdelay $0x3  }
0x34: {  	[smem:$0x3FAF] =	sst s10  }
0x35: {  	s10 =	sld [smem:$0x3FAE];
	_ =	sdelay $0x3  }
0x36: {  	p1 =	seq.s32 s10, $0x1;
	s10 =	sld [smem:$0x3FAF];
	_ =	sdelay $0x3  }
0x37: {  	[smem:$0x3FAF] =	sst s10  }
0x38: {  	s10 =	sld [smem:$0x3FB0]  }
0x39: {  	_ = 	snop;
	(pc) =	sbr.ind lr, $3  }
0x3a: {  	_ = 	snop  }
0x3b: {  	_ = 	snop  }
0x3c: {  	p2 =	seq.s32 s10, $0x1;
	s10 =	sld [smem:$0x3FAF]  }
0x3d: {  	_ =	shalt  }
0x3e: {  	_ =	shalt  }
0x3f: {  	_ =	shalt  }
0x40: {  	_ =	shalt  }
0x41: {  	_ =	shalt  }
0x42: {  	_ =	shalt  }
0x43: {  	_ =	shalt  }
0x44: {  	_ =	shalt  }
0x45: {  	_ =	shalt  }
0x46: {  	_ =	shalt  }
0x47: {  	_ =	shalt  }
0x48: {  	_ =	shalt  }
0x49: {  	_ =	shalt  }
0x4a: {  	_ =	shalt  }
0x4b: {  	_ =	shalt  }
0x4c: {  	_ =	shalt  }
0x4d: {  	_ =	shalt  }
0x4e: {  	_ =	shalt  }
0x4f: {  	_ =	shalt  }
0x50: {  	_ =	shalt  }
0x51: {  	_ =	shalt  }
0x52: {  	_ =	shalt  }
0x53: {  	_ =	shalt  }
0x54: {  	_ =	shalt  }
0x55: {  	_ =	shalt  }
0x56: {  	_ =	shalt  }
0x57: {  	_ =	shalt  }
0x58: {  	_ =	shalt  }
0x59: {  	_ =	shalt  }
0x5a: {  	_ =	shalt  }
0x5b: {  	_ =	shalt  }
0x5c: {  	_ =	shalt  }
0x5d: {  	_ =	shalt  }
0x5e: {  	_ =	shalt  }
0x5f: {  	_ =	shalt  }
0x60: {  	_ =	shalt  }
0x61: {  	_ =	shalt  }
0x62: {  	_ =	shalt  }
0x63: {  	_ =	shalt  }
0x64: {  	_ =	shalt  }
0x65: {  	_ =	shalt  }
0x66: {  	_ =	shalt  }
0x67: {  	_ =	shalt  }
0x68: {  	_ =	shalt  }
0x69: {  	_ =	shalt  }
0x6a: {  	_ =	shalt  }
0x6b: {  	_ =	shalt  }
0x6c: {  	_ =	shalt  }
0x6d: {  	_ =	shalt  }
0x6e: {  	_ =	shalt  }
0x6f: {  	_ =	shalt  }
0x70: {  	_ =	shalt  }
0x71: {  	_ =	shalt  }
0x72: {  	_ =	shalt  }
0x73: {  	_ =	shalt  }
0x74: {  	_ =	shalt  }
0x75: {  	_ =	shalt  }
0x76: {  	_ =	shalt  }
0x77: {  	_ =	shalt  }
0x78: {  	_ =	shalt  }
0x79: {  	_ =	shalt  }
0x7a: {  	_ =	shalt  }
0x7b: {  	_ =	shalt  }
0x7c: {  	_ =	shalt  }
0x7d: {  	_ =	shalt  }
0x7e: {  	_ =	shalt  }
0x7f: {  	_ =	shalt  }
0x80: {  	_ =	shalt  }
0x81: {  	_ =	shalt  }
0x82: {  	_ =	shalt  }
0x83: {  	_ =	shalt  }
0x84: {  	_ =	shalt  }
0x85: {  	_ =	shalt  }
0x86: {  	_ =	shalt  }
0x87: {  	_ =	shalt  }
.Lfunc_end0:
.L_simem_size_0:
called_computation.4_lowered:
.L_overlay_start_0:
0x88: {  	s2 =	sld [smem:$0x3FD9]  }
0x89: {  	s3 =	sld [smem:$0x3FFE];
	_ =	sdelay $0x1  }
0x8a: {  	s1 =	srdreg.scid  }
0x8b: {  	s0 =	sand.u32 $0x1, s1  }
0x8c: {  	s17 =	sshll.u32 s0, $0xA;
	s2 =	sadd.s32 s3, s2  }
0x8d: {  	s2 =	sadd.s32 s2, s17  }
0x8e: {  	[smem:$0x3FBB] =	sst s2  }
0x8f: {  	_ = 	snop  }
0x90: {  	s2 =	sld [smem:$0x3FD0];
	(tm) =	ssettm $0x1  }
0x91: {  	s18 =	sld [smem:$0x3FFB];
	_ =	sdelay $0x3  }
0x92: {  	_ =	strace s18  }
0x93: {  	s3 =	sld [smem:$0x3FFC];
	_ =	sdelay $0x3  }
0x94: {  	_ =	strace s3  }
0x95: {  	s3 =	sld [smem:$0x3FFD];
	_ =	sdelay $0x3  }
0x96: {  	_ =	strace s3  }
0x97: {  	_ =	strace $0x8FFFFFFF  }
0x98: {  	s19 =	sld [smem:$0x3FDB];
	_ =	sdelay $0x1  }
0x99: {  	s4 =	simm.s32 $_scs_section_size  }
0x9a: {  	s5 =	simm.s32 $_size__tile_overlayer_lowered;
	s6 =	simm.s32 $_tile_overlayer_lowered  }
0x9b: {  	s22 =	simm.s32 $0x1BFF;
	s21 =	sshll.u32 s6, $0x1;
	s3 =	sadd.s32 s4, s19  }
0x9c: {  	s7 =	simm.s32 $0x0;
	s20 =	sshll.u32 s5, $0x1;
	s5 =	sadd.s32 s21, s3  }
0x9d: {  	[timem:s7], [sflag:s22] =	dma.local [hbm:s5], s20  }
0x9e: {  	_ =	swait.ge [sflag:s22], s20  }
0x9f: {  	s4 =	ssub.s32 $0x0, s20;
	[sflag:s22] =	ssyncset.done $0x0  }
0xa0: {  	[sflag:s22] =	ssyncadd.s32 s4;
	_ =	sdelay $0x1  }
0xa1: {  	s23 =	simm.s32 $0x1B8B  }
0xa2: {  	_ =	swait.ge [sflag:s23], $0x1  }
0xa3: {  	[sflag:s23] =	ssyncset.done $0x0  }
0xa4: {  	s25 =	simm.s32 $0x1B8E;
	s24 =	sld [smem:$0x3FFE];
	[sflag:s23] =	ssyncadd.s32 $0xFFFFFFFF  }
0xa5: {  	s26 =	simm.s32 $execute0_lowered;
	[smem:$0x3FD2] =	sst s25  }
0xa6: {  	s5 =	sshll.u32 s26, $0x1;
	_ =	strace $0x80000046;
	[dreg:$0x1] =	wrdreg $0xFFFFFFFF  }
0xa7: {  	s28 =	simm.s32 $_size_execute0_lowered;
	s3 =	sadd.s32 s3, s5;
	[dreg:$0x0] =	wrdreg $0x0  }
0xa8: {  	s5 =	sshll.u32 s28, $0x1;
	[dreg:$0x2] =	wrdreg s3  }
0xa9: {  	[dreg:$0x3] =	wrdreg s5  }
0xaa: {  	[dreg:$0x4] =	wrdreg $0xC0  }
0xab: {  	_ =	task [dreg:s7], $0x5FFFF  }
0xac: {  	[dreg:$0x1] =	wrdreg $0xFFFFFFFF  }
0xad: {  	[dreg:$0x0] =	wrdreg $0x60  }
0xae: {  	[dreg:$0x2] =	wrdreg s2  }
0xaf: {  	[dreg:$0x3] =	wrdreg s24  }
0xb0: {  	[dreg:$0x4] =	wrdreg $0x6D000  }
0xb1: {  	[dreg:$0x5] =	wrdreg $0xD  }
0xb2: {  	_ =	task.clear_ibuf [dreg:s7], $0x6FFFF;
	_ =	strace $0x90000046  }
0xb3: {  	s29 =	simm.s32 $0xD;
	_ =	strace $0x80000048  }
0xb4: {  	_ =	swait.ge [sflag:s29], $0x1  }
0xb5: {  	[sflag:s29] =	ssyncadd.s32 $0xFFFFFFFF  }
0xb6: {  	_ =	strace $0x90000048  }
0xb7: {  	_ =	sfence  }
0xb8: {  	s30 =	sld [smem:$0x0];
	_ =	sdelay $0x2  }
0xb9: {  	s31 =	sshll.u32 s1, $0xD;
	s1 =	sshrl.u32 s1, $0x2  }
0xba: {  	s3 =	sand.u32 $0x4000, s31;
	s1 =	sadd.s32 s1, s30  }
0xbb: {  	s0 =	sor.u32 s3, s0;
	s1 =	sshll.u32 s1, $0x11  }
0xbc: {  	s0 =	sor.u32 s1, s0  }
0xbd: {  	s0 =	sadd.s32 $0x8F2B, s0  }
0xbe: {  	[sflag:s0] =	ssyncadd.remote.s32 $0x1  }
0xbf: {  	_ =	sfence.sel $0xFFFF  }
0xc0: {  	[dreg:$0x0] =	wrdreg $0xFFFFFFFF;
	(pc) =	sbr.abs _section_cstart, $3  }
0xc1: {  	[dreg:$0x1] =	wrdreg $0xFFFFFFFF  }
0xc2: {  	_ =	task.clear_ibuf [dreg:s7], $0x2FFFF;
	_ =	strace $0x9FFFFFFF  }
0xc3: {  	(tm) =	ssettm $0x7FFFFFFF  }
tec
execute0_lowered:
.L_overlay_start_1:
0x0: {  	(tag) =	ssettag $0x1  }
0x1: {  	s2 =	rddreg [dreg:$0x0]  }
0x2: {  	s0 =	srdreg.scid;
	s9 =	rddreg [dreg:$0x1]  }
0x3: {  	s17 =	stileid.u32;
	s4 =	rddreg [dreg:$0x2];
	s5 =	simm.s32 $0x0  }
0x4: {  	s29 =	simm.s32 $0x800;
	s30 =	simm.s32 $0x4500;
	s31 =	simm.s32 $0x1D00  }
0x5: {  	s28 =	simm.s32 $0x3;
	s0 =	sand.u32 $0x1, s0;
	s1 =	sshll.u32 s17, $0x1  }
0x6: {  	[smem:$0x7FF] =	sst s5;
	s11 =	smul.u32 $0x2700, s17;
	s7 =	sadd.s32 $0x17E00, s9  }
0x7: {  	s8 =	sadd.s32 $0x4200, s9;
	s18 =	sadd.s32 $0x139000, s9;
	s16 =	smul.u32 $0x4E000, s17  }
0x8: {  	s19 =	sadd.s32 $0x160200, s9;
	p0 =	seq.s32 s17, $0xF;
	p4 =	sne.s32 s17, $0xF  }
0x9: {  	s21 =	sadd.s32 $0x124800, s4;
	_ =	strace $0x80000047;
	[dreg:$0x4] =	wrdreg s18  }
0xa: {  	s1 =	sor.u32 s0, s1;
	s13 =	ssub.s32 $0x2, s0;
	[dreg:$0x5] =	wrdreg s19  }
0xb: {  	p2 =	seq.s32 s0, $0x0;
	[dreg:$0x6] =	wrdreg s21;
	s21 =	sshrl.u32 @p0 s21, $0x3  }
0xc: {  	s3 =	smul.u32 $0x7D0, s1;
	s14 =	sadd.s32 s11, s9;
	s15 =	sshrl.u32 s13, $0x1  }
0xd: {  	s22 =	sshrl.u32 s16, $0x2;
	s1 =	smul.u32 $0x7D00, s1;
	p1 =	por !p2, !p4  }
0xe: {  	p3 =	por !p2, !p0;
	p2 =	seq.s32 s0, $0x1;
	s26 =	sadd.s32 s18, s11  }
0xf: {  	s19 =	sadd.s32 s19, s11;
	s0 =	sshll.u32 @!p0 s17, $0x6;
	s11 =	simm.s32 $0x2  }
0x10: {  	s15 =	ssub.s32 s13, s15;
	s13 =	sadd.s32 s22, s4;
	s23 =	sadd.s32 $0x111E00, s14  }
0x11: {  	p1 =	por !p1, !p1;
	[dreg:$0xc] =	wrdreg s26;
	p3 =	por !p3, !p3  }
0x12: {  	p4 =	por !p4, !p2;
	s22 =	sor.u32 @!p0 $0x1C06, s0;
	s26 =	simm.s32 $0x1  }
0x13: {  	s14 =	simm.s32 $0x0;
	s6 =	sadd.s32 $0x3E800, s3;
	[dreg:$0x8] =	wrdreg s23  }
0x14: {  	s1 =	sadd.s32 s7, s1;
	p4 =	por !p4, !p4;
	s20 =	smax.u32 s15, $0x1  }
0x15: {  	s23 =	sshrl.u32 @!p0 s13, $0x3;
	s10 =	sshrl.u32 s6, $0x3;
	[dreg:$0xa] =	wrdreg s1  }
.Ltmp0:
0x16: {  	p4 =	por !p4, p3;
	s1 =	simm.s32 $0x880;
	(pc) =	sbr.rel .LBB2_1-.Ltmp0, $4  }
0x17: {  	s12 =	sadd.s32 s10, s9;
	s9 =	sadd.s32 $0x136700, s9;
	s25 =	sadd.s32 s8, s10  }
0x18: {  	s10 =	simm.s32 $0x4;
	[dreg:$0x7] =	wrdreg s9;
	s24 =	sadd.s32 $0xE000, s12  }
0x19: {  	[dreg:$0xb] =	wrdreg s25;
	s25 =	simm.s32 $0x28;
	s9 =	simm.s32 $0x5900  }
0x1a: {  	s12 =	simm.s32 $0x5;
	[dreg:$0x9] =	wrdreg s24;
	s24 =	simm.s32 $0x6  }
.LBB2_9:
0x1b: {  	s14 =	sadd.s32 $0x1, s14  }
0x1c: {  	p5 =	sne.s32 s14, s20  }
.Ltmp1:
0x1d: {  	_ = 	snop;
	(pc) =	sbr.rel @!p5 .LBB2_10-.Ltmp1, $1  }
0x1e: {  	_ =	sdelay $0x3  }
.LBB2_1:
0x1f: {  	s0 =	simm.s32 @p0 $0x1FC6;
	s15 =	rddreg [dreg:$0x7]  }
0x20: {  	[spmem:s21], [sflag:s0] =	dma.local @p0 [hbm:s15], $0x2800  }
0x21: {  	s0 =	simm.s32 @p0 $0x6  }
0x22: {  	_ =	swait.ge @p0 [sflag:s0], $0x2800  }
0x23: {  	[sflag:s0] =	ssyncset.done @p0 $0x0  }
0x24: {  	[sflag:s0] =	ssyncadd.s32 @p0 $0xFFFFD800;
	s0 =	rddreg [dreg:$0x8]  }
0x25: {  	[spmem:s23], [sflag:s22] =	dma.local @!p0 [hbm:s0], $0x2700  }
0x26: {  	s0 =	simm.s32 @!p0 $0x6  }
0x27: {  	_ =	swait.ge @!p0 [sflag:s0], $0x2700  }
0x28: {  	[sflag:s0] =	ssyncset.done @!p0 $0x0  }
0x29: {  	s18 =	rddreg [dreg:$0x9];
	[sflag:s0] =	ssyncadd.s32 @!p0 $0xFFFFD900  }
0x2a: {  	[tilespmem:s5], [sflag:$0x6] =	stream.linear.gather [hbm4b:s18+s5], $0x7D0, $0x38;
	[tilespmem:$0x1A580] =	vst v63  }
0x2b: {  	_ =	swait.ge [sflag:s24], $0x7D0  }
0x2c: {  	[sflag:s24] =	ssyncset.done $0x0  }
0x2d: {  	[sflag:s24] =	ssyncadd.s32 $0xFFFFF830  }
0x2e: {  	s15 =	simm.s32 $0x3100;
	[bflag:$0x0] =	sbarrier.arrive $0xFFFF  }
0x2f: {  	[tilespmem:s15], [sflag:$0x1] =	stream.indirect.gather [hbm4b:s2+s25], $0x80, s5, s25, $0xb8;
	[tilespmem:$0x1A580] =	vst v63  }
0x30: {  	s17 =	simm.s32 $0x900;
	s16 =	rddreg [dreg:$0xa]  }
0x31: {  	[tilespmem:s17], [sflag:$0x3] =	stream.linear.gather [hbm4b:s16+s5], $0x1400, $0x38;
	[tilespmem:$0x1A580] =	vst v63  }
0x32: {  	s18 =	rddreg [dreg:$0xb];
	s15 =	simm.s32 $0x0  }
0x33: {  	[tilespmem:s29], [sflag:$0x3] =	stream.linear.gather [hbm4b:s18+s5], $0x28, $0x38;
	[tilespmem:$0x1A580] =	vst v63  }
.LBB2_2:
0x34: {  	s0 =	smul.u32 $0x50, s15;
	_ =	sdelay $0x1  }
0x35: {  	s16 =	sadd.s32 $0x28, s0  }
0x36: {  	[tilespmem:s30], [sflag:$0x2] =	stream.indirect.gather [hbm4b:s2+s25], $0x80, s16, s25, $0xb8;
	[tilespmem:$0x1A580] =	vst v63  }
0x37: {  	s17 =	sadd.s32 s3, s16  }
0x38: {  	s16 =	sadd.s32 s6, s16;
	s17 =	sshll.u32 s17, $0x4  }
0x39: {  	s16 =	sshrl.u32 s16, $0x3;
	s17 =	sadd.s32 s7, s17  }
0x3a: {  	[tilespmem:s31], [sflag:$0x4] =	stream.linear.gather [hbm4b:s17+s5], $0x1400, $0x38;
	[tilespmem:$0x1A580] =	vst v63  }
0x3b: {  	s16 =	sadd.s32 s8, s16  }
0x3c: {  	[tilespmem:s1], [sflag:$0x4] =	stream.linear.gather [hbm4b:s16+s5], $0x28, $0x38;
	[tilespmem:$0x1A580] =	vst v63  }
0x3d: {  	_ =	swait.ge [sflag:s26], $0x1400  }
0x3e: {  	[sflag:s26] =	ssyncset.done $0x0  }
0x3f: {  	[sflag:s26] =	ssyncadd.s32 $0xFFFFEC00  }
0x40: {  	_ =	swait.ge [sflag:s28], $0x1400  }
0x41: {  	[sflag:s28] =	ssyncset.done $0x0  }
0x42: {  	[sflag:s28] =	ssyncadd.s32 $0xFFFFEC00  }
0x43: {  	_ =	swait.ge [sflag:s28], $0x28  }
0x44: {  	p5 =	seq.s32 s15, $0x0;
	[sflag:s28] =	ssyncset.done $0x0  }
0x45: {  	s16 =	simm.s32 @!p5 $0x5;
	[sflag:s28] =	ssyncadd.s32 $0xFFFFFFD8  }
0x46: {  	_ =	swait.ge @!p5 [sflag:s16], $0x1400  }
0x47: {  	[sflag:s16] =	ssyncset.done @!p5 $0x0  }
0x48: {  	[sflag:s16] =	ssyncadd.s32 @!p5 $0xFFFFEC00;
	s16 =	simm.s32 $0x0  }
0x49: {  	v0 =	vld [tilespmem:s16+$0x3170]  }
0x4a: {  	v1 =	vld [tilespmem:s16+$0x970]  }
0x4b: {  	v2 =	vld [tilespmem:s16+$0x3100]  }
0x4c: {  	v3 =	vld [tilespmem:s16+$0x900]  }
0x4d: {  	v4 =	vld [tilespmem:s16+$0x3110]  }
0x4e: {  	v5 =	vld [tilespmem:s16+$0x910]  }
0x4f: {  	v6 =	vld [tilespmem:s16+$0x3120]  }
0x50: {  	v7 =	vld [tilespmem:s16+$0x3130]  }
0x51: {  	v0 =	vmul.f32 v1, v0;
	v1 =	vld [tilespmem:s16+$0x920]  }
0x52: {  	v8 =	vld [tilespmem:s16+$0x930]  }
0x53: {  	v9 =	vld [tilespmem:s16+$0x940];
	v2 =	vmul.f32 v3, v2  }
0x54: {  	[tilespmem:s16+$0x5970] =	vst v0;
	v0 =	vmul.f32 v5, v4;
	v5 =	vld [tilespmem:s16+$0x3140]  }
0x55: {  	v3 =	vld [tilespmem:s16+$0x950];
	[tilespmem:s16+$0x5900] =	vst v2  }
0x56: {  	v2 =	vld [tilespmem:s16+$0x3150];
	[tilespmem:s16+$0x5910] =	vst v0;
	v0 =	vmul.f32 v1, v6  }
0x57: {  	v4 =	vld [tilespmem:s16+$0x960];
	v6 =	vmul.f32 v8, v7  }
0x58: {  	s17 =	simm.s32 $0x80;
	[tilespmem:s16+$0x5920] =	vst v0;
	v0 =	vld [tilespmem:s16+$0x3160]  }
0x59: {  	s18 =	simm.s32 $0x400;
	v5 =	vmul.f32 v9, v5;
	v1 =	vld [tilespmem:s17+$0x3170];
	[tilespmem:s16+$0x5930] =	vst v6  }
.LBB2_3:
0x5a: {  	p5 =	sne.s32 s18, $0x4E00;
	v6 =	vld [tilespmem:s17+$0x970]  }
0x5b: {  	v7 =	vld [tilespmem:s17+$0x3100];
	[tilespmem:s16+$0x5940] =	vst v5;
	v2 =	vmul.f32 v3, v2  }
0x5c: {  	v3 =	vld [tilespmem:s17+$0x900]  }
0x5d: {  	v5 =	vld [tilespmem:s17+$0x3110];
	[tilespmem:s16+$0x5950] =	vst v2;
	v0 =	vmul.f32 v4, v0  }
0x5e: {  	v2 =	vld [tilespmem:s17+$0x910]  }
0x5f: {  	v4 =	vld [tilespmem:s17+$0x3120];
	v1 =	vmul.f32 v6, v1;
	[tilespmem:s16+$0x5960] =	vst v0;
	s16 =	smov.u32 s17  }
0x60: {  	v0 =	vld [tilespmem:s16+$0x920]  }
0x61: {  	v3 =	vmul.f32 v3, v7;
	v6 =	vld [tilespmem:s16+$0x3130];
	[tilespmem:s16+$0x5970] =	vst v1  }
0x62: {  	v1 =	vld [tilespmem:s16+$0x930]  }
0x63: {  	[tilespmem:s16+$0x5900] =	vst v3;
	v2 =	vmul.f32 v2, v5;
	v5 =	vld [tilespmem:s16+$0x3140]  }
0x64: {  	v7 =	vld [tilespmem:s16+$0x940]  }
.Ltmp2:
0x65: {  	[tilespmem:s16+$0x5910] =	vst v2;
	v0 =	vmul.f32 v0, v4;
	v2 =	vld [tilespmem:s16+$0x3150];
	(pc) =	sbr.rel @p5 .LBB2_3-.Ltmp2, $4  }
0x66: {  	v3 =	vld [tilespmem:s16+$0x950]  }
0x67: {  	[tilespmem:s16+$0x5920] =	vst v0;
	v6 =	vmul.f32 v1, v6;
	v0 =	vld [tilespmem:s16+$0x3160]  }
0x68: {  	s17 =	sshra.s32 s18, $0x2;
	v4 =	vld [tilespmem:s16+$0x960]  }
0x69: {  	s18 =	sadd.s32 $0x200, s18;
	v1 =	vld [tilespmem:s17+$0x3170];
	[tilespmem:s16+$0x5930] =	vst v6;
	v5 =	vmul.f32 v7, v5  }
0x6a: {  	v6 =	vld [tilespmem:s17+$0x970]  }
0x6b: {  	v7 =	vld [tilespmem:s17+$0x3100];
	[tilespmem:s16+$0x5940] =	vst v5;
	v2 =	vmul.f32 v3, v2  }
0x6c: {  	v3 =	vld [tilespmem:s17+$0x900]  }
0x6d: {  	v5 =	vld [tilespmem:s17+$0x3110];
	[tilespmem:s16+$0x5950] =	vst v2;
	v0 =	vmul.f32 v4, v0  }
0x6e: {  	v2 =	vld [tilespmem:s17+$0x910]  }
0x6f: {  	v4 =	vld [tilespmem:s17+$0x3120];
	[tilespmem:s16+$0x5960] =	vst v0  }
0x70: {  	v0 =	vmul.f32 v6, v1;
	v1 =	vld [tilespmem:s17+$0x920]  }
0x71: {  	v6 =	vld [tilespmem:s17+$0x3130]  }
0x72: {  	v3 =	vmul.f32 v3, v7;
	[tilespmem:s17+$0x5970] =	vst v0;
	v0 =	vld [tilespmem:s17+$0x930]  }
0x73: {  	v7 =	vld [tilespmem:s17+$0x960]  }
0x74: {  	[tilespmem:s17+$0x5900] =	vst v3;
	v2 =	vmul.f32 v2, v5;
	v3 =	vld [tilespmem:s17+$0x3140]  }
0x75: {  	v5 =	vld [tilespmem:s17+$0x940]  }
0x76: {  	[tilespmem:s17+$0x5910] =	vst v2;
	v1 =	vmul.f32 v1, v4;
	v2 =	vld [tilespmem:s17+$0x3150]  }
0x77: {  	v4 =	vld [tilespmem:s17+$0x950]  }
0x78: {  	[tilespmem:s17+$0x5920] =	vst v1;
	v1 =	vld [tilespmem:s17+$0x3160];
	_ =	sdelay $0x1  }
0x79: {  	v0 =	vmul.f32 v0, v6  }
0x7a: {  	v3 =	vmul.f32 v5, v3  }
0x7b: {  	[tilespmem:s17+$0x5930] =	vst v0;
	v0 =	vmul.f32 v4, v2  }
0x7c: {  	[tilespmem:s17+$0x5940] =	vst v3;
	v1 =	vmul.f32 v7, v1  }
0x7d: {  	[tilespmem:s17+$0x5950] =	vst v0  }
0x7e: {  	p5 =	seq.s32 s15, $0x18;
	[tilespmem:s17+$0x5960] =	vst v1  }
0x7f: {  	[spmem:s4] =	stream.indirect.scatter.add.f32 [tilespmem:s9], [sflag:$0x5], $0x80, s29, s25, $0xb8;
	[tilespmem:$0x1A580] =	vst v63  }
0x80: {  	s0 =	sadd.s32 @!p5 $0x50, s0;
	s16 =	simm.s32 @!p5 $0x28;
	s17 =	simm.s32 @!p5 $0x3100  }
0x81: {  	[tilespmem:s17], [sflag:$0x1] =	stream.indirect.gather @!p5 [hbm4b:s2+s16], $0x80, s0, s16, $0xb8;
	[tilespmem:$0x1A580] =	vst v63  }
0x82: {  	s16 =	sadd.s32 @!p5 s3, s0  }
0x83: {  	s18 =	simm.s32 @!p5 $0x900;
	s0 =	sadd.s32 @!p5 s6, s0;
	s16 =	sshll.u32 @!p5 s16, $0x4  }
0x84: {  	s17 =	simm.s32 @!p5 $0x0;
	s0 =	sshrl.u32 @!p5 s0, $0x3;
	s16 =	sadd.s32 @!p5 s7, s16  }
0x85: {  	[tilespmem:s18], [sflag:$0x3] =	stream.linear.gather @!p5 [hbm4b:s16+s17], $0x1400, $0x38;
	[tilespmem:$0x1A580] =	vst v63  }
0x86: {  	s0 =	sadd.s32 @!p5 s8, s0;
	s16 =	simm.s32 @!p5 $0x800  }
0x87: {  	[tilespmem:s16], [sflag:$0x3] =	stream.linear.gather @!p5 [hbm4b:s0+s17], $0x28, $0x38;
	[tilespmem:$0x1A580] =	vst v63  }
0x88: {  	_ =	swait.ge [sflag:s11], $0x1400  }
0x89: {  	[sflag:s11] =	ssyncset.done $0x0  }
0x8a: {  	[sflag:s11] =	ssyncadd.s32 $0xFFFFEC00  }
0x8b: {  	_ =	swait.ge [sflag:s10], $0x1400  }
0x8c: {  	[sflag:s10] =	ssyncset.done $0x0  }
0x8d: {  	[sflag:s10] =	ssyncadd.s32 $0xFFFFEC00  }
0x8e: {  	_ =	swait.ge [sflag:s10], $0x28  }
0x8f: {  	[sflag:s10] =	ssyncset.done $0x0  }
0x90: {  	[sflag:s10] =	ssyncadd.s32 $0xFFFFFFD8  }
0x91: {  	_ =	swait.ge [sflag:s12], $0x1400  }
0x92: {  	[sflag:s12] =	ssyncset.done $0x0  }
0x93: {  	s0 =	simm.s32 $0x0;
	[sflag:s12] =	ssyncadd.s32 $0xFFFFEC00  }
0x94: {  	v0 =	vld [tilespmem:s0+$0x4570]  }
0x95: {  	v1 =	vld [tilespmem:s0+$0x1D70]  }
0x96: {  	v2 =	vld [tilespmem:s0+$0x4500]  }
0x97: {  	v3 =	vld [tilespmem:s0+$0x1D00]  }
0x98: {  	v4 =	vld [tilespmem:s0+$0x4510]  }
0x99: {  	v5 =	vld [tilespmem:s0+$0x1D10]  }
0x9a: {  	v6 =	vld [tilespmem:s0+$0x4520]  }
0x9b: {  	v7 =	vld [tilespmem:s0+$0x4530]  }
0x9c: {  	v0 =	vmul.f32 v1, v0;
	v1 =	vld [tilespmem:s0+$0x1D20]  }
0x9d: {  	v8 =	vld [tilespmem:s0+$0x1D30]  }
0x9e: {  	v9 =	vld [tilespmem:s0+$0x1D40];
	v2 =	vmul.f32 v3, v2  }
0x9f: {  	[tilespmem:s0+$0x5970] =	vst v0;
	v0 =	vmul.f32 v5, v4;
	v5 =	vld [tilespmem:s0+$0x4540]  }
0xa0: {  	v3 =	vld [tilespmem:s0+$0x1D50];
	[tilespmem:s0+$0x5900] =	vst v2  }
0xa1: {  	v2 =	vld [tilespmem:s0+$0x4550];
	[tilespmem:s0+$0x5910] =	vst v0;
	v0 =	vmul.f32 v1, v6  }
0xa2: {  	v4 =	vld [tilespmem:s0+$0x1D60];
	v6 =	vmul.f32 v8, v7  }
0xa3: {  	s16 =	simm.s32 $0x80;
	[tilespmem:s0+$0x5920] =	vst v0;
	v0 =	vld [tilespmem:s0+$0x4560]  }
0xa4: {  	s17 =	simm.s32 $0x400;
	v5 =	vmul.f32 v9, v5;
	v1 =	vld [tilespmem:s16+$0x4570];
	[tilespmem:s0+$0x5930] =	vst v6  }
.LBB2_5:
0xa5: {  	p5 =	sne.s32 s17, $0x4E00;
	v6 =	vld [tilespmem:s16+$0x1D70]  }
0xa6: {  	v7 =	vld [tilespmem:s16+$0x4500];
	[tilespmem:s0+$0x5940] =	vst v5;
	v2 =	vmul.f32 v3, v2  }
0xa7: {  	v3 =	vld [tilespmem:s16+$0x1D00]  }
0xa8: {  	v5 =	vld [tilespmem:s16+$0x4510];
	[tilespmem:s0+$0x5950] =	vst v2;
	v0 =	vmul.f32 v4, v0  }
0xa9: {  	v2 =	vld [tilespmem:s16+$0x1D10]  }
0xaa: {  	v4 =	vld [tilespmem:s16+$0x4520];
	v1 =	vmul.f32 v6, v1;
	[tilespmem:s0+$0x5960] =	vst v0;
	s0 =	smov.u32 s16  }
0xab: {  	v0 =	vld [tilespmem:s0+$0x1D20]  }
0xac: {  	v3 =	vmul.f32 v3, v7;
	v6 =	vld [tilespmem:s0+$0x4530];
	[tilespmem:s0+$0x5970] =	vst v1  }
0xad: {  	v1 =	vld [tilespmem:s0+$0x1D30]  }
0xae: {  	[tilespmem:s0+$0x5900] =	vst v3;
	v2 =	vmul.f32 v2, v5;
	v5 =	vld [tilespmem:s0+$0x4540]  }
0xaf: {  	v7 =	vld [tilespmem:s0+$0x1D40]  }
.Ltmp3:
0xb0: {  	[tilespmem:s0+$0x5910] =	vst v2;
	v0 =	vmul.f32 v0, v4;
	v2 =	vld [tilespmem:s0+$0x4550];
	(pc) =	sbr.rel @p5 .LBB2_5-.Ltmp3, $4  }
0xb1: {  	v3 =	vld [tilespmem:s0+$0x1D50]  }
0xb2: {  	[tilespmem:s0+$0x5920] =	vst v0;
	v6 =	vmul.f32 v1, v6;
	v0 =	vld [tilespmem:s0+$0x4560]  }
0xb3: {  	s16 =	sshra.s32 s17, $0x2;
	v4 =	vld [tilespmem:s0+$0x1D60]  }
0xb4: {  	s17 =	sadd.s32 $0x200, s17;
	v1 =	vld [tilespmem:s16+$0x4570];
	[tilespmem:s0+$0x5930] =	vst v6;
	v5 =	vmul.f32 v7, v5  }
0xb5: {  	v6 =	vld [tilespmem:s16+$0x1D70]  }
0xb6: {  	v7 =	vld [tilespmem:s16+$0x4500];
	[tilespmem:s0+$0x5940] =	vst v5;
	v2 =	vmul.f32 v3, v2  }
0xb7: {  	v51 =	vld [tilespmem:s16+$0x1D00]  }
0xb8: {  	v5 =	vld [tilespmem:s16+$0x4510];
	[tilespmem:s0+$0x5950] =	vst v2;
	v0 =	vmul.f32 v4, v0  }
0xb9: {  	v2 =	vld [tilespmem:s16+$0x1D10]  }
0xba: {  	v52 =	vld [tilespmem:s16+$0x4520];
	[tilespmem:s0+$0x5960] =	vst v0  }
0xbb: {  	v54 =	vld [tilespmem:s16+$0x1D20]  }
0xbc: {  	v55 =	vld [tilespmem:s16+$0x4530]  }
0xbd: {  	v56 =	vld [tilespmem:s16+$0x1D30]  }
0xbe: {  	v57 =	vld [tilespmem:s16+$0x4540]  }
0xbf: {  	v58 =	vld [tilespmem:s16+$0x1D40]  }
0xc0: {  	v59 =	vld [tilespmem:s16+$0x4550]  }
0xc1: {  	v53 =	vmul.f32 v6, v1;
	v60 =	vld [tilespmem:s16+$0x1D50]  }
0xc2: {  	v61 =	vld [tilespmem:s16+$0x4560];
	v3 =	vmul.f32 v51, v7  }
0xc3: {  	v62 =	vld [tilespmem:s16+$0x1D60];
	[tilespmem:s16+$0x5970] =	vst v53;
	v2 =	vmul.f32 v2, v5  }
0xc4: {  	[tilespmem:s16+$0x5900] =	vst v3;
	v1 =	vmul.f32 v54, v52  }
0xc5: {  	s15 =	sadd.s32 $0x1, s15;
	[tilespmem:s16+$0x5910] =	vst v2;
	v0 =	vmul.f32 v56, v55  }
0xc6: {  	p5 =	sne.s32 s15, $0x19;
	v3 =	vmul.f32 v58, v57;
	[tilespmem:s16+$0x5920] =	vst v1  }
.Ltmp4:
0xc7: {  	v63 =	vmul.f32 v60, v59;
	[tilespmem:s16+$0x5930] =	vst v0;
	(pc) =	sbr.rel @p5 .LBB2_2-.Ltmp4, $4  }
0xc8: {  	[tilespmem:s16+$0x5940] =	vst v3;
	v1 =	vmul.f32 v62, v61  }
0xc9: {  	[tilespmem:s16+$0x5950] =	vst v63  }
0xca: {  	[tilespmem:s16+$0x5960] =	vst v1  }
0xcb: {  	[spmem:s4] =	stream.indirect.scatter.add.f32 [tilespmem:s9], [sflag:$0x5], $0x80, s1, s25, $0xb8;
	[tilespmem:$0x1A580] =	vst v63  }
0xcc: {  	_ =	swait.ge [sflag:s12], $0x1400  }
0xcd: {  	s17 =	stileid.u32;
	[sflag:s12] =	ssyncset.done $0x0  }
0xce: {  	s15 =	sshrl.u32 @p1 s13, $0x3;
	p5 =	por @!p4 $0x1, $0x1;
	[sflag:s12] =	ssyncadd.s32 $0xFFFFEC00  }
0xcf: {  	p6 =	por p2, p2;
	s0 =	sshll.u32 @p1 s17, $0x6;
	[bflag:$0x0] =	sbarrier.arrive $0xFFFF  }
0xd0: {  	p6 =	por @!p4 p5, p5;
	s0 =	sor.u32 @p1 $0x1C06, s0;
	s16 =	rddreg [dreg:$0xc]  }
0xd1: {  	[hbm:s16], [sflag:s0] =	dma.local @p1 [spmem:s15], $0x2700  }
0xd2: {  	p5 =	por @!p3 !p6, !p0;
	s0 =	simm.s32 @p1 $0x6  }
0xd3: {  	p5 =	por @!p3 !p5, !p5;
	_ =	swait.ge @p1 [sflag:s0], $0x2700  }
0xd4: {  	p5 =	por p3, p5;
	s15 =	sshll.u32 @!p4 s17, $0x6;
	[sflag:s0] =	ssyncset.done @p1 $0x0  }
0xd5: {  	[sflag:s0] =	ssyncadd.s32 @p1 $0xFFFFD900;
	s0 =	sor.u32 @!p4 $0x1C06, s15;
	s15 =	sshrl.u32 @!p4 s13, $0x3  }
0xd6: {  	[hbm:s19], [sflag:s0] =	dma.local @!p4 [spmem:s15], $0x2700  }
.Ltmp5:
0xd7: {  	_ = 	snop;
	(pc) =	sbr.rel @!p5 .LBB2_9-.Ltmp5, $4  }
0xd8: {  	s0 =	simm.s32 @!p4 $0x6  }
0xd9: {  	_ =	swait.ge @!p4 [sflag:s0], $0x2700  }
0xda: {  	[sflag:s0] =	ssyncset.done @!p4 $0x0  }
0xdb: {  	s16 =	stileid.u32;
	[sflag:s0] =	ssyncadd.s32 @!p4 $0xFFFFD900  }
0xdc: {  	s0 =	rddreg [dreg:$0x5]  }
0xdd: {  	s15 =	rddreg [dreg:$0x4]  }
0xde: {  	s18 =	rddreg [dreg:$0x6];
	s17 =	simm.s32 $0x1FC6;
	s0 =	smov.u32 @p3 s15  }
.Ltmp6:
0xdf: {  	s15 =	sshrl.u32 s18, $0x3;
	s0 =	sadd.s32 $0x24900, s0;
	(pc) =	sbr.rel .LBB2_9-.Ltmp6, $4  }
0xe0: {  	[hbm:s0], [sflag:s17] =	dma.local [spmem:s15], $0x2800  }
0xe1: {  	_ =	swait.ge [sflag:s24], $0x2800  }
0xe2: {  	[sflag:s24] =	ssyncset.done $0x0  }
0xe3: {  	[sflag:s24] =	ssyncadd.s32 $0xFFFFD800  }
.LBB2_10:
0xe4: {  	_ =	sfence.sel $0x180000  }
0xe5: {  	[bflag:$0x0] =	sbarrier.arrive $0xFFFF  }
0xe6: {  	_ =	strace $0x90000047  }
0xe7: {  	[bflag:$0x2] =	sbarrier.arrive $0xFFFF  }
0xe8: {  	p0 =	sne.s32 s16, $0x0;
	s0 =	rddreg [dreg:$0x3]  }
0xe9: {  	s0 =	sadd.s32 @!p0 $0x100000, s0  }
0xea: {  	[sflag:s0] =	ssyncadd.tile.s32 @!p0 $0x1;
	_ =	shalt  }
.Lfunc_end2:
_tile_overlayer_lowered:
.L_overlay_start_2:
0xeb: {  	(tag) =	ssettag $0x2  }
0xec: {  	s0 =	rddreg [dreg:$0x0];
	s2 =	stileid.u32  }
0xed: {  	s1 =	rddreg [dreg:$0x1];
	p0 =	sne.s32 s2, $0x0  }
0xee: {  	s3 =	rddreg [dreg:$0x2];
	[bflag:$0x3] =	sbarrier.arrive $0xFFFF;
	s2 =	simm.s32 @!p0 $0x1C06  }
0xef: {  	[timem:s3], [sflag:s2] =	dma.local @!p0 [hbm:s0], s1  }
0xf0: {  	s0 =	simm.s32 @!p0 $0x6  }
0xf1: {  	_ =	swait.ge @!p0 [sflag:s0], s1  }
0xf2: {  	s1 =	ssub.s32 @!p0 $0x0, s1;
	[sflag:s0] =	ssyncset.done @!p0 $0x0  }
0xf3: {  	[sflag:s0] =	ssyncadd.s32 @!p0 s1  }
0xf4: {  	[bflag:$0x3] =	sbarrier.arrive $0xFFFF  }
0xf5: {  	_ =	shalt  }

</sc_bundles>
